<compile_context>
chip_gen: v7x
topology: tpu7x:2x2x1
jax: 0.10.2.dev20260603
libtpu: 0.0.44.dev20260713+nightly
codegen_flags: <defaults>
</compile_context>

<pallas_src>
import functools

import jax
import jax.numpy as jnp
from jax import lax
from jax.experimental import pallas as pl
from jax.experimental.pallas import tpu as pltpu
from jax.experimental.pallas import tpu_sc as plsc

B = 16384
D = 64
NC = 2
NS = 16
L = 16
NW = NC * NS
BPW = B // NW
CH = 16
NCHK = BPW // CH

_mesh = plsc.VectorSubcoreMesh(core_axis_name="c", subcore_axis_name="s")


@functools.partial(
    pl.kernel,
    out_type=jax.ShapeDtypeStruct((B,), jnp.float32),
    mesh=_mesh,
    scratch_types=[
        pltpu.VMEM((BPW,), jnp.int32),
        pltpu.VMEM((BPW,), jnp.int32),
        pltpu.VMEM((BPW,), jnp.int32),
        pltpu.VMEM((CH, D), jnp.float32),
        pltpu.VMEM((CH, D), jnp.float32),
        pltpu.VMEM((CH, D), jnp.float32),
        pltpu.VMEM((CH, D), jnp.float32),
        pltpu.VMEM((CH, D), jnp.float32),
        pltpu.VMEM((CH, D), jnp.float32),
        pltpu.VMEM((BPW,), jnp.float32),
        pltpu.SemaphoreType.DMA,
        pltpu.SemaphoreType.DMA,
    ],
    compiler_params=pltpu.CompilerParams(needs_layout_passes=False),
)
def _bpr_kernel(uid_hbm, pid_hbm, nid_hbm, ut_hbm, it_hbm, out_hbm,
                idv_u, idv_p, idv_n, bu0, bu1, bp0, bp1, bn0, bn1,
                out_v, sem0, sem1):
    w = lax.axis_index("s") * NC + lax.axis_index("c")
    base = w * BPW

    pltpu.sync_copy(uid_hbm.at[pl.ds(base, BPW)], idv_u)
    pltpu.sync_copy(pid_hbm.at[pl.ds(base, BPW)], idv_p)
    pltpu.sync_copy(nid_hbm.at[pl.ds(base, BPW)], idv_n)

    bufs = ((bu0, bp0, bn0), (bu1, bp1, bn1))
    sems = (sem0, sem1)
    lane = lax.iota(jnp.int32, L)

    def fire_chunk(c, par):
        bu, bp, bn = bufs[par]
        sem = sems[par]
        sl = pl.ds(c * CH, CH)
        qv_u = idv_u[sl]
        qv_p = idv_p[sl]
        qv_n = idv_n[sl]
        for i in range(CH):
            q_u = qv_u[i]
            q_p = qv_p[i]
            q_n = qv_n[i]
            pltpu.make_async_copy(ut_hbm.at[q_u], bu.at[i], sem).start()
            pltpu.make_async_copy(it_hbm.at[q_p], bp.at[i], sem).start()
            pltpu.make_async_copy(it_hbm.at[q_n], bn.at[i], sem).start()

    def drain_chunk(par):
        bu, bp, bn = bufs[par]
        sem = sems[par]
        dummy = ut_hbm.at[pl.ds(0, CH)]
        pltpu.make_async_copy(dummy, bu, sem).wait()
        pltpu.make_async_copy(dummy, bp, sem).wait()
        pltpu.make_async_copy(dummy, bn, sem).wait()

    def compute_chunk(c, par):
        bu, bp, bn = bufs[par]

        def dbody(d, acc):
            dv = jnp.full((L,), d, jnp.int32)
            u = plsc.load_gather(bu, [lane, dv])
            p = plsc.load_gather(bp, [lane, dv])
            n = plsc.load_gather(bn, [lane, dv])
            return acc + u * (p - n)

        acc = lax.fori_loop(0, D, dbody, jnp.zeros((L,), jnp.float32),
                            unroll=8)
        out_v[pl.ds(c * CH, CH)] = acc

    fire_chunk(0, 0)
    fire_chunk(1, 1)

    def outer(t, carry):
        c0 = t * 2

        drain_chunk(0)
        compute_chunk(c0, 0)

        @pl.when(t < NCHK // 2 - 1)
        def _():
            fire_chunk(c0 + 2, 0)

        drain_chunk(1)
        compute_chunk(c0 + 1, 1)

        @pl.when(t < NCHK // 2 - 1)
        def _():
            fire_chunk(c0 + 3, 1)

        return carry

    lax.fori_loop(0, NCHK // 2, outer, 0)

    pltpu.sync_copy(out_v, out_hbm.at[pl.ds(base, BPW)])


def kernel(user_ids, pos_item_ids, neg_item_ids, user_table, item_table):
    uid = user_ids.astype(jnp.int32)
    pid = pos_item_ids.astype(jnp.int32)
    nid = neg_item_ids.astype(jnp.int32)
    return _bpr_kernel(uid, pid, nid, user_table, item_table)

# --- scband reference (transcript-rebuilt; emitter-appended) ---
"""Pipeline reference for scband-bprmatrix-factorization-84533546320311 (READ-ONLY COPY).

The authoritative reference and input builder live on the scoring server;
editing this copy changes nothing except your own understanding.
"""

import jax, jax.numpy as jnp
import numpy as np

NUM_USERS = 1000000
NUM_ITEMS = 1000000
EMBED_DIM = 64
BATCH = 16384


def setup_inputs(seed: int = 0) -> dict:
    key = jax.random.key(seed)
    k1, k2, k3, k4, k5 = jax.random.split(key, 5)
    user_ids = jax.random.randint(k1, (BATCH,), 0, NUM_USERS, dtype=jnp.int64 if jax.config.jax_enable_x64 else jnp.int32)
    pos_item_ids = jax.random.randint(k2, (BATCH,), 0, NUM_ITEMS, dtype=jnp.int64 if jax.config.jax_enable_x64 else jnp.int32)
    neg_item_ids = jax.random.randint(k3, (BATCH,), 0, NUM_ITEMS, dtype=jnp.int64 if jax.config.jax_enable_x64 else jnp.int32)
    # Xavier-normal initialized embedding tables (padding_idx=0 row zeroed)
    std_u = float(np.sqrt(2.0 / (NUM_USERS + EMBED_DIM)))
    std_i = float(np.sqrt(2.0 / (NUM_ITEMS + EMBED_DIM)))
    user_table = jax.random.normal(k4, (NUM_USERS, EMBED_DIM), dtype=jnp.float32) * std_u
    item_table = jax.random.normal(k5, (NUM_ITEMS, EMBED_DIM), dtype=jnp.float32) * std_i
    user_table = user_table.at[0].set(0.0)
    item_table = item_table.at[0].set(0.0)
    return {
        "user_ids": user_ids,
        "pos_item_ids": pos_item_ids,
        "neg_item_ids": neg_item_ids,
        "user_table": user_table,
        "item_table": item_table,
    }


def reference(user_ids, pos_item_ids, neg_item_ids, user_table, item_table):
    # Embedding lookups (dropout is identity in eval mode)
    user_emb = jnp.take(user_table, user_ids, axis=0)
    pos_item_emb = jnp.take(item_table, pos_item_ids, axis=0)
    neg_item_emb = jnp.take(item_table, neg_item_ids, axis=0)
    pos_score = jnp.sum(user_emb * pos_item_emb, axis=1)
    neg_score = jnp.sum(user_emb * neg_item_emb, axis=1)
    return pos_score - neg_score

if __name__ == "__main__":
    import jax
    _d = setup_inputs()
    print(jax.jit(kernel)(*tuple(_d.values())))

</pallas_src>

<mosaic_0001>
#map = affine_map<(d0, d1) -> (0)>
#map1 = affine_map<(d0, d1) -> (0, 0)>
module attributes {stable_mosaic.version = 14 : i64} {
  func.func @_bpr_kernel(%arg0: i32, %arg1: i32, %arg2: memref<16384xi32, #tpu.memory_space<hbm>>, %arg3: memref<16384xi32, #tpu.memory_space<hbm>>, %arg4: memref<16384xi32, #tpu.memory_space<hbm>>, %arg5: memref<1000000x64xf32, #tpu.memory_space<hbm>>, %arg6: memref<1000000x64xf32, #tpu.memory_space<hbm>>, %arg7: memref<16384xf32, #tpu.memory_space<hbm>>, %arg8: memref<512xi32, #tpu.memory_space<vmem>>, %arg9: memref<512xi32, #tpu.memory_space<vmem>>, %arg10: memref<512xi32, #tpu.memory_space<vmem>>, %arg11: memref<16x64xf32, #tpu.memory_space<vmem>>, %arg12: memref<16x64xf32, #tpu.memory_space<vmem>>, %arg13: memref<16x64xf32, #tpu.memory_space<vmem>>, %arg14: memref<16x64xf32, #tpu.memory_space<vmem>>, %arg15: memref<16x64xf32, #tpu.memory_space<vmem>>, %arg16: memref<16x64xf32, #tpu.memory_space<vmem>>, %arg17: memref<512xf32, #tpu.memory_space<vmem>>, %arg18: memref<!tpu.dma_semaphore, #tpu.memory_space<semaphore_mem>>, %arg19: memref<!tpu.dma_semaphore, #tpu.memory_space<semaphore_mem>>) attributes {dimension_semantics = [#tpu.dimension_semantics<core_parallel>, #tpu.dimension_semantics<subcore_parallel>], iteration_bounds = array<i64: 2, 16>, scalar_prefetch = 0 : i64, scratch_operands = 12 : i64, tpu.core_type = #tpu.core_type<sc_vector_subcore>, window_params = [{transform_indices = #map}, {transform_indices = #map}, {transform_indices = #map}, {transform_indices = #map1}, {transform_indices = #map1}, {transform_indices = #map}]} {
    %mul3A = arith.constant 2 : i32
    %mul3A_0 = arith.muli %arg1, %mul3A : i32
    %add3A = arith.addi %mul3A_0, %arg0 : i32
    %mul3A_1 = arith.constant 512 : i32
    %mul3A_2 = arith.muli %add3A, %mul3A_1 : i32
    "tpu.region"() ({
      %run_scoped3A = tpu.sem_alloc : memref<!tpu.dma_semaphore, #tpu.memory_space<semaphore_mem>>
      %dma_start3A_1456 = tpu.memref_slice %arg2[%mul3A_2] : memref<16384xi32, #tpu.memory_space<hbm>> -> memref<512xi32, #tpu.memory_space<hbm>>
      %dma_start3A_1457 = tpu.memref_slice %arg2[%mul3A_2] : memref<16384xi32, #tpu.memory_space<hbm>> -> memref<512xi32, #tpu.memory_space<hbm>>
      tpu.enqueue_dma source(%dma_start3A_1457 : memref<512xi32, #tpu.memory_space<hbm>>) target(%arg8 : memref<512xi32, #tpu.memory_space<vmem>>) target_semaphore(%run_scoped3A : memref<!tpu.dma_semaphore, #tpu.memory_space<semaphore_mem>>)
      %dma_wait3A = tpu.memref_slice %arg2[%mul3A_2] : memref<16384xi32, #tpu.memory_space<hbm>> -> memref<512xi32, #tpu.memory_space<hbm>>
      %dma_wait3A_1458 = tpu.memref_slice %arg2[%mul3A_2] : memref<16384xi32, #tpu.memory_space<hbm>> -> memref<512xi32, #tpu.memory_space<hbm>>
      tpu.wait_dma2 semaphore(%run_scoped3A : memref<!tpu.dma_semaphore, #tpu.memory_space<semaphore_mem>>) src(%dma_wait3A_1458 : memref<512xi32, #tpu.memory_space<hbm>>) dst(%arg8 : memref<512xi32, #tpu.memory_space<vmem>>)
      tpu.yield
    }) : () -> ()
    "tpu.region"() ({
      %run_scoped3A = tpu.sem_alloc : memref<!tpu.dma_semaphore, #tpu.memory_space<semaphore_mem>>
      %dma_start3A_1456 = tpu.memref_slice %arg3[%mul3A_2] : memref<16384xi32, #tpu.memory_space<hbm>> -> memref<512xi32, #tpu.memory_space<hbm>>
      %dma_start3A_1457 = tpu.memref_slice %arg3[%mul3A_2] : memref<16384xi32, #tpu.memory_space<hbm>> -> memref<512xi32, #tpu.memory_space<hbm>>
      tpu.enqueue_dma source(%dma_start3A_1457 : memref<512xi32, #tpu.memory_space<hbm>>) target(%arg9 : memref<512xi32, #tpu.memory_space<vmem>>) target_semaphore(%run_scoped3A : memref<!tpu.dma_semaphore, #tpu.memory_space<semaphore_mem>>)
      %dma_wait3A = tpu.memref_slice %arg3[%mul3A_2] : memref<16384xi32, #tpu.memory_space<hbm>> -> memref<512xi32, #tpu.memory_space<hbm>>
      %dma_wait3A_1458 = tpu.memref_slice %arg3[%mul3A_2] : memref<16384xi32, #tpu.memory_space<hbm>> -> memref<512xi32, #tpu.memory_space<hbm>>
      tpu.wait_dma2 semaphore(%run_scoped3A : memref<!tpu.dma_semaphore, #tpu.memory_space<semaphore_mem>>) src(%dma_wait3A_1458 : memref<512xi32, #tpu.memory_space<hbm>>) dst(%arg9 : memref<512xi32, #tpu.memory_space<vmem>>)
      tpu.yield
    }) : () -> ()
    "tpu.region"() ({
      %run_scoped3A = tpu.sem_alloc : memref<!tpu.dma_semaphore, #tpu.memory_space<semaphore_mem>>
      %dma_start3A_1456 = tpu.memref_slice %arg4[%mul3A_2] : memref<16384xi32, #tpu.memory_space<hbm>> -> memref<512xi32, #tpu.memory_space<hbm>>
      %dma_start3A_1457 = tpu.memref_slice %arg4[%mul3A_2] : memref<16384xi32, #tpu.memory_space<hbm>> -> memref<512xi32, #tpu.memory_space<hbm>>
      tpu.enqueue_dma source(%dma_start3A_1457 : memref<512xi32, #tpu.memory_space<hbm>>) target(%arg10 : memref<512xi32, #tpu.memory_space<vmem>>) target_semaphore(%run_scoped3A : memref<!tpu.dma_semaphore, #tpu.memory_space<semaphore_mem>>)
      %dma_wait3A = tpu.memref_slice %arg4[%mul3A_2] : memref<16384xi32, #tpu.memory_space<hbm>> -> memref<512xi32, #tpu.memory_space<hbm>>
      %dma_wait3A_1458 = tpu.memref_slice %arg4[%mul3A_2] : memref<16384xi32, #tpu.memory_space<hbm>> -> memref<512xi32, #tpu.memory_space<hbm>>
      tpu.wait_dma2 semaphore(%run_scoped3A : memref<!tpu.dma_semaphore, #tpu.memory_space<semaphore_mem>>) src(%dma_wait3A_1458 : memref<512xi32, #tpu.memory_space<hbm>>) dst(%arg10 : memref<512xi32, #tpu.memory_space<vmem>>)
      tpu.yield
    }) : () -> ()
    %iota3A = tpu.iota {dimensions = array<i32: 0>} : vector<16xi32>
    %get3A = arith.constant 0 : index
    %get3A_3 = tpu.vector_load %arg8[%get3A] {strides = array<i32>} : memref<512xi32, #tpu.memory_space<vmem>>, vector<16xi32>,
    %get3A_4 = arith.constant 0 : index
    %get3A_5 = tpu.vector_load %arg9[%get3A_4] {strides = array<i32>} : memref<512xi32, #tpu.memory_space<vmem>>, vector<16xi32>,
    %get3A_6 = arith.constant 0 : index
    %get3A_7 = tpu.vector_load %arg10[%get3A_6] {strides = array<i32>} : memref<512xi32, #tpu.memory_space<vmem>>, vector<16xi32>,
    %slice3A = vector.extract_strided_slice %get3A_3 {offsets = [0], sizes = [1], strides = [1]} : vector<16xi32> to vector<1xi32>
    %squeeze3A = vector.extract %slice3A[0] : i32 from vector<1xi32>
    %slice3A_8 = vector.extract_strided_slice %get3A_5 {offsets = [0], sizes = [1], strides = [1]} : vector<16xi32> to vector<1xi32>
    %squeeze3A_9 = vector.extract %slice3A_8[0] : i32 from vector<1xi32>
    %slice3A_10 = vector.extract_strided_slice %get3A_7 {offsets = [0], sizes = [1], strides = [1]} : vector<16xi32> to vector<1xi32>
    %squeeze3A_11 = vector.extract %slice3A_10[0] : i32 from vector<1xi32>
    %dma_start3A = arith.constant 0 : i32
    %dma_start3A_12 = arith.constant 0 : i32
    %dma_start3A_13 = tpu.memref_slice %arg11[%dma_start3A, %dma_start3A_12] : memref<16x64xf32, #tpu.memory_space<vmem>> -> memref<1x64xf32, #tpu.memory_space<vmem>>
    %dma_start3A_14 = tpu.memref_squeeze %dma_start3A_13 : memref<1x64xf32, #tpu.memory_space<vmem>> -> memref<64xf32, #tpu.memory_space<vmem>>
    %dma_start3A_15 = arith.constant 0 : i32
    %dma_start3A_16 = tpu.memref_slice %arg5[%squeeze3A, %dma_start3A_15] : memref<1000000x64xf32, #tpu.memory_space<hbm>> -> memref<1x64xf32, #tpu.memory_space<hbm>>
    %dma_start3A_17 = tpu.memref_squeeze %dma_start3A_16 : memref<1x64xf32, #tpu.memory_space<hbm>> -> memref<64xf32, #tpu.memory_space<hbm>>
    %dma_start3A_18 = arith.constant 0 : i32
    %dma_start3A_19 = tpu.memref_slice %arg11[%dma_start3A, %dma_start3A_18] : memref<16x64xf32, #tpu.memory_space<vmem>> -> memref<1x64xf32, #tpu.memory_space<vmem>>
    %dma_start3A_20 = tpu.memref_squeeze %dma_start3A_19 : memref<1x64xf32, #tpu.memory_space<vmem>> -> memref<64xf32, #tpu.memory_space<vmem>>
    %dma_start3A_21 = arith.constant 0 : i32
    %dma_start3A_22 = tpu.memref_slice %arg5[%squeeze3A, %dma_start3A_21] : memref<1000000x64xf32, #tpu.memory_space<hbm>> -> memref<1x64xf32, #tpu.memory_space<hbm>>
    %dma_start3A_23 = tpu.memref_squeeze %dma_start3A_22 : memref<1x64xf32, #tpu.memory_space<hbm>> -> memref<64xf32, #tpu.memory_space<hbm>>
    tpu.enqueue_dma source(%dma_start3A_23 : memref<64xf32, #tpu.memory_space<hbm>>) target(%dma_start3A_20 : memref<64xf32, #tpu.memory_space<vmem>>) target_semaphore(%arg18 : memref<!tpu.dma_semaphore, #tpu.memory_space<semaphore_mem>>)
    %dma_start3A_24 = arith.constant 0 : i32
    %dma_start3A_25 = arith.constant 0 : i32
    %dma_start3A_26 = tpu.memref_slice %arg13[%dma_start3A_24, %dma_start3A_25] : memref<16x64xf32, #tpu.memory_space<vmem>> -> memref<1x64xf32, #tpu.memory_space<vmem>>
    %dma_start3A_27 = tpu.memref_squeeze %dma_start3A_26 : memref<1x64xf32, #tpu.memory_space<vmem>> -> memref<64xf32, #tpu.memory_space<vmem>>
    %dma_start3A_28 = arith.constant 0 : i32
    %dma_start3A_29 = tpu.memref_slice %arg6[%squeeze3A_9, %dma_start3A_28] : memref<1000000x64xf32, #tpu.memory_space<hbm>> -> memref<1x64xf32, #tpu.memory_space<hbm>>
    %dma_start3A_30 = tpu.memref_squeeze %dma_start3A_29 : memref<1x64xf32, #tpu.memory_space<hbm>> -> memref<64xf32, #tpu.memory_space<hbm>>
    %dma_start3A_31 = arith.constant 0 : i32
    %dma_start3A_32 = tpu.memref_slice %arg13[%dma_start3A_24, %dma_start3A_31] : memref<16x64xf32, #tpu.memory_space<vmem>> -> memref<1x64xf32, #tpu.memory_space<vmem>>
    %dma_start3A_33 = tpu.memref_squeeze %dma_start3A_32 : memref<1x64xf32, #tpu.memory_space<vmem>> -> memref<64xf32, #tpu.memory_space<vmem>>
    %dma_start3A_34 = arith.constant 0 : i32
    %dma_start3A_35 = tpu.memref_slice %arg6[%squeeze3A_9, %dma_start3A_34] : memref<1000000x64xf32, #tpu.memory_space<hbm>> -> memref<1x64xf32, #tpu.memory_space<hbm>>
    %dma_start3A_36 = tpu.memref_squeeze %dma_start3A_35 : memref<1x64xf32, #tpu.memory_space<hbm>> -> memref<64xf32, #tpu.memory_space<hbm>>
    tpu.enqueue_dma source(%dma_start3A_36 : memref<64xf32, #tpu.memory_space<hbm>>) target(%dma_start3A_33 : memref<64xf32, #tpu.memory_space<vmem>>) target_semaphore(%arg18 : memref<!tpu.dma_semaphore, #tpu.memory_space<semaphore_mem>>)
    %dma_start3A_37 = arith.constant 0 : i32
    %dma_start3A_38 = arith.constant 0 : i32
    %dma_start3A_39 = tpu.memref_slice %arg15[%dma_start3A_37, %dma_start3A_38] : memref<16x64xf32, #tpu.memory_space<vmem>> -> memref<1x64xf32, #tpu.memory_space<vmem>>
    %dma_start3A_40 = tpu.memref_squeeze %dma_start3A_39 : memref<1x64xf32, #tpu.memory_space<vmem>> -> memref<64xf32, #tpu.memory_space<vmem>>
    %dma_start3A_41 = arith.constant 0 : i32
    %dma_start3A_42 = tpu.memref_slice %arg6[%squeeze3A_11, %dma_start3A_41] : memref<1000000x64xf32, #tpu.memory_space<hbm>> -> memref<1x64xf32, #tpu.memory_space<hbm>>
    %dma_start3A_43 = tpu.memref_squeeze %dma_start3A_42 : memref<1x64xf32, #tpu.memory_space<hbm>> -> memref<64xf32, #tpu.memory_space<hbm>>
    %dma_start3A_44 = arith.constant 0 : i32
    %dma_start3A_45 = tpu.memref_slice %arg15[%dma_start3A_37, %dma_start3A_44] : memref<16x64xf32, #tpu.memory_space<vmem>> -> memref<1x64xf32, #tpu.memory_space<vmem>>
    %dma_start3A_46 = tpu.memref_squeeze %dma_start3A_45 : memref<1x64xf32, #tpu.memory_space<vmem>> -> memref<64xf32, #tpu.memory_space<vmem>>
    %dma_start3A_47 = arith.constant 0 : i32
    %dma_start3A_48 = tpu.memref_slice %arg6[%squeeze3A_11, %dma_start3A_47] : memref<1000000x64xf32, #tpu.memory_space<hbm>> -> memref<1x64xf32, #tpu.memory_space<hbm>>
    %dma_start3A_49 = tpu.memref_squeeze %dma_start3A_48 : memref<1x64xf32, #tpu.memory_space<hbm>> -> memref<64xf32, #tpu.memory_space<hbm>>
    tpu.enqueue_dma source(%dma_start3A_49 : memref<64xf32, #tpu.memory_space<hbm>>) target(%dma_start3A_46 : memref<64xf32, #tpu.memory_space<vmem>>) target_semaphore(%arg18 : memref<!tpu.dma_semaphore, #tpu.memory_space<semaphore_mem>>)
    %slice3A_50 = vector.extract_strided_slice %get3A_3 {offsets = [1], sizes = [1], strides = [1]} : vector<16xi32> to vector<1xi32>
    %squeeze3A_51 = vector.extract %slice3A_50[0] : i32 from vector<1xi32>
    %slice3A_52 = vector.extract_strided_slice %get3A_5 {offsets = [1], sizes = [1], strides = [1]} : vector<16xi32> to vector<1xi32>
    %squeeze3A_53 = vector.extract %slice3A_52[0] : i32 from vector<1xi32>
    %slice3A_54 = vector.extract_strided_slice %get3A_7 {offsets = [1], sizes = [1], strides = [1]} : vector<16xi32> to vector<1xi32>
    %squeeze3A_55 = vector.extract %slice3A_54[0] : i32 from vector<1xi32>
    %dma_start3A_56 = arith.constant 1 : i32
    %dma_start3A_57 = arith.constant 0 : i32
    %dma_start3A_58 = tpu.memref_slice %arg11[%dma_start3A_56, %dma_start3A_57] : memref<16x64xf32, #tpu.memory_space<vmem>> -> memref<1x64xf32, #tpu.memory_space<vmem>>
    %dma_start3A_59 = tpu.memref_squeeze %dma_start3A_58 : memref<1x64xf32, #tpu.memory_space<vmem>> -> memref<64xf32, #tpu.memory_space<vmem>>
    %dma_start3A_60 = arith.constant 0 : i32
    %dma_start3A_61 = tpu.memref_slice %arg5[%squeeze3A_51, %dma_start3A_60] : memref<1000000x64xf32, #tpu.memory_space<hbm>> -> memref<1x64xf32, #tpu.memory_space<hbm>>
    %dma_start3A_62 = tpu.memref_squeeze %dma_start3A_61 : memref<1x64xf32, #tpu.memory_space<hbm>> -> memref<64xf32, #tpu.memory_space<hbm>>
    %dma_start3A_63 = arith.constant 0 : i32
    %dma_start3A_64 = tpu.memref_slice %arg11[%dma_start3A_56, %dma_start3A_63] : memref<16x64xf32, #tpu.memory_space<vmem>> -> memref<1x64xf32, #tpu.memory_space<vmem>>
    %dma_start3A_65 = tpu.memref_squeeze %dma_start3A_64 : memref<1x64xf32, #tpu.memory_space<vmem>> -> memref<64xf32, #tpu.memory_space<vmem>>
    %dma_start3A_66 = arith.constant 0 : i32
    %dma_start3A_67 = tpu.memref_slice %arg5[%squeeze3A_51, %dma_start3A_66] : memref<1000000x64xf32, #tpu.memory_space<hbm>> -> memref<1x64xf32, #tpu.memory_space<hbm>>
    %dma_start3A_68 = tpu.memref_squeeze %dma_start3A_67 : memref<1x64xf32, #tpu.memory_space<hbm>> -> memref<64xf32, #tpu.memory_space<hbm>>
    tpu.enqueue_dma source(%dma_start3A_68 : memref<64xf32, #tpu.memory_space<hbm>>) target(%dma_start3A_65 : memref<64xf32, #tpu.memory_space<vmem>>) target_semaphore(%arg18 : memref<!tpu.dma_semaphore, #tpu.memory_space<semaphore_mem>>)
    %dma_start3A_69 = arith.constant 1 : i32
    %dma_start3A_70 = arith.constant 0 : i32
    %dma_start3A_71 = tpu.memref_slice %arg13[%dma_start3A_69, %dma_start3A_70] : memref<16x64xf32, #tpu.memory_space<vmem>> -> memref<1x64xf32, #tpu.memory_space<vmem>>
    %dma_start3A_72 = tpu.memref_squeeze %dma_start3A_71 : memref<1x64xf32, #tpu.memory_space<vmem>> -> memref<64xf32, #tpu.memory_space<vmem>>
    %dma_start3A_73 = arith.constant 0 : i32
    %dma_start3A_74 = tpu.memref_slice %arg6[%squeeze3A_53, %dma_start3A_73] : memref<1000000x64xf32, #tpu.memory_space<hbm>> -> memref<1x64xf32, #tpu.memory_space<hbm>>
    %dma_start3A_75 = tpu.memref_squeeze %dma_start3A_74 : memref<1x64xf32, #tpu.memory_space<hbm>> -> memref<64xf32, #tpu.memory_space<hbm>>
    %dma_start3A_76 = arith.constant 0 : i32
    %dma_start3A_77 = tpu.memref_slice %arg13[%dma_start3A_69, %dma_start3A_76] : memref<16x64xf32, #tpu.memory_space<vmem>> -> memref<1x64xf32, #tpu.memory_space<vmem>>
    %dma_start3A_78 = tpu.memref_squeeze %dma_start3A_77 : memref<1x64xf32, #tpu.memory_space<vmem>> -> memref<64xf32, #tpu.memory_space<vmem>>
    %dma_start3A_79 = arith.constant 0 : i32
    %dma_start3A_80 = tpu.memref_slice %arg6[%squeeze3A_53, %dma_start3A_79] : memref<1000000x64xf32, #tpu.memory_space<hbm>> -> memref<1x64xf32, #tpu.memory_space<hbm>>
    %dma_start3A_81 = tpu.memref_squeeze %dma_start3A_80 : memref<1x64xf32, #tpu.memory_space<hbm>> -> memref<64xf32, #tpu.memory_space<hbm>>
    tpu.enqueue_dma source(%dma_start3A_81 : memref<64xf32, #tpu.memory_space<hbm>>) target(%dma_start3A_78 : memref<64xf32, #tpu.memory_space<vmem>>) target_semaphore(%arg18 : memref<!tpu.dma_semaphore, #tpu.memory_space<semaphore_mem>>)
    %dma_start3A_82 = arith.constant 1 : i32
    %dma_start3A_83 = arith.constant 0 : i32
    %dma_start3A_84 = tpu.memref_slice %arg15[%dma_start3A_82, %dma_start3A_83] : memref<16x64xf32, #tpu.memory_space<vmem>> -> memref<1x64xf32, #tpu.memory_space<vmem>>
    %dma_start3A_85 = tpu.memref_squeeze %dma_start3A_84 : memref<1x64xf32, #tpu.memory_space<vmem>> -> memref<64xf32, #tpu.memory_space<vmem>>
    %dma_start3A_86 = arith.constant 0 : i32
    %dma_start3A_87 = tpu.memref_slice %arg6[%squeeze3A_55, %dma_start3A_86] : memref<1000000x64xf32, #tpu.memory_space<hbm>> -> memref<1x64xf32, #tpu.memory_space<hbm>>
    %dma_start3A_88 = tpu.memref_squeeze %dma_start3A_87 : memref<1x64xf32, #tpu.memory_space<hbm>> -> memref<64xf32, #tpu.memory_space<hbm>>
    %dma_start3A_89 = arith.constant 0 : i32
    %dma_start3A_90 = tpu.memref_slice %arg15[%dma_start3A_82, %dma_start3A_89] : memref<16x64xf32, #tpu.memory_space<vmem>> -> memref<1x64xf32, #tpu.memory_space<vmem>>
    %dma_start3A_91 = tpu.memref_squeeze %dma_start3A_90 : memref<1x64xf32, #tpu.memory_space<vmem>> -> memref<64xf32, #tpu.memory_space<vmem>>
    %dma_start3A_92 = arith.constant 0 : i32
    %dma_start3A_93 = tpu.memref_slice %arg6[%squeeze3A_55, %dma_start3A_92] : memref<1000000x64xf32, #tpu.memory_space<hbm>> -> memref<1x64xf32, #tpu.memory_space<hbm>>
    %dma_start3A_94 = tpu.memref_squeeze %dma_start3A_93 : memref<1x64xf32, #tpu.memory_space<hbm>> -> memref<64xf32, #tpu.memory_space<hbm>>
    tpu.enqueue_dma source(%dma_start3A_94 : memref<64xf32, #tpu.memory_space<hbm>>) target(%dma_start3A_91 : memref<64xf32, #tpu.memory_space<vmem>>) target_semaphore(%arg18 : memref<!tpu.dma_semaphore, #tpu.memory_space<semaphore_mem>>)
    %slice3A_95 = vector.extract_strided_slice %get3A_3 {offsets = [2], sizes = [1], strides = [1]} : vector<16xi32> to vector<1xi32>
    %squeeze3A_96 = vector.extract %slice3A_95[0] : i32 from vector<1xi32>
    %slice3A_97 = vector.extract_strided_slice %get3A_5 {offsets = [2], sizes = [1], strides = [1]} : vector<16xi32> to vector<1xi32>
    %squeeze3A_98 = vector.extract %slice3A_97[0] : i32 from vector<1xi32>
    %slice3A_99 = vector.extract_strided_slice %get3A_7 {offsets = [2], sizes = [1], strides = [1]} : vector<16xi32> to vector<1xi32>
    %squeeze3A_100 = vector.extract %slice3A_99[0] : i32 from vector<1xi32>
    %dma_start3A_101 = arith.constant 2 : i32
    %dma_start3A_102 = arith.constant 0 : i32
    %dma_start3A_103 = tpu.memref_slice %arg11[%dma_start3A_101, %dma_start3A_102] : memref<16x64xf32, #tpu.memory_space<vmem>> -> memref<1x64xf32, #tpu.memory_space<vmem>>
    %dma_start3A_104 = tpu.memref_squeeze %dma_start3A_103 : memref<1x64xf32, #tpu.memory_space<vmem>> -> memref<64xf32, #tpu.memory_space<vmem>>
    %dma_start3A_105 = arith.constant 0 : i32
    %dma_start3A_106 = tpu.memref_slice %arg5[%squeeze3A_96, %dma_start3A_105] : memref<1000000x64xf32, #tpu.memory_space<hbm>> -> memref<1x64xf32, #tpu.memory_space<hbm>>
    %dma_start3A_107 = tpu.memref_squeeze %dma_start3A_106 : memref<1x64xf32, #tpu.memory_space<hbm>> -> memref<64xf32, #tpu.memory_space<hbm>>
    %dma_start3A_108 = arith.constant 0 : i32
    %dma_start3A_109 = tpu.memref_slice %arg11[%dma_start3A_101, %dma_start3A_108] : memref<16x64xf32, #tpu.memory_space<vmem>> -> memref<1x64xf32, #tpu.memory_space<vmem>>
    %dma_start3A_110 = tpu.memref_squeeze %dma_start3A_109 : memref<1x64xf32, #tpu.memory_space<vmem>> -> memref<64xf32, #tpu.memory_space<vmem>>
    %dma_start3A_111 = arith.constant 0 : i32
    %dma_start3A_112 = tpu.memref_slice %arg5[%squeeze3A_96, %dma_start3A_111] : memref<1000000x64xf32, #tpu.memory_space<hbm>> -> memref<1x64xf32, #tpu.memory_space<hbm>>
    %dma_start3A_113 = tpu.memref_squeeze %dma_start3A_112 : memref<1x64xf32, #tpu.memory_space<hbm>> -> memref<64xf32, #tpu.memory_space<hbm>>
    tpu.enqueue_dma source(%dma_start3A_113 : memref<64xf32, #tpu.memory_space<hbm>>) target(%dma_start3A_110 : memref<64xf32, #tpu.memory_space<vmem>>) target_semaphore(%arg18 : memref<!tpu.dma_semaphore, #tpu.memory_space<semaphore_mem>>)
    %dma_start3A_114 = arith.constant 2 : i32
    %dma_start3A_115 = arith.constant 0 : i32
    %dma_start3A_116 = tpu.memref_slice %arg13[%dma_start3A_114, %dma_start3A_115] : memref<16x64xf32, #tpu.memory_space<vmem>> -> memref<1x64xf32, #tpu.memory_space<vmem>>
    %dma_start3A_117 = tpu.memref_squeeze %dma_start3A_116 : memref<1x64xf32, #tpu.memory_space<vmem>> -> memref<64xf32, #tpu.memory_space<vmem>>
    %dma_start3A_118 = arith.constant 0 : i32
    %dma_start3A_119 = tpu.memref_slice %arg6[%squeeze3A_98, %dma_start3A_118] : memref<1000000x64xf32, #tpu.memory_space<hbm>> -> memref<1x64xf32, #tpu.memory_space<hbm>>
    %dma_start3A_120 = tpu.memref_squeeze %dma_start3A_119 : memref<1x64xf32, #tpu.memory_space<hbm>> -> memref<64xf32, #tpu.memory_space<hbm>>
    %dma_start3A_121 = arith.constant 0 : i32
    %dma_start3A_122 = tpu.memref_slice %arg13[%dma_start3A_114, %dma_start3A_121] : memref<16x64xf32, #tpu.memory_space<vmem>> -> memref<1x64xf32, #tpu.memory_space<vmem>>
    %dma_start3A_123 = tpu.memref_squeeze %dma_start3A_122 : memref<1x64xf32, #tpu.memory_space<vmem>> -> memref<64xf32, #tpu.memory_space<vmem>>
    %dma_start3A_124 = arith.constant 0 : i32
    %dma_start3A_125 = tpu.memref_slice %arg6[%squeeze3A_98, %dma_start3A_124] : memref<1000000x64xf32, #tpu.memory_space<hbm>> -> memref<1x64xf32, #tpu.memory_space<hbm>>
    %dma_start3A_126 = tpu.memref_squeeze %dma_start3A_125 : memref<1x64xf32, #tpu.memory_space<hbm>> -> memref<64xf32, #tpu.memory_space<hbm>>
    tpu.enqueue_dma source(%dma_start3A_126 : memref<64xf32, #tpu.memory_space<hbm>>) target(%dma_start3A_123 : memref<64xf32, #tpu.memory_space<vmem>>) target_semaphore(%arg18 : memref<!tpu.dma_semaphore, #tpu.memory_space<semaphore_mem>>)
    %dma_start3A_127 = arith.constant 2 : i32
    %dma_start3A_128 = arith.constant 0 : i32
    %dma_start3A_129 = tpu.memref_slice %arg15[%dma_start3A_127, %dma_start3A_128] : memref<16x64xf32, #tpu.memory_space<vmem>> -> memref<1x64xf32, #tpu.memory_space<vmem>>
    %dma_start3A_130 = tpu.memref_squeeze %dma_start3A_129 : memref<1x64xf32, #tpu.memory_space<vmem>> -> memref<64xf32, #tpu.memory_space<vmem>>
    %dma_start3A_131 = arith.constant 0 : i32
    %dma_start3A_132 = tpu.memref_slice %arg6[%squeeze3A_100, %dma_start3A_131] : memref<1000000x64xf32, #tpu.memory_space<hbm>> -> memref<1x64xf32, #tpu.memory_space<hbm>>
    %dma_start3A_133 = tpu.memref_squeeze %dma_start3A_132 : memref<1x64xf32, #tpu.memory_space<hbm>> -> memref<64xf32, #tpu.memory_space<hbm>>
    %dma_start3A_134 = arith.constant 0 : i32
    %dma_start3A_135 = tpu.memref_slice %arg15[%dma_start3A_127, %dma_start3A_134] : memref<16x64xf32, #tpu.memory_space<vmem>> -> memref<1x64xf32, #tpu.memory_space<vmem>>
    %dma_start3A_136 = tpu.memref_squeeze %dma_start3A_135 : memref<1x64xf32, #tpu.memory_space<vmem>> -> memref<64xf32, #tpu.memory_space<vmem>>
    %dma_start3A_137 = arith.constant 0 : i32
    %dma_start3A_138 = tpu.memref_slice %arg6[%squeeze3A_100, %dma_start3A_137] : memref<1000000x64xf32, #tpu.memory_space<hbm>> -> memref<1x64xf32, #tpu.memory_space<hbm>>
    %dma_start3A_139 = tpu.memref_squeeze %dma_start3A_138 : memref<1x64xf32, #tpu.memory_space<hbm>> -> memref<64xf32, #tpu.memory_space<hbm>>
    tpu.enqueue_dma source(%dma_start3A_139 : memref<64xf32, #tpu.memory_space<hbm>>) target(%dma_start3A_136 : memref<64xf32, #tpu.memory_space<vmem>>) target_semaphore(%arg18 : memref<!tpu.dma_semaphore, #tpu.memory_space<semaphore_mem>>)
    %slice3A_140 = vector.extract_strided_slice %get3A_3 {offsets = [3], sizes = [1], strides = [1]} : vector<16xi32> to vector<1xi32>
    %squeeze3A_141 = vector.extract %slice3A_140[0] : i32 from vector<1xi32>
    %slice3A_142 = vector.extract_strided_slice %get3A_5 {offsets = [3], sizes = [1], strides = [1]} : vector<16xi32> to vector<1xi32>
    %squeeze3A_143 = vector.extract %slice3A_142[0] : i32 from vector<1xi32>
    %slice3A_144 = vector.extract_strided_slice %get3A_7 {offsets = [3], sizes = [1], strides = [1]} : vector<16xi32> to vector<1xi32>
    %squeeze3A_145 = vector.extract %slice3A_144[0] : i32 from vector<1xi32>
    %dma_start3A_146 = arith.constant 3 : i32
    %dma_start3A_147 = arith.constant 0 : i32
    %dma_start3A_148 = tpu.memref_slice %arg11[%dma_start3A_146, %dma_start3A_147] : memref<16x64xf32, #tpu.memory_space<vmem>> -> memref<1x64xf32, #tpu.memory_space<vmem>>
    %dma_start3A_149 = tpu.memref_squeeze %dma_start3A_148 : memref<1x64xf32, #tpu.memory_space<vmem>> -> memref<64xf32, #tpu.memory_space<vmem>>
    %dma_start3A_150 = arith.constant 0 : i32
    %dma_start3A_151 = tpu.memref_slice %arg5[%squeeze3A_141, %dma_start3A_150] : memref<1000000x64xf32, #tpu.memory_space<hbm>> -> memref<1x64xf32, #tpu.memory_space<hbm>>
    %dma_start3A_152 = tpu.memref_squeeze %dma_start3A_151 : memref<1x64xf32, #tpu.memory_space<hbm>> -> memref<64xf32, #tpu.memory_space<hbm>>
    %dma_start3A_153 = arith.constant 0 : i32
    %dma_start3A_154 = tpu.memref_slice %arg11[%dma_start3A_146, %dma_start3A_153] : memref<16x64xf32, #tpu.memory_space<vmem>> -> memref<1x64xf32, #tpu.memory_space<vmem>>
    %dma_start3A_155 = tpu.memref_squeeze %dma_start3A_154 : memref<1x64xf32, #tpu.memory_space<vmem>> -> memref<64xf32, #tpu.memory_space<vmem>>
    %dma_start3A_156 = arith.constant 0 : i32
    %dma_start3A_157 = tpu.memref_slice %arg5[%squeeze3A_141, %dma_start3A_156] : memref<1000000x64xf32, #tpu.memory_space<hbm>> -> memref<1x64xf32, #tpu.memory_space<hbm>>
    %dma_start3A_158 = tpu.memref_squeeze %dma_start3A_157 : memref<1x64xf32, #tpu.memory_space<hbm>> -> memref<64xf32, #tpu.memory_space<hbm>>
    tpu.enqueue_dma source(%dma_start3A_158 : memref<64xf32, #tpu.memory_space<hbm>>) target(%dma_start3A_155 : memref<64xf32, #tpu.memory_space<vmem>>) target_semaphore(%arg18 : memref<!tpu.dma_semaphore, #tpu.memory_space<semaphore_mem>>)
    %dma_start3A_159 = arith.constant 3 : i32
    %dma_start3A_160 = arith.constant 0 : i32
    %dma_start3A_161 = tpu.memref_slice %arg13[%dma_start3A_159, %dma_start3A_160] : memref<16x64xf32, #tpu.memory_space<vmem>> -> memref<1x64xf32, #tpu.memory_space<vmem>>
    %dma_start3A_162 = tpu.memref_squeeze %dma_start3A_161 : memref<1x64xf32, #tpu.memory_space<vmem>> -> memref<64xf32, #tpu.memory_space<vmem>>
    %dma_start3A_163 = arith.constant 0 : i32
    %dma_start3A_164 = tpu.memref_slice %arg6[%squeeze3A_143, %dma_start3A_163] : memref<1000000x64xf32, #tpu.memory_space<hbm>> -> memref<1x64xf32, #tpu.memory_space<hbm>>
    %dma_start3A_165 = tpu.memref_squeeze %dma_start3A_164 : memref<1x64xf32, #tpu.memory_space<hbm>> -> memref<64xf32, #tpu.memory_space<hbm>>
    %dma_start3A_166 = arith.constant 0 : i32
    %dma_start3A_167 = tpu.memref_slice %arg13[%dma_start3A_159, %dma_start3A_166] : memref<16x64xf32, #tpu.memory_space<vmem>> -> memref<1x64xf32, #tpu.memory_space<vmem>>
    %dma_start3A_168 = tpu.memref_squeeze %dma_start3A_167 : memref<1x64xf32, #tpu.memory_space<vmem>> -> memref<64xf32, #tpu.memory_space<vmem>>
    %dma_start3A_169 = arith.constant 0 : i32
    %dma_start3A_170 = tpu.memref_slice %arg6[%squeeze3A_143, %dma_start3A_169] : memref<1000000x64xf32, #tpu.memory_space<hbm>> -> memref<1x64xf32, #tpu.memory_space<hbm>>
    %dma_start3A_171 = tpu.memref_squeeze %dma_start3A_170 : memref<1x64xf32, #tpu.memory_space<hbm>> -> memref<64xf32, #tpu.memory_space<hbm>>
    tpu.enqueue_dma source(%dma_start3A_171 : memref<64xf32, #tpu.memory_space<hbm>>) target(%dma_start3A_168 : memref<64xf32, #tpu.memory_space<vmem>>) target_semaphore(%arg18 : memref<!tpu.dma_semaphore, #tpu.memory_space<semaphore_mem>>)
    %dma_start3A_172 = arith.constant 3 : i32
    %dma_start3A_173 = arith.constant 0 : i32
    %dma_start3A_174 = tpu.memref_slice %arg15[%dma_start3A_172, %dma_start3A_173] : memref<16x64xf32, #tpu.memory_space<vmem>> -> memref<1x64xf32, #tpu.memory_space<vmem>>
    %dma_start3A_175 = tpu.memref_squeeze %dma_start3A_174 : memref<1x64xf32, #tpu.memory_space<vmem>> -> memref<64xf32, #tpu.memory_space<vmem>>
    %dma_start3A_176 = arith.constant 0 : i32
    %dma_start3A_177 = tpu.memref_slice %arg6[%squeeze3A_145, %dma_start3A_176] : memref<1000000x64xf32, #tpu.memory_space<hbm>> -> memref<1x64xf32, #tpu.memory_space<hbm>>
    %dma_start3A_178 = tpu.memref_squeeze %dma_start3A_177 : memref<1x64xf32, #tpu.memory_space<hbm>> -> memref<64xf32, #tpu.memory_space<hbm>>
    %dma_start3A_179 = arith.constant 0 : i32
    %dma_start3A_180 = tpu.memref_slice %arg15[%dma_start3A_172, %dma_start3A_179] : memref<16x64xf32, #tpu.memory_space<vmem>> -> memref<1x64xf32, #tpu.memory_space<vmem>>
    %dma_start3A_181 = tpu.memref_squeeze %dma_start3A_180 : memref<1x64xf32, #tpu.memory_space<vmem>> -> memref<64xf32, #tpu.memory_space<vmem>>
    %dma_start3A_182 = arith.constant 0 : i32
    %dma_start3A_183 = tpu.memref_slice %arg6[%squeeze3A_145, %dma_start3A_182] : memref<1000000x64xf32, #tpu.memory_space<hbm>> -> memref<1x64xf32, #tpu.memory_space<hbm>>
    %dma_start3A_184 = tpu.memref_squeeze %dma_start3A_183 : memref<1x64xf32, #tpu.memory_space<hbm>> -> memref<64xf32, #tpu.memory_space<hbm>>
    tpu.enqueue_dma source(%dma_start3A_184 : memref<64xf32, #tpu.memory_space<hbm>>) target(%dma_start3A_181 : memref<64xf32, #tpu.memory_space<vmem>>) target_semaphore(%arg18 : memref<!tpu.dma_semaphore, #tpu.memory_space<semaphore_mem>>)
    %slice3A_185 = vector.extract_strided_slice %get3A_3 {offsets = [4], sizes = [1], strides = [1]} : vector<16xi32> to vector<1xi32>
    %squeeze3A_186 = vector.extract %slice3A_185[0] : i32 from vector<1xi32>
    %slice3A_187 = vector.extract_strided_slice %get3A_5 {offsets = [4], sizes = [1], strides = [1]} : vector<16xi32> to vector<1xi32>
    %squeeze3A_188 = vector.extract %slice3A_187[0] : i32 from vector<1xi32>
    %slice3A_189 = vector.extract_strided_slice %get3A_7 {offsets = [4], sizes = [1], strides = [1]} : vector<16xi32> to vector<1xi32>
    %squeeze3A_190 = vector.extract %slice3A_189[0] : i32 from vector<1xi32>
    %dma_start3A_191 = arith.constant 4 : i32
    %dma_start3A_192 = arith.constant 0 : i32
    %dma_start3A_193 = tpu.memref_slice %arg11[%dma_start3A_191, %dma_start3A_192] : memref<16x64xf32, #tpu.memory_space<vmem>> -> memref<1x64xf32, #tpu.memory_space<vmem>>
    %dma_start3A_194 = tpu.memref_squeeze %dma_start3A_193 : memref<1x64xf32, #tpu.memory_space<vmem>> -> memref<64xf32, #tpu.memory_space<vmem>>
    %dma_start3A_195 = arith.constant 0 : i32
    %dma_start3A_196 = tpu.memref_slice %arg5[%squeeze3A_186, %dma_start3A_195] : memref<1000000x64xf32, #tpu.memory_space<hbm>> -> memref<1x64xf32, #tpu.memory_space<hbm>>
    %dma_start3A_197 = tpu.memref_squeeze %dma_start3A_196 : memref<1x64xf32, #tpu.memory_space<hbm>> -> memref<64xf32, #tpu.memory_space<hbm>>
    %dma_start3A_198 = arith.constant 0 : i32
    %dma_start3A_199 = tpu.memref_slice %arg11[%dma_start3A_191, %dma_start3A_198] : memref<16x64xf32, #tpu.memory_space<vmem>> -> memref<1x64xf32, #tpu.memory_space<vmem>>
    %dma_start3A_200 = tpu.memref_squeeze %dma_start3A_199 : memref<1x64xf32, #tpu.memory_space<vmem>> -> memref<64xf32, #tpu.memory_space<vmem>>
    %dma_start3A_201 = arith.constant 0 : i32
    %dma_start3A_202 = tpu.memref_slice %arg5[%squeeze3A_186, %dma_start3A_201] : memref<1000000x64xf32, #tpu.memory_space<hbm>> -> memref<1x64xf32, #tpu.memory_space<hbm>>
    %dma_start3A_203 = tpu.memref_squeeze %dma_start3A_202 : memref<1x64xf32, #tpu.memory_space<hbm>> -> memref<64xf32, #tpu.memory_space<hbm>>
    tpu.enqueue_dma source(%dma_start3A_203 : memref<64xf32, #tpu.memory_space<hbm>>) target(%dma_start3A_200 : memref<64xf32, #tpu.memory_space<vmem>>) target_semaphore(%arg18 : memref<!tpu.dma_semaphore, #tpu.memory_space<semaphore_mem>>)
    %dma_start3A_204 = arith.constant 4 : i32
    %dma_start3A_205 = arith.constant 0 : i32
    %dma_start3A_206 = tpu.memref_slice %arg13[%dma_start3A_204, %dma_start3A_205] : memref<16x64xf32, #tpu.memory_space<vmem>> -> memref<1x64xf32, #tpu.memory_space<vmem>>
    %dma_start3A_207 = tpu.memref_squeeze %dma_start3A_206 : memref<1x64xf32, #tpu.memory_space<vmem>> -> memref<64xf32, #tpu.memory_space<vmem>>
    %dma_start3A_208 = arith.constant 0 : i32
    %dma_start3A_209 = tpu.memref_slice %arg6[%squeeze3A_188, %dma_start3A_208] : memref<1000000x64xf32, #tpu.memory_space<hbm>> -> memref<1x64xf32, #tpu.memory_space<hbm>>
    %dma_start3A_210 = tpu.memref_squeeze %dma_start3A_209 : memref<1x64xf32, #tpu.memory_space<hbm>> -> memref<64xf32, #tpu.memory_space<hbm>>
    %dma_start3A_211 = arith.constant 0 : i32
    %dma_start3A_212 = tpu.memref_slice %arg13[%dma_start3A_204, %dma_start3A_211] : memref<16x64xf32, #tpu.memory_space<vmem>> -> memref<1x64xf32, #tpu.memory_space<vmem>>
    %dma_start3A_213 = tpu.memref_squeeze %dma_start3A_212 : memref<1x64xf32, #tpu.memory_space<vmem>> -> memref<64xf32, #tpu.memory_space<vmem>>
    %dma_start3A_214 = arith.constant 0 : i32
    %dma_start3A_215 = tpu.memref_slice %arg6[%squeeze3A_188, %dma_start3A_214] : memref<1000000x64xf32, #tpu.memory_space<hbm>> -> memref<1x64xf32, #tpu.memory_space<hbm>>
    %dma_start3A_216 = tpu.memref_squeeze %dma_start3A_215 : memref<1x64xf32, #tpu.memory_space<hbm>> -> memref<64xf32, #tpu.memory_space<hbm>>
    tpu.enqueue_dma source(%dma_start3A_216 : memref<64xf32, #tpu.memory_space<hbm>>) target(%dma_start3A_213 : memref<64xf32, #tpu.memory_space<vmem>>) target_semaphore(%arg18 : memref<!tpu.dma_semaphore, #tpu.memory_space<semaphore_mem>>)
    %dma_start3A_217 = arith.constant 4 : i32
    %dma_start3A_218 = arith.constant 0 : i32
    %dma_start3A_219 = tpu.memref_slice %arg15[%dma_start3A_217, %dma_start3A_218] : memref<16x64xf32, #tpu.memory_space<vmem>> -> memref<1x64xf32, #tpu.memory_space<vmem>>
    %dma_start3A_220 = tpu.memref_squeeze %dma_start3A_219 : memref<1x64xf32, #tpu.memory_space<vmem>> -> memref<64xf32, #tpu.memory_space<vmem>>
    %dma_start3A_221 = arith.constant 0 : i32
    %dma_start3A_222 = tpu.memref_slice %arg6[%squeeze3A_190, %dma_start3A_221] : memref<1000000x64xf32, #tpu.memory_space<hbm>> -> memref<1x64xf32, #tpu.memory_space<hbm>>
    %dma_start3A_223 = tpu.memref_squeeze %dma_start3A_222 : memref<1x64xf32, #tpu.memory_space<hbm>> -> memref<64xf32, #tpu.memory_space<hbm>>
    %dma_start3A_224 = arith.constant 0 : i32
    %dma_start3A_225 = tpu.memref_slice %arg15[%dma_start3A_217, %dma_start3A_224] : memref<16x64xf32, #tpu.memory_space<vmem>> -> memref<1x64xf32, #tpu.memory_space<vmem>>
    %dma_start3A_226 = tpu.memref_squeeze %dma_start3A_225 : memref<1x64xf32, #tpu.memory_space<vmem>> -> memref<64xf32, #tpu.memory_space<vmem>>
    %dma_start3A_227 = arith.constant 0 : i32
    %dma_start3A_228 = tpu.memref_slice %arg6[%squeeze3A_190, %dma_start3A_227] : memref<1000000x64xf32, #tpu.memory_space<hbm>> -> memref<1x64xf32, #tpu.memory_space<hbm>>
    %dma_start3A_229 = tpu.memref_squeeze %dma_start3A_228 : memref<1x64xf32, #tpu.memory_space<hbm>> -> memref<64xf32, #tpu.memory_space<hbm>>
    tpu.enqueue_dma source(%dma_start3A_229 : memref<64xf32, #tpu.memory_space<hbm>>) target(%dma_start3A_226 : memref<64xf32, #tpu.memory_space<vmem>>) target_semaphore(%arg18 : memref<!tpu.dma_semaphore, #tpu.memory_space<semaphore_mem>>)
    %slice3A_230 = vector.extract_strided_slice %get3A_3 {offsets = [5], sizes = [1], strides = [1]} : vector<16xi32> to vector<1xi32>
    %squeeze3A_231 = vector.extract %slice3A_230[0] : i32 from vector<1xi32>
    %slice3A_232 = vector.extract_strided_slice %get3A_5 {offsets = [5], sizes = [1], strides = [1]} : vector<16xi32> to vector<1xi32>
    %squeeze3A_233 = vector.extract %slice3A_232[0] : i32 from vector<1xi32>
    %slice3A_234 = vector.extract_strided_slice %get3A_7 {offsets = [5], sizes = [1], strides = [1]} : vector<16xi32> to vector<1xi32>
    %squeeze3A_235 = vector.extract %slice3A_234[0] : i32 from vector<1xi32>
    %dma_start3A_236 = arith.constant 5 : i32
    %dma_start3A_237 = arith.constant 0 : i32
    %dma_start3A_238 = tpu.memref_slice %arg11[%dma_start3A_236, %dma_start3A_237] : memref<16x64xf32, #tpu.memory_space<vmem>> -> memref<1x64xf32, #tpu.memory_space<vmem>>
    %dma_start3A_239 = tpu.memref_squeeze %dma_start3A_238 : memref<1x64xf32, #tpu.memory_space<vmem>> -> memref<64xf32, #tpu.memory_space<vmem>>
    %dma_start3A_240 = arith.constant 0 : i32
    %dma_start3A_241 = tpu.memref_slice %arg5[%squeeze3A_231, %dma_start3A_240] : memref<1000000x64xf32, #tpu.memory_space<hbm>> -> memref<1x64xf32, #tpu.memory_space<hbm>>
    %dma_start3A_242 = tpu.memref_squeeze %dma_start3A_241 : memref<1x64xf32, #tpu.memory_space<hbm>> -> memref<64xf32, #tpu.memory_space<hbm>>
    %dma_start3A_243 = arith.constant 0 : i32
    %dma_start3A_244 = tpu.memref_slice %arg11[%dma_start3A_236, %dma_start3A_243] : memref<16x64xf32, #tpu.memory_space<vmem>> -> memref<1x64xf32, #tpu.memory_space<vmem>>
    %dma_start3A_245 = tpu.memref_squeeze %dma_start3A_244 : memref<1x64xf32, #tpu.memory_space<vmem>> -> memref<64xf32, #tpu.memory_space<vmem>>
    %dma_start3A_246 = arith.constant 0 : i32
    %dma_start3A_247 = tpu.memref_slice %arg5[%squeeze3A_231, %dma_start3A_246] : memref<1000000x64xf32, #tpu.memory_space<hbm>> -> memref<1x64xf32, #tpu.memory_space<hbm>>
    %dma_start3A_248 = tpu.memref_squeeze %dma_start3A_247 : memref<1x64xf32, #tpu.memory_space<hbm>> -> memref<64xf32, #tpu.memory_space<hbm>>
    tpu.enqueue_dma source(%dma_start3A_248 : memref<64xf32, #tpu.memory_space<hbm>>) target(%dma_start3A_245 : memref<64xf32, #tpu.memory_space<vmem>>) target_semaphore(%arg18 : memref<!tpu.dma_semaphore, #tpu.memory_space<semaphore_mem>>)
    %dma_start3A_249 = arith.constant 5 : i32
    %dma_start3A_250 = arith.constant 0 : i32
    %dma_start3A_251 = tpu.memref_slice %arg13[%dma_start3A_249, %dma_start3A_250] : memref<16x64xf32, #tpu.memory_space<vmem>> -> memref<1x64xf32, #tpu.memory_space<vmem>>
    %dma_start3A_252 = tpu.memref_squeeze %dma_start3A_251 : memref<1x64xf32, #tpu.memory_space<vmem>> -> memref<64xf32, #tpu.memory_space<vmem>>
    %dma_start3A_253 = arith.constant 0 : i32
    %dma_start3A_254 = tpu.memref_slice %arg6[%squeeze3A_233, %dma_start3A_253] : memref<1000000x64xf32, #tpu.memory_space<hbm>> -> memref<1x64xf32, #tpu.memory_space<hbm>>
    %dma_start3A_255 = tpu.memref_squeeze %dma_start3A_254 : memref<1x64xf32, #tpu.memory_space<hbm>> -> memref<64xf32, #tpu.memory_space<hbm>>
    %dma_start3A_256 = arith.constant 0 : i32
    %dma_start3A_257 = tpu.memref_slice %arg13[%dma_start3A_249, %dma_start3A_256] : memref<16x64xf32, #tpu.memory_space<vmem>> -> memref<1x64xf32, #tpu.memory_space<vmem>>
    %dma_start3A_258 = tpu.memref_squeeze %dma_start3A_257 : memref<1x64xf32, #tpu.memory_space<vmem>> -> memref<64xf32, #tpu.memory_space<vmem>>
    %dma_start3A_259 = arith.constant 0 : i32
    %dma_start3A_260 = tpu.memref_slice %arg6[%squeeze3A_233, %dma_start3A_259] : memref<1000000x64xf32, #tpu.memory_space<hbm>> -> memref<1x64xf32, #tpu.memory_space<hbm>>
    %dma_start3A_261 = tpu.memref_squeeze %dma_start3A_260 : memref<1x64xf32, #tpu.memory_space<hbm>> -> memref<64xf32, #tpu.memory_space<hbm>>
    tpu.enqueue_dma source(%dma_start3A_261 : memref<64xf32, #tpu.memory_space<hbm>>) target(%dma_start3A_258 : memref<64xf32, #tpu.memory_space<vmem>>) target_semaphore(%arg18 : memref<!tpu.dma_semaphore, #tpu.memory_space<semaphore_mem>>)
    %dma_start3A_262 = arith.constant 5 : i32
    %dma_start3A_263 = arith.constant 0 : i32
    %dma_start3A_264 = tpu.memref_slice %arg15[%dma_start3A_262, %dma_start3A_263] : memref<16x64xf32, #tpu.memory_space<vmem>> -> memref<1x64xf32, #tpu.memory_space<vmem>>
    %dma_start3A_265 = tpu.memref_squeeze %dma_start3A_264 : memref<1x64xf32, #tpu.memory_space<vmem>> -> memref<64xf32, #tpu.memory_space<vmem>>
    %dma_start3A_266 = arith.constant 0 : i32
    %dma_start3A_267 = tpu.memref_slice %arg6[%squeeze3A_235, %dma_start3A_266] : memref<1000000x64xf32, #tpu.memory_space<hbm>> -> memref<1x64xf32, #tpu.memory_space<hbm>>
    %dma_start3A_268 = tpu.memref_squeeze %dma_start3A_267 : memref<1x64xf32, #tpu.memory_space<hbm>> -> memref<64xf32, #tpu.memory_space<hbm>>
    %dma_start3A_269 = arith.constant 0 : i32
    %dma_start3A_270 = tpu.memref_slice %arg15[%dma_start3A_262, %dma_start3A_269] : memref<16x64xf32, #tpu.memory_space<vmem>> -> memref<1x64xf32, #tpu.memory_space<vmem>>
    %dma_start3A_271 = tpu.memref_squeeze %dma_start3A_270 : memref<1x64xf32, #tpu.memory_space<vmem>> -> memref<64xf32, #tpu.memory_space<vmem>>
    %dma_start3A_272 = arith.constant 0 : i32
    %dma_start3A_273 = tpu.memref_slice %arg6[%squeeze3A_235, %dma_start3A_272] : memref<1000000x64xf32, #tpu.memory_space<hbm>> -> memref<1x64xf32, #tpu.memory_space<hbm>>
    %dma_start3A_274 = tpu.memref_squeeze %dma_start3A_273 : memref<1x64xf32, #tpu.memory_space<hbm>> -> memref<64xf32, #tpu.memory_space<hbm>>
    tpu.enqueue_dma source(%dma_start3A_274 : memref<64xf32, #tpu.memory_space<hbm>>) target(%dma_start3A_271 : memref<64xf32, #tpu.memory_space<vmem>>) target_semaphore(%arg18 : memref<!tpu.dma_semaphore, #tpu.memory_space<semaphore_mem>>)
    %slice3A_275 = vector.extract_strided_slice %get3A_3 {offsets = [6], sizes = [1], strides = [1]} : vector<16xi32> to vector<1xi32>
    %squeeze3A_276 = vector.extract %slice3A_275[0] : i32 from vector<1xi32>
    %slice3A_277 = vector.extract_strided_slice %get3A_5 {offsets = [6], sizes = [1], strides = [1]} : vector<16xi32> to vector<1xi32>
    %squeeze3A_278 = vector.extract %slice3A_277[0] : i32 from vector<1xi32>
    %slice3A_279 = vector.extract_strided_slice %get3A_7 {offsets = [6], sizes = [1], strides = [1]} : vector<16xi32> to vector<1xi32>
    %squeeze3A_280 = vector.extract %slice3A_279[0] : i32 from vector<1xi32>
    %dma_start3A_281 = arith.constant 6 : i32
    %dma_start3A_282 = arith.constant 0 : i32
    %dma_start3A_283 = tpu.memref_slice %arg11[%dma_start3A_281, %dma_start3A_282] : memref<16x64xf32, #tpu.memory_space<vmem>> -> memref<1x64xf32, #tpu.memory_space<vmem>>
    %dma_start3A_284 = tpu.memref_squeeze %dma_start3A_283 : memref<1x64xf32, #tpu.memory_space<vmem>> -> memref<64xf32, #tpu.memory_space<vmem>>
    %dma_start3A_285 = arith.constant 0 : i32
    %dma_start3A_286 = tpu.memref_slice %arg5[%squeeze3A_276, %dma_start3A_285] : memref<1000000x64xf32, #tpu.memory_space<hbm>> -> memref<1x64xf32, #tpu.memory_space<hbm>>
    %dma_start3A_287 = tpu.memref_squeeze %dma_start3A_286 : memref<1x64xf32, #tpu.memory_space<hbm>> -> memref<64xf32, #tpu.memory_space<hbm>>
    %dma_start3A_288 = arith.constant 0 : i32
    %dma_start3A_289 = tpu.memref_slice %arg11[%dma_start3A_281, %dma_start3A_288] : memref<16x64xf32, #tpu.memory_space<vmem>> -> memref<1x64xf32, #tpu.memory_space<vmem>>
    %dma_start3A_290 = tpu.memref_squeeze %dma_start3A_289 : memref<1x64xf32, #tpu.memory_space<vmem>> -> memref<64xf32, #tpu.memory_space<vmem>>
    %dma_start3A_291 = arith.constant 0 : i32
    %dma_start3A_292 = tpu.memref_slice %arg5[%squeeze3A_276, %dma_start3A_291] : memref<1000000x64xf32, #tpu.memory_space<hbm>> -> memref<1x64xf32, #tpu.memory_space<hbm>>
    %dma_start3A_293 = tpu.memref_squeeze %dma_start3A_292 : memref<1x64xf32, #tpu.memory_space<hbm>> -> memref<64xf32, #tpu.memory_space<hbm>>
    tpu.enqueue_dma source(%dma_start3A_293 : memref<64xf32, #tpu.memory_space<hbm>>) target(%dma_start3A_290 : memref<64xf32, #tpu.memory_space<vmem>>) target_semaphore(%arg18 : memref<!tpu.dma_semaphore, #tpu.memory_space<semaphore_mem>>)
    %dma_start3A_294 = arith.constant 6 : i32
    %dma_start3A_295 = arith.constant 0 : i32
    %dma_start3A_296 = tpu.memref_slice %arg13[%dma_start3A_294, %dma_start3A_295] : memref<16x64xf32, #tpu.memory_space<vmem>> -> memref<1x64xf32, #tpu.memory_space<vmem>>
    %dma_start3A_297 = tpu.memref_squeeze %dma_start3A_296 : memref<1x64xf32, #tpu.memory_space<vmem>> -> memref<64xf32, #tpu.memory_space<vmem>>
    %dma_start3A_298 = arith.constant 0 : i32
    %dma_start3A_299 = tpu.memref_slice %arg6[%squeeze3A_278, %dma_start3A_298] : memref<1000000x64xf32, #tpu.memory_space<hbm>> -> memref<1x64xf32, #tpu.memory_space<hbm>>
    %dma_start3A_300 = tpu.memref_squeeze %dma_start3A_299 : memref<1x64xf32, #tpu.memory_space<hbm>> -> memref<64xf32, #tpu.memory_space<hbm>>
    %dma_start3A_301 = arith.constant 0 : i32
    %dma_start3A_302 = tpu.memref_slice %arg13[%dma_start3A_294, %dma_start3A_301] : memref<16x64xf32, #tpu.memory_space<vmem>> -> memref<1x64xf32, #tpu.memory_space<vmem>>
    %dma_start3A_303 = tpu.memref_squeeze %dma_start3A_302 : memref<1x64xf32, #tpu.memory_space<vmem>> -> memref<64xf32, #tpu.memory_space<vmem>>
    %dma_start3A_304 = arith.constant 0 : i32
    %dma_start3A_305 = tpu.memref_slice %arg6[%squeeze3A_278, %dma_start3A_304] : memref<1000000x64xf32, #tpu.memory_space<hbm>> -> memref<1x64xf32, #tpu.memory_space<hbm>>
    %dma_start3A_306 = tpu.memref_squeeze %dma_start3A_305 : memref<1x64xf32, #tpu.memory_space<hbm>> -> memref<64xf32, #tpu.memory_space<hbm>>
    tpu.enqueue_dma source(%dma_start3A_306 : memref<64xf32, #tpu.memory_space<hbm>>) target(%dma_start3A_303 : memref<64xf32, #tpu.memory_space<vmem>>) target_semaphore(%arg18 : memref<!tpu.dma_semaphore, #tpu.memory_space<semaphore_mem>>)
    %dma_start3A_307 = arith.constant 6 : i32
    %dma_start3A_308 = arith.constant 0 : i32
    %dma_start3A_309 = tpu.memref_slice %arg15[%dma_start3A_307, %dma_start3A_308] : memref<16x64xf32, #tpu.memory_space<vmem>> -> memref<1x64xf32, #tpu.memory_space<vmem>>
    %dma_start3A_310 = tpu.memref_squeeze %dma_start3A_309 : memref<1x64xf32, #tpu.memory_space<vmem>> -> memref<64xf32, #tpu.memory_space<vmem>>
    %dma_start3A_311 = arith.constant 0 : i32
    %dma_start3A_312 = tpu.memref_slice %arg6[%squeeze3A_280, %dma_start3A_311] : memref<1000000x64xf32, #tpu.memory_space<hbm>> -> memref<1x64xf32, #tpu.memory_space<hbm>>
    %dma_start3A_313 = tpu.memref_squeeze %dma_start3A_312 : memref<1x64xf32, #tpu.memory_space<hbm>> -> memref<64xf32, #tpu.memory_space<hbm>>
    %dma_start3A_314 = arith.constant 0 : i32
    %dma_start3A_315 = tpu.memref_slice %arg15[%dma_start3A_307, %dma_start3A_314] : memref<16x64xf32, #tpu.memory_space<vmem>> -> memref<1x64xf32, #tpu.memory_space<vmem>>
    %dma_start3A_316 = tpu.memref_squeeze %dma_start3A_315 : memref<1x64xf32, #tpu.memory_space<vmem>> -> memref<64xf32, #tpu.memory_space<vmem>>
    %dma_start3A_317 = arith.constant 0 : i32
    %dma_start3A_318 = tpu.memref_slice %arg6[%squeeze3A_280, %dma_start3A_317] : memref<1000000x64xf32, #tpu.memory_space<hbm>> -> memref<1x64xf32, #tpu.memory_space<hbm>>
    %dma_start3A_319 = tpu.memref_squeeze %dma_start3A_318 : memref<1x64xf32, #tpu.memory_space<hbm>> -> memref<64xf32, #tpu.memory_space<hbm>>
    tpu.enqueue_dma source(%dma_start3A_319 : memref<64xf32, #tpu.memory_space<hbm>>) target(%dma_start3A_316 : memref<64xf32, #tpu.memory_space<vmem>>) target_semaphore(%arg18 : memref<!tpu.dma_semaphore, #tpu.memory_space<semaphore_mem>>)
    %slice3A_320 = vector.extract_strided_slice %get3A_3 {offsets = [7], sizes = [1], strides = [1]} : vector<16xi32> to vector<1xi32>
    %squeeze3A_321 = vector.extract %slice3A_320[0] : i32 from vector<1xi32>
    %slice3A_322 = vector.extract_strided_slice %get3A_5 {offsets = [7], sizes = [1], strides = [1]} : vector<16xi32> to vector<1xi32>
    %squeeze3A_323 = vector.extract %slice3A_322[0] : i32 from vector<1xi32>
    %slice3A_324 = vector.extract_strided_slice %get3A_7 {offsets = [7], sizes = [1], strides = [1]} : vector<16xi32> to vector<1xi32>
    %squeeze3A_325 = vector.extract %slice3A_324[0] : i32 from vector<1xi32>
    %dma_start3A_326 = arith.constant 7 : i32
    %dma_start3A_327 = arith.constant 0 : i32
    %dma_start3A_328 = tpu.memref_slice %arg11[%dma_start3A_326, %dma_start3A_327] : memref<16x64xf32, #tpu.memory_space<vmem>> -> memref<1x64xf32, #tpu.memory_space<vmem>>
    %dma_start3A_329 = tpu.memref_squeeze %dma_start3A_328 : memref<1x64xf32, #tpu.memory_space<vmem>> -> memref<64xf32, #tpu.memory_space<vmem>>
    %dma_start3A_330 = arith.constant 0 : i32
    %dma_start3A_331 = tpu.memref_slice %arg5[%squeeze3A_321, %dma_start3A_330] : memref<1000000x64xf32, #tpu.memory_space<hbm>> -> memref<1x64xf32, #tpu.memory_space<hbm>>
    %dma_start3A_332 = tpu.memref_squeeze %dma_start3A_331 : memref<1x64xf32, #tpu.memory_space<hbm>> -> memref<64xf32, #tpu.memory_space<hbm>>
    %dma_start3A_333 = arith.constant 0 : i32
    %dma_start3A_334 = tpu.memref_slice %arg11[%dma_start3A_326, %dma_start3A_333] : memref<16x64xf32, #tpu.memory_space<vmem>> -> memref<1x64xf32, #tpu.memory_space<vmem>>
    %dma_start3A_335 = tpu.memref_squeeze %dma_start3A_334 : memref<1x64xf32, #tpu.memory_space<vmem>> -> memref<64xf32, #tpu.memory_space<vmem>>
    %dma_start3A_336 = arith.constant 0 : i32
    %dma_start3A_337 = tpu.memref_slice %arg5[%squeeze3A_321, %dma_start3A_336] : memref<1000000x64xf32, #tpu.memory_space<hbm>> -> memref<1x64xf32, #tpu.memory_space<hbm>>
    %dma_start3A_338 = tpu.memref_squeeze %dma_start3A_337 : memref<1x64xf32, #tpu.memory_space<hbm>> -> memref<64xf32, #tpu.memory_space<hbm>>
    tpu.enqueue_dma source(%dma_start3A_338 : memref<64xf32, #tpu.memory_space<hbm>>) target(%dma_start3A_335 : memref<64xf32, #tpu.memory_space<vmem>>) target_semaphore(%arg18 : memref<!tpu.dma_semaphore, #tpu.memory_space<semaphore_mem>>)
    %dma_start3A_339 = arith.constant 7 : i32
    %dma_start3A_340 = arith.constant 0 : i32
    %dma_start3A_341 = tpu.memref_slice %arg13[%dma_start3A_339, %dma_start3A_340] : memref<16x64xf32, #tpu.memory_space<vmem>> -> memref<1x64xf32, #tpu.memory_space<vmem>>
    %dma_start3A_342 = tpu.memref_squeeze %dma_start3A_341 : memref<1x64xf32, #tpu.memory_space<vmem>> -> memref<64xf32, #tpu.memory_space<vmem>>
    %dma_start3A_343 = arith.constant 0 : i32
    %dma_start3A_344 = tpu.memref_slice %arg6[%squeeze3A_323, %dma_start3A_343] : memref<1000000x64xf32, #tpu.memory_space<hbm>> -> memref<1x64xf32, #tpu.memory_space<hbm>>
    %dma_start3A_345 = tpu.memref_squeeze %dma_start3A_344 : memref<1x64xf32, #tpu.memory_space<hbm>> -> memref<64xf32, #tpu.memory_space<hbm>>
    %dma_start3A_346 = arith.constant 0 : i32
    %dma_start3A_347 = tpu.memref_slice %arg13[%dma_start3A_339, %dma_start3A_346] : memref<16x64xf32, #tpu.memory_space<vmem>> -> memref<1x64xf32, #tpu.memory_space<vmem>>
    %dma_start3A_348 = tpu.memref_squeeze %dma_start3A_347 : memref<1x64xf32, #tpu.memory_space<vmem>> -> memref<64xf32, #tpu.memory_space<vmem>>
    %dma_start3A_349 = arith.constant 0 : i32
    %dma_start3A_350 = tpu.memref_slice %arg6[%squeeze3A_323, %dma_start3A_349] : memref<1000000x64xf32, #tpu.memory_space<hbm>> -> memref<1x64xf32, #tpu.memory_space<hbm>>
    %dma_start3A_351 = tpu.memref_squeeze %dma_start3A_350 : memref<1x64xf32, #tpu.memory_space<hbm>> -> memref<64xf32, #tpu.memory_space<hbm>>
    tpu.enqueue_dma source(%dma_start3A_351 : memref<64xf32, #tpu.memory_space<hbm>>) target(%dma_start3A_348 : memref<64xf32, #tpu.memory_space<vmem>>) target_semaphore(%arg18 : memref<!tpu.dma_semaphore, #tpu.memory_space<semaphore_mem>>)
    %dma_start3A_352 = arith.constant 7 : i32
    %dma_start3A_353 = arith.constant 0 : i32
    %dma_start3A_354 = tpu.memref_slice %arg15[%dma_start3A_352, %dma_start3A_353] : memref<16x64xf32, #tpu.memory_space<vmem>> -> memref<1x64xf32, #tpu.memory_space<vmem>>
    %dma_start3A_355 = tpu.memref_squeeze %dma_start3A_354 : memref<1x64xf32, #tpu.memory_space<vmem>> -> memref<64xf32, #tpu.memory_space<vmem>>
    %dma_start3A_356 = arith.constant 0 : i32
    %dma_start3A_357 = tpu.memref_slice %arg6[%squeeze3A_325, %dma_start3A_356] : memref<1000000x64xf32, #tpu.memory_space<hbm>> -> memref<1x64xf32, #tpu.memory_space<hbm>>
    %dma_start3A_358 = tpu.memref_squeeze %dma_start3A_357 : memref<1x64xf32, #tpu.memory_space<hbm>> -> memref<64xf32, #tpu.memory_space<hbm>>
    %dma_start3A_359 = arith.constant 0 : i32
    %dma_start3A_360 = tpu.memref_slice %arg15[%dma_start3A_352, %dma_start3A_359] : memref<16x64xf32, #tpu.memory_space<vmem>> -> memref<1x64xf32, #tpu.memory_space<vmem>>
    %dma_start3A_361 = tpu.memref_squeeze %dma_start3A_360 : memref<1x64xf32, #tpu.memory_space<vmem>> -> memref<64xf32, #tpu.memory_space<vmem>>
    %dma_start3A_362 = arith.constant 0 : i32
    %dma_start3A_363 = tpu.memref_slice %arg6[%squeeze3A_325, %dma_start3A_362] : memref<1000000x64xf32, #tpu.memory_space<hbm>> -> memref<1x64xf32, #tpu.memory_space<hbm>>
    %dma_start3A_364 = tpu.memref_squeeze %dma_start3A_363 : memref<1x64xf32, #tpu.memory_space<hbm>> -> memref<64xf32, #tpu.memory_space<hbm>>
    tpu.enqueue_dma source(%dma_start3A_364 : memref<64xf32, #tpu.memory_space<hbm>>) target(%dma_start3A_361 : memref<64xf32, #tpu.memory_space<vmem>>) target_semaphore(%arg18 : memref<!tpu.dma_semaphore, #tpu.memory_space<semaphore_mem>>)
    %slice3A_365 = vector.extract_strided_slice %get3A_3 {offsets = [8], sizes = [1], strides = [1]} : vector<16xi32> to vector<1xi32>
    %squeeze3A_366 = vector.extract %slice3A_365[0] : i32 from vector<1xi32>
    %slice3A_367 = vector.extract_strided_slice %get3A_5 {offsets = [8], sizes = [1], strides = [1]} : vector<16xi32> to vector<1xi32>
    %squeeze3A_368 = vector.extract %slice3A_367[0] : i32 from vector<1xi32>
    %slice3A_369 = vector.extract_strided_slice %get3A_7 {offsets = [8], sizes = [1], strides = [1]} : vector<16xi32> to vector<1xi32>
    %squeeze3A_370 = vector.extract %slice3A_369[0] : i32 from vector<1xi32>
    %dma_start3A_371 = arith.constant 8 : i32
    %dma_start3A_372 = arith.constant 0 : i32
    %dma_start3A_373 = tpu.memref_slice %arg11[%dma_start3A_371, %dma_start3A_372] : memref<16x64xf32, #tpu.memory_space<vmem>> -> memref<1x64xf32, #tpu.memory_space<vmem>>
    %dma_start3A_374 = tpu.memref_squeeze %dma_start3A_373 : memref<1x64xf32, #tpu.memory_space<vmem>> -> memref<64xf32, #tpu.memory_space<vmem>>
    %dma_start3A_375 = arith.constant 0 : i32
    %dma_start3A_376 = tpu.memref_slice %arg5[%squeeze3A_366, %dma_start3A_375] : memref<1000000x64xf32, #tpu.memory_space<hbm>> -> memref<1x64xf32, #tpu.memory_space<hbm>>
    %dma_start3A_377 = tpu.memref_squeeze %dma_start3A_376 : memref<1x64xf32, #tpu.memory_space<hbm>> -> memref<64xf32, #tpu.memory_space<hbm>>
    %dma_start3A_378 = arith.constant 0 : i32
    %dma_start3A_379 = tpu.memref_slice %arg11[%dma_start3A_371, %dma_start3A_378] : memref<16x64xf32, #tpu.memory_space<vmem>> -> memref<1x64xf32, #tpu.memory_space<vmem>>
    %dma_start3A_380 = tpu.memref_squeeze %dma_start3A_379 : memref<1x64xf32, #tpu.memory_space<vmem>> -> memref<64xf32, #tpu.memory_space<vmem>>
    %dma_start3A_381 = arith.constant 0 : i32
    %dma_start3A_382 = tpu.memref_slice %arg5[%squeeze3A_366, %dma_start3A_381] : memref<1000000x64xf32, #tpu.memory_space<hbm>> -> memref<1x64xf32, #tpu.memory_space<hbm>>
    %dma_start3A_383 = tpu.memref_squeeze %dma_start3A_382 : memref<1x64xf32, #tpu.memory_space<hbm>> -> memref<64xf32, #tpu.memory_space<hbm>>
    tpu.enqueue_dma source(%dma_start3A_383 : memref<64xf32, #tpu.memory_space<hbm>>) target(%dma_start3A_380 : memref<64xf32, #tpu.memory_space<vmem>>) target_semaphore(%arg18 : memref<!tpu.dma_semaphore, #tpu.memory_space<semaphore_mem>>)
    %dma_start3A_384 = arith.constant 8 : i32
    %dma_start3A_385 = arith.constant 0 : i32
    %dma_start3A_386 = tpu.memref_slice %arg13[%dma_start3A_384, %dma_start3A_385] : memref<16x64xf32, #tpu.memory_space<vmem>> -> memref<1x64xf32, #tpu.memory_space<vmem>>
    %dma_start3A_387 = tpu.memref_squeeze %dma_start3A_386 : memref<1x64xf32, #tpu.memory_space<vmem>> -> memref<64xf32, #tpu.memory_space<vmem>>
    %dma_start3A_388 = arith.constant 0 : i32
    %dma_start3A_389 = tpu.memref_slice %arg6[%squeeze3A_368, %dma_start3A_388] : memref<1000000x64xf32, #tpu.memory_space<hbm>> -> memref<1x64xf32, #tpu.memory_space<hbm>>
    %dma_start3A_390 = tpu.memref_squeeze %dma_start3A_389 : memref<1x64xf32, #tpu.memory_space<hbm>> -> memref<64xf32, #tpu.memory_space<hbm>>
    %dma_start3A_391 = arith.constant 0 : i32
    %dma_start3A_392 = tpu.memref_slice %arg13[%dma_start3A_384, %dma_start3A_391] : memref<16x64xf32, #tpu.memory_space<vmem>> -> memref<1x64xf32, #tpu.memory_space<vmem>>
    %dma_start3A_393 = tpu.memref_squeeze %dma_start3A_392 : memref<1x64xf32, #tpu.memory_space<vmem>> -> memref<64xf32, #tpu.memory_space<vmem>>
    %dma_start3A_394 = arith.constant 0 : i32
    %dma_start3A_395 = tpu.memref_slice %arg6[%squeeze3A_368, %dma_start3A_394] : memref<1000000x64xf32, #tpu.memory_space<hbm>> -> memref<1x64xf32, #tpu.memory_space<hbm>>
    %dma_start3A_396 = tpu.memref_squeeze %dma_start3A_395 : memref<1x64xf32, #tpu.memory_space<hbm>> -> memref<64xf32, #tpu.memory_space<hbm>>
    tpu.enqueue_dma source(%dma_start3A_396 : memref<64xf32, #tpu.memory_space<hbm>>) target(%dma_start3A_393 : memref<64xf32, #tpu.memory_space<vmem>>) target_semaphore(%arg18 : memref<!tpu.dma_semaphore, #tpu.memory_space<semaphore_mem>>)
    %dma_start3A_397 = arith.constant 8 : i32
    %dma_start3A_398 = arith.constant 0 : i32
    %dma_start3A_399 = tpu.memref_slice %arg15[%dma_start3A_397, %dma_start3A_398] : memref<16x64xf32, #tpu.memory_space<vmem>> -> memref<1x64xf32, #tpu.memory_space<vmem>>
    %dma_start3A_400 = tpu.memref_squeeze %dma_start3A_399 : memref<1x64xf32, #tpu.memory_space<vmem>> -> memref<64xf32, #tpu.memory_space<vmem>>
    %dma_start3A_401 = arith.constant 0 : i32
    %dma_start3A_402 = tpu.memref_slice %arg6[%squeeze3A_370, %dma_start3A_401] : memref<1000000x64xf32, #tpu.memory_space<hbm>> -> memref<1x64xf32, #tpu.memory_space<hbm>>
    %dma_start3A_403 = tpu.memref_squeeze %dma_start3A_402 : memref<1x64xf32, #tpu.memory_space<hbm>> -> memref<64xf32, #tpu.memory_space<hbm>>
    %dma_start3A_404 = arith.constant 0 : i32
    %dma_start3A_405 = tpu.memref_slice %arg15[%dma_start3A_397, %dma_start3A_404] : memref<16x64xf32, #tpu.memory_space<vmem>> -> memref<1x64xf32, #tpu.memory_space<vmem>>
    %dma_start3A_406 = tpu.memref_squeeze %dma_start3A_405 : memref<1x64xf32, #tpu.memory_space<vmem>> -> memref<64xf32, #tpu.memory_space<vmem>>
    %dma_start3A_407 = arith.constant 0 : i32
    %dma_start3A_408 = tpu.memref_slice %arg6[%squeeze3A_370, %dma_start3A_407] : memref<1000000x64xf32, #tpu.memory_space<hbm>> -> memref<1x64xf32, #tpu.memory_space<hbm>>
    %dma_start3A_409 = tpu.memref_squeeze %dma_start3A_408 : memref<1x64xf32, #tpu.memory_space<hbm>> -> memref<64xf32, #tpu.memory_space<hbm>>
    tpu.enqueue_dma source(%dma_start3A_409 : memref<64xf32, #tpu.memory_space<hbm>>) target(%dma_start3A_406 : memref<64xf32, #tpu.memory_space<vmem>>) target_semaphore(%arg18 : memref<!tpu.dma_semaphore, #tpu.memory_space<semaphore_mem>>)
    %slice3A_410 = vector.extract_strided_slice %get3A_3 {offsets = [9], sizes = [1], strides = [1]} : vector<16xi32> to vector<1xi32>
    %squeeze3A_411 = vector.extract %slice3A_410[0] : i32 from vector<1xi32>
    %slice3A_412 = vector.extract_strided_slice %get3A_5 {offsets = [9], sizes = [1], strides = [1]} : vector<16xi32> to vector<1xi32>
    %squeeze3A_413 = vector.extract %slice3A_412[0] : i32 from vector<1xi32>
    %slice3A_414 = vector.extract_strided_slice %get3A_7 {offsets = [9], sizes = [1], strides = [1]} : vector<16xi32> to vector<1xi32>
    %squeeze3A_415 = vector.extract %slice3A_414[0] : i32 from vector<1xi32>
    %dma_start3A_416 = arith.constant 9 : i32
    %dma_start3A_417 = arith.constant 0 : i32
    %dma_start3A_418 = tpu.memref_slice %arg11[%dma_start3A_416, %dma_start3A_417] : memref<16x64xf32, #tpu.memory_space<vmem>> -> memref<1x64xf32, #tpu.memory_space<vmem>>
    %dma_start3A_419 = tpu.memref_squeeze %dma_start3A_418 : memref<1x64xf32, #tpu.memory_space<vmem>> -> memref<64xf32, #tpu.memory_space<vmem>>
    %dma_start3A_420 = arith.constant 0 : i32
    %dma_start3A_421 = tpu.memref_slice %arg5[%squeeze3A_411, %dma_start3A_420] : memref<1000000x64xf32, #tpu.memory_space<hbm>> -> memref<1x64xf32, #tpu.memory_space<hbm>>
    %dma_start3A_422 = tpu.memref_squeeze %dma_start3A_421 : memref<1x64xf32, #tpu.memory_space<hbm>> -> memref<64xf32, #tpu.memory_space<hbm>>
    %dma_start3A_423 = arith.constant 0 : i32
    %dma_start3A_424 = tpu.memref_slice %arg11[%dma_start3A_416, %dma_start3A_423] : memref<16x64xf32, #tpu.memory_space<vmem>> -> memref<1x64xf32, #tpu.memory_space<vmem>>
    %dma_start3A_425 = tpu.memref_squeeze %dma_start3A_424 : memref<1x64xf32, #tpu.memory_space<vmem>> -> memref<64xf32, #tpu.memory_space<vmem>>
    %dma_start3A_426 = arith.constant 0 : i32
    %dma_start3A_427 = tpu.memref_slice %arg5[%squeeze3A_411, %dma_start3A_426] : memref<1000000x64xf32, #tpu.memory_space<hbm>> -> memref<1x64xf32, #tpu.memory_space<hbm>>
    %dma_start3A_428 = tpu.memref_squeeze %dma_start3A_427 : memref<1x64xf32, #tpu.memory_space<hbm>> -> memref<64xf32, #tpu.memory_space<hbm>>
    tpu.enqueue_dma source(%dma_start3A_428 : memref<64xf32, #tpu.memory_space<hbm>>) target(%dma_start3A_425 : memref<64xf32, #tpu.memory_space<vmem>>) target_semaphore(%arg18 : memref<!tpu.dma_semaphore, #tpu.memory_space<semaphore_mem>>)
    %dma_start3A_429 = arith.constant 9 : i32
    %dma_start3A_430 = arith.constant 0 : i32
    %dma_start3A_431 = tpu.memref_slice %arg13[%dma_start3A_429, %dma_start3A_430] : memref<16x64xf32, #tpu.memory_space<vmem>> -> memref<1x64xf32, #tpu.memory_space<vmem>>
    %dma_start3A_432 = tpu.memref_squeeze %dma_start3A_431 : memref<1x64xf32, #tpu.memory_space<vmem>> -> memref<64xf32, #tpu.memory_space<vmem>>
    %dma_start3A_433 = arith.constant 0 : i32
    %dma_start3A_434 = tpu.memref_slice %arg6[%squeeze3A_413, %dma_start3A_433] : memref<1000000x64xf32, #tpu.memory_space<hbm>> -> memref<1x64xf32, #tpu.memory_space<hbm>>
    %dma_start3A_435 = tpu.memref_squeeze %dma_start3A_434 : memref<1x64xf32, #tpu.memory_space<hbm>> -> memref<64xf32, #tpu.memory_space<hbm>>
    %dma_start3A_436 = arith.constant 0 : i32
    %dma_start3A_437 = tpu.memref_slice %arg13[%dma_start3A_429, %dma_start3A_436] : memref<16x64xf32, #tpu.memory_space<vmem>> -> memref<1x64xf32, #tpu.memory_space<vmem>>
    %dma_start3A_438 = tpu.memref_squeeze %dma_start3A_437 : memref<1x64xf32, #tpu.memory_space<vmem>> -> memref<64xf32, #tpu.memory_space<vmem>>
    %dma_start3A_439 = arith.constant 0 : i32
    %dma_start3A_440 = tpu.memref_slice %arg6[%squeeze3A_413, %dma_start3A_439] : memref<1000000x64xf32, #tpu.memory_space<hbm>> -> memref<1x64xf32, #tpu.memory_space<hbm>>
    %dma_start3A_441 = tpu.memref_squeeze %dma_start3A_440 : memref<1x64xf32, #tpu.memory_space<hbm>> -> memref<64xf32, #tpu.memory_space<hbm>>
    tpu.enqueue_dma source(%dma_start3A_441 : memref<64xf32, #tpu.memory_space<hbm>>) target(%dma_start3A_438 : memref<64xf32, #tpu.memory_space<vmem>>) target_semaphore(%arg18 : memref<!tpu.dma_semaphore, #tpu.memory_space<semaphore_mem>>)
    %dma_start3A_442 = arith.constant 9 : i32
    %dma_start3A_443 = arith.constant 0 : i32
    %dma_start3A_444 = tpu.memref_slice %arg15[%dma_start3A_442, %dma_start3A_443] : memref<16x64xf32, #tpu.memory_space<vmem>> -> memref<1x64xf32, #tpu.memory_space<vmem>>
    %dma_start3A_445 = tpu.memref_squeeze %dma_start3A_444 : memref<1x64xf32, #tpu.memory_space<vmem>> -> memref<64xf32, #tpu.memory_space<vmem>>
    %dma_start3A_446 = arith.constant 0 : i32
    %dma_start3A_447 = tpu.memref_slice %arg6[%squeeze3A_415, %dma_start3A_446] : memref<1000000x64xf32, #tpu.memory_space<hbm>> -> memref<1x64xf32, #tpu.memory_space<hbm>>
    %dma_start3A_448 = tpu.memref_squeeze %dma_start3A_447 : memref<1x64xf32, #tpu.memory_space<hbm>> -> memref<64xf32, #tpu.memory_space<hbm>>
    %dma_start3A_449 = arith.constant 0 : i32
    %dma_start3A_450 = tpu.memref_slice %arg15[%dma_start3A_442, %dma_start3A_449] : memref<16x64xf32, #tpu.memory_space<vmem>> -> memref<1x64xf32, #tpu.memory_space<vmem>>
    %dma_start3A_451 = tpu.memref_squeeze %dma_start3A_450 : memref<1x64xf32, #tpu.memory_space<vmem>> -> memref<64xf32, #tpu.memory_space<vmem>>
    %dma_start3A_452 = arith.constant 0 : i32
    %dma_start3A_453 = tpu.memref_slice %arg6[%squeeze3A_415, %dma_start3A_452] : memref<1000000x64xf32, #tpu.memory_space<hbm>> -> memref<1x64xf32, #tpu.memory_space<hbm>>
    %dma_start3A_454 = tpu.memref_squeeze %dma_start3A_453 : memref<1x64xf32, #tpu.memory_space<hbm>> -> memref<64xf32, #tpu.memory_space<hbm>>
    tpu.enqueue_dma source(%dma_start3A_454 : memref<64xf32, #tpu.memory_space<hbm>>) target(%dma_start3A_451 : memref<64xf32, #tpu.memory_space<vmem>>) target_semaphore(%arg18 : memref<!tpu.dma_semaphore, #tpu.memory_space<semaphore_mem>>)
    %slice3A_455 = vector.extract_strided_slice %get3A_3 {offsets = [10], sizes = [1], strides = [1]} : vector<16xi32> to vector<1xi32>
    %squeeze3A_456 = vector.extract %slice3A_455[0] : i32 from vector<1xi32>
    %slice3A_457 = vector.extract_strided_slice %get3A_5 {offsets = [10], sizes = [1], strides = [1]} : vector<16xi32> to vector<1xi32>
    %squeeze3A_458 = vector.extract %slice3A_457[0] : i32 from vector<1xi32>
    %slice3A_459 = vector.extract_strided_slice %get3A_7 {offsets = [10], sizes = [1], strides = [1]} : vector<16xi32> to vector<1xi32>
    %squeeze3A_460 = vector.extract %slice3A_459[0] : i32 from vector<1xi32>
    %dma_start3A_461 = arith.constant 10 : i32
    %dma_start3A_462 = arith.constant 0 : i32
    %dma_start3A_463 = tpu.memref_slice %arg11[%dma_start3A_461, %dma_start3A_462] : memref<16x64xf32, #tpu.memory_space<vmem>> -> memref<1x64xf32, #tpu.memory_space<vmem>>
    %dma_start3A_464 = tpu.memref_squeeze %dma_start3A_463 : memref<1x64xf32, #tpu.memory_space<vmem>> -> memref<64xf32, #tpu.memory_space<vmem>>
    %dma_start3A_465 = arith.constant 0 : i32
    %dma_start3A_466 = tpu.memref_slice %arg5[%squeeze3A_456, %dma_start3A_465] : memref<1000000x64xf32, #tpu.memory_space<hbm>> -> memref<1x64xf32, #tpu.memory_space<hbm>>
    %dma_start3A_467 = tpu.memref_squeeze %dma_start3A_466 : memref<1x64xf32, #tpu.memory_space<hbm>> -> memref<64xf32, #tpu.memory_space<hbm>>
    %dma_start3A_468 = arith.constant 0 : i32
    %dma_start3A_469 = tpu.memref_slice %arg11[%dma_start3A_461, %dma_start3A_468] : memref<16x64xf32, #tpu.memory_space<vmem>> -> memref<1x64xf32, #tpu.memory_space<vmem>>
    %dma_start3A_470 = tpu.memref_squeeze %dma_start3A_469 : memref<1x64xf32, #tpu.memory_space<vmem>> -> memref<64xf32, #tpu.memory_space<vmem>>
    %dma_start3A_471 = arith.constant 0 : i32
    %dma_start3A_472 = tpu.memref_slice %arg5[%squeeze3A_456, %dma_start3A_471] : memref<1000000x64xf32, #tpu.memory_space<hbm>> -> memref<1x64xf32, #tpu.memory_space<hbm>>
    %dma_start3A_473 = tpu.memref_squeeze %dma_start3A_472 : memref<1x64xf32, #tpu.memory_space<hbm>> -> memref<64xf32, #tpu.memory_space<hbm>>
    tpu.enqueue_dma source(%dma_start3A_473 : memref<64xf32, #tpu.memory_space<hbm>>) target(%dma_start3A_470 : memref<64xf32, #tpu.memory_space<vmem>>) target_semaphore(%arg18 : memref<!tpu.dma_semaphore, #tpu.memory_space<semaphore_mem>>)
    %dma_start3A_474 = arith.constant 10 : i32
    %dma_start3A_475 = arith.constant 0 : i32
    %dma_start3A_476 = tpu.memref_slice %arg13[%dma_start3A_474, %dma_start3A_475] : memref<16x64xf32, #tpu.memory_space<vmem>> -> memref<1x64xf32, #tpu.memory_space<vmem>>
    %dma_start3A_477 = tpu.memref_squeeze %dma_start3A_476 : memref<1x64xf32, #tpu.memory_space<vmem>> -> memref<64xf32, #tpu.memory_space<vmem>>
    %dma_start3A_478 = arith.constant 0 : i32
    %dma_start3A_479 = tpu.memref_slice %arg6[%squeeze3A_458, %dma_start3A_478] : memref<1000000x64xf32, #tpu.memory_space<hbm>> -> memref<1x64xf32, #tpu.memory_space<hbm>>
    %dma_start3A_480 = tpu.memref_squeeze %dma_start3A_479 : memref<1x64xf32, #tpu.memory_space<hbm>> -> memref<64xf32, #tpu.memory_space<hbm>>
    %dma_start3A_481 = arith.constant 0 : i32
    %dma_start3A_482 = tpu.memref_slice %arg13[%dma_start3A_474, %dma_start3A_481] : memref<16x64xf32, #tpu.memory_space<vmem>> -> memref<1x64xf32, #tpu.memory_space<vmem>>
    %dma_start3A_483 = tpu.memref_squeeze %dma_start3A_482 : memref<1x64xf32, #tpu.memory_space<vmem>> -> memref<64xf32, #tpu.memory_space<vmem>>
    %dma_start3A_484 = arith.constant 0 : i32
    %dma_start3A_485 = tpu.memref_slice %arg6[%squeeze3A_458, %dma_start3A_484] : memref<1000000x64xf32, #tpu.memory_space<hbm>> -> memref<1x64xf32, #tpu.memory_space<hbm>>
    %dma_start3A_486 = tpu.memref_squeeze %dma_start3A_485 : memref<1x64xf32, #tpu.memory_space<hbm>> -> memref<64xf32, #tpu.memory_space<hbm>>
    tpu.enqueue_dma source(%dma_start3A_486 : memref<64xf32, #tpu.memory_space<hbm>>) target(%dma_start3A_483 : memref<64xf32, #tpu.memory_space<vmem>>) target_semaphore(%arg18 : memref<!tpu.dma_semaphore, #tpu.memory_space<semaphore_mem>>)
    %dma_start3A_487 = arith.constant 10 : i32
    %dma_start3A_488 = arith.constant 0 : i32
    %dma_start3A_489 = tpu.memref_slice %arg15[%dma_start3A_487, %dma_start3A_488] : memref<16x64xf32, #tpu.memory_space<vmem>> -> memref<1x64xf32, #tpu.memory_space<vmem>>
    %dma_start3A_490 = tpu.memref_squeeze %dma_start3A_489 : memref<1x64xf32, #tpu.memory_space<vmem>> -> memref<64xf32, #tpu.memory_space<vmem>>
    %dma_start3A_491 = arith.constant 0 : i32
    %dma_start3A_492 = tpu.memref_slice %arg6[%squeeze3A_460, %dma_start3A_491] : memref<1000000x64xf32, #tpu.memory_space<hbm>> -> memref<1x64xf32, #tpu.memory_space<hbm>>
    %dma_start3A_493 = tpu.memref_squeeze %dma_start3A_492 : memref<1x64xf32, #tpu.memory_space<hbm>> -> memref<64xf32, #tpu.memory_space<hbm>>
    %dma_start3A_494 = arith.constant 0 : i32
    %dma_start3A_495 = tpu.memref_slice %arg15[%dma_start3A_487, %dma_start3A_494] : memref<16x64xf32, #tpu.memory_space<vmem>> -> memref<1x64xf32, #tpu.memory_space<vmem>>
    %dma_start3A_496 = tpu.memref_squeeze %dma_start3A_495 : memref<1x64xf32, #tpu.memory_space<vmem>> -> memref<64xf32, #tpu.memory_space<vmem>>
    %dma_start3A_497 = arith.constant 0 : i32
    %dma_start3A_498 = tpu.memref_slice %arg6[%squeeze3A_460, %dma_start3A_497] : memref<1000000x64xf32, #tpu.memory_space<hbm>> -> memref<1x64xf32, #tpu.memory_space<hbm>>
    %dma_start3A_499 = tpu.memref_squeeze %dma_start3A_498 : memref<1x64xf32, #tpu.memory_space<hbm>> -> memref<64xf32, #tpu.memory_space<hbm>>
    tpu.enqueue_dma source(%dma_start3A_499 : memref<64xf32, #tpu.memory_space<hbm>>) target(%dma_start3A_496 : memref<64xf32, #tpu.memory_space<vmem>>) target_semaphore(%arg18 : memref<!tpu.dma_semaphore, #tpu.memory_space<semaphore_mem>>)
    %slice3A_500 = vector.extract_strided_slice %get3A_3 {offsets = [11], sizes = [1], strides = [1]} : vector<16xi32> to vector<1xi32>
    %squeeze3A_501 = vector.extract %slice3A_500[0] : i32 from vector<1xi32>
    %slice3A_502 = vector.extract_strided_slice %get3A_5 {offsets = [11], sizes = [1], strides = [1]} : vector<16xi32> to vector<1xi32>
    %squeeze3A_503 = vector.extract %slice3A_502[0] : i32 from vector<1xi32>
    %slice3A_504 = vector.extract_strided_slice %get3A_7 {offsets = [11], sizes = [1], strides = [1]} : vector<16xi32> to vector<1xi32>
    %squeeze3A_505 = vector.extract %slice3A_504[0] : i32 from vector<1xi32>
    %dma_start3A_506 = arith.constant 11 : i32
    %dma_start3A_507 = arith.constant 0 : i32
    %dma_start3A_508 = tpu.memref_slice %arg11[%dma_start3A_506, %dma_start3A_507] : memref<16x64xf32, #tpu.memory_space<vmem>> -> memref<1x64xf32, #tpu.memory_space<vmem>>
    %dma_start3A_509 = tpu.memref_squeeze %dma_start3A_508 : memref<1x64xf32, #tpu.memory_space<vmem>> -> memref<64xf32, #tpu.memory_space<vmem>>
    %dma_start3A_510 = arith.constant 0 : i32
    %dma_start3A_511 = tpu.memref_slice %arg5[%squeeze3A_501, %dma_start3A_510] : memref<1000000x64xf32, #tpu.memory_space<hbm>> -> memref<1x64xf32, #tpu.memory_space<hbm>>
    %dma_start3A_512 = tpu.memref_squeeze %dma_start3A_511 : memref<1x64xf32, #tpu.memory_space<hbm>> -> memref<64xf32, #tpu.memory_space<hbm>>
    %dma_start3A_513 = arith.constant 0 : i32
    %dma_start3A_514 = tpu.memref_slice %arg11[%dma_start3A_506, %dma_start3A_513] : memref<16x64xf32, #tpu.memory_space<vmem>> -> memref<1x64xf32, #tpu.memory_space<vmem>>
    %dma_start3A_515 = tpu.memref_squeeze %dma_start3A_514 : memref<1x64xf32, #tpu.memory_space<vmem>> -> memref<64xf32, #tpu.memory_space<vmem>>
    %dma_start3A_516 = arith.constant 0 : i32
    %dma_start3A_517 = tpu.memref_slice %arg5[%squeeze3A_501, %dma_start3A_516] : memref<1000000x64xf32, #tpu.memory_space<hbm>> -> memref<1x64xf32, #tpu.memory_space<hbm>>
    %dma_start3A_518 = tpu.memref_squeeze %dma_start3A_517 : memref<1x64xf32, #tpu.memory_space<hbm>> -> memref<64xf32, #tpu.memory_space<hbm>>
    tpu.enqueue_dma source(%dma_start3A_518 : memref<64xf32, #tpu.memory_space<hbm>>) target(%dma_start3A_515 : memref<64xf32, #tpu.memory_space<vmem>>) target_semaphore(%arg18 : memref<!tpu.dma_semaphore, #tpu.memory_space<semaphore_mem>>)
    %dma_start3A_519 = arith.constant 11 : i32
    %dma_start3A_520 = arith.constant 0 : i32
    %dma_start3A_521 = tpu.memref_slice %arg13[%dma_start3A_519, %dma_start3A_520] : memref<16x64xf32, #tpu.memory_space<vmem>> -> memref<1x64xf32, #tpu.memory_space<vmem>>
    %dma_start3A_522 = tpu.memref_squeeze %dma_start3A_521 : memref<1x64xf32, #tpu.memory_space<vmem>> -> memref<64xf32, #tpu.memory_space<vmem>>
    %dma_start3A_523 = arith.constant 0 : i32
    %dma_start3A_524 = tpu.memref_slice %arg6[%squeeze3A_503, %dma_start3A_523] : memref<1000000x64xf32, #tpu.memory_space<hbm>> -> memref<1x64xf32, #tpu.memory_space<hbm>>
    %dma_start3A_525 = tpu.memref_squeeze %dma_start3A_524 : memref<1x64xf32, #tpu.memory_space<hbm>> -> memref<64xf32, #tpu.memory_space<hbm>>
    %dma_start3A_526 = arith.constant 0 : i32
    %dma_start3A_527 = tpu.memref_slice %arg13[%dma_start3A_519, %dma_start3A_526] : memref<16x64xf32, #tpu.memory_space<vmem>> -> memref<1x64xf32, #tpu.memory_space<vmem>>
    %dma_start3A_528 = tpu.memref_squeeze %dma_start3A_527 : memref<1x64xf32, #tpu.memory_space<vmem>> -> memref<64xf32, #tpu.memory_space<vmem>>
    %dma_start3A_529 = arith.constant 0 : i32
    %dma_start3A_530 = tpu.memref_slice %arg6[%squeeze3A_503, %dma_start3A_529] : memref<1000000x64xf32, #tpu.memory_space<hbm>> -> memref<1x64xf32, #tpu.memory_space<hbm>>
    %dma_start3A_531 = tpu.memref_squeeze %dma_start3A_530 : memref<1x64xf32, #tpu.memory_space<hbm>> -> memref<64xf32, #tpu.memory_space<hbm>>
    tpu.enqueue_dma source(%dma_start3A_531 : memref<64xf32, #tpu.memory_space<hbm>>) target(%dma_start3A_528 : memref<64xf32, #tpu.memory_space<vmem>>) target_semaphore(%arg18 : memref<!tpu.dma_semaphore, #tpu.memory_space<semaphore_mem>>)
    %dma_start3A_532 = arith.constant 11 : i32
    %dma_start3A_533 = arith.constant 0 : i32
    %dma_start3A_534 = tpu.memref_slice %arg15[%dma_start3A_532, %dma_start3A_533] : memref<16x64xf32, #tpu.memory_space<vmem>> -> memref<1x64xf32, #tpu.memory_space<vmem>>
    %dma_start3A_535 = tpu.memref_squeeze %dma_start3A_534 : memref<1x64xf32, #tpu.memory_space<vmem>> -> memref<64xf32, #tpu.memory_space<vmem>>
    %dma_start3A_536 = arith.constant 0 : i32
    %dma_start3A_537 = tpu.memref_slice %arg6[%squeeze3A_505, %dma_start3A_536] : memref<1000000x64xf32, #tpu.memory_space<hbm>> -> memref<1x64xf32, #tpu.memory_space<hbm>>
    %dma_start3A_538 = tpu.memref_squeeze %dma_start3A_537 : memref<1x64xf32, #tpu.memory_space<hbm>> -> memref<64xf32, #tpu.memory_space<hbm>>
    %dma_start3A_539 = arith.constant 0 : i32
    %dma_start3A_540 = tpu.memref_slice %arg15[%dma_start3A_532, %dma_start3A_539] : memref<16x64xf32, #tpu.memory_space<vmem>> -> memref<1x64xf32, #tpu.memory_space<vmem>>
    %dma_start3A_541 = tpu.memref_squeeze %dma_start3A_540 : memref<1x64xf32, #tpu.memory_space<vmem>> -> memref<64xf32, #tpu.memory_space<vmem>>
    %dma_start3A_542 = arith.constant 0 : i32
    %dma_start3A_543 = tpu.memref_slice %arg6[%squeeze3A_505, %dma_start3A_542] : memref<1000000x64xf32, #tpu.memory_space<hbm>> -> memref<1x64xf32, #tpu.memory_space<hbm>>
    %dma_start3A_544 = tpu.memref_squeeze %dma_start3A_543 : memref<1x64xf32, #tpu.memory_space<hbm>> -> memref<64xf32, #tpu.memory_space<hbm>>
    tpu.enqueue_dma source(%dma_start3A_544 : memref<64xf32, #tpu.memory_space<hbm>>) target(%dma_start3A_541 : memref<64xf32, #tpu.memory_space<vmem>>) target_semaphore(%arg18 : memref<!tpu.dma_semaphore, #tpu.memory_space<semaphore_mem>>)
    %slice3A_545 = vector.extract_strided_slice %get3A_3 {offsets = [12], sizes = [1], strides = [1]} : vector<16xi32> to vector<1xi32>
    %squeeze3A_546 = vector.extract %slice3A_545[0] : i32 from vector<1xi32>
    %slice3A_547 = vector.extract_strided_slice %get3A_5 {offsets = [12], sizes = [1], strides = [1]} : vector<16xi32> to vector<1xi32>
    %squeeze3A_548 = vector.extract %slice3A_547[0] : i32 from vector<1xi32>
    %slice3A_549 = vector.extract_strided_slice %get3A_7 {offsets = [12], sizes = [1], strides = [1]} : vector<16xi32> to vector<1xi32>
    %squeeze3A_550 = vector.extract %slice3A_549[0] : i32 from vector<1xi32>
    %dma_start3A_551 = arith.constant 12 : i32
    %dma_start3A_552 = arith.constant 0 : i32
    %dma_start3A_553 = tpu.memref_slice %arg11[%dma_start3A_551, %dma_start3A_552] : memref<16x64xf32, #tpu.memory_space<vmem>> -> memref<1x64xf32, #tpu.memory_space<vmem>>
    %dma_start3A_554 = tpu.memref_squeeze %dma_start3A_553 : memref<1x64xf32, #tpu.memory_space<vmem>> -> memref<64xf32, #tpu.memory_space<vmem>>
    %dma_start3A_555 = arith.constant 0 : i32
    %dma_start3A_556 = tpu.memref_slice %arg5[%squeeze3A_546, %dma_start3A_555] : memref<1000000x64xf32, #tpu.memory_space<hbm>> -> memref<1x64xf32, #tpu.memory_space<hbm>>
    %dma_start3A_557 = tpu.memref_squeeze %dma_start3A_556 : memref<1x64xf32, #tpu.memory_space<hbm>> -> memref<64xf32, #tpu.memory_space<hbm>>
    %dma_start3A_558 = arith.constant 0 : i32
    %dma_start3A_559 = tpu.memref_slice %arg11[%dma_start3A_551, %dma_start3A_558] : memref<16x64xf32, #tpu.memory_space<vmem>> -> memref<1x64xf32, #tpu.memory_space<vmem>>
    %dma_start3A_560 = tpu.memref_squeeze %dma_start3A_559 : memref<1x64xf32, #tpu.memory_space<vmem>> -> memref<64xf32, #tpu.memory_space<vmem>>
    %dma_start3A_561 = arith.constant 0 : i32
    %dma_start3A_562 = tpu.memref_slice %arg5[%squeeze3A_546, %dma_start3A_561] : memref<1000000x64xf32, #tpu.memory_space<hbm>> -> memref<1x64xf32, #tpu.memory_space<hbm>>
    %dma_start3A_563 = tpu.memref_squeeze %dma_start3A_562 : memref<1x64xf32, #tpu.memory_space<hbm>> -> memref<64xf32, #tpu.memory_space<hbm>>
    tpu.enqueue_dma source(%dma_start3A_563 : memref<64xf32, #tpu.memory_space<hbm>>) target(%dma_start3A_560 : memref<64xf32, #tpu.memory_space<vmem>>) target_semaphore(%arg18 : memref<!tpu.dma_semaphore, #tpu.memory_space<semaphore_mem>>)
    %dma_start3A_564 = arith.constant 12 : i32
    %dma_start3A_565 = arith.constant 0 : i32
    %dma_start3A_566 = tpu.memref_slice %arg13[%dma_start3A_564, %dma_start3A_565] : memref<16x64xf32, #tpu.memory_space<vmem>> -> memref<1x64xf32, #tpu.memory_space<vmem>>
    %dma_start3A_567 = tpu.memref_squeeze %dma_start3A_566 : memref<1x64xf32, #tpu.memory_space<vmem>> -> memref<64xf32, #tpu.memory_space<vmem>>
    %dma_start3A_568 = arith.constant 0 : i32
    %dma_start3A_569 = tpu.memref_slice %arg6[%squeeze3A_548, %dma_start3A_568] : memref<1000000x64xf32, #tpu.memory_space<hbm>> -> memref<1x64xf32, #tpu.memory_space<hbm>>
    %dma_start3A_570 = tpu.memref_squeeze %dma_start3A_569 : memref<1x64xf32, #tpu.memory_space<hbm>> -> memref<64xf32, #tpu.memory_space<hbm>>
    %dma_start3A_571 = arith.constant 0 : i32
    %dma_start3A_572 = tpu.memref_slice %arg13[%dma_start3A_564, %dma_start3A_571] : memref<16x64xf32, #tpu.memory_space<vmem>> -> memref<1x64xf32, #tpu.memory_space<vmem>>
    %dma_start3A_573 = tpu.memref_squeeze %dma_start3A_572 : memref<1x64xf32, #tpu.memory_space<vmem>> -> memref<64xf32, #tpu.memory_space<vmem>>
    %dma_start3A_574 = arith.constant 0 : i32
    %dma_start3A_575 = tpu.memref_slice %arg6[%squeeze3A_548, %dma_start3A_574] : memref<1000000x64xf32, #tpu.memory_space<hbm>> -> memref<1x64xf32, #tpu.memory_space<hbm>>
    %dma_start3A_576 = tpu.memref_squeeze %dma_start3A_575 : memref<1x64xf32, #tpu.memory_space<hbm>> -> memref<64xf32, #tpu.memory_space<hbm>>
    tpu.enqueue_dma source(%dma_start3A_576 : memref<64xf32, #tpu.memory_space<hbm>>) target(%dma_start3A_573 : memref<64xf32, #tpu.memory_space<vmem>>) target_semaphore(%arg18 : memref<!tpu.dma_semaphore, #tpu.memory_space<semaphore_mem>>)
    %dma_start3A_577 = arith.constant 12 : i32
    %dma_start3A_578 = arith.constant 0 : i32
    %dma_start3A_579 = tpu.memref_slice %arg15[%dma_start3A_577, %dma_start3A_578] : memref<16x64xf32, #tpu.memory_space<vmem>> -> memref<1x64xf32, #tpu.memory_space<vmem>>
    %dma_start3A_580 = tpu.memref_squeeze %dma_start3A_579 : memref<1x64xf32, #tpu.memory_space<vmem>> -> memref<64xf32, #tpu.memory_space<vmem>>
    %dma_start3A_581 = arith.constant 0 : i32
    %dma_start3A_582 = tpu.memref_slice %arg6[%squeeze3A_550, %dma_start3A_581] : memref<1000000x64xf32, #tpu.memory_space<hbm>> -> memref<1x64xf32, #tpu.memory_space<hbm>>
    %dma_start3A_583 = tpu.memref_squeeze %dma_start3A_582 : memref<1x64xf32, #tpu.memory_space<hbm>> -> memref<64xf32, #tpu.memory_space<hbm>>
    %dma_start3A_584 = arith.constant 0 : i32
    %dma_start3A_585 = tpu.memref_slice %arg15[%dma_start3A_577, %dma_start3A_584] : memref<16x64xf32, #tpu.memory_space<vmem>> -> memref<1x64xf32, #tpu.memory_space<vmem>>
    %dma_start3A_586 = tpu.memref_squeeze %dma_start3A_585 : memref<1x64xf32, #tpu.memory_space<vmem>> -> memref<64xf32, #tpu.memory_space<vmem>>
    %dma_start3A_587 = arith.constant 0 : i32
    %dma_start3A_588 = tpu.memref_slice %arg6[%squeeze3A_550, %dma_start3A_587] : memref<1000000x64xf32, #tpu.memory_space<hbm>> -> memref<1x64xf32, #tpu.memory_space<hbm>>
    %dma_start3A_589 = tpu.memref_squeeze %dma_start3A_588 : memref<1x64xf32, #tpu.memory_space<hbm>> -> memref<64xf32, #tpu.memory_space<hbm>>
    tpu.enqueue_dma source(%dma_start3A_589 : memref<64xf32, #tpu.memory_space<hbm>>) target(%dma_start3A_586 : memref<64xf32, #tpu.memory_space<vmem>>) target_semaphore(%arg18 : memref<!tpu.dma_semaphore, #tpu.memory_space<semaphore_mem>>)
    %slice3A_590 = vector.extract_strided_slice %get3A_3 {offsets = [13], sizes = [1], strides = [1]} : vector<16xi32> to vector<1xi32>
    %squeeze3A_591 = vector.extract %slice3A_590[0] : i32 from vector<1xi32>
    %slice3A_592 = vector.extract_strided_slice %get3A_5 {offsets = [13], sizes = [1], strides = [1]} : vector<16xi32> to vector<1xi32>
    %squeeze3A_593 = vector.extract %slice3A_592[0] : i32 from vector<1xi32>
    %slice3A_594 = vector.extract_strided_slice %get3A_7 {offsets = [13], sizes = [1], strides = [1]} : vector<16xi32> to vector<1xi32>
    %squeeze3A_595 = vector.extract %slice3A_594[0] : i32 from vector<1xi32>
    %dma_start3A_596 = arith.constant 13 : i32
    %dma_start3A_597 = arith.constant 0 : i32
    %dma_start3A_598 = tpu.memref_slice %arg11[%dma_start3A_596, %dma_start3A_597] : memref<16x64xf32, #tpu.memory_space<vmem>> -> memref<1x64xf32, #tpu.memory_space<vmem>>
    %dma_start3A_599 = tpu.memref_squeeze %dma_start3A_598 : memref<1x64xf32, #tpu.memory_space<vmem>> -> memref<64xf32, #tpu.memory_space<vmem>>
    %dma_start3A_600 = arith.constant 0 : i32
    %dma_start3A_601 = tpu.memref_slice %arg5[%squeeze3A_591, %dma_start3A_600] : memref<1000000x64xf32, #tpu.memory_space<hbm>> -> memref<1x64xf32, #tpu.memory_space<hbm>>
    %dma_start3A_602 = tpu.memref_squeeze %dma_start3A_601 : memref<1x64xf32, #tpu.memory_space<hbm>> -> memref<64xf32, #tpu.memory_space<hbm>>
    %dma_start3A_603 = arith.constant 0 : i32
    %dma_start3A_604 = tpu.memref_slice %arg11[%dma_start3A_596, %dma_start3A_603] : memref<16x64xf32, #tpu.memory_space<vmem>> -> memref<1x64xf32, #tpu.memory_space<vmem>>
    %dma_start3A_605 = tpu.memref_squeeze %dma_start3A_604 : memref<1x64xf32, #tpu.memory_space<vmem>> -> memref<64xf32, #tpu.memory_space<vmem>>
    %dma_start3A_606 = arith.constant 0 : i32
    %dma_start3A_607 = tpu.memref_slice %arg5[%squeeze3A_591, %dma_start3A_606] : memref<1000000x64xf32, #tpu.memory_space<hbm>> -> memref<1x64xf32, #tpu.memory_space<hbm>>
    %dma_start3A_608 = tpu.memref_squeeze %dma_start3A_607 : memref<1x64xf32, #tpu.memory_space<hbm>> -> memref<64xf32, #tpu.memory_space<hbm>>
    tpu.enqueue_dma source(%dma_start3A_608 : memref<64xf32, #tpu.memory_space<hbm>>) target(%dma_start3A_605 : memref<64xf32, #tpu.memory_space<vmem>>) target_semaphore(%arg18 : memref<!tpu.dma_semaphore, #tpu.memory_space<semaphore_mem>>)
    %dma_start3A_609 = arith.constant 13 : i32
    %dma_start3A_610 = arith.constant 0 : i32
    %dma_start3A_611 = tpu.memref_slice %arg13[%dma_start3A_609, %dma_start3A_610] : memref<16x64xf32, #tpu.memory_space<vmem>> -> memref<1x64xf32, #tpu.memory_space<vmem>>
    %dma_start3A_612 = tpu.memref_squeeze %dma_start3A_611 : memref<1x64xf32, #tpu.memory_space<vmem>> -> memref<64xf32, #tpu.memory_space<vmem>>
    %dma_start3A_613 = arith.constant 0 : i32
    %dma_start3A_614 = tpu.memref_slice %arg6[%squeeze3A_593, %dma_start3A_613] : memref<1000000x64xf32, #tpu.memory_space<hbm>> -> memref<1x64xf32, #tpu.memory_space<hbm>>
    %dma_start3A_615 = tpu.memref_squeeze %dma_start3A_614 : memref<1x64xf32, #tpu.memory_space<hbm>> -> memref<64xf32, #tpu.memory_space<hbm>>
    %dma_start3A_616 = arith.constant 0 : i32
    %dma_start3A_617 = tpu.memref_slice %arg13[%dma_start3A_609, %dma_start3A_616] : memref<16x64xf32, #tpu.memory_space<vmem>> -> memref<1x64xf32, #tpu.memory_space<vmem>>
    %dma_start3A_618 = tpu.memref_squeeze %dma_start3A_617 : memref<1x64xf32, #tpu.memory_space<vmem>> -> memref<64xf32, #tpu.memory_space<vmem>>
    %dma_start3A_619 = arith.constant 0 : i32
    %dma_start3A_620 = tpu.memref_slice %arg6[%squeeze3A_593, %dma_start3A_619] : memref<1000000x64xf32, #tpu.memory_space<hbm>> -> memref<1x64xf32, #tpu.memory_space<hbm>>
    %dma_start3A_621 = tpu.memref_squeeze %dma_start3A_620 : memref<1x64xf32, #tpu.memory_space<hbm>> -> memref<64xf32, #tpu.memory_space<hbm>>
    tpu.enqueue_dma source(%dma_start3A_621 : memref<64xf32, #tpu.memory_space<hbm>>) target(%dma_start3A_618 : memref<64xf32, #tpu.memory_space<vmem>>) target_semaphore(%arg18 : memref<!tpu.dma_semaphore, #tpu.memory_space<semaphore_mem>>)
    %dma_start3A_622 = arith.constant 13 : i32
    %dma_start3A_623 = arith.constant 0 : i32
    %dma_start3A_624 = tpu.memref_slice %arg15[%dma_start3A_622, %dma_start3A_623] : memref<16x64xf32, #tpu.memory_space<vmem>> -> memref<1x64xf32, #tpu.memory_space<vmem>>
    %dma_start3A_625 = tpu.memref_squeeze %dma_start3A_624 : memref<1x64xf32, #tpu.memory_space<vmem>> -> memref<64xf32, #tpu.memory_space<vmem>>
    %dma_start3A_626 = arith.constant 0 : i32
    %dma_start3A_627 = tpu.memref_slice %arg6[%squeeze3A_595, %dma_start3A_626] : memref<1000000x64xf32, #tpu.memory_space<hbm>> -> memref<1x64xf32, #tpu.memory_space<hbm>>
    %dma_start3A_628 = tpu.memref_squeeze %dma_start3A_627 : memref<1x64xf32, #tpu.memory_space<hbm>> -> memref<64xf32, #tpu.memory_space<hbm>>
    %dma_start3A_629 = arith.constant 0 : i32
    %dma_start3A_630 = tpu.memref_slice %arg15[%dma_start3A_622, %dma_start3A_629] : memref<16x64xf32, #tpu.memory_space<vmem>> -> memref<1x64xf32, #tpu.memory_space<vmem>>
    %dma_start3A_631 = tpu.memref_squeeze %dma_start3A_630 : memref<1x64xf32, #tpu.memory_space<vmem>> -> memref<64xf32, #tpu.memory_space<vmem>>
    %dma_start3A_632 = arith.constant 0 : i32
    %dma_start3A_633 = tpu.memref_slice %arg6[%squeeze3A_595, %dma_start3A_632] : memref<1000000x64xf32, #tpu.memory_space<hbm>> -> memref<1x64xf32, #tpu.memory_space<hbm>>
    %dma_start3A_634 = tpu.memref_squeeze %dma_start3A_633 : memref<1x64xf32, #tpu.memory_space<hbm>> -> memref<64xf32, #tpu.memory_space<hbm>>
    tpu.enqueue_dma source(%dma_start3A_634 : memref<64xf32, #tpu.memory_space<hbm>>) target(%dma_start3A_631 : memref<64xf32, #tpu.memory_space<vmem>>) target_semaphore(%arg18 : memref<!tpu.dma_semaphore, #tpu.memory_space<semaphore_mem>>)
    %slice3A_635 = vector.extract_strided_slice %get3A_3 {offsets = [14], sizes = [1], strides = [1]} : vector<16xi32> to vector<1xi32>
    %squeeze3A_636 = vector.extract %slice3A_635[0] : i32 from vector<1xi32>
    %slice3A_637 = vector.extract_strided_slice %get3A_5 {offsets = [14], sizes = [1], strides = [1]} : vector<16xi32> to vector<1xi32>
    %squeeze3A_638 = vector.extract %slice3A_637[0] : i32 from vector<1xi32>
    %slice3A_639 = vector.extract_strided_slice %get3A_7 {offsets = [14], sizes = [1], strides = [1]} : vector<16xi32> to vector<1xi32>
    %squeeze3A_640 = vector.extract %slice3A_639[0] : i32 from vector<1xi32>
    %dma_start3A_641 = arith.constant 14 : i32
    %dma_start3A_642 = arith.constant 0 : i32
    %dma_start3A_643 = tpu.memref_slice %arg11[%dma_start3A_641, %dma_start3A_642] : memref<16x64xf32, #tpu.memory_space<vmem>> -> memref<1x64xf32, #tpu.memory_space<vmem>>
    %dma_start3A_644 = tpu.memref_squeeze %dma_start3A_643 : memref<1x64xf32, #tpu.memory_space<vmem>> -> memref<64xf32, #tpu.memory_space<vmem>>
    %dma_start3A_645 = arith.constant 0 : i32
    %dma_start3A_646 = tpu.memref_slice %arg5[%squeeze3A_636, %dma_start3A_645] : memref<1000000x64xf32, #tpu.memory_space<hbm>> -> memref<1x64xf32, #tpu.memory_space<hbm>>
    %dma_start3A_647 = tpu.memref_squeeze %dma_start3A_646 : memref<1x64xf32, #tpu.memory_space<hbm>> -> memref<64xf32, #tpu.memory_space<hbm>>
    %dma_start3A_648 = arith.constant 0 : i32
    %dma_start3A_649 = tpu.memref_slice %arg11[%dma_start3A_641, %dma_start3A_648] : memref<16x64xf32, #tpu.memory_space<vmem>> -> memref<1x64xf32, #tpu.memory_space<vmem>>
    %dma_start3A_650 = tpu.memref_squeeze %dma_start3A_649 : memref<1x64xf32, #tpu.memory_space<vmem>> -> memref<64xf32, #tpu.memory_space<vmem>>
    %dma_start3A_651 = arith.constant 0 : i32
    %dma_start3A_652 = tpu.memref_slice %arg5[%squeeze3A_636, %dma_start3A_651] : memref<1000000x64xf32, #tpu.memory_space<hbm>> -> memref<1x64xf32, #tpu.memory_space<hbm>>
    %dma_start3A_653 = tpu.memref_squeeze %dma_start3A_652 : memref<1x64xf32, #tpu.memory_space<hbm>> -> memref<64xf32, #tpu.memory_space<hbm>>
    tpu.enqueue_dma source(%dma_start3A_653 : memref<64xf32, #tpu.memory_space<hbm>>) target(%dma_start3A_650 : memref<64xf32, #tpu.memory_space<vmem>>) target_semaphore(%arg18 : memref<!tpu.dma_semaphore, #tpu.memory_space<semaphore_mem>>)
    %dma_start3A_654 = arith.constant 14 : i32
    %dma_start3A_655 = arith.constant 0 : i32
    %dma_start3A_656 = tpu.memref_slice %arg13[%dma_start3A_654, %dma_start3A_655] : memref<16x64xf32, #tpu.memory_space<vmem>> -> memref<1x64xf32, #tpu.memory_space<vmem>>
    %dma_start3A_657 = tpu.memref_squeeze %dma_start3A_656 : memref<1x64xf32, #tpu.memory_space<vmem>> -> memref<64xf32, #tpu.memory_space<vmem>>
    %dma_start3A_658 = arith.constant 0 : i32
    %dma_start3A_659 = tpu.memref_slice %arg6[%squeeze3A_638, %dma_start3A_658] : memref<1000000x64xf32, #tpu.memory_space<hbm>> -> memref<1x64xf32, #tpu.memory_space<hbm>>
    %dma_start3A_660 = tpu.memref_squeeze %dma_start3A_659 : memref<1x64xf32, #tpu.memory_space<hbm>> -> memref<64xf32, #tpu.memory_space<hbm>>
    %dma_start3A_661 = arith.constant 0 : i32
    %dma_start3A_662 = tpu.memref_slice %arg13[%dma_start3A_654, %dma_start3A_661] : memref<16x64xf32, #tpu.memory_space<vmem>> -> memref<1x64xf32, #tpu.memory_space<vmem>>
    %dma_start3A_663 = tpu.memref_squeeze %dma_start3A_662 : memref<1x64xf32, #tpu.memory_space<vmem>> -> memref<64xf32, #tpu.memory_space<vmem>>
    %dma_start3A_664 = arith.constant 0 : i32
    %dma_start3A_665 = tpu.memref_slice %arg6[%squeeze3A_638, %dma_start3A_664] : memref<1000000x64xf32, #tpu.memory_space<hbm>> -> memref<1x64xf32, #tpu.memory_space<hbm>>
    %dma_start3A_666 = tpu.memref_squeeze %dma_start3A_665 : memref<1x64xf32, #tpu.memory_space<hbm>> -> memref<64xf32, #tpu.memory_space<hbm>>
    tpu.enqueue_dma source(%dma_start3A_666 : memref<64xf32, #tpu.memory_space<hbm>>) target(%dma_start3A_663 : memref<64xf32, #tpu.memory_space<vmem>>) target_semaphore(%arg18 : memref<!tpu.dma_semaphore, #tpu.memory_space<semaphore_mem>>)
    %dma_start3A_667 = arith.constant 14 : i32
    %dma_start3A_668 = arith.constant 0 : i32
    %dma_start3A_669 = tpu.memref_slice %arg15[%dma_start3A_667, %dma_start3A_668] : memref<16x64xf32, #tpu.memory_space<vmem>> -> memref<1x64xf32, #tpu.memory_space<vmem>>
    %dma_start3A_670 = tpu.memref_squeeze %dma_start3A_669 : memref<1x64xf32, #tpu.memory_space<vmem>> -> memref<64xf32, #tpu.memory_space<vmem>>
    %dma_start3A_671 = arith.constant 0 : i32
    %dma_start3A_672 = tpu.memref_slice %arg6[%squeeze3A_640, %dma_start3A_671] : memref<1000000x64xf32, #tpu.memory_space<hbm>> -> memref<1x64xf32, #tpu.memory_space<hbm>>
    %dma_start3A_673 = tpu.memref_squeeze %dma_start3A_672 : memref<1x64xf32, #tpu.memory_space<hbm>> -> memref<64xf32, #tpu.memory_space<hbm>>
    %dma_start3A_674 = arith.constant 0 : i32
    %dma_start3A_675 = tpu.memref_slice %arg15[%dma_start3A_667, %dma_start3A_674] : memref<16x64xf32, #tpu.memory_space<vmem>> -> memref<1x64xf32, #tpu.memory_space<vmem>>
    %dma_start3A_676 = tpu.memref_squeeze %dma_start3A_675 : memref<1x64xf32, #tpu.memory_space<vmem>> -> memref<64xf32, #tpu.memory_space<vmem>>
    %dma_start3A_677 = arith.constant 0 : i32
    %dma_start3A_678 = tpu.memref_slice %arg6[%squeeze3A_640, %dma_start3A_677] : memref<1000000x64xf32, #tpu.memory_space<hbm>> -> memref<1x64xf32, #tpu.memory_space<hbm>>
    %dma_start3A_679 = tpu.memref_squeeze %dma_start3A_678 : memref<1x64xf32, #tpu.memory_space<hbm>> -> memref<64xf32, #tpu.memory_space<hbm>>
    tpu.enqueue_dma source(%dma_start3A_679 : memref<64xf32, #tpu.memory_space<hbm>>) target(%dma_start3A_676 : memref<64xf32, #tpu.memory_space<vmem>>) target_semaphore(%arg18 : memref<!tpu.dma_semaphore, #tpu.memory_space<semaphore_mem>>)
    %slice3A_680 = vector.extract_strided_slice %get3A_3 {offsets = [15], sizes = [1], strides = [1]} : vector<16xi32> to vector<1xi32>
    %squeeze3A_681 = vector.extract %slice3A_680[0] : i32 from vector<1xi32>
    %slice3A_682 = vector.extract_strided_slice %get3A_5 {offsets = [15], sizes = [1], strides = [1]} : vector<16xi32> to vector<1xi32>
    %squeeze3A_683 = vector.extract %slice3A_682[0] : i32 from vector<1xi32>
    %slice3A_684 = vector.extract_strided_slice %get3A_7 {offsets = [15], sizes = [1], strides = [1]} : vector<16xi32> to vector<1xi32>
    %squeeze3A_685 = vector.extract %slice3A_684[0] : i32 from vector<1xi32>
    %dma_start3A_686 = arith.constant 15 : i32
    %dma_start3A_687 = arith.constant 0 : i32
    %dma_start3A_688 = tpu.memref_slice %arg11[%dma_start3A_686, %dma_start3A_687] : memref<16x64xf32, #tpu.memory_space<vmem>> -> memref<1x64xf32, #tpu.memory_space<vmem>>
    %dma_start3A_689 = tpu.memref_squeeze %dma_start3A_688 : memref<1x64xf32, #tpu.memory_space<vmem>> -> memref<64xf32, #tpu.memory_space<vmem>>
    %dma_start3A_690 = arith.constant 0 : i32
    %dma_start3A_691 = tpu.memref_slice %arg5[%squeeze3A_681, %dma_start3A_690] : memref<1000000x64xf32, #tpu.memory_space<hbm>> -> memref<1x64xf32, #tpu.memory_space<hbm>>
    %dma_start3A_692 = tpu.memref_squeeze %dma_start3A_691 : memref<1x64xf32, #tpu.memory_space<hbm>> -> memref<64xf32, #tpu.memory_space<hbm>>
    %dma_start3A_693 = arith.constant 0 : i32
    %dma_start3A_694 = tpu.memref_slice %arg11[%dma_start3A_686, %dma_start3A_693] : memref<16x64xf32, #tpu.memory_space<vmem>> -> memref<1x64xf32, #tpu.memory_space<vmem>>
    %dma_start3A_695 = tpu.memref_squeeze %dma_start3A_694 : memref<1x64xf32, #tpu.memory_space<vmem>> -> memref<64xf32, #tpu.memory_space<vmem>>
    %dma_start3A_696 = arith.constant 0 : i32
    %dma_start3A_697 = tpu.memref_slice %arg5[%squeeze3A_681, %dma_start3A_696] : memref<1000000x64xf32, #tpu.memory_space<hbm>> -> memref<1x64xf32, #tpu.memory_space<hbm>>
    %dma_start3A_698 = tpu.memref_squeeze %dma_start3A_697 : memref<1x64xf32, #tpu.memory_space<hbm>> -> memref<64xf32, #tpu.memory_space<hbm>>
    tpu.enqueue_dma source(%dma_start3A_698 : memref<64xf32, #tpu.memory_space<hbm>>) target(%dma_start3A_695 : memref<64xf32, #tpu.memory_space<vmem>>) target_semaphore(%arg18 : memref<!tpu.dma_semaphore, #tpu.memory_space<semaphore_mem>>)
    %dma_start3A_699 = arith.constant 15 : i32
    %dma_start3A_700 = arith.constant 0 : i32
    %dma_start3A_701 = tpu.memref_slice %arg13[%dma_start3A_699, %dma_start3A_700] : memref<16x64xf32, #tpu.memory_space<vmem>> -> memref<1x64xf32, #tpu.memory_space<vmem>>
    %dma_start3A_702 = tpu.memref_squeeze %dma_start3A_701 : memref<1x64xf32, #tpu.memory_space<vmem>> -> memref<64xf32, #tpu.memory_space<vmem>>
    %dma_start3A_703 = arith.constant 0 : i32
    %dma_start3A_704 = tpu.memref_slice %arg6[%squeeze3A_683, %dma_start3A_703] : memref<1000000x64xf32, #tpu.memory_space<hbm>> -> memref<1x64xf32, #tpu.memory_space<hbm>>
    %dma_start3A_705 = tpu.memref_squeeze %dma_start3A_704 : memref<1x64xf32, #tpu.memory_space<hbm>> -> memref<64xf32, #tpu.memory_space<hbm>>
    %dma_start3A_706 = arith.constant 0 : i32
    %dma_start3A_707 = tpu.memref_slice %arg13[%dma_start3A_699, %dma_start3A_706] : memref<16x64xf32, #tpu.memory_space<vmem>> -> memref<1x64xf32, #tpu.memory_space<vmem>>
    %dma_start3A_708 = tpu.memref_squeeze %dma_start3A_707 : memref<1x64xf32, #tpu.memory_space<vmem>> -> memref<64xf32, #tpu.memory_space<vmem>>
    %dma_start3A_709 = arith.constant 0 : i32
    %dma_start3A_710 = tpu.memref_slice %arg6[%squeeze3A_683, %dma_start3A_709] : memref<1000000x64xf32, #tpu.memory_space<hbm>> -> memref<1x64xf32, #tpu.memory_space<hbm>>
    %dma_start3A_711 = tpu.memref_squeeze %dma_start3A_710 : memref<1x64xf32, #tpu.memory_space<hbm>> -> memref<64xf32, #tpu.memory_space<hbm>>
    tpu.enqueue_dma source(%dma_start3A_711 : memref<64xf32, #tpu.memory_space<hbm>>) target(%dma_start3A_708 : memref<64xf32, #tpu.memory_space<vmem>>) target_semaphore(%arg18 : memref<!tpu.dma_semaphore, #tpu.memory_space<semaphore_mem>>)
    %dma_start3A_712 = arith.constant 15 : i32
    %dma_start3A_713 = arith.constant 0 : i32
    %dma_start3A_714 = tpu.memref_slice %arg15[%dma_start3A_712, %dma_start3A_713] : memref<16x64xf32, #tpu.memory_space<vmem>> -> memref<1x64xf32, #tpu.memory_space<vmem>>
    %dma_start3A_715 = tpu.memref_squeeze %dma_start3A_714 : memref<1x64xf32, #tpu.memory_space<vmem>> -> memref<64xf32, #tpu.memory_space<vmem>>
    %dma_start3A_716 = arith.constant 0 : i32
    %dma_start3A_717 = tpu.memref_slice %arg6[%squeeze3A_685, %dma_start3A_716] : memref<1000000x64xf32, #tpu.memory_space<hbm>> -> memref<1x64xf32, #tpu.memory_space<hbm>>
    %dma_start3A_718 = tpu.memref_squeeze %dma_start3A_717 : memref<1x64xf32, #tpu.memory_space<hbm>> -> memref<64xf32, #tpu.memory_space<hbm>>
    %dma_start3A_719 = arith.constant 0 : i32
    %dma_start3A_720 = tpu.memref_slice %arg15[%dma_start3A_712, %dma_start3A_719] : memref<16x64xf32, #tpu.memory_space<vmem>> -> memref<1x64xf32, #tpu.memory_space<vmem>>
    %dma_start3A_721 = tpu.memref_squeeze %dma_start3A_720 : memref<1x64xf32, #tpu.memory_space<vmem>> -> memref<64xf32, #tpu.memory_space<vmem>>
    %dma_start3A_722 = arith.constant 0 : i32
    %dma_start3A_723 = tpu.memref_slice %arg6[%squeeze3A_685, %dma_start3A_722] : memref<1000000x64xf32, #tpu.memory_space<hbm>> -> memref<1x64xf32, #tpu.memory_space<hbm>>
    %dma_start3A_724 = tpu.memref_squeeze %dma_start3A_723 : memref<1x64xf32, #tpu.memory_space<hbm>> -> memref<64xf32, #tpu.memory_space<hbm>>
    tpu.enqueue_dma source(%dma_start3A_724 : memref<64xf32, #tpu.memory_space<hbm>>) target(%dma_start3A_721 : memref<64xf32, #tpu.memory_space<vmem>>) target_semaphore(%arg18 : memref<!tpu.dma_semaphore, #tpu.memory_space<semaphore_mem>>)
    %get3A_725 = arith.constant 16 : index
    %get3A_726 = tpu.vector_load %arg8[%get3A_725] {strides = array<i32>} : memref<512xi32, #tpu.memory_space<vmem>>, vector<16xi32>,
    %get3A_727 = arith.constant 16 : index
    %get3A_728 = tpu.vector_load %arg9[%get3A_727] {strides = array<i32>} : memref<512xi32, #tpu.memory_space<vmem>>, vector<16xi32>,
    %get3A_729 = arith.constant 16 : index
    %get3A_730 = tpu.vector_load %arg10[%get3A_729] {strides = array<i32>} : memref<512xi32, #tpu.memory_space<vmem>>, vector<16xi32>,
    %slice3A_731 = vector.extract_strided_slice %get3A_726 {offsets = [0], sizes = [1], strides = [1]} : vector<16xi32> to vector<1xi32>
    %squeeze3A_732 = vector.extract %slice3A_731[0] : i32 from vector<1xi32>
    %slice3A_733 = vector.extract_strided_slice %get3A_728 {offsets = [0], sizes = [1], strides = [1]} : vector<16xi32> to vector<1xi32>
    %squeeze3A_734 = vector.extract %slice3A_733[0] : i32 from vector<1xi32>
    %slice3A_735 = vector.extract_strided_slice %get3A_730 {offsets = [0], sizes = [1], strides = [1]} : vector<16xi32> to vector<1xi32>
    %squeeze3A_736 = vector.extract %slice3A_735[0] : i32 from vector<1xi32>
    %dma_start3A_737 = arith.constant 0 : i32
    %dma_start3A_738 = arith.constant 0 : i32
    %dma_start3A_739 = tpu.memref_slice %arg12[%dma_start3A_737, %dma_start3A_738] : memref<16x64xf32, #tpu.memory_space<vmem>> -> memref<1x64xf32, #tpu.memory_space<vmem>>
    %dma_start3A_740 = tpu.memref_squeeze %dma_start3A_739 : memref<1x64xf32, #tpu.memory_space<vmem>> -> memref<64xf32, #tpu.memory_space<vmem>>
    %dma_start3A_741 = arith.constant 0 : i32
    %dma_start3A_742 = tpu.memref_slice %arg5[%squeeze3A_732, %dma_start3A_741] : memref<1000000x64xf32, #tpu.memory_space<hbm>> -> memref<1x64xf32, #tpu.memory_space<hbm>>
    %dma_start3A_743 = tpu.memref_squeeze %dma_start3A_742 : memref<1x64xf32, #tpu.memory_space<hbm>> -> memref<64xf32, #tpu.memory_space<hbm>>
    %dma_start3A_744 = arith.constant 0 : i32
    %dma_start3A_745 = tpu.memref_slice %arg12[%dma_start3A_737, %dma_start3A_744] : memref<16x64xf32, #tpu.memory_space<vmem>> -> memref<1x64xf32, #tpu.memory_space<vmem>>
    %dma_start3A_746 = tpu.memref_squeeze %dma_start3A_745 : memref<1x64xf32, #tpu.memory_space<vmem>> -> memref<64xf32, #tpu.memory_space<vmem>>
    %dma_start3A_747 = arith.constant 0 : i32
    %dma_start3A_748 = tpu.memref_slice %arg5[%squeeze3A_732, %dma_start3A_747] : memref<1000000x64xf32, #tpu.memory_space<hbm>> -> memref<1x64xf32, #tpu.memory_space<hbm>>
    %dma_start3A_749 = tpu.memref_squeeze %dma_start3A_748 : memref<1x64xf32, #tpu.memory_space<hbm>> -> memref<64xf32, #tpu.memory_space<hbm>>
    tpu.enqueue_dma source(%dma_start3A_749 : memref<64xf32, #tpu.memory_space<hbm>>) target(%dma_start3A_746 : memref<64xf32, #tpu.memory_space<vmem>>) target_semaphore(%arg19 : memref<!tpu.dma_semaphore, #tpu.memory_space<semaphore_mem>>)
    %dma_start3A_750 = arith.constant 0 : i32
    %dma_start3A_751 = arith.constant 0 : i32
    %dma_start3A_752 = tpu.memref_slice %arg14[%dma_start3A_750, %dma_start3A_751] : memref<16x64xf32, #tpu.memory_space<vmem>> -> memref<1x64xf32, #tpu.memory_space<vmem>>
    %dma_start3A_753 = tpu.memref_squeeze %dma_start3A_752 : memref<1x64xf32, #tpu.memory_space<vmem>> -> memref<64xf32, #tpu.memory_space<vmem>>
    %dma_start3A_754 = arith.constant 0 : i32
    %dma_start3A_755 = tpu.memref_slice %arg6[%squeeze3A_734, %dma_start3A_754] : memref<1000000x64xf32, #tpu.memory_space<hbm>> -> memref<1x64xf32, #tpu.memory_space<hbm>>
    %dma_start3A_756 = tpu.memref_squeeze %dma_start3A_755 : memref<1x64xf32, #tpu.memory_space<hbm>> -> memref<64xf32, #tpu.memory_space<hbm>>
    %dma_start3A_757 = arith.constant 0 : i32
    %dma_start3A_758 = tpu.memref_slice %arg14[%dma_start3A_750, %dma_start3A_757] : memref<16x64xf32, #tpu.memory_space<vmem>> -> memref<1x64xf32, #tpu.memory_space<vmem>>
    %dma_start3A_759 = tpu.memref_squeeze %dma_start3A_758 : memref<1x64xf32, #tpu.memory_space<vmem>> -> memref<64xf32, #tpu.memory_space<vmem>>
    %dma_start3A_760 = arith.constant 0 : i32
    %dma_start3A_761 = tpu.memref_slice %arg6[%squeeze3A_734, %dma_start3A_760] : memref<1000000x64xf32, #tpu.memory_space<hbm>> -> memref<1x64xf32, #tpu.memory_space<hbm>>
    %dma_start3A_762 = tpu.memref_squeeze %dma_start3A_761 : memref<1x64xf32, #tpu.memory_space<hbm>> -> memref<64xf32, #tpu.memory_space<hbm>>
    tpu.enqueue_dma source(%dma_start3A_762 : memref<64xf32, #tpu.memory_space<hbm>>) target(%dma_start3A_759 : memref<64xf32, #tpu.memory_space<vmem>>) target_semaphore(%arg19 : memref<!tpu.dma_semaphore, #tpu.memory_space<semaphore_mem>>)
    %dma_start3A_763 = arith.constant 0 : i32
    %dma_start3A_764 = arith.constant 0 : i32
    %dma_start3A_765 = tpu.memref_slice %arg16[%dma_start3A_763, %dma_start3A_764] : memref<16x64xf32, #tpu.memory_space<vmem>> -> memref<1x64xf32, #tpu.memory_space<vmem>>
    %dma_start3A_766 = tpu.memref_squeeze %dma_start3A_765 : memref<1x64xf32, #tpu.memory_space<vmem>> -> memref<64xf32, #tpu.memory_space<vmem>>
    %dma_start3A_767 = arith.constant 0 : i32
    %dma_start3A_768 = tpu.memref_slice %arg6[%squeeze3A_736, %dma_start3A_767] : memref<1000000x64xf32, #tpu.memory_space<hbm>> -> memref<1x64xf32, #tpu.memory_space<hbm>>
    %dma_start3A_769 = tpu.memref_squeeze %dma_start3A_768 : memref<1x64xf32, #tpu.memory_space<hbm>> -> memref<64xf32, #tpu.memory_space<hbm>>
    %dma_start3A_770 = arith.constant 0 : i32
    %dma_start3A_771 = tpu.memref_slice %arg16[%dma_start3A_763, %dma_start3A_770] : memref<16x64xf32, #tpu.memory_space<vmem>> -> memref<1x64xf32, #tpu.memory_space<vmem>>
    %dma_start3A_772 = tpu.memref_squeeze %dma_start3A_771 : memref<1x64xf32, #tpu.memory_space<vmem>> -> memref<64xf32, #tpu.memory_space<vmem>>
    %dma_start3A_773 = arith.constant 0 : i32
    %dma_start3A_774 = tpu.memref_slice %arg6[%squeeze3A_736, %dma_start3A_773] : memref<1000000x64xf32, #tpu.memory_space<hbm>> -> memref<1x64xf32, #tpu.memory_space<hbm>>
    %dma_start3A_775 = tpu.memref_squeeze %dma_start3A_774 : memref<1x64xf32, #tpu.memory_space<hbm>> -> memref<64xf32, #tpu.memory_space<hbm>>
    tpu.enqueue_dma source(%dma_start3A_775 : memref<64xf32, #tpu.memory_space<hbm>>) target(%dma_start3A_772 : memref<64xf32, #tpu.memory_space<vmem>>) target_semaphore(%arg19 : memref<!tpu.dma_semaphore, #tpu.memory_space<semaphore_mem>>)
    %slice3A_776 = vector.extract_strided_slice %get3A_726 {offsets = [1], sizes = [1], strides = [1]} : vector<16xi32> to vector<1xi32>
    %squeeze3A_777 = vector.extract %slice3A_776[0] : i32 from vector<1xi32>
    %slice3A_778 = vector.extract_strided_slice %get3A_728 {offsets = [1], sizes = [1], strides = [1]} : vector<16xi32> to vector<1xi32>
    %squeeze3A_779 = vector.extract %slice3A_778[0] : i32 from vector<1xi32>
    %slice3A_780 = vector.extract_strided_slice %get3A_730 {offsets = [1], sizes = [1], strides = [1]} : vector<16xi32> to vector<1xi32>
    %squeeze3A_781 = vector.extract %slice3A_780[0] : i32 from vector<1xi32>
    %dma_start3A_782 = arith.constant 1 : i32
    %dma_start3A_783 = arith.constant 0 : i32
    %dma_start3A_784 = tpu.memref_slice %arg12[%dma_start3A_782, %dma_start3A_783] : memref<16x64xf32, #tpu.memory_space<vmem>> -> memref<1x64xf32, #tpu.memory_space<vmem>>
    %dma_start3A_785 = tpu.memref_squeeze %dma_start3A_784 : memref<1x64xf32, #tpu.memory_space<vmem>> -> memref<64xf32, #tpu.memory_space<vmem>>
    %dma_start3A_786 = arith.constant 0 : i32
    %dma_start3A_787 = tpu.memref_slice %arg5[%squeeze3A_777, %dma_start3A_786] : memref<1000000x64xf32, #tpu.memory_space<hbm>> -> memref<1x64xf32, #tpu.memory_space<hbm>>
    %dma_start3A_788 = tpu.memref_squeeze %dma_start3A_787 : memref<1x64xf32, #tpu.memory_space<hbm>> -> memref<64xf32, #tpu.memory_space<hbm>>
    %dma_start3A_789 = arith.constant 0 : i32
    %dma_start3A_790 = tpu.memref_slice %arg12[%dma_start3A_782, %dma_start3A_789] : memref<16x64xf32, #tpu.memory_space<vmem>> -> memref<1x64xf32, #tpu.memory_space<vmem>>
    %dma_start3A_791 = tpu.memref_squeeze %dma_start3A_790 : memref<1x64xf32, #tpu.memory_space<vmem>> -> memref<64xf32, #tpu.memory_space<vmem>>
    %dma_start3A_792 = arith.constant 0 : i32
    %dma_start3A_793 = tpu.memref_slice %arg5[%squeeze3A_777, %dma_start3A_792] : memref<1000000x64xf32, #tpu.memory_space<hbm>> -> memref<1x64xf32, #tpu.memory_space<hbm>>
    %dma_start3A_794 = tpu.memref_squeeze %dma_start3A_793 : memref<1x64xf32, #tpu.memory_space<hbm>> -> memref<64xf32, #tpu.memory_space<hbm>>
    tpu.enqueue_dma source(%dma_start3A_794 : memref<64xf32, #tpu.memory_space<hbm>>) target(%dma_start3A_791 : memref<64xf32, #tpu.memory_space<vmem>>) target_semaphore(%arg19 : memref<!tpu.dma_semaphore, #tpu.memory_space<semaphore_mem>>)
    %dma_start3A_795 = arith.constant 1 : i32
    %dma_start3A_796 = arith.constant 0 : i32
    %dma_start3A_797 = tpu.memref_slice %arg14[%dma_start3A_795, %dma_start3A_796] : memref<16x64xf32, #tpu.memory_space<vmem>> -> memref<1x64xf32, #tpu.memory_space<vmem>>
    %dma_start3A_798 = tpu.memref_squeeze %dma_start3A_797 : memref<1x64xf32, #tpu.memory_space<vmem>> -> memref<64xf32, #tpu.memory_space<vmem>>
    %dma_start3A_799 = arith.constant 0 : i32
    %dma_start3A_800 = tpu.memref_slice %arg6[%squeeze3A_779, %dma_start3A_799] : memref<1000000x64xf32, #tpu.memory_space<hbm>> -> memref<1x64xf32, #tpu.memory_space<hbm>>
    %dma_start3A_801 = tpu.memref_squeeze %dma_start3A_800 : memref<1x64xf32, #tpu.memory_space<hbm>> -> memref<64xf32, #tpu.memory_space<hbm>>
    %dma_start3A_802 = arith.constant 0 : i32
    %dma_start3A_803 = tpu.memref_slice %arg14[%dma_start3A_795, %dma_start3A_802] : memref<16x64xf32, #tpu.memory_space<vmem>> -> memref<1x64xf32, #tpu.memory_space<vmem>>
    %dma_start3A_804 = tpu.memref_squeeze %dma_start3A_803 : memref<1x64xf32, #tpu.memory_space<vmem>> -> memref<64xf32, #tpu.memory_space<vmem>>
    %dma_start3A_805 = arith.constant 0 : i32
    %dma_start3A_806 = tpu.memref_slice %arg6[%squeeze3A_779, %dma_start3A_805] : memref<1000000x64xf32, #tpu.memory_space<hbm>> -> memref<1x64xf32, #tpu.memory_space<hbm>>
    %dma_start3A_807 = tpu.memref_squeeze %dma_start3A_806 : memref<1x64xf32, #tpu.memory_space<hbm>> -> memref<64xf32, #tpu.memory_space<hbm>>
    tpu.enqueue_dma source(%dma_start3A_807 : memref<64xf32, #tpu.memory_space<hbm>>) target(%dma_start3A_804 : memref<64xf32, #tpu.memory_space<vmem>>) target_semaphore(%arg19 : memref<!tpu.dma_semaphore, #tpu.memory_space<semaphore_mem>>)
    %dma_start3A_808 = arith.constant 1 : i32
    %dma_start3A_809 = arith.constant 0 : i32
    %dma_start3A_810 = tpu.memref_slice %arg16[%dma_start3A_808, %dma_start3A_809] : memref<16x64xf32, #tpu.memory_space<vmem>> -> memref<1x64xf32, #tpu.memory_space<vmem>>
    %dma_start3A_811 = tpu.memref_squeeze %dma_start3A_810 : memref<1x64xf32, #tpu.memory_space<vmem>> -> memref<64xf32, #tpu.memory_space<vmem>>
    %dma_start3A_812 = arith.constant 0 : i32
    %dma_start3A_813 = tpu.memref_slice %arg6[%squeeze3A_781, %dma_start3A_812] : memref<1000000x64xf32, #tpu.memory_space<hbm>> -> memref<1x64xf32, #tpu.memory_space<hbm>>
    %dma_start3A_814 = tpu.memref_squeeze %dma_start3A_813 : memref<1x64xf32, #tpu.memory_space<hbm>> -> memref<64xf32, #tpu.memory_space<hbm>>
    %dma_start3A_815 = arith.constant 0 : i32
    %dma_start3A_816 = tpu.memref_slice %arg16[%dma_start3A_808, %dma_start3A_815] : memref<16x64xf32, #tpu.memory_space<vmem>> -> memref<1x64xf32, #tpu.memory_space<vmem>>
    %dma_start3A_817 = tpu.memref_squeeze %dma_start3A_816 : memref<1x64xf32, #tpu.memory_space<vmem>> -> memref<64xf32, #tpu.memory_space<vmem>>
    %dma_start3A_818 = arith.constant 0 : i32
    %dma_start3A_819 = tpu.memref_slice %arg6[%squeeze3A_781, %dma_start3A_818] : memref<1000000x64xf32, #tpu.memory_space<hbm>> -> memref<1x64xf32, #tpu.memory_space<hbm>>
    %dma_start3A_820 = tpu.memref_squeeze %dma_start3A_819 : memref<1x64xf32, #tpu.memory_space<hbm>> -> memref<64xf32, #tpu.memory_space<hbm>>
    tpu.enqueue_dma source(%dma_start3A_820 : memref<64xf32, #tpu.memory_space<hbm>>) target(%dma_start3A_817 : memref<64xf32, #tpu.memory_space<vmem>>) target_semaphore(%arg19 : memref<!tpu.dma_semaphore, #tpu.memory_space<semaphore_mem>>)
    %slice3A_821 = vector.extract_strided_slice %get3A_726 {offsets = [2], sizes = [1], strides = [1]} : vector<16xi32> to vector<1xi32>
    %squeeze3A_822 = vector.extract %slice3A_821[0] : i32 from vector<1xi32>
    %slice3A_823 = vector.extract_strided_slice %get3A_728 {offsets = [2], sizes = [1], strides = [1]} : vector<16xi32> to vector<1xi32>
    %squeeze3A_824 = vector.extract %slice3A_823[0] : i32 from vector<1xi32>
    %slice3A_825 = vector.extract_strided_slice %get3A_730 {offsets = [2], sizes = [1], strides = [1]} : vector<16xi32> to vector<1xi32>
    %squeeze3A_826 = vector.extract %slice3A_825[0] : i32 from vector<1xi32>
    %dma_start3A_827 = arith.constant 2 : i32
    %dma_start3A_828 = arith.constant 0 : i32
    %dma_start3A_829 = tpu.memref_slice %arg12[%dma_start3A_827, %dma_start3A_828] : memref<16x64xf32, #tpu.memory_space<vmem>> -> memref<1x64xf32, #tpu.memory_space<vmem>>
    %dma_start3A_830 = tpu.memref_squeeze %dma_start3A_829 : memref<1x64xf32, #tpu.memory_space<vmem>> -> memref<64xf32, #tpu.memory_space<vmem>>
    %dma_start3A_831 = arith.constant 0 : i32
    %dma_start3A_832 = tpu.memref_slice %arg5[%squeeze3A_822, %dma_start3A_831] : memref<1000000x64xf32, #tpu.memory_space<hbm>> -> memref<1x64xf32, #tpu.memory_space<hbm>>
    %dma_start3A_833 = tpu.memref_squeeze %dma_start3A_832 : memref<1x64xf32, #tpu.memory_space<hbm>> -> memref<64xf32, #tpu.memory_space<hbm>>
    %dma_start3A_834 = arith.constant 0 : i32
    %dma_start3A_835 = tpu.memref_slice %arg12[%dma_start3A_827, %dma_start3A_834] : memref<16x64xf32, #tpu.memory_space<vmem>> -> memref<1x64xf32, #tpu.memory_space<vmem>>
    %dma_start3A_836 = tpu.memref_squeeze %dma_start3A_835 : memref<1x64xf32, #tpu.memory_space<vmem>> -> memref<64xf32, #tpu.memory_space<vmem>>
    %dma_start3A_837 = arith.constant 0 : i32
    %dma_start3A_838 = tpu.memref_slice %arg5[%squeeze3A_822, %dma_start3A_837] : memref<1000000x64xf32, #tpu.memory_space<hbm>> -> memref<1x64xf32, #tpu.memory_space<hbm>>
    %dma_start3A_839 = tpu.memref_squeeze %dma_start3A_838 : memref<1x64xf32, #tpu.memory_space<hbm>> -> memref<64xf32, #tpu.memory_space<hbm>>
    tpu.enqueue_dma source(%dma_start3A_839 : memref<64xf32, #tpu.memory_space<hbm>>) target(%dma_start3A_836 : memref<64xf32, #tpu.memory_space<vmem>>) target_semaphore(%arg19 : memref<!tpu.dma_semaphore, #tpu.memory_space<semaphore_mem>>)
    %dma_start3A_840 = arith.constant 2 : i32
    %dma_start3A_841 = arith.constant 0 : i32
    %dma_start3A_842 = tpu.memref_slice %arg14[%dma_start3A_840, %dma_start3A_841] : memref<16x64xf32, #tpu.memory_space<vmem>> -> memref<1x64xf32, #tpu.memory_space<vmem>>
    %dma_start3A_843 = tpu.memref_squeeze %dma_start3A_842 : memref<1x64xf32, #tpu.memory_space<vmem>> -> memref<64xf32, #tpu.memory_space<vmem>>
    %dma_start3A_844 = arith.constant 0 : i32
    %dma_start3A_845 = tpu.memref_slice %arg6[%squeeze3A_824, %dma_start3A_844] : memref<1000000x64xf32, #tpu.memory_space<hbm>> -> memref<1x64xf32, #tpu.memory_space<hbm>>
    %dma_start3A_846 = tpu.memref_squeeze %dma_start3A_845 : memref<1x64xf32, #tpu.memory_space<hbm>> -> memref<64xf32, #tpu.memory_space<hbm>>
    %dma_start3A_847 = arith.constant 0 : i32
    %dma_start3A_848 = tpu.memref_slice %arg14[%dma_start3A_840, %dma_start3A_847] : memref<16x64xf32, #tpu.memory_space<vmem>> -> memref<1x64xf32, #tpu.memory_space<vmem>>
    %dma_start3A_849 = tpu.memref_squeeze %dma_start3A_848 : memref<1x64xf32, #tpu.memory_space<vmem>> -> memref<64xf32, #tpu.memory_space<vmem>>
    %dma_start3A_850 = arith.constant 0 : i32
    %dma_start3A_851 = tpu.memref_slice %arg6[%squeeze3A_824, %dma_start3A_850] : memref<1000000x64xf32, #tpu.memory_space<hbm>> -> memref<1x64xf32, #tpu.memory_space<hbm>>
    %dma_start3A_852 = tpu.memref_squeeze %dma_start3A_851 : memref<1x64xf32, #tpu.memory_space<hbm>> -> memref<64xf32, #tpu.memory_space<hbm>>
    tpu.enqueue_dma source(%dma_start3A_852 : memref<64xf32, #tpu.memory_space<hbm>>) target(%dma_start3A_849 : memref<64xf32, #tpu.memory_space<vmem>>) target_semaphore(%arg19 : memref<!tpu.dma_semaphore, #tpu.memory_space<semaphore_mem>>)
    %dma_start3A_853 = arith.constant 2 : i32
    %dma_start3A_854 = arith.constant 0 : i32
    %dma_start3A_855 = tpu.memref_slice %arg16[%dma_start3A_853, %dma_start3A_854] : memref<16x64xf32, #tpu.memory_space<vmem>> -> memref<1x64xf32, #tpu.memory_space<vmem>>
    %dma_start3A_856 = tpu.memref_squeeze %dma_start3A_855 : memref<1x64xf32, #tpu.memory_space<vmem>> -> memref<64xf32, #tpu.memory_space<vmem>>
    %dma_start3A_857 = arith.constant 0 : i32
    %dma_start3A_858 = tpu.memref_slice %arg6[%squeeze3A_826, %dma_start3A_857] : memref<1000000x64xf32, #tpu.memory_space<hbm>> -> memref<1x64xf32, #tpu.memory_space<hbm>>
    %dma_start3A_859 = tpu.memref_squeeze %dma_start3A_858 : memref<1x64xf32, #tpu.memory_space<hbm>> -> memref<64xf32, #tpu.memory_space<hbm>>
    %dma_start3A_860 = arith.constant 0 : i32
    %dma_start3A_861 = tpu.memref_slice %arg16[%dma_start3A_853, %dma_start3A_860] : memref<16x64xf32, #tpu.memory_space<vmem>> -> memref<1x64xf32, #tpu.memory_space<vmem>>
    %dma_start3A_862 = tpu.memref_squeeze %dma_start3A_861 : memref<1x64xf32, #tpu.memory_space<vmem>> -> memref<64xf32, #tpu.memory_space<vmem>>
    %dma_start3A_863 = arith.constant 0 : i32
    %dma_start3A_864 = tpu.memref_slice %arg6[%squeeze3A_826, %dma_start3A_863] : memref<1000000x64xf32, #tpu.memory_space<hbm>> -> memref<1x64xf32, #tpu.memory_space<hbm>>
    %dma_start3A_865 = tpu.memref_squeeze %dma_start3A_864 : memref<1x64xf32, #tpu.memory_space<hbm>> -> memref<64xf32, #tpu.memory_space<hbm>>
    tpu.enqueue_dma source(%dma_start3A_865 : memref<64xf32, #tpu.memory_space<hbm>>) target(%dma_start3A_862 : memref<64xf32, #tpu.memory_space<vmem>>) target_semaphore(%arg19 : memref<!tpu.dma_semaphore, #tpu.memory_space<semaphore_mem>>)
    %slice3A_866 = vector.extract_strided_slice %get3A_726 {offsets = [3], sizes = [1], strides = [1]} : vector<16xi32> to vector<1xi32>
    %squeeze3A_867 = vector.extract %slice3A_866[0] : i32 from vector<1xi32>
    %slice3A_868 = vector.extract_strided_slice %get3A_728 {offsets = [3], sizes = [1], strides = [1]} : vector<16xi32> to vector<1xi32>
    %squeeze3A_869 = vector.extract %slice3A_868[0] : i32 from vector<1xi32>
    %slice3A_870 = vector.extract_strided_slice %get3A_730 {offsets = [3], sizes = [1], strides = [1]} : vector<16xi32> to vector<1xi32>
    %squeeze3A_871 = vector.extract %slice3A_870[0] : i32 from vector<1xi32>
    %dma_start3A_872 = arith.constant 3 : i32
    %dma_start3A_873 = arith.constant 0 : i32
    %dma_start3A_874 = tpu.memref_slice %arg12[%dma_start3A_872, %dma_start3A_873] : memref<16x64xf32, #tpu.memory_space<vmem>> -> memref<1x64xf32, #tpu.memory_space<vmem>>
    %dma_start3A_875 = tpu.memref_squeeze %dma_start3A_874 : memref<1x64xf32, #tpu.memory_space<vmem>> -> memref<64xf32, #tpu.memory_space<vmem>>
    %dma_start3A_876 = arith.constant 0 : i32
    %dma_start3A_877 = tpu.memref_slice %arg5[%squeeze3A_867, %dma_start3A_876] : memref<1000000x64xf32, #tpu.memory_space<hbm>> -> memref<1x64xf32, #tpu.memory_space<hbm>>
    %dma_start3A_878 = tpu.memref_squeeze %dma_start3A_877 : memref<1x64xf32, #tpu.memory_space<hbm>> -> memref<64xf32, #tpu.memory_space<hbm>>
    %dma_start3A_879 = arith.constant 0 : i32
    %dma_start3A_880 = tpu.memref_slice %arg12[%dma_start3A_872, %dma_start3A_879] : memref<16x64xf32, #tpu.memory_space<vmem>> -> memref<1x64xf32, #tpu.memory_space<vmem>>
    %dma_start3A_881 = tpu.memref_squeeze %dma_start3A_880 : memref<1x64xf32, #tpu.memory_space<vmem>> -> memref<64xf32, #tpu.memory_space<vmem>>
    %dma_start3A_882 = arith.constant 0 : i32
    %dma_start3A_883 = tpu.memref_slice %arg5[%squeeze3A_867, %dma_start3A_882] : memref<1000000x64xf32, #tpu.memory_space<hbm>> -> memref<1x64xf32, #tpu.memory_space<hbm>>
    %dma_start3A_884 = tpu.memref_squeeze %dma_start3A_883 : memref<1x64xf32, #tpu.memory_space<hbm>> -> memref<64xf32, #tpu.memory_space<hbm>>
    tpu.enqueue_dma source(%dma_start3A_884 : memref<64xf32, #tpu.memory_space<hbm>>) target(%dma_start3A_881 : memref<64xf32, #tpu.memory_space<vmem>>) target_semaphore(%arg19 : memref<!tpu.dma_semaphore, #tpu.memory_space<semaphore_mem>>)
    %dma_start3A_885 = arith.constant 3 : i32
    %dma_start3A_886 = arith.constant 0 : i32
    %dma_start3A_887 = tpu.memref_slice %arg14[%dma_start3A_885, %dma_start3A_886] : memref<16x64xf32, #tpu.memory_space<vmem>> -> memref<1x64xf32, #tpu.memory_space<vmem>>
    %dma_start3A_888 = tpu.memref_squeeze %dma_start3A_887 : memref<1x64xf32, #tpu.memory_space<vmem>> -> memref<64xf32, #tpu.memory_space<vmem>>
    %dma_start3A_889 = arith.constant 0 : i32
    %dma_start3A_890 = tpu.memref_slice %arg6[%squeeze3A_869, %dma_start3A_889] : memref<1000000x64xf32, #tpu.memory_space<hbm>> -> memref<1x64xf32, #tpu.memory_space<hbm>>
    %dma_start3A_891 = tpu.memref_squeeze %dma_start3A_890 : memref<1x64xf32, #tpu.memory_space<hbm>> -> memref<64xf32, #tpu.memory_space<hbm>>
    %dma_start3A_892 = arith.constant 0 : i32
    %dma_start3A_893 = tpu.memref_slice %arg14[%dma_start3A_885, %dma_start3A_892] : memref<16x64xf32, #tpu.memory_space<vmem>> -> memref<1x64xf32, #tpu.memory_space<vmem>>
    %dma_start3A_894 = tpu.memref_squeeze %dma_start3A_893 : memref<1x64xf32, #tpu.memory_space<vmem>> -> memref<64xf32, #tpu.memory_space<vmem>>
    %dma_start3A_895 = arith.constant 0 : i32
    %dma_start3A_896 = tpu.memref_slice %arg6[%squeeze3A_869, %dma_start3A_895] : memref<1000000x64xf32, #tpu.memory_space<hbm>> -> memref<1x64xf32, #tpu.memory_space<hbm>>
    %dma_start3A_897 = tpu.memref_squeeze %dma_start3A_896 : memref<1x64xf32, #tpu.memory_space<hbm>> -> memref<64xf32, #tpu.memory_space<hbm>>
    tpu.enqueue_dma source(%dma_start3A_897 : memref<64xf32, #tpu.memory_space<hbm>>) target(%dma_start3A_894 : memref<64xf32, #tpu.memory_space<vmem>>) target_semaphore(%arg19 : memref<!tpu.dma_semaphore, #tpu.memory_space<semaphore_mem>>)
    %dma_start3A_898 = arith.constant 3 : i32
    %dma_start3A_899 = arith.constant 0 : i32
    %dma_start3A_900 = tpu.memref_slice %arg16[%dma_start3A_898, %dma_start3A_899] : memref<16x64xf32, #tpu.memory_space<vmem>> -> memref<1x64xf32, #tpu.memory_space<vmem>>
    %dma_start3A_901 = tpu.memref_squeeze %dma_start3A_900 : memref<1x64xf32, #tpu.memory_space<vmem>> -> memref<64xf32, #tpu.memory_space<vmem>>
    %dma_start3A_902 = arith.constant 0 : i32
    %dma_start3A_903 = tpu.memref_slice %arg6[%squeeze3A_871, %dma_start3A_902] : memref<1000000x64xf32, #tpu.memory_space<hbm>> -> memref<1x64xf32, #tpu.memory_space<hbm>>
    %dma_start3A_904 = tpu.memref_squeeze %dma_start3A_903 : memref<1x64xf32, #tpu.memory_space<hbm>> -> memref<64xf32, #tpu.memory_space<hbm>>
    %dma_start3A_905 = arith.constant 0 : i32
    %dma_start3A_906 = tpu.memref_slice %arg16[%dma_start3A_898, %dma_start3A_905] : memref<16x64xf32, #tpu.memory_space<vmem>> -> memref<1x64xf32, #tpu.memory_space<vmem>>
    %dma_start3A_907 = tpu.memref_squeeze %dma_start3A_906 : memref<1x64xf32, #tpu.memory_space<vmem>> -> memref<64xf32, #tpu.memory_space<vmem>>
    %dma_start3A_908 = arith.constant 0 : i32
    %dma_start3A_909 = tpu.memref_slice %arg6[%squeeze3A_871, %dma_start3A_908] : memref<1000000x64xf32, #tpu.memory_space<hbm>> -> memref<1x64xf32, #tpu.memory_space<hbm>>
    %dma_start3A_910 = tpu.memref_squeeze %dma_start3A_909 : memref<1x64xf32, #tpu.memory_space<hbm>> -> memref<64xf32, #tpu.memory_space<hbm>>
    tpu.enqueue_dma source(%dma_start3A_910 : memref<64xf32, #tpu.memory_space<hbm>>) target(%dma_start3A_907 : memref<64xf32, #tpu.memory_space<vmem>>) target_semaphore(%arg19 : memref<!tpu.dma_semaphore, #tpu.memory_space<semaphore_mem>>)
    %slice3A_911 = vector.extract_strided_slice %get3A_726 {offsets = [4], sizes = [1], strides = [1]} : vector<16xi32> to vector<1xi32>
    %squeeze3A_912 = vector.extract %slice3A_911[0] : i32 from vector<1xi32>
    %slice3A_913 = vector.extract_strided_slice %get3A_728 {offsets = [4], sizes = [1], strides = [1]} : vector<16xi32> to vector<1xi32>
    %squeeze3A_914 = vector.extract %slice3A_913[0] : i32 from vector<1xi32>
    %slice3A_915 = vector.extract_strided_slice %get3A_730 {offsets = [4], sizes = [1], strides = [1]} : vector<16xi32> to vector<1xi32>
    %squeeze3A_916 = vector.extract %slice3A_915[0] : i32 from vector<1xi32>
    %dma_start3A_917 = arith.constant 4 : i32
    %dma_start3A_918 = arith.constant 0 : i32
    %dma_start3A_919 = tpu.memref_slice %arg12[%dma_start3A_917, %dma_start3A_918] : memref<16x64xf32, #tpu.memory_space<vmem>> -> memref<1x64xf32, #tpu.memory_space<vmem>>
    %dma_start3A_920 = tpu.memref_squeeze %dma_start3A_919 : memref<1x64xf32, #tpu.memory_space<vmem>> -> memref<64xf32, #tpu.memory_space<vmem>>
    %dma_start3A_921 = arith.constant 0 : i32
    %dma_start3A_922 = tpu.memref_slice %arg5[%squeeze3A_912, %dma_start3A_921] : memref<1000000x64xf32, #tpu.memory_space<hbm>> -> memref<1x64xf32, #tpu.memory_space<hbm>>
    %dma_start3A_923 = tpu.memref_squeeze %dma_start3A_922 : memref<1x64xf32, #tpu.memory_space<hbm>> -> memref<64xf32, #tpu.memory_space<hbm>>
    %dma_start3A_924 = arith.constant 0 : i32
    %dma_start3A_925 = tpu.memref_slice %arg12[%dma_start3A_917, %dma_start3A_924] : memref<16x64xf32, #tpu.memory_space<vmem>> -> memref<1x64xf32, #tpu.memory_space<vmem>>
    %dma_start3A_926 = tpu.memref_squeeze %dma_start3A_925 : memref<1x64xf32, #tpu.memory_space<vmem>> -> memref<64xf32, #tpu.memory_space<vmem>>
    %dma_start3A_927 = arith.constant 0 : i32
    %dma_start3A_928 = tpu.memref_slice %arg5[%squeeze3A_912, %dma_start3A_927] : memref<1000000x64xf32, #tpu.memory_space<hbm>> -> memref<1x64xf32, #tpu.memory_space<hbm>>
    %dma_start3A_929 = tpu.memref_squeeze %dma_start3A_928 : memref<1x64xf32, #tpu.memory_space<hbm>> -> memref<64xf32, #tpu.memory_space<hbm>>
    tpu.enqueue_dma source(%dma_start3A_929 : memref<64xf32, #tpu.memory_space<hbm>>) target(%dma_start3A_926 : memref<64xf32, #tpu.memory_space<vmem>>) target_semaphore(%arg19 : memref<!tpu.dma_semaphore, #tpu.memory_space<semaphore_mem>>)
    %dma_start3A_930 = arith.constant 4 : i32
    %dma_start3A_931 = arith.constant 0 : i32
    %dma_start3A_932 = tpu.memref_slice %arg14[%dma_start3A_930, %dma_start3A_931] : memref<16x64xf32, #tpu.memory_space<vmem>> -> memref<1x64xf32, #tpu.memory_space<vmem>>
    %dma_start3A_933 = tpu.memref_squeeze %dma_start3A_932 : memref<1x64xf32, #tpu.memory_space<vmem>> -> memref<64xf32, #tpu.memory_space<vmem>>
    %dma_start3A_934 = arith.constant 0 : i32
    %dma_start3A_935 = tpu.memref_slice %arg6[%squeeze3A_914, %dma_start3A_934] : memref<1000000x64xf32, #tpu.memory_space<hbm>> -> memref<1x64xf32, #tpu.memory_space<hbm>>
    %dma_start3A_936 = tpu.memref_squeeze %dma_start3A_935 : memref<1x64xf32, #tpu.memory_space<hbm>> -> memref<64xf32, #tpu.memory_space<hbm>>
    %dma_start3A_937 = arith.constant 0 : i32
    %dma_start3A_938 = tpu.memref_slice %arg14[%dma_start3A_930, %dma_start3A_937] : memref<16x64xf32, #tpu.memory_space<vmem>> -> memref<1x64xf32, #tpu.memory_space<vmem>>
    %dma_start3A_939 = tpu.memref_squeeze %dma_start3A_938 : memref<1x64xf32, #tpu.memory_space<vmem>> -> memref<64xf32, #tpu.memory_space<vmem>>
    %dma_start3A_940 = arith.constant 0 : i32
    %dma_start3A_941 = tpu.memref_slice %arg6[%squeeze3A_914, %dma_start3A_940] : memref<1000000x64xf32, #tpu.memory_space<hbm>> -> memref<1x64xf32, #tpu.memory_space<hbm>>
    %dma_start3A_942 = tpu.memref_squeeze %dma_start3A_941 : memref<1x64xf32, #tpu.memory_space<hbm>> -> memref<64xf32, #tpu.memory_space<hbm>>
    tpu.enqueue_dma source(%dma_start3A_942 : memref<64xf32, #tpu.memory_space<hbm>>) target(%dma_start3A_939 : memref<64xf32, #tpu.memory_space<vmem>>) target_semaphore(%arg19 : memref<!tpu.dma_semaphore, #tpu.memory_space<semaphore_mem>>)
    %dma_start3A_943 = arith.constant 4 : i32
    %dma_start3A_944 = arith.constant 0 : i32
    %dma_start3A_945 = tpu.memref_slice %arg16[%dma_start3A_943, %dma_start3A_944] : memref<16x64xf32, #tpu.memory_space<vmem>> -> memref<1x64xf32, #tpu.memory_space<vmem>>
    %dma_start3A_946 = tpu.memref_squeeze %dma_start3A_945 : memref<1x64xf32, #tpu.memory_space<vmem>> -> memref<64xf32, #tpu.memory_space<vmem>>
    %dma_start3A_947 = arith.constant 0 : i32
    %dma_start3A_948 = tpu.memref_slice %arg6[%squeeze3A_916, %dma_start3A_947] : memref<1000000x64xf32, #tpu.memory_space<hbm>> -> memref<1x64xf32, #tpu.memory_space<hbm>>
    %dma_start3A_949 = tpu.memref_squeeze %dma_start3A_948 : memref<1x64xf32, #tpu.memory_space<hbm>> -> memref<64xf32, #tpu.memory_space<hbm>>
    %dma_start3A_950 = arith.constant 0 : i32
    %dma_start3A_951 = tpu.memref_slice %arg16[%dma_start3A_943, %dma_start3A_950] : memref<16x64xf32, #tpu.memory_space<vmem>> -> memref<1x64xf32, #tpu.memory_space<vmem>>
    %dma_start3A_952 = tpu.memref_squeeze %dma_start3A_951 : memref<1x64xf32, #tpu.memory_space<vmem>> -> memref<64xf32, #tpu.memory_space<vmem>>
    %dma_start3A_953 = arith.constant 0 : i32
    %dma_start3A_954 = tpu.memref_slice %arg6[%squeeze3A_916, %dma_start3A_953] : memref<1000000x64xf32, #tpu.memory_space<hbm>> -> memref<1x64xf32, #tpu.memory_space<hbm>>
    %dma_start3A_955 = tpu.memref_squeeze %dma_start3A_954 : memref<1x64xf32, #tpu.memory_space<hbm>> -> memref<64xf32, #tpu.memory_space<hbm>>
    tpu.enqueue_dma source(%dma_start3A_955 : memref<64xf32, #tpu.memory_space<hbm>>) target(%dma_start3A_952 : memref<64xf32, #tpu.memory_space<vmem>>) target_semaphore(%arg19 : memref<!tpu.dma_semaphore, #tpu.memory_space<semaphore_mem>>)
    %slice3A_956 = vector.extract_strided_slice %get3A_726 {offsets = [5], sizes = [1], strides = [1]} : vector<16xi32> to vector<1xi32>
    %squeeze3A_957 = vector.extract %slice3A_956[0] : i32 from vector<1xi32>
    %slice3A_958 = vector.extract_strided_slice %get3A_728 {offsets = [5], sizes = [1], strides = [1]} : vector<16xi32> to vector<1xi32>
    %squeeze3A_959 = vector.extract %slice3A_958[0] : i32 from vector<1xi32>
    %slice3A_960 = vector.extract_strided_slice %get3A_730 {offsets = [5], sizes = [1], strides = [1]} : vector<16xi32> to vector<1xi32>
    %squeeze3A_961 = vector.extract %slice3A_960[0] : i32 from vector<1xi32>
    %dma_start3A_962 = arith.constant 5 : i32
    %dma_start3A_963 = arith.constant 0 : i32
    %dma_start3A_964 = tpu.memref_slice %arg12[%dma_start3A_962, %dma_start3A_963] : memref<16x64xf32, #tpu.memory_space<vmem>> -> memref<1x64xf32, #tpu.memory_space<vmem>>
    %dma_start3A_965 = tpu.memref_squeeze %dma_start3A_964 : memref<1x64xf32, #tpu.memory_space<vmem>> -> memref<64xf32, #tpu.memory_space<vmem>>
    %dma_start3A_966 = arith.constant 0 : i32
    %dma_start3A_967 = tpu.memref_slice %arg5[%squeeze3A_957, %dma_start3A_966] : memref<1000000x64xf32, #tpu.memory_space<hbm>> -> memref<1x64xf32, #tpu.memory_space<hbm>>
    %dma_start3A_968 = tpu.memref_squeeze %dma_start3A_967 : memref<1x64xf32, #tpu.memory_space<hbm>> -> memref<64xf32, #tpu.memory_space<hbm>>
    %dma_start3A_969 = arith.constant 0 : i32
    %dma_start3A_970 = tpu.memref_slice %arg12[%dma_start3A_962, %dma_start3A_969] : memref<16x64xf32, #tpu.memory_space<vmem>> -> memref<1x64xf32, #tpu.memory_space<vmem>>
    %dma_start3A_971 = tpu.memref_squeeze %dma_start3A_970 : memref<1x64xf32, #tpu.memory_space<vmem>> -> memref<64xf32, #tpu.memory_space<vmem>>
    %dma_start3A_972 = arith.constant 0 : i32
    %dma_start3A_973 = tpu.memref_slice %arg5[%squeeze3A_957, %dma_start3A_972] : memref<1000000x64xf32, #tpu.memory_space<hbm>> -> memref<1x64xf32, #tpu.memory_space<hbm>>
    %dma_start3A_974 = tpu.memref_squeeze %dma_start3A_973 : memref<1x64xf32, #tpu.memory_space<hbm>> -> memref<64xf32, #tpu.memory_space<hbm>>
    tpu.enqueue_dma source(%dma_start3A_974 : memref<64xf32, #tpu.memory_space<hbm>>) target(%dma_start3A_971 : memref<64xf32, #tpu.memory_space<vmem>>) target_semaphore(%arg19 : memref<!tpu.dma_semaphore, #tpu.memory_space<semaphore_mem>>)
    %dma_start3A_975 = arith.constant 5 : i32
    %dma_start3A_976 = arith.constant 0 : i32
    %dma_start3A_977 = tpu.memref_slice %arg14[%dma_start3A_975, %dma_start3A_976] : memref<16x64xf32, #tpu.memory_space<vmem>> -> memref<1x64xf32, #tpu.memory_space<vmem>>
    %dma_start3A_978 = tpu.memref_squeeze %dma_start3A_977 : memref<1x64xf32, #tpu.memory_space<vmem>> -> memref<64xf32, #tpu.memory_space<vmem>>
    %dma_start3A_979 = arith.constant 0 : i32
    %dma_start3A_980 = tpu.memref_slice %arg6[%squeeze3A_959, %dma_start3A_979] : memref<1000000x64xf32, #tpu.memory_space<hbm>> -> memref<1x64xf32, #tpu.memory_space<hbm>>
    %dma_start3A_981 = tpu.memref_squeeze %dma_start3A_980 : memref<1x64xf32, #tpu.memory_space<hbm>> -> memref<64xf32, #tpu.memory_space<hbm>>
    %dma_start3A_982 = arith.constant 0 : i32
    %dma_start3A_983 = tpu.memref_slice %arg14[%dma_start3A_975, %dma_start3A_982] : memref<16x64xf32, #tpu.memory_space<vmem>> -> memref<1x64xf32, #tpu.memory_space<vmem>>
    %dma_start3A_984 = tpu.memref_squeeze %dma_start3A_983 : memref<1x64xf32, #tpu.memory_space<vmem>> -> memref<64xf32, #tpu.memory_space<vmem>>
    %dma_start3A_985 = arith.constant 0 : i32
    %dma_start3A_986 = tpu.memref_slice %arg6[%squeeze3A_959, %dma_start3A_985] : memref<1000000x64xf32, #tpu.memory_space<hbm>> -> memref<1x64xf32, #tpu.memory_space<hbm>>
    %dma_start3A_987 = tpu.memref_squeeze %dma_start3A_986 : memref<1x64xf32, #tpu.memory_space<hbm>> -> memref<64xf32, #tpu.memory_space<hbm>>
    tpu.enqueue_dma source(%dma_start3A_987 : memref<64xf32, #tpu.memory_space<hbm>>) target(%dma_start3A_984 : memref<64xf32, #tpu.memory_space<vmem>>) target_semaphore(%arg19 : memref<!tpu.dma_semaphore, #tpu.memory_space<semaphore_mem>>)
    %dma_start3A_988 = arith.constant 5 : i32
    %dma_start3A_989 = arith.constant 0 : i32
    %dma_start3A_990 = tpu.memref_slice %arg16[%dma_start3A_988, %dma_start3A_989] : memref<16x64xf32, #tpu.memory_space<vmem>> -> memref<1x64xf32, #tpu.memory_space<vmem>>
    %dma_start3A_991 = tpu.memref_squeeze %dma_start3A_990 : memref<1x64xf32, #tpu.memory_space<vmem>> -> memref<64xf32, #tpu.memory_space<vmem>>
    %dma_start3A_992 = arith.constant 0 : i32
    %dma_start3A_993 = tpu.memref_slice %arg6[%squeeze3A_961, %dma_start3A_992] : memref<1000000x64xf32, #tpu.memory_space<hbm>> -> memref<1x64xf32, #tpu.memory_space<hbm>>
    %dma_start3A_994 = tpu.memref_squeeze %dma_start3A_993 : memref<1x64xf32, #tpu.memory_space<hbm>> -> memref<64xf32, #tpu.memory_space<hbm>>
    %dma_start3A_995 = arith.constant 0 : i32
    %dma_start3A_996 = tpu.memref_slice %arg16[%dma_start3A_988, %dma_start3A_995] : memref<16x64xf32, #tpu.memory_space<vmem>> -> memref<1x64xf32, #tpu.memory_space<vmem>>
    %dma_start3A_997 = tpu.memref_squeeze %dma_start3A_996 : memref<1x64xf32, #tpu.memory_space<vmem>> -> memref<64xf32, #tpu.memory_space<vmem>>
    %dma_start3A_998 = arith.constant 0 : i32
    %dma_start3A_999 = tpu.memref_slice %arg6[%squeeze3A_961, %dma_start3A_998] : memref<1000000x64xf32, #tpu.memory_space<hbm>> -> memref<1x64xf32, #tpu.memory_space<hbm>>
    %dma_start3A_1000 = tpu.memref_squeeze %dma_start3A_999 : memref<1x64xf32, #tpu.memory_space<hbm>> -> memref<64xf32, #tpu.memory_space<hbm>>
    tpu.enqueue_dma source(%dma_start3A_1000 : memref<64xf32, #tpu.memory_space<hbm>>) target(%dma_start3A_997 : memref<64xf32, #tpu.memory_space<vmem>>) target_semaphore(%arg19 : memref<!tpu.dma_semaphore, #tpu.memory_space<semaphore_mem>>)
    %slice3A_1001 = vector.extract_strided_slice %get3A_726 {offsets = [6], sizes = [1], strides = [1]} : vector<16xi32> to vector<1xi32>
    %squeeze3A_1002 = vector.extract %slice3A_1001[0] : i32 from vector<1xi32>
    %slice3A_1003 = vector.extract_strided_slice %get3A_728 {offsets = [6], sizes = [1], strides = [1]} : vector<16xi32> to vector<1xi32>
    %squeeze3A_1004 = vector.extract %slice3A_1003[0] : i32 from vector<1xi32>
    %slice3A_1005 = vector.extract_strided_slice %get3A_730 {offsets = [6], sizes = [1], strides = [1]} : vector<16xi32> to vector<1xi32>
    %squeeze3A_1006 = vector.extract %slice3A_1005[0] : i32 from vector<1xi32>
    %dma_start3A_1007 = arith.constant 6 : i32
    %dma_start3A_1008 = arith.constant 0 : i32
    %dma_start3A_1009 = tpu.memref_slice %arg12[%dma_start3A_1007, %dma_start3A_1008] : memref<16x64xf32, #tpu.memory_space<vmem>> -> memref<1x64xf32, #tpu.memory_space<vmem>>
    %dma_start3A_1010 = tpu.memref_squeeze %dma_start3A_1009 : memref<1x64xf32, #tpu.memory_space<vmem>> -> memref<64xf32, #tpu.memory_space<vmem>>
    %dma_start3A_1011 = arith.constant 0 : i32
    %dma_start3A_1012 = tpu.memref_slice %arg5[%squeeze3A_1002, %dma_start3A_1011] : memref<1000000x64xf32, #tpu.memory_space<hbm>> -> memref<1x64xf32, #tpu.memory_space<hbm>>
    %dma_start3A_1013 = tpu.memref_squeeze %dma_start3A_1012 : memref<1x64xf32, #tpu.memory_space<hbm>> -> memref<64xf32, #tpu.memory_space<hbm>>
    %dma_start3A_1014 = arith.constant 0 : i32
    %dma_start3A_1015 = tpu.memref_slice %arg12[%dma_start3A_1007, %dma_start3A_1014] : memref<16x64xf32, #tpu.memory_space<vmem>> -> memref<1x64xf32, #tpu.memory_space<vmem>>
    %dma_start3A_1016 = tpu.memref_squeeze %dma_start3A_1015 : memref<1x64xf32, #tpu.memory_space<vmem>> -> memref<64xf32, #tpu.memory_space<vmem>>
    %dma_start3A_1017 = arith.constant 0 : i32
    %dma_start3A_1018 = tpu.memref_slice %arg5[%squeeze3A_1002, %dma_start3A_1017] : memref<1000000x64xf32, #tpu.memory_space<hbm>> -> memref<1x64xf32, #tpu.memory_space<hbm>>
    %dma_start3A_1019 = tpu.memref_squeeze %dma_start3A_1018 : memref<1x64xf32, #tpu.memory_space<hbm>> -> memref<64xf32, #tpu.memory_space<hbm>>
    tpu.enqueue_dma source(%dma_start3A_1019 : memref<64xf32, #tpu.memory_space<hbm>>) target(%dma_start3A_1016 : memref<64xf32, #tpu.memory_space<vmem>>) target_semaphore(%arg19 : memref<!tpu.dma_semaphore, #tpu.memory_space<semaphore_mem>>)
    %dma_start3A_1020 = arith.constant 6 : i32
    %dma_start3A_1021 = arith.constant 0 : i32
    %dma_start3A_1022 = tpu.memref_slice %arg14[%dma_start3A_1020, %dma_start3A_1021] : memref<16x64xf32, #tpu.memory_space<vmem>> -> memref<1x64xf32, #tpu.memory_space<vmem>>
    %dma_start3A_1023 = tpu.memref_squeeze %dma_start3A_1022 : memref<1x64xf32, #tpu.memory_space<vmem>> -> memref<64xf32, #tpu.memory_space<vmem>>
    %dma_start3A_1024 = arith.constant 0 : i32
    %dma_start3A_1025 = tpu.memref_slice %arg6[%squeeze3A_1004, %dma_start3A_1024] : memref<1000000x64xf32, #tpu.memory_space<hbm>> -> memref<1x64xf32, #tpu.memory_space<hbm>>
    %dma_start3A_1026 = tpu.memref_squeeze %dma_start3A_1025 : memref<1x64xf32, #tpu.memory_space<hbm>> -> memref<64xf32, #tpu.memory_space<hbm>>
    %dma_start3A_1027 = arith.constant 0 : i32
    %dma_start3A_1028 = tpu.memref_slice %arg14[%dma_start3A_1020, %dma_start3A_1027] : memref<16x64xf32, #tpu.memory_space<vmem>> -> memref<1x64xf32, #tpu.memory_space<vmem>>
    %dma_start3A_1029 = tpu.memref_squeeze %dma_start3A_1028 : memref<1x64xf32, #tpu.memory_space<vmem>> -> memref<64xf32, #tpu.memory_space<vmem>>
    %dma_start3A_1030 = arith.constant 0 : i32
    %dma_start3A_1031 = tpu.memref_slice %arg6[%squeeze3A_1004, %dma_start3A_1030] : memref<1000000x64xf32, #tpu.memory_space<hbm>> -> memref<1x64xf32, #tpu.memory_space<hbm>>
    %dma_start3A_1032 = tpu.memref_squeeze %dma_start3A_1031 : memref<1x64xf32, #tpu.memory_space<hbm>> -> memref<64xf32, #tpu.memory_space<hbm>>
    tpu.enqueue_dma source(%dma_start3A_1032 : memref<64xf32, #tpu.memory_space<hbm>>) target(%dma_start3A_1029 : memref<64xf32, #tpu.memory_space<vmem>>) target_semaphore(%arg19 : memref<!tpu.dma_semaphore, #tpu.memory_space<semaphore_mem>>)
    %dma_start3A_1033 = arith.constant 6 : i32
    %dma_start3A_1034 = arith.constant 0 : i32
    %dma_start3A_1035 = tpu.memref_slice %arg16[%dma_start3A_1033, %dma_start3A_1034] : memref<16x64xf32, #tpu.memory_space<vmem>> -> memref<1x64xf32, #tpu.memory_space<vmem>>
    %dma_start3A_1036 = tpu.memref_squeeze %dma_start3A_1035 : memref<1x64xf32, #tpu.memory_space<vmem>> -> memref<64xf32, #tpu.memory_space<vmem>>
    %dma_start3A_1037 = arith.constant 0 : i32
    %dma_start3A_1038 = tpu.memref_slice %arg6[%squeeze3A_1006, %dma_start3A_1037] : memref<1000000x64xf32, #tpu.memory_space<hbm>> -> memref<1x64xf32, #tpu.memory_space<hbm>>
    %dma_start3A_1039 = tpu.memref_squeeze %dma_start3A_1038 : memref<1x64xf32, #tpu.memory_space<hbm>> -> memref<64xf32, #tpu.memory_space<hbm>>
    %dma_start3A_1040 = arith.constant 0 : i32
    %dma_start3A_1041 = tpu.memref_slice %arg16[%dma_start3A_1033, %dma_start3A_1040] : memref<16x64xf32, #tpu.memory_space<vmem>> -> memref<1x64xf32, #tpu.memory_space<vmem>>
    %dma_start3A_1042 = tpu.memref_squeeze %dma_start3A_1041 : memref<1x64xf32, #tpu.memory_space<vmem>> -> memref<64xf32, #tpu.memory_space<vmem>>
    %dma_start3A_1043 = arith.constant 0 : i32
    %dma_start3A_1044 = tpu.memref_slice %arg6[%squeeze3A_1006, %dma_start3A_1043] : memref<1000000x64xf32, #tpu.memory_space<hbm>> -> memref<1x64xf32, #tpu.memory_space<hbm>>
    %dma_start3A_1045 = tpu.memref_squeeze %dma_start3A_1044 : memref<1x64xf32, #tpu.memory_space<hbm>> -> memref<64xf32, #tpu.memory_space<hbm>>
    tpu.enqueue_dma source(%dma_start3A_1045 : memref<64xf32, #tpu.memory_space<hbm>>) target(%dma_start3A_1042 : memref<64xf32, #tpu.memory_space<vmem>>) target_semaphore(%arg19 : memref<!tpu.dma_semaphore, #tpu.memory_space<semaphore_mem>>)
    %slice3A_1046 = vector.extract_strided_slice %get3A_726 {offsets = [7], sizes = [1], strides = [1]} : vector<16xi32> to vector<1xi32>
    %squeeze3A_1047 = vector.extract %slice3A_1046[0] : i32 from vector<1xi32>
    %slice3A_1048 = vector.extract_strided_slice %get3A_728 {offsets = [7], sizes = [1], strides = [1]} : vector<16xi32> to vector<1xi32>
    %squeeze3A_1049 = vector.extract %slice3A_1048[0] : i32 from vector<1xi32>
    %slice3A_1050 = vector.extract_strided_slice %get3A_730 {offsets = [7], sizes = [1], strides = [1]} : vector<16xi32> to vector<1xi32>
    %squeeze3A_1051 = vector.extract %slice3A_1050[0] : i32 from vector<1xi32>
    %dma_start3A_1052 = arith.constant 7 : i32
    %dma_start3A_1053 = arith.constant 0 : i32
    %dma_start3A_1054 = tpu.memref_slice %arg12[%dma_start3A_1052, %dma_start3A_1053] : memref<16x64xf32, #tpu.memory_space<vmem>> -> memref<1x64xf32, #tpu.memory_space<vmem>>
    %dma_start3A_1055 = tpu.memref_squeeze %dma_start3A_1054 : memref<1x64xf32, #tpu.memory_space<vmem>> -> memref<64xf32, #tpu.memory_space<vmem>>
    %dma_start3A_1056 = arith.constant 0 : i32
    %dma_start3A_1057 = tpu.memref_slice %arg5[%squeeze3A_1047, %dma_start3A_1056] : memref<1000000x64xf32, #tpu.memory_space<hbm>> -> memref<1x64xf32, #tpu.memory_space<hbm>>
    %dma_start3A_1058 = tpu.memref_squeeze %dma_start3A_1057 : memref<1x64xf32, #tpu.memory_space<hbm>> -> memref<64xf32, #tpu.memory_space<hbm>>
    %dma_start3A_1059 = arith.constant 0 : i32
    %dma_start3A_1060 = tpu.memref_slice %arg12[%dma_start3A_1052, %dma_start3A_1059] : memref<16x64xf32, #tpu.memory_space<vmem>> -> memref<1x64xf32, #tpu.memory_space<vmem>>
    %dma_start3A_1061 = tpu.memref_squeeze %dma_start3A_1060 : memref<1x64xf32, #tpu.memory_space<vmem>> -> memref<64xf32, #tpu.memory_space<vmem>>
    %dma_start3A_1062 = arith.constant 0 : i32
    %dma_start3A_1063 = tpu.memref_slice %arg5[%squeeze3A_1047, %dma_start3A_1062] : memref<1000000x64xf32, #tpu.memory_space<hbm>> -> memref<1x64xf32, #tpu.memory_space<hbm>>
    %dma_start3A_1064 = tpu.memref_squeeze %dma_start3A_1063 : memref<1x64xf32, #tpu.memory_space<hbm>> -> memref<64xf32, #tpu.memory_space<hbm>>
    tpu.enqueue_dma source(%dma_start3A_1064 : memref<64xf32, #tpu.memory_space<hbm>>) target(%dma_start3A_1061 : memref<64xf32, #tpu.memory_space<vmem>>) target_semaphore(%arg19 : memref<!tpu.dma_semaphore, #tpu.memory_space<semaphore_mem>>)
    %dma_start3A_1065 = arith.constant 7 : i32
    %dma_start3A_1066 = arith.constant 0 : i32
    %dma_start3A_1067 = tpu.memref_slice %arg14[%dma_start3A_1065, %dma_start3A_1066] : memref<16x64xf32, #tpu.memory_space<vmem>> -> memref<1x64xf32, #tpu.memory_space<vmem>>
    %dma_start3A_1068 = tpu.memref_squeeze %dma_start3A_1067 : memref<1x64xf32, #tpu.memory_space<vmem>> -> memref<64xf32, #tpu.memory_space<vmem>>
    %dma_start3A_1069 = arith.constant 0 : i32
    %dma_start3A_1070 = tpu.memref_slice %arg6[%squeeze3A_1049, %dma_start3A_1069] : memref<1000000x64xf32, #tpu.memory_space<hbm>> -> memref<1x64xf32, #tpu.memory_space<hbm>>
    %dma_start3A_1071 = tpu.memref_squeeze %dma_start3A_1070 : memref<1x64xf32, #tpu.memory_space<hbm>> -> memref<64xf32, #tpu.memory_space<hbm>>
    %dma_start3A_1072 = arith.constant 0 : i32
    %dma_start3A_1073 = tpu.memref_slice %arg14[%dma_start3A_1065, %dma_start3A_1072] : memref<16x64xf32, #tpu.memory_space<vmem>> -> memref<1x64xf32, #tpu.memory_space<vmem>>
    %dma_start3A_1074 = tpu.memref_squeeze %dma_start3A_1073 : memref<1x64xf32, #tpu.memory_space<vmem>> -> memref<64xf32, #tpu.memory_space<vmem>>
    %dma_start3A_1075 = arith.constant 0 : i32
    %dma_start3A_1076 = tpu.memref_slice %arg6[%squeeze3A_1049, %dma_start3A_1075] : memref<1000000x64xf32, #tpu.memory_space<hbm>> -> memref<1x64xf32, #tpu.memory_space<hbm>>
    %dma_start3A_1077 = tpu.memref_squeeze %dma_start3A_1076 : memref<1x64xf32, #tpu.memory_space<hbm>> -> memref<64xf32, #tpu.memory_space<hbm>>
    tpu.enqueue_dma source(%dma_start3A_1077 : memref<64xf32, #tpu.memory_space<hbm>>) target(%dma_start3A_1074 : memref<64xf32, #tpu.memory_space<vmem>>) target_semaphore(%arg19 : memref<!tpu.dma_semaphore, #tpu.memory_space<semaphore_mem>>)
    %dma_start3A_1078 = arith.constant 7 : i32
    %dma_start3A_1079 = arith.constant 0 : i32
    %dma_start3A_1080 = tpu.memref_slice %arg16[%dma_start3A_1078, %dma_start3A_1079] : memref<16x64xf32, #tpu.memory_space<vmem>> -> memref<1x64xf32, #tpu.memory_space<vmem>>
    %dma_start3A_1081 = tpu.memref_squeeze %dma_start3A_1080 : memref<1x64xf32, #tpu.memory_space<vmem>> -> memref<64xf32, #tpu.memory_space<vmem>>
    %dma_start3A_1082 = arith.constant 0 : i32
    %dma_start3A_1083 = tpu.memref_slice %arg6[%squeeze3A_1051, %dma_start3A_1082] : memref<1000000x64xf32, #tpu.memory_space<hbm>> -> memref<1x64xf32, #tpu.memory_space<hbm>>
    %dma_start3A_1084 = tpu.memref_squeeze %dma_start3A_1083 : memref<1x64xf32, #tpu.memory_space<hbm>> -> memref<64xf32, #tpu.memory_space<hbm>>
    %dma_start3A_1085 = arith.constant 0 : i32
    %dma_start3A_1086 = tpu.memref_slice %arg16[%dma_start3A_1078, %dma_start3A_1085] : memref<16x64xf32, #tpu.memory_space<vmem>> -> memref<1x64xf32, #tpu.memory_space<vmem>>
    %dma_start3A_1087 = tpu.memref_squeeze %dma_start3A_1086 : memref<1x64xf32, #tpu.memory_space<vmem>> -> memref<64xf32, #tpu.memory_space<vmem>>
    %dma_start3A_1088 = arith.constant 0 : i32
    %dma_start3A_1089 = tpu.memref_slice %arg6[%squeeze3A_1051, %dma_start3A_1088] : memref<1000000x64xf32, #tpu.memory_space<hbm>> -> memref<1x64xf32, #tpu.memory_space<hbm>>
    %dma_start3A_1090 = tpu.memref_squeeze %dma_start3A_1089 : memref<1x64xf32, #tpu.memory_space<hbm>> -> memref<64xf32, #tpu.memory_space<hbm>>
    tpu.enqueue_dma source(%dma_start3A_1090 : memref<64xf32, #tpu.memory_space<hbm>>) target(%dma_start3A_1087 : memref<64xf32, #tpu.memory_space<vmem>>) target_semaphore(%arg19 : memref<!tpu.dma_semaphore, #tpu.memory_space<semaphore_mem>>)
    %slice3A_1091 = vector.extract_strided_slice %get3A_726 {offsets = [8], sizes = [1], strides = [1]} : vector<16xi32> to vector<1xi32>
    %squeeze3A_1092 = vector.extract %slice3A_1091[0] : i32 from vector<1xi32>
    %slice3A_1093 = vector.extract_strided_slice %get3A_728 {offsets = [8], sizes = [1], strides = [1]} : vector<16xi32> to vector<1xi32>
    %squeeze3A_1094 = vector.extract %slice3A_1093[0] : i32 from vector<1xi32>
    %slice3A_1095 = vector.extract_strided_slice %get3A_730 {offsets = [8], sizes = [1], strides = [1]} : vector<16xi32> to vector<1xi32>
    %squeeze3A_1096 = vector.extract %slice3A_1095[0] : i32 from vector<1xi32>
    %dma_start3A_1097 = arith.constant 8 : i32
    %dma_start3A_1098 = arith.constant 0 : i32
    %dma_start3A_1099 = tpu.memref_slice %arg12[%dma_start3A_1097, %dma_start3A_1098] : memref<16x64xf32, #tpu.memory_space<vmem>> -> memref<1x64xf32, #tpu.memory_space<vmem>>
    %dma_start3A_1100 = tpu.memref_squeeze %dma_start3A_1099 : memref<1x64xf32, #tpu.memory_space<vmem>> -> memref<64xf32, #tpu.memory_space<vmem>>
    %dma_start3A_1101 = arith.constant 0 : i32
    %dma_start3A_1102 = tpu.memref_slice %arg5[%squeeze3A_1092, %dma_start3A_1101] : memref<1000000x64xf32, #tpu.memory_space<hbm>> -> memref<1x64xf32, #tpu.memory_space<hbm>>
    %dma_start3A_1103 = tpu.memref_squeeze %dma_start3A_1102 : memref<1x64xf32, #tpu.memory_space<hbm>> -> memref<64xf32, #tpu.memory_space<hbm>>
    %dma_start3A_1104 = arith.constant 0 : i32
    %dma_start3A_1105 = tpu.memref_slice %arg12[%dma_start3A_1097, %dma_start3A_1104] : memref<16x64xf32, #tpu.memory_space<vmem>> -> memref<1x64xf32, #tpu.memory_space<vmem>>
    %dma_start3A_1106 = tpu.memref_squeeze %dma_start3A_1105 : memref<1x64xf32, #tpu.memory_space<vmem>> -> memref<64xf32, #tpu.memory_space<vmem>>
    %dma_start3A_1107 = arith.constant 0 : i32
    %dma_start3A_1108 = tpu.memref_slice %arg5[%squeeze3A_1092, %dma_start3A_1107] : memref<1000000x64xf32, #tpu.memory_space<hbm>> -> memref<1x64xf32, #tpu.memory_space<hbm>>
    %dma_start3A_1109 = tpu.memref_squeeze %dma_start3A_1108 : memref<1x64xf32, #tpu.memory_space<hbm>> -> memref<64xf32, #tpu.memory_space<hbm>>
    tpu.enqueue_dma source(%dma_start3A_1109 : memref<64xf32, #tpu.memory_space<hbm>>) target(%dma_start3A_1106 : memref<64xf32, #tpu.memory_space<vmem>>) target_semaphore(%arg19 : memref<!tpu.dma_semaphore, #tpu.memory_space<semaphore_mem>>)
    %dma_start3A_1110 = arith.constant 8 : i32
    %dma_start3A_1111 = arith.constant 0 : i32
    %dma_start3A_1112 = tpu.memref_slice %arg14[%dma_start3A_1110, %dma_start3A_1111] : memref<16x64xf32, #tpu.memory_space<vmem>> -> memref<1x64xf32, #tpu.memory_space<vmem>>
    %dma_start3A_1113 = tpu.memref_squeeze %dma_start3A_1112 : memref<1x64xf32, #tpu.memory_space<vmem>> -> memref<64xf32, #tpu.memory_space<vmem>>
    %dma_start3A_1114 = arith.constant 0 : i32
    %dma_start3A_1115 = tpu.memref_slice %arg6[%squeeze3A_1094, %dma_start3A_1114] : memref<1000000x64xf32, #tpu.memory_space<hbm>> -> memref<1x64xf32, #tpu.memory_space<hbm>>
    %dma_start3A_1116 = tpu.memref_squeeze %dma_start3A_1115 : memref<1x64xf32, #tpu.memory_space<hbm>> -> memref<64xf32, #tpu.memory_space<hbm>>
    %dma_start3A_1117 = arith.constant 0 : i32
    %dma_start3A_1118 = tpu.memref_slice %arg14[%dma_start3A_1110, %dma_start3A_1117] : memref<16x64xf32, #tpu.memory_space<vmem>> -> memref<1x64xf32, #tpu.memory_space<vmem>>
    %dma_start3A_1119 = tpu.memref_squeeze %dma_start3A_1118 : memref<1x64xf32, #tpu.memory_space<vmem>> -> memref<64xf32, #tpu.memory_space<vmem>>
    %dma_start3A_1120 = arith.constant 0 : i32
    %dma_start3A_1121 = tpu.memref_slice %arg6[%squeeze3A_1094, %dma_start3A_1120] : memref<1000000x64xf32, #tpu.memory_space<hbm>> -> memref<1x64xf32, #tpu.memory_space<hbm>>
    %dma_start3A_1122 = tpu.memref_squeeze %dma_start3A_1121 : memref<1x64xf32, #tpu.memory_space<hbm>> -> memref<64xf32, #tpu.memory_space<hbm>>
    tpu.enqueue_dma source(%dma_start3A_1122 : memref<64xf32, #tpu.memory_space<hbm>>) target(%dma_start3A_1119 : memref<64xf32, #tpu.memory_space<vmem>>) target_semaphore(%arg19 : memref<!tpu.dma_semaphore, #tpu.memory_space<semaphore_mem>>)
    %dma_start3A_1123 = arith.constant 8 : i32
    %dma_start3A_1124 = arith.constant 0 : i32
    %dma_start3A_1125 = tpu.memref_slice %arg16[%dma_start3A_1123, %dma_start3A_1124] : memref<16x64xf32, #tpu.memory_space<vmem>> -> memref<1x64xf32, #tpu.memory_space<vmem>>
    %dma_start3A_1126 = tpu.memref_squeeze %dma_start3A_1125 : memref<1x64xf32, #tpu.memory_space<vmem>> -> memref<64xf32, #tpu.memory_space<vmem>>
    %dma_start3A_1127 = arith.constant 0 : i32
    %dma_start3A_1128 = tpu.memref_slice %arg6[%squeeze3A_1096, %dma_start3A_1127] : memref<1000000x64xf32, #tpu.memory_space<hbm>> -> memref<1x64xf32, #tpu.memory_space<hbm>>
    %dma_start3A_1129 = tpu.memref_squeeze %dma_start3A_1128 : memref<1x64xf32, #tpu.memory_space<hbm>> -> memref<64xf32, #tpu.memory_space<hbm>>
    %dma_start3A_1130 = arith.constant 0 : i32
    %dma_start3A_1131 = tpu.memref_slice %arg16[%dma_start3A_1123, %dma_start3A_1130] : memref<16x64xf32, #tpu.memory_space<vmem>> -> memref<1x64xf32, #tpu.memory_space<vmem>>
    %dma_start3A_1132 = tpu.memref_squeeze %dma_start3A_1131 : memref<1x64xf32, #tpu.memory_space<vmem>> -> memref<64xf32, #tpu.memory_space<vmem>>
    %dma_start3A_1133 = arith.constant 0 : i32
    %dma_start3A_1134 = tpu.memref_slice %arg6[%squeeze3A_1096, %dma_start3A_1133] : memref<1000000x64xf32, #tpu.memory_space<hbm>> -> memref<1x64xf32, #tpu.memory_space<hbm>>
    %dma_start3A_1135 = tpu.memref_squeeze %dma_start3A_1134 : memref<1x64xf32, #tpu.memory_space<hbm>> -> memref<64xf32, #tpu.memory_space<hbm>>
    tpu.enqueue_dma source(%dma_start3A_1135 : memref<64xf32, #tpu.memory_space<hbm>>) target(%dma_start3A_1132 : memref<64xf32, #tpu.memory_space<vmem>>) target_semaphore(%arg19 : memref<!tpu.dma_semaphore, #tpu.memory_space<semaphore_mem>>)
    %slice3A_1136 = vector.extract_strided_slice %get3A_726 {offsets = [9], sizes = [1], strides = [1]} : vector<16xi32> to vector<1xi32>
    %squeeze3A_1137 = vector.extract %slice3A_1136[0] : i32 from vector<1xi32>
    %slice3A_1138 = vector.extract_strided_slice %get3A_728 {offsets = [9], sizes = [1], strides = [1]} : vector<16xi32> to vector<1xi32>
    %squeeze3A_1139 = vector.extract %slice3A_1138[0] : i32 from vector<1xi32>
    %slice3A_1140 = vector.extract_strided_slice %get3A_730 {offsets = [9], sizes = [1], strides = [1]} : vector<16xi32> to vector<1xi32>
    %squeeze3A_1141 = vector.extract %slice3A_1140[0] : i32 from vector<1xi32>
    %dma_start3A_1142 = arith.constant 9 : i32
    %dma_start3A_1143 = arith.constant 0 : i32
    %dma_start3A_1144 = tpu.memref_slice %arg12[%dma_start3A_1142, %dma_start3A_1143] : memref<16x64xf32, #tpu.memory_space<vmem>> -> memref<1x64xf32, #tpu.memory_space<vmem>>
    %dma_start3A_1145 = tpu.memref_squeeze %dma_start3A_1144 : memref<1x64xf32, #tpu.memory_space<vmem>> -> memref<64xf32, #tpu.memory_space<vmem>>
    %dma_start3A_1146 = arith.constant 0 : i32
    %dma_start3A_1147 = tpu.memref_slice %arg5[%squeeze3A_1137, %dma_start3A_1146] : memref<1000000x64xf32, #tpu.memory_space<hbm>> -> memref<1x64xf32, #tpu.memory_space<hbm>>
    %dma_start3A_1148 = tpu.memref_squeeze %dma_start3A_1147 : memref<1x64xf32, #tpu.memory_space<hbm>> -> memref<64xf32, #tpu.memory_space<hbm>>
    %dma_start3A_1149 = arith.constant 0 : i32
    %dma_start3A_1150 = tpu.memref_slice %arg12[%dma_start3A_1142, %dma_start3A_1149] : memref<16x64xf32, #tpu.memory_space<vmem>> -> memref<1x64xf32, #tpu.memory_space<vmem>>
    %dma_start3A_1151 = tpu.memref_squeeze %dma_start3A_1150 : memref<1x64xf32, #tpu.memory_space<vmem>> -> memref<64xf32, #tpu.memory_space<vmem>>
    %dma_start3A_1152 = arith.constant 0 : i32
    %dma_start3A_1153 = tpu.memref_slice %arg5[%squeeze3A_1137, %dma_start3A_1152] : memref<1000000x64xf32, #tpu.memory_space<hbm>> -> memref<1x64xf32, #tpu.memory_space<hbm>>
    %dma_start3A_1154 = tpu.memref_squeeze %dma_start3A_1153 : memref<1x64xf32, #tpu.memory_space<hbm>> -> memref<64xf32, #tpu.memory_space<hbm>>
    tpu.enqueue_dma source(%dma_start3A_1154 : memref<64xf32, #tpu.memory_space<hbm>>) target(%dma_start3A_1151 : memref<64xf32, #tpu.memory_space<vmem>>) target_semaphore(%arg19 : memref<!tpu.dma_semaphore, #tpu.memory_space<semaphore_mem>>)
    %dma_start3A_1155 = arith.constant 9 : i32
    %dma_start3A_1156 = arith.constant 0 : i32
    %dma_start3A_1157 = tpu.memref_slice %arg14[%dma_start3A_1155, %dma_start3A_1156] : memref<16x64xf32, #tpu.memory_space<vmem>> -> memref<1x64xf32, #tpu.memory_space<vmem>>
    %dma_start3A_1158 = tpu.memref_squeeze %dma_start3A_1157 : memref<1x64xf32, #tpu.memory_space<vmem>> -> memref<64xf32, #tpu.memory_space<vmem>>
    %dma_start3A_1159 = arith.constant 0 : i32
    %dma_start3A_1160 = tpu.memref_slice %arg6[%squeeze3A_1139, %dma_start3A_1159] : memref<1000000x64xf32, #tpu.memory_space<hbm>> -> memref<1x64xf32, #tpu.memory_space<hbm>>
    %dma_start3A_1161 = tpu.memref_squeeze %dma_start3A_1160 : memref<1x64xf32, #tpu.memory_space<hbm>> -> memref<64xf32, #tpu.memory_space<hbm>>
    %dma_start3A_1162 = arith.constant 0 : i32
    %dma_start3A_1163 = tpu.memref_slice %arg14[%dma_start3A_1155, %dma_start3A_1162] : memref<16x64xf32, #tpu.memory_space<vmem>> -> memref<1x64xf32, #tpu.memory_space<vmem>>
    %dma_start3A_1164 = tpu.memref_squeeze %dma_start3A_1163 : memref<1x64xf32, #tpu.memory_space<vmem>> -> memref<64xf32, #tpu.memory_space<vmem>>
    %dma_start3A_1165 = arith.constant 0 : i32
    %dma_start3A_1166 = tpu.memref_slice %arg6[%squeeze3A_1139, %dma_start3A_1165] : memref<1000000x64xf32, #tpu.memory_space<hbm>> -> memref<1x64xf32, #tpu.memory_space<hbm>>
    %dma_start3A_1167 = tpu.memref_squeeze %dma_start3A_1166 : memref<1x64xf32, #tpu.memory_space<hbm>> -> memref<64xf32, #tpu.memory_space<hbm>>
    tpu.enqueue_dma source(%dma_start3A_1167 : memref<64xf32, #tpu.memory_space<hbm>>) target(%dma_start3A_1164 : memref<64xf32, #tpu.memory_space<vmem>>) target_semaphore(%arg19 : memref<!tpu.dma_semaphore, #tpu.memory_space<semaphore_mem>>)
    %dma_start3A_1168 = arith.constant 9 : i32
    %dma_start3A_1169 = arith.constant 0 : i32
    %dma_start3A_1170 = tpu.memref_slice %arg16[%dma_start3A_1168, %dma_start3A_1169] : memref<16x64xf32, #tpu.memory_space<vmem>> -> memref<1x64xf32, #tpu.memory_space<vmem>>
    %dma_start3A_1171 = tpu.memref_squeeze %dma_start3A_1170 : memref<1x64xf32, #tpu.memory_space<vmem>> -> memref<64xf32, #tpu.memory_space<vmem>>
    %dma_start3A_1172 = arith.constant 0 : i32
    %dma_start3A_1173 = tpu.memref_slice %arg6[%squeeze3A_1141, %dma_start3A_1172] : memref<1000000x64xf32, #tpu.memory_space<hbm>> -> memref<1x64xf32, #tpu.memory_space<hbm>>
    %dma_start3A_1174 = tpu.memref_squeeze %dma_start3A_1173 : memref<1x64xf32, #tpu.memory_space<hbm>> -> memref<64xf32, #tpu.memory_space<hbm>>
    %dma_start3A_1175 = arith.constant 0 : i32
    %dma_start3A_1176 = tpu.memref_slice %arg16[%dma_start3A_1168, %dma_start3A_1175] : memref<16x64xf32, #tpu.memory_space<vmem>> -> memref<1x64xf32, #tpu.memory_space<vmem>>
    %dma_start3A_1177 = tpu.memref_squeeze %dma_start3A_1176 : memref<1x64xf32, #tpu.memory_space<vmem>> -> memref<64xf32, #tpu.memory_space<vmem>>
    %dma_start3A_1178 = arith.constant 0 : i32
    %dma_start3A_1179 = tpu.memref_slice %arg6[%squeeze3A_1141, %dma_start3A_1178] : memref<1000000x64xf32, #tpu.memory_space<hbm>> -> memref<1x64xf32, #tpu.memory_space<hbm>>
    %dma_start3A_1180 = tpu.memref_squeeze %dma_start3A_1179 : memref<1x64xf32, #tpu.memory_space<hbm>> -> memref<64xf32, #tpu.memory_space<hbm>>
    tpu.enqueue_dma source(%dma_start3A_1180 : memref<64xf32, #tpu.memory_space<hbm>>) target(%dma_start3A_1177 : memref<64xf32, #tpu.memory_space<vmem>>) target_semaphore(%arg19 : memref<!tpu.dma_semaphore, #tpu.memory_space<semaphore_mem>>)
    %slice3A_1181 = vector.extract_strided_slice %get3A_726 {offsets = [10], sizes = [1], strides = [1]} : vector<16xi32> to vector<1xi32>
    %squeeze3A_1182 = vector.extract %slice3A_1181[0] : i32 from vector<1xi32>
    %slice3A_1183 = vector.extract_strided_slice %get3A_728 {offsets = [10], sizes = [1], strides = [1]} : vector<16xi32> to vector<1xi32>
    %squeeze3A_1184 = vector.extract %slice3A_1183[0] : i32 from vector<1xi32>
    %slice3A_1185 = vector.extract_strided_slice %get3A_730 {offsets = [10], sizes = [1], strides = [1]} : vector<16xi32> to vector<1xi32>
    %squeeze3A_1186 = vector.extract %slice3A_1185[0] : i32 from vector<1xi32>
    %dma_start3A_1187 = arith.constant 10 : i32
    %dma_start3A_1188 = arith.constant 0 : i32
    %dma_start3A_1189 = tpu.memref_slice %arg12[%dma_start3A_1187, %dma_start3A_1188] : memref<16x64xf32, #tpu.memory_space<vmem>> -> memref<1x64xf32, #tpu.memory_space<vmem>>
    %dma_start3A_1190 = tpu.memref_squeeze %dma_start3A_1189 : memref<1x64xf32, #tpu.memory_space<vmem>> -> memref<64xf32, #tpu.memory_space<vmem>>
    %dma_start3A_1191 = arith.constant 0 : i32
    %dma_start3A_1192 = tpu.memref_slice %arg5[%squeeze3A_1182, %dma_start3A_1191] : memref<1000000x64xf32, #tpu.memory_space<hbm>> -> memref<1x64xf32, #tpu.memory_space<hbm>>
    %dma_start3A_1193 = tpu.memref_squeeze %dma_start3A_1192 : memref<1x64xf32, #tpu.memory_space<hbm>> -> memref<64xf32, #tpu.memory_space<hbm>>
    %dma_start3A_1194 = arith.constant 0 : i32
    %dma_start3A_1195 = tpu.memref_slice %arg12[%dma_start3A_1187, %dma_start3A_1194] : memref<16x64xf32, #tpu.memory_space<vmem>> -> memref<1x64xf32, #tpu.memory_space<vmem>>
    %dma_start3A_1196 = tpu.memref_squeeze %dma_start3A_1195 : memref<1x64xf32, #tpu.memory_space<vmem>> -> memref<64xf32, #tpu.memory_space<vmem>>
    %dma_start3A_1197 = arith.constant 0 : i32
    %dma_start3A_1198 = tpu.memref_slice %arg5[%squeeze3A_1182, %dma_start3A_1197] : memref<1000000x64xf32, #tpu.memory_space<hbm>> -> memref<1x64xf32, #tpu.memory_space<hbm>>
    %dma_start3A_1199 = tpu.memref_squeeze %dma_start3A_1198 : memref<1x64xf32, #tpu.memory_space<hbm>> -> memref<64xf32, #tpu.memory_space<hbm>>
    tpu.enqueue_dma source(%dma_start3A_1199 : memref<64xf32, #tpu.memory_space<hbm>>) target(%dma_start3A_1196 : memref<64xf32, #tpu.memory_space<vmem>>) target_semaphore(%arg19 : memref<!tpu.dma_semaphore, #tpu.memory_space<semaphore_mem>>)
    %dma_start3A_1200 = arith.constant 10 : i32
    %dma_start3A_1201 = arith.constant 0 : i32
    %dma_start3A_1202 = tpu.memref_slice %arg14[%dma_start3A_1200, %dma_start3A_1201] : memref<16x64xf32, #tpu.memory_space<vmem>> -> memref<1x64xf32, #tpu.memory_space<vmem>>
    %dma_start3A_1203 = tpu.memref_squeeze %dma_start3A_1202 : memref<1x64xf32, #tpu.memory_space<vmem>> -> memref<64xf32, #tpu.memory_space<vmem>>
    %dma_start3A_1204 = arith.constant 0 : i32
    %dma_start3A_1205 = tpu.memref_slice %arg6[%squeeze3A_1184, %dma_start3A_1204] : memref<1000000x64xf32, #tpu.memory_space<hbm>> -> memref<1x64xf32, #tpu.memory_space<hbm>>
    %dma_start3A_1206 = tpu.memref_squeeze %dma_start3A_1205 : memref<1x64xf32, #tpu.memory_space<hbm>> -> memref<64xf32, #tpu.memory_space<hbm>>
    %dma_start3A_1207 = arith.constant 0 : i32
    %dma_start3A_1208 = tpu.memref_slice %arg14[%dma_start3A_1200, %dma_start3A_1207] : memref<16x64xf32, #tpu.memory_space<vmem>> -> memref<1x64xf32, #tpu.memory_space<vmem>>
    %dma_start3A_1209 = tpu.memref_squeeze %dma_start3A_1208 : memref<1x64xf32, #tpu.memory_space<vmem>> -> memref<64xf32, #tpu.memory_space<vmem>>
    %dma_start3A_1210 = arith.constant 0 : i32
    %dma_start3A_1211 = tpu.memref_slice %arg6[%squeeze3A_1184, %dma_start3A_1210] : memref<1000000x64xf32, #tpu.memory_space<hbm>> -> memref<1x64xf32, #tpu.memory_space<hbm>>
    %dma_start3A_1212 = tpu.memref_squeeze %dma_start3A_1211 : memref<1x64xf32, #tpu.memory_space<hbm>> -> memref<64xf32, #tpu.memory_space<hbm>>
    tpu.enqueue_dma source(%dma_start3A_1212 : memref<64xf32, #tpu.memory_space<hbm>>) target(%dma_start3A_1209 : memref<64xf32, #tpu.memory_space<vmem>>) target_semaphore(%arg19 : memref<!tpu.dma_semaphore, #tpu.memory_space<semaphore_mem>>)
    %dma_start3A_1213 = arith.constant 10 : i32
    %dma_start3A_1214 = arith.constant 0 : i32
    %dma_start3A_1215 = tpu.memref_slice %arg16[%dma_start3A_1213, %dma_start3A_1214] : memref<16x64xf32, #tpu.memory_space<vmem>> -> memref<1x64xf32, #tpu.memory_space<vmem>>
    %dma_start3A_1216 = tpu.memref_squeeze %dma_start3A_1215 : memref<1x64xf32, #tpu.memory_space<vmem>> -> memref<64xf32, #tpu.memory_space<vmem>>
    %dma_start3A_1217 = arith.constant 0 : i32
    %dma_start3A_1218 = tpu.memref_slice %arg6[%squeeze3A_1186, %dma_start3A_1217] : memref<1000000x64xf32, #tpu.memory_space<hbm>> -> memref<1x64xf32, #tpu.memory_space<hbm>>
    %dma_start3A_1219 = tpu.memref_squeeze %dma_start3A_1218 : memref<1x64xf32, #tpu.memory_space<hbm>> -> memref<64xf32, #tpu.memory_space<hbm>>
    %dma_start3A_1220 = arith.constant 0 : i32
    %dma_start3A_1221 = tpu.memref_slice %arg16[%dma_start3A_1213, %dma_start3A_1220] : memref<16x64xf32, #tpu.memory_space<vmem>> -> memref<1x64xf32, #tpu.memory_space<vmem>>
    %dma_start3A_1222 = tpu.memref_squeeze %dma_start3A_1221 : memref<1x64xf32, #tpu.memory_space<vmem>> -> memref<64xf32, #tpu.memory_space<vmem>>
    %dma_start3A_1223 = arith.constant 0 : i32
    %dma_start3A_1224 = tpu.memref_slice %arg6[%squeeze3A_1186, %dma_start3A_1223] : memref<1000000x64xf32, #tpu.memory_space<hbm>> -> memref<1x64xf32, #tpu.memory_space<hbm>>
    %dma_start3A_1225 = tpu.memref_squeeze %dma_start3A_1224 : memref<1x64xf32, #tpu.memory_space<hbm>> -> memref<64xf32, #tpu.memory_space<hbm>>
    tpu.enqueue_dma source(%dma_start3A_1225 : memref<64xf32, #tpu.memory_space<hbm>>) target(%dma_start3A_1222 : memref<64xf32, #tpu.memory_space<vmem>>) target_semaphore(%arg19 : memref<!tpu.dma_semaphore, #tpu.memory_space<semaphore_mem>>)
    %slice3A_1226 = vector.extract_strided_slice %get3A_726 {offsets = [11], sizes = [1], strides = [1]} : vector<16xi32> to vector<1xi32>
    %squeeze3A_1227 = vector.extract %slice3A_1226[0] : i32 from vector<1xi32>
    %slice3A_1228 = vector.extract_strided_slice %get3A_728 {offsets = [11], sizes = [1], strides = [1]} : vector<16xi32> to vector<1xi32>
    %squeeze3A_1229 = vector.extract %slice3A_1228[0] : i32 from vector<1xi32>
    %slice3A_1230 = vector.extract_strided_slice %get3A_730 {offsets = [11], sizes = [1], strides = [1]} : vector<16xi32> to vector<1xi32>
    %squeeze3A_1231 = vector.extract %slice3A_1230[0] : i32 from vector<1xi32>
    %dma_start3A_1232 = arith.constant 11 : i32
    %dma_start3A_1233 = arith.constant 0 : i32
    %dma_start3A_1234 = tpu.memref_slice %arg12[%dma_start3A_1232, %dma_start3A_1233] : memref<16x64xf32, #tpu.memory_space<vmem>> -> memref<1x64xf32, #tpu.memory_space<vmem>>
    %dma_start3A_1235 = tpu.memref_squeeze %dma_start3A_1234 : memref<1x64xf32, #tpu.memory_space<vmem>> -> memref<64xf32, #tpu.memory_space<vmem>>
    %dma_start3A_1236 = arith.constant 0 : i32
    %dma_start3A_1237 = tpu.memref_slice %arg5[%squeeze3A_1227, %dma_start3A_1236] : memref<1000000x64xf32, #tpu.memory_space<hbm>> -> memref<1x64xf32, #tpu.memory_space<hbm>>
    %dma_start3A_1238 = tpu.memref_squeeze %dma_start3A_1237 : memref<1x64xf32, #tpu.memory_space<hbm>> -> memref<64xf32, #tpu.memory_space<hbm>>
    %dma_start3A_1239 = arith.constant 0 : i32
    %dma_start3A_1240 = tpu.memref_slice %arg12[%dma_start3A_1232, %dma_start3A_1239] : memref<16x64xf32, #tpu.memory_space<vmem>> -> memref<1x64xf32, #tpu.memory_space<vmem>>
    %dma_start3A_1241 = tpu.memref_squeeze %dma_start3A_1240 : memref<1x64xf32, #tpu.memory_space<vmem>> -> memref<64xf32, #tpu.memory_space<vmem>>
    %dma_start3A_1242 = arith.constant 0 : i32
    %dma_start3A_1243 = tpu.memref_slice %arg5[%squeeze3A_1227, %dma_start3A_1242] : memref<1000000x64xf32, #tpu.memory_space<hbm>> -> memref<1x64xf32, #tpu.memory_space<hbm>>
    %dma_start3A_1244 = tpu.memref_squeeze %dma_start3A_1243 : memref<1x64xf32, #tpu.memory_space<hbm>> -> memref<64xf32, #tpu.memory_space<hbm>>
    tpu.enqueue_dma source(%dma_start3A_1244 : memref<64xf32, #tpu.memory_space<hbm>>) target(%dma_start3A_1241 : memref<64xf32, #tpu.memory_space<vmem>>) target_semaphore(%arg19 : memref<!tpu.dma_semaphore, #tpu.memory_space<semaphore_mem>>)
    %dma_start3A_1245 = arith.constant 11 : i32
    %dma_start3A_1246 = arith.constant 0 : i32
    %dma_start3A_1247 = tpu.memref_slice %arg14[%dma_start3A_1245, %dma_start3A_1246] : memref<16x64xf32, #tpu.memory_space<vmem>> -> memref<1x64xf32, #tpu.memory_space<vmem>>
    %dma_start3A_1248 = tpu.memref_squeeze %dma_start3A_1247 : memref<1x64xf32, #tpu.memory_space<vmem>> -> memref<64xf32, #tpu.memory_space<vmem>>
    %dma_start3A_1249 = arith.constant 0 : i32
    %dma_start3A_1250 = tpu.memref_slice %arg6[%squeeze3A_1229, %dma_start3A_1249] : memref<1000000x64xf32, #tpu.memory_space<hbm>> -> memref<1x64xf32, #tpu.memory_space<hbm>>
    %dma_start3A_1251 = tpu.memref_squeeze %dma_start3A_1250 : memref<1x64xf32, #tpu.memory_space<hbm>> -> memref<64xf32, #tpu.memory_space<hbm>>
    %dma_start3A_1252 = arith.constant 0 : i32
    %dma_start3A_1253 = tpu.memref_slice %arg14[%dma_start3A_1245, %dma_start3A_1252] : memref<16x64xf32, #tpu.memory_space<vmem>> -> memref<1x64xf32, #tpu.memory_space<vmem>>
    %dma_start3A_1254 = tpu.memref_squeeze %dma_start3A_1253 : memref<1x64xf32, #tpu.memory_space<vmem>> -> memref<64xf32, #tpu.memory_space<vmem>>
    %dma_start3A_1255 = arith.constant 0 : i32
    %dma_start3A_1256 = tpu.memref_slice %arg6[%squeeze3A_1229, %dma_start3A_1255] : memref<1000000x64xf32, #tpu.memory_space<hbm>> -> memref<1x64xf32, #tpu.memory_space<hbm>>
    %dma_start3A_1257 = tpu.memref_squeeze %dma_start3A_1256 : memref<1x64xf32, #tpu.memory_space<hbm>> -> memref<64xf32, #tpu.memory_space<hbm>>
    tpu.enqueue_dma source(%dma_start3A_1257 : memref<64xf32, #tpu.memory_space<hbm>>) target(%dma_start3A_1254 : memref<64xf32, #tpu.memory_space<vmem>>) target_semaphore(%arg19 : memref<!tpu.dma_semaphore, #tpu.memory_space<semaphore_mem>>)
    %dma_start3A_1258 = arith.constant 11 : i32
    %dma_start3A_1259 = arith.constant 0 : i32
    %dma_start3A_1260 = tpu.memref_slice %arg16[%dma_start3A_1258, %dma_start3A_1259] : memref<16x64xf32, #tpu.memory_space<vmem>> -> memref<1x64xf32, #tpu.memory_space<vmem>>
    %dma_start3A_1261 = tpu.memref_squeeze %dma_start3A_1260 : memref<1x64xf32, #tpu.memory_space<vmem>> -> memref<64xf32, #tpu.memory_space<vmem>>
    %dma_start3A_1262 = arith.constant 0 : i32
    %dma_start3A_1263 = tpu.memref_slice %arg6[%squeeze3A_1231, %dma_start3A_1262] : memref<1000000x64xf32, #tpu.memory_space<hbm>> -> memref<1x64xf32, #tpu.memory_space<hbm>>
    %dma_start3A_1264 = tpu.memref_squeeze %dma_start3A_1263 : memref<1x64xf32, #tpu.memory_space<hbm>> -> memref<64xf32, #tpu.memory_space<hbm>>
    %dma_start3A_1265 = arith.constant 0 : i32
    %dma_start3A_1266 = tpu.memref_slice %arg16[%dma_start3A_1258, %dma_start3A_1265] : memref<16x64xf32, #tpu.memory_space<vmem>> -> memref<1x64xf32, #tpu.memory_space<vmem>>
    %dma_start3A_1267 = tpu.memref_squeeze %dma_start3A_1266 : memref<1x64xf32, #tpu.memory_space<vmem>> -> memref<64xf32, #tpu.memory_space<vmem>>
    %dma_start3A_1268 = arith.constant 0 : i32
    %dma_start3A_1269 = tpu.memref_slice %arg6[%squeeze3A_1231, %dma_start3A_1268] : memref<1000000x64xf32, #tpu.memory_space<hbm>> -> memref<1x64xf32, #tpu.memory_space<hbm>>
    %dma_start3A_1270 = tpu.memref_squeeze %dma_start3A_1269 : memref<1x64xf32, #tpu.memory_space<hbm>> -> memref<64xf32, #tpu.memory_space<hbm>>
    tpu.enqueue_dma source(%dma_start3A_1270 : memref<64xf32, #tpu.memory_space<hbm>>) target(%dma_start3A_1267 : memref<64xf32, #tpu.memory_space<vmem>>) target_semaphore(%arg19 : memref<!tpu.dma_semaphore, #tpu.memory_space<semaphore_mem>>)
    %slice3A_1271 = vector.extract_strided_slice %get3A_726 {offsets = [12], sizes = [1], strides = [1]} : vector<16xi32> to vector<1xi32>
    %squeeze3A_1272 = vector.extract %slice3A_1271[0] : i32 from vector<1xi32>
    %slice3A_1273 = vector.extract_strided_slice %get3A_728 {offsets = [12], sizes = [1], strides = [1]} : vector<16xi32> to vector<1xi32>
    %squeeze3A_1274 = vector.extract %slice3A_1273[0] : i32 from vector<1xi32>
    %slice3A_1275 = vector.extract_strided_slice %get3A_730 {offsets = [12], sizes = [1], strides = [1]} : vector<16xi32> to vector<1xi32>
    %squeeze3A_1276 = vector.extract %slice3A_1275[0] : i32 from vector<1xi32>
    %dma_start3A_1277 = arith.constant 12 : i32
    %dma_start3A_1278 = arith.constant 0 : i32
    %dma_start3A_1279 = tpu.memref_slice %arg12[%dma_start3A_1277, %dma_start3A_1278] : memref<16x64xf32, #tpu.memory_space<vmem>> -> memref<1x64xf32, #tpu.memory_space<vmem>>
    %dma_start3A_1280 = tpu.memref_squeeze %dma_start3A_1279 : memref<1x64xf32, #tpu.memory_space<vmem>> -> memref<64xf32, #tpu.memory_space<vmem>>
    %dma_start3A_1281 = arith.constant 0 : i32
    %dma_start3A_1282 = tpu.memref_slice %arg5[%squeeze3A_1272, %dma_start3A_1281] : memref<1000000x64xf32, #tpu.memory_space<hbm>> -> memref<1x64xf32, #tpu.memory_space<hbm>>
    %dma_start3A_1283 = tpu.memref_squeeze %dma_start3A_1282 : memref<1x64xf32, #tpu.memory_space<hbm>> -> memref<64xf32, #tpu.memory_space<hbm>>
    %dma_start3A_1284 = arith.constant 0 : i32
    %dma_start3A_1285 = tpu.memref_slice %arg12[%dma_start3A_1277, %dma_start3A_1284] : memref<16x64xf32, #tpu.memory_space<vmem>> -> memref<1x64xf32, #tpu.memory_space<vmem>>
    %dma_start3A_1286 = tpu.memref_squeeze %dma_start3A_1285 : memref<1x64xf32, #tpu.memory_space<vmem>> -> memref<64xf32, #tpu.memory_space<vmem>>
    %dma_start3A_1287 = arith.constant 0 : i32
    %dma_start3A_1288 = tpu.memref_slice %arg5[%squeeze3A_1272, %dma_start3A_1287] : memref<1000000x64xf32, #tpu.memory_space<hbm>> -> memref<1x64xf32, #tpu.memory_space<hbm>>
    %dma_start3A_1289 = tpu.memref_squeeze %dma_start3A_1288 : memref<1x64xf32, #tpu.memory_space<hbm>> -> memref<64xf32, #tpu.memory_space<hbm>>
    tpu.enqueue_dma source(%dma_start3A_1289 : memref<64xf32, #tpu.memory_space<hbm>>) target(%dma_start3A_1286 : memref<64xf32, #tpu.memory_space<vmem>>) target_semaphore(%arg19 : memref<!tpu.dma_semaphore, #tpu.memory_space<semaphore_mem>>)
    %dma_start3A_1290 = arith.constant 12 : i32
    %dma_start3A_1291 = arith.constant 0 : i32
    %dma_start3A_1292 = tpu.memref_slice %arg14[%dma_start3A_1290, %dma_start3A_1291] : memref<16x64xf32, #tpu.memory_space<vmem>> -> memref<1x64xf32, #tpu.memory_space<vmem>>
    %dma_start3A_1293 = tpu.memref_squeeze %dma_start3A_1292 : memref<1x64xf32, #tpu.memory_space<vmem>> -> memref<64xf32, #tpu.memory_space<vmem>>
    %dma_start3A_1294 = arith.constant 0 : i32
    %dma_start3A_1295 = tpu.memref_slice %arg6[%squeeze3A_1274, %dma_start3A_1294] : memref<1000000x64xf32, #tpu.memory_space<hbm>> -> memref<1x64xf32, #tpu.memory_space<hbm>>
    %dma_start3A_1296 = tpu.memref_squeeze %dma_start3A_1295 : memref<1x64xf32, #tpu.memory_space<hbm>> -> memref<64xf32, #tpu.memory_space<hbm>>
    %dma_start3A_1297 = arith.constant 0 : i32
    %dma_start3A_1298 = tpu.memref_slice %arg14[%dma_start3A_1290, %dma_start3A_1297] : memref<16x64xf32, #tpu.memory_space<vmem>> -> memref<1x64xf32, #tpu.memory_space<vmem>>
    %dma_start3A_1299 = tpu.memref_squeeze %dma_start3A_1298 : memref<1x64xf32, #tpu.memory_space<vmem>> -> memref<64xf32, #tpu.memory_space<vmem>>
    %dma_start3A_1300 = arith.constant 0 : i32
    %dma_start3A_1301 = tpu.memref_slice %arg6[%squeeze3A_1274, %dma_start3A_1300] : memref<1000000x64xf32, #tpu.memory_space<hbm>> -> memref<1x64xf32, #tpu.memory_space<hbm>>
    %dma_start3A_1302 = tpu.memref_squeeze %dma_start3A_1301 : memref<1x64xf32, #tpu.memory_space<hbm>> -> memref<64xf32, #tpu.memory_space<hbm>>
    tpu.enqueue_dma source(%dma_start3A_1302 : memref<64xf32, #tpu.memory_space<hbm>>) target(%dma_start3A_1299 : memref<64xf32, #tpu.memory_space<vmem>>) target_semaphore(%arg19 : memref<!tpu.dma_semaphore, #tpu.memory_space<semaphore_mem>>)
    %dma_start3A_1303 = arith.constant 12 : i32
    %dma_start3A_1304 = arith.constant 0 : i32
    %dma_start3A_1305 = tpu.memref_slice %arg16[%dma_start3A_1303, %dma_start3A_1304] : memref<16x64xf32, #tpu.memory_space<vmem>> -> memref<1x64xf32, #tpu.memory_space<vmem>>
    %dma_start3A_1306 = tpu.memref_squeeze %dma_start3A_1305 : memref<1x64xf32, #tpu.memory_space<vmem>> -> memref<64xf32, #tpu.memory_space<vmem>>
    %dma_start3A_1307 = arith.constant 0 : i32
    %dma_start3A_1308 = tpu.memref_slice %arg6[%squeeze3A_1276, %dma_start3A_1307] : memref<1000000x64xf32, #tpu.memory_space<hbm>> -> memref<1x64xf32, #tpu.memory_space<hbm>>
    %dma_start3A_1309 = tpu.memref_squeeze %dma_start3A_1308 : memref<1x64xf32, #tpu.memory_space<hbm>> -> memref<64xf32, #tpu.memory_space<hbm>>
    %dma_start3A_1310 = arith.constant 0 : i32
    %dma_start3A_1311 = tpu.memref_slice %arg16[%dma_start3A_1303, %dma_start3A_1310] : memref<16x64xf32, #tpu.memory_space<vmem>> -> memref<1x64xf32, #tpu.memory_space<vmem>>
    %dma_start3A_1312 = tpu.memref_squeeze %dma_start3A_1311 : memref<1x64xf32, #tpu.memory_space<vmem>> -> memref<64xf32, #tpu.memory_space<vmem>>
    %dma_start3A_1313 = arith.constant 0 : i32
    %dma_start3A_1314 = tpu.memref_slice %arg6[%squeeze3A_1276, %dma_start3A_1313] : memref<1000000x64xf32, #tpu.memory_space<hbm>> -> memref<1x64xf32, #tpu.memory_space<hbm>>
    %dma_start3A_1315 = tpu.memref_squeeze %dma_start3A_1314 : memref<1x64xf32, #tpu.memory_space<hbm>> -> memref<64xf32, #tpu.memory_space<hbm>>
    tpu.enqueue_dma source(%dma_start3A_1315 : memref<64xf32, #tpu.memory_space<hbm>>) target(%dma_start3A_1312 : memref<64xf32, #tpu.memory_space<vmem>>) target_semaphore(%arg19 : memref<!tpu.dma_semaphore, #tpu.memory_space<semaphore_mem>>)
    %slice3A_1316 = vector.extract_strided_slice %get3A_726 {offsets = [13], sizes = [1], strides = [1]} : vector<16xi32> to vector<1xi32>
    %squeeze3A_1317 = vector.extract %slice3A_1316[0] : i32 from vector<1xi32>
    %slice3A_1318 = vector.extract_strided_slice %get3A_728 {offsets = [13], sizes = [1], strides = [1]} : vector<16xi32> to vector<1xi32>
    %squeeze3A_1319 = vector.extract %slice3A_1318[0] : i32 from vector<1xi32>
    %slice3A_1320 = vector.extract_strided_slice %get3A_730 {offsets = [13], sizes = [1], strides = [1]} : vector<16xi32> to vector<1xi32>
    %squeeze3A_1321 = vector.extract %slice3A_1320[0] : i32 from vector<1xi32>
    %dma_start3A_1322 = arith.constant 13 : i32
    %dma_start3A_1323 = arith.constant 0 : i32
    %dma_start3A_1324 = tpu.memref_slice %arg12[%dma_start3A_1322, %dma_start3A_1323] : memref<16x64xf32, #tpu.memory_space<vmem>> -> memref<1x64xf32, #tpu.memory_space<vmem>>
    %dma_start3A_1325 = tpu.memref_squeeze %dma_start3A_1324 : memref<1x64xf32, #tpu.memory_space<vmem>> -> memref<64xf32, #tpu.memory_space<vmem>>
    %dma_start3A_1326 = arith.constant 0 : i32
    %dma_start3A_1327 = tpu.memref_slice %arg5[%squeeze3A_1317, %dma_start3A_1326] : memref<1000000x64xf32, #tpu.memory_space<hbm>> -> memref<1x64xf32, #tpu.memory_space<hbm>>
    %dma_start3A_1328 = tpu.memref_squeeze %dma_start3A_1327 : memref<1x64xf32, #tpu.memory_space<hbm>> -> memref<64xf32, #tpu.memory_space<hbm>>
    %dma_start3A_1329 = arith.constant 0 : i32
    %dma_start3A_1330 = tpu.memref_slice %arg12[%dma_start3A_1322, %dma_start3A_1329] : memref<16x64xf32, #tpu.memory_space<vmem>> -> memref<1x64xf32, #tpu.memory_space<vmem>>
    %dma_start3A_1331 = tpu.memref_squeeze %dma_start3A_1330 : memref<1x64xf32, #tpu.memory_space<vmem>> -> memref<64xf32, #tpu.memory_space<vmem>>
    %dma_start3A_1332 = arith.constant 0 : i32
    %dma_start3A_1333 = tpu.memref_slice %arg5[%squeeze3A_1317, %dma_start3A_1332] : memref<1000000x64xf32, #tpu.memory_space<hbm>> -> memref<1x64xf32, #tpu.memory_space<hbm>>
    %dma_start3A_1334 = tpu.memref_squeeze %dma_start3A_1333 : memref<1x64xf32, #tpu.memory_space<hbm>> -> memref<64xf32, #tpu.memory_space<hbm>>
    tpu.enqueue_dma source(%dma_start3A_1334 : memref<64xf32, #tpu.memory_space<hbm>>) target(%dma_start3A_1331 : memref<64xf32, #tpu.memory_space<vmem>>) target_semaphore(%arg19 : memref<!tpu.dma_semaphore, #tpu.memory_space<semaphore_mem>>)
    %dma_start3A_1335 = arith.constant 13 : i32
    %dma_start3A_1336 = arith.constant 0 : i32
    %dma_start3A_1337 = tpu.memref_slice %arg14[%dma_start3A_1335, %dma_start3A_1336] : memref<16x64xf32, #tpu.memory_space<vmem>> -> memref<1x64xf32, #tpu.memory_space<vmem>>
    %dma_start3A_1338 = tpu.memref_squeeze %dma_start3A_1337 : memref<1x64xf32, #tpu.memory_space<vmem>> -> memref<64xf32, #tpu.memory_space<vmem>>
    %dma_start3A_1339 = arith.constant 0 : i32
    %dma_start3A_1340 = tpu.memref_slice %arg6[%squeeze3A_1319, %dma_start3A_1339] : memref<1000000x64xf32, #tpu.memory_space<hbm>> -> memref<1x64xf32, #tpu.memory_space<hbm>>
    %dma_start3A_1341 = tpu.memref_squeeze %dma_start3A_1340 : memref<1x64xf32, #tpu.memory_space<hbm>> -> memref<64xf32, #tpu.memory_space<hbm>>
    %dma_start3A_1342 = arith.constant 0 : i32
    %dma_start3A_1343 = tpu.memref_slice %arg14[%dma_start3A_1335, %dma_start3A_1342] : memref<16x64xf32, #tpu.memory_space<vmem>> -> memref<1x64xf32, #tpu.memory_space<vmem>>
    %dma_start3A_1344 = tpu.memref_squeeze %dma_start3A_1343 : memref<1x64xf32, #tpu.memory_space<vmem>> -> memref<64xf32, #tpu.memory_space<vmem>>
    %dma_start3A_1345 = arith.constant 0 : i32
    %dma_start3A_1346 = tpu.memref_slice %arg6[%squeeze3A_1319, %dma_start3A_1345] : memref<1000000x64xf32, #tpu.memory_space<hbm>> -> memref<1x64xf32, #tpu.memory_space<hbm>>
    %dma_start3A_1347 = tpu.memref_squeeze %dma_start3A_1346 : memref<1x64xf32, #tpu.memory_space<hbm>> -> memref<64xf32, #tpu.memory_space<hbm>>
    tpu.enqueue_dma source(%dma_start3A_1347 : memref<64xf32, #tpu.memory_space<hbm>>) target(%dma_start3A_1344 : memref<64xf32, #tpu.memory_space<vmem>>) target_semaphore(%arg19 : memref<!tpu.dma_semaphore, #tpu.memory_space<semaphore_mem>>)
    %dma_start3A_1348 = arith.constant 13 : i32
    %dma_start3A_1349 = arith.constant 0 : i32
    %dma_start3A_1350 = tpu.memref_slice %arg16[%dma_start3A_1348, %dma_start3A_1349] : memref<16x64xf32, #tpu.memory_space<vmem>> -> memref<1x64xf32, #tpu.memory_space<vmem>>
    %dma_start3A_1351 = tpu.memref_squeeze %dma_start3A_1350 : memref<1x64xf32, #tpu.memory_space<vmem>> -> memref<64xf32, #tpu.memory_space<vmem>>
    %dma_start3A_1352 = arith.constant 0 : i32
    %dma_start3A_1353 = tpu.memref_slice %arg6[%squeeze3A_1321, %dma_start3A_1352] : memref<1000000x64xf32, #tpu.memory_space<hbm>> -> memref<1x64xf32, #tpu.memory_space<hbm>>
    %dma_start3A_1354 = tpu.memref_squeeze %dma_start3A_1353 : memref<1x64xf32, #tpu.memory_space<hbm>> -> memref<64xf32, #tpu.memory_space<hbm>>
    %dma_start3A_1355 = arith.constant 0 : i32
    %dma_start3A_1356 = tpu.memref_slice %arg16[%dma_start3A_1348, %dma_start3A_1355] : memref<16x64xf32, #tpu.memory_space<vmem>> -> memref<1x64xf32, #tpu.memory_space<vmem>>
    %dma_start3A_1357 = tpu.memref_squeeze %dma_start3A_1356 : memref<1x64xf32, #tpu.memory_space<vmem>> -> memref<64xf32, #tpu.memory_space<vmem>>
    %dma_start3A_1358 = arith.constant 0 : i32
    %dma_start3A_1359 = tpu.memref_slice %arg6[%squeeze3A_1321, %dma_start3A_1358] : memref<1000000x64xf32, #tpu.memory_space<hbm>> -> memref<1x64xf32, #tpu.memory_space<hbm>>
    %dma_start3A_1360 = tpu.memref_squeeze %dma_start3A_1359 : memref<1x64xf32, #tpu.memory_space<hbm>> -> memref<64xf32, #tpu.memory_space<hbm>>
    tpu.enqueue_dma source(%dma_start3A_1360 : memref<64xf32, #tpu.memory_space<hbm>>) target(%dma_start3A_1357 : memref<64xf32, #tpu.memory_space<vmem>>) target_semaphore(%arg19 : memref<!tpu.dma_semaphore, #tpu.memory_space<semaphore_mem>>)
    %slice3A_1361 = vector.extract_strided_slice %get3A_726 {offsets = [14], sizes = [1], strides = [1]} : vector<16xi32> to vector<1xi32>
    %squeeze3A_1362 = vector.extract %slice3A_1361[0] : i32 from vector<1xi32>
    %slice3A_1363 = vector.extract_strided_slice %get3A_728 {offsets = [14], sizes = [1], strides = [1]} : vector<16xi32> to vector<1xi32>
    %squeeze3A_1364 = vector.extract %slice3A_1363[0] : i32 from vector<1xi32>
    %slice3A_1365 = vector.extract_strided_slice %get3A_730 {offsets = [14], sizes = [1], strides = [1]} : vector<16xi32> to vector<1xi32>
    %squeeze3A_1366 = vector.extract %slice3A_1365[0] : i32 from vector<1xi32>
    %dma_start3A_1367 = arith.constant 14 : i32
    %dma_start3A_1368 = arith.constant 0 : i32
    %dma_start3A_1369 = tpu.memref_slice %arg12[%dma_start3A_1367, %dma_start3A_1368] : memref<16x64xf32, #tpu.memory_space<vmem>> -> memref<1x64xf32, #tpu.memory_space<vmem>>
    %dma_start3A_1370 = tpu.memref_squeeze %dma_start3A_1369 : memref<1x64xf32, #tpu.memory_space<vmem>> -> memref<64xf32, #tpu.memory_space<vmem>>
    %dma_start3A_1371 = arith.constant 0 : i32
    %dma_start3A_1372 = tpu.memref_slice %arg5[%squeeze3A_1362, %dma_start3A_1371] : memref<1000000x64xf32, #tpu.memory_space<hbm>> -> memref<1x64xf32, #tpu.memory_space<hbm>>
    %dma_start3A_1373 = tpu.memref_squeeze %dma_start3A_1372 : memref<1x64xf32, #tpu.memory_space<hbm>> -> memref<64xf32, #tpu.memory_space<hbm>>
    %dma_start3A_1374 = arith.constant 0 : i32
    %dma_start3A_1375 = tpu.memref_slice %arg12[%dma_start3A_1367, %dma_start3A_1374] : memref<16x64xf32, #tpu.memory_space<vmem>> -> memref<1x64xf32, #tpu.memory_space<vmem>>
    %dma_start3A_1376 = tpu.memref_squeeze %dma_start3A_1375 : memref<1x64xf32, #tpu.memory_space<vmem>> -> memref<64xf32, #tpu.memory_space<vmem>>
    %dma_start3A_1377 = arith.constant 0 : i32
    %dma_start3A_1378 = tpu.memref_slice %arg5[%squeeze3A_1362, %dma_start3A_1377] : memref<1000000x64xf32, #tpu.memory_space<hbm>> -> memref<1x64xf32, #tpu.memory_space<hbm>>
    %dma_start3A_1379 = tpu.memref_squeeze %dma_start3A_1378 : memref<1x64xf32, #tpu.memory_space<hbm>> -> memref<64xf32, #tpu.memory_space<hbm>>
    tpu.enqueue_dma source(%dma_start3A_1379 : memref<64xf32, #tpu.memory_space<hbm>>) target(%dma_start3A_1376 : memref<64xf32, #tpu.memory_space<vmem>>) target_semaphore(%arg19 : memref<!tpu.dma_semaphore, #tpu.memory_space<semaphore_mem>>)
    %dma_start3A_1380 = arith.constant 14 : i32
    %dma_start3A_1381 = arith.constant 0 : i32
    %dma_start3A_1382 = tpu.memref_slice %arg14[%dma_start3A_1380, %dma_start3A_1381] : memref<16x64xf32, #tpu.memory_space<vmem>> -> memref<1x64xf32, #tpu.memory_space<vmem>>
    %dma_start3A_1383 = tpu.memref_squeeze %dma_start3A_1382 : memref<1x64xf32, #tpu.memory_space<vmem>> -> memref<64xf32, #tpu.memory_space<vmem>>
    %dma_start3A_1384 = arith.constant 0 : i32
    %dma_start3A_1385 = tpu.memref_slice %arg6[%squeeze3A_1364, %dma_start3A_1384] : memref<1000000x64xf32, #tpu.memory_space<hbm>> -> memref<1x64xf32, #tpu.memory_space<hbm>>
    %dma_start3A_1386 = tpu.memref_squeeze %dma_start3A_1385 : memref<1x64xf32, #tpu.memory_space<hbm>> -> memref<64xf32, #tpu.memory_space<hbm>>
    %dma_start3A_1387 = arith.constant 0 : i32
    %dma_start3A_1388 = tpu.memref_slice %arg14[%dma_start3A_1380, %dma_start3A_1387] : memref<16x64xf32, #tpu.memory_space<vmem>> -> memref<1x64xf32, #tpu.memory_space<vmem>>
    %dma_start3A_1389 = tpu.memref_squeeze %dma_start3A_1388 : memref<1x64xf32, #tpu.memory_space<vmem>> -> memref<64xf32, #tpu.memory_space<vmem>>
    %dma_start3A_1390 = arith.constant 0 : i32
    %dma_start3A_1391 = tpu.memref_slice %arg6[%squeeze3A_1364, %dma_start3A_1390] : memref<1000000x64xf32, #tpu.memory_space<hbm>> -> memref<1x64xf32, #tpu.memory_space<hbm>>
    %dma_start3A_1392 = tpu.memref_squeeze %dma_start3A_1391 : memref<1x64xf32, #tpu.memory_space<hbm>> -> memref<64xf32, #tpu.memory_space<hbm>>
    tpu.enqueue_dma source(%dma_start3A_1392 : memref<64xf32, #tpu.memory_space<hbm>>) target(%dma_start3A_1389 : memref<64xf32, #tpu.memory_space<vmem>>) target_semaphore(%arg19 : memref<!tpu.dma_semaphore, #tpu.memory_space<semaphore_mem>>)
    %dma_start3A_1393 = arith.constant 14 : i32
    %dma_start3A_1394 = arith.constant 0 : i32
    %dma_start3A_1395 = tpu.memref_slice %arg16[%dma_start3A_1393, %dma_start3A_1394] : memref<16x64xf32, #tpu.memory_space<vmem>> -> memref<1x64xf32, #tpu.memory_space<vmem>>
    %dma_start3A_1396 = tpu.memref_squeeze %dma_start3A_1395 : memref<1x64xf32, #tpu.memory_space<vmem>> -> memref<64xf32, #tpu.memory_space<vmem>>
    %dma_start3A_1397 = arith.constant 0 : i32
    %dma_start3A_1398 = tpu.memref_slice %arg6[%squeeze3A_1366, %dma_start3A_1397] : memref<1000000x64xf32, #tpu.memory_space<hbm>> -> memref<1x64xf32, #tpu.memory_space<hbm>>
    %dma_start3A_1399 = tpu.memref_squeeze %dma_start3A_1398 : memref<1x64xf32, #tpu.memory_space<hbm>> -> memref<64xf32, #tpu.memory_space<hbm>>
    %dma_start3A_1400 = arith.constant 0 : i32
    %dma_start3A_1401 = tpu.memref_slice %arg16[%dma_start3A_1393, %dma_start3A_1400] : memref<16x64xf32, #tpu.memory_space<vmem>> -> memref<1x64xf32, #tpu.memory_space<vmem>>
    %dma_start3A_1402 = tpu.memref_squeeze %dma_start3A_1401 : memref<1x64xf32, #tpu.memory_space<vmem>> -> memref<64xf32, #tpu.memory_space<vmem>>
    %dma_start3A_1403 = arith.constant 0 : i32
    %dma_start3A_1404 = tpu.memref_slice %arg6[%squeeze3A_1366, %dma_start3A_1403] : memref<1000000x64xf32, #tpu.memory_space<hbm>> -> memref<1x64xf32, #tpu.memory_space<hbm>>
    %dma_start3A_1405 = tpu.memref_squeeze %dma_start3A_1404 : memref<1x64xf32, #tpu.memory_space<hbm>> -> memref<64xf32, #tpu.memory_space<hbm>>
    tpu.enqueue_dma source(%dma_start3A_1405 : memref<64xf32, #tpu.memory_space<hbm>>) target(%dma_start3A_1402 : memref<64xf32, #tpu.memory_space<vmem>>) target_semaphore(%arg19 : memref<!tpu.dma_semaphore, #tpu.memory_space<semaphore_mem>>)
    %slice3A_1406 = vector.extract_strided_slice %get3A_726 {offsets = [15], sizes = [1], strides = [1]} : vector<16xi32> to vector<1xi32>
    %squeeze3A_1407 = vector.extract %slice3A_1406[0] : i32 from vector<1xi32>
    %slice3A_1408 = vector.extract_strided_slice %get3A_728 {offsets = [15], sizes = [1], strides = [1]} : vector<16xi32> to vector<1xi32>
    %squeeze3A_1409 = vector.extract %slice3A_1408[0] : i32 from vector<1xi32>
    %slice3A_1410 = vector.extract_strided_slice %get3A_730 {offsets = [15], sizes = [1], strides = [1]} : vector<16xi32> to vector<1xi32>
    %squeeze3A_1411 = vector.extract %slice3A_1410[0] : i32 from vector<1xi32>
    %dma_start3A_1412 = arith.constant 15 : i32
    %dma_start3A_1413 = arith.constant 0 : i32
    %dma_start3A_1414 = tpu.memref_slice %arg12[%dma_start3A_1412, %dma_start3A_1413] : memref<16x64xf32, #tpu.memory_space<vmem>> -> memref<1x64xf32, #tpu.memory_space<vmem>>
    %dma_start3A_1415 = tpu.memref_squeeze %dma_start3A_1414 : memref<1x64xf32, #tpu.memory_space<vmem>> -> memref<64xf32, #tpu.memory_space<vmem>>
    %dma_start3A_1416 = arith.constant 0 : i32
    %dma_start3A_1417 = tpu.memref_slice %arg5[%squeeze3A_1407, %dma_start3A_1416] : memref<1000000x64xf32, #tpu.memory_space<hbm>> -> memref<1x64xf32, #tpu.memory_space<hbm>>
    %dma_start3A_1418 = tpu.memref_squeeze %dma_start3A_1417 : memref<1x64xf32, #tpu.memory_space<hbm>> -> memref<64xf32, #tpu.memory_space<hbm>>
    %dma_start3A_1419 = arith.constant 0 : i32
    %dma_start3A_1420 = tpu.memref_slice %arg12[%dma_start3A_1412, %dma_start3A_1419] : memref<16x64xf32, #tpu.memory_space<vmem>> -> memref<1x64xf32, #tpu.memory_space<vmem>>
    %dma_start3A_1421 = tpu.memref_squeeze %dma_start3A_1420 : memref<1x64xf32, #tpu.memory_space<vmem>> -> memref<64xf32, #tpu.memory_space<vmem>>
    %dma_start3A_1422 = arith.constant 0 : i32
    %dma_start3A_1423 = tpu.memref_slice %arg5[%squeeze3A_1407, %dma_start3A_1422] : memref<1000000x64xf32, #tpu.memory_space<hbm>> -> memref<1x64xf32, #tpu.memory_space<hbm>>
    %dma_start3A_1424 = tpu.memref_squeeze %dma_start3A_1423 : memref<1x64xf32, #tpu.memory_space<hbm>> -> memref<64xf32, #tpu.memory_space<hbm>>
    tpu.enqueue_dma source(%dma_start3A_1424 : memref<64xf32, #tpu.memory_space<hbm>>) target(%dma_start3A_1421 : memref<64xf32, #tpu.memory_space<vmem>>) target_semaphore(%arg19 : memref<!tpu.dma_semaphore, #tpu.memory_space<semaphore_mem>>)
    %dma_start3A_1425 = arith.constant 15 : i32
    %dma_start3A_1426 = arith.constant 0 : i32
    %dma_start3A_1427 = tpu.memref_slice %arg14[%dma_start3A_1425, %dma_start3A_1426] : memref<16x64xf32, #tpu.memory_space<vmem>> -> memref<1x64xf32, #tpu.memory_space<vmem>>
    %dma_start3A_1428 = tpu.memref_squeeze %dma_start3A_1427 : memref<1x64xf32, #tpu.memory_space<vmem>> -> memref<64xf32, #tpu.memory_space<vmem>>
    %dma_start3A_1429 = arith.constant 0 : i32
    %dma_start3A_1430 = tpu.memref_slice %arg6[%squeeze3A_1409, %dma_start3A_1429] : memref<1000000x64xf32, #tpu.memory_space<hbm>> -> memref<1x64xf32, #tpu.memory_space<hbm>>
    %dma_start3A_1431 = tpu.memref_squeeze %dma_start3A_1430 : memref<1x64xf32, #tpu.memory_space<hbm>> -> memref<64xf32, #tpu.memory_space<hbm>>
    %dma_start3A_1432 = arith.constant 0 : i32
    %dma_start3A_1433 = tpu.memref_slice %arg14[%dma_start3A_1425, %dma_start3A_1432] : memref<16x64xf32, #tpu.memory_space<vmem>> -> memref<1x64xf32, #tpu.memory_space<vmem>>
    %dma_start3A_1434 = tpu.memref_squeeze %dma_start3A_1433 : memref<1x64xf32, #tpu.memory_space<vmem>> -> memref<64xf32, #tpu.memory_space<vmem>>
    %dma_start3A_1435 = arith.constant 0 : i32
    %dma_start3A_1436 = tpu.memref_slice %arg6[%squeeze3A_1409, %dma_start3A_1435] : memref<1000000x64xf32, #tpu.memory_space<hbm>> -> memref<1x64xf32, #tpu.memory_space<hbm>>
    %dma_start3A_1437 = tpu.memref_squeeze %dma_start3A_1436 : memref<1x64xf32, #tpu.memory_space<hbm>> -> memref<64xf32, #tpu.memory_space<hbm>>
    tpu.enqueue_dma source(%dma_start3A_1437 : memref<64xf32, #tpu.memory_space<hbm>>) target(%dma_start3A_1434 : memref<64xf32, #tpu.memory_space<vmem>>) target_semaphore(%arg19 : memref<!tpu.dma_semaphore, #tpu.memory_space<semaphore_mem>>)
    %dma_start3A_1438 = arith.constant 15 : i32
    %dma_start3A_1439 = arith.constant 0 : i32
    %dma_start3A_1440 = tpu.memref_slice %arg16[%dma_start3A_1438, %dma_start3A_1439] : memref<16x64xf32, #tpu.memory_space<vmem>> -> memref<1x64xf32, #tpu.memory_space<vmem>>
    %dma_start3A_1441 = tpu.memref_squeeze %dma_start3A_1440 : memref<1x64xf32, #tpu.memory_space<vmem>> -> memref<64xf32, #tpu.memory_space<vmem>>
    %dma_start3A_1442 = arith.constant 0 : i32
    %dma_start3A_1443 = tpu.memref_slice %arg6[%squeeze3A_1411, %dma_start3A_1442] : memref<1000000x64xf32, #tpu.memory_space<hbm>> -> memref<1x64xf32, #tpu.memory_space<hbm>>
    %dma_start3A_1444 = tpu.memref_squeeze %dma_start3A_1443 : memref<1x64xf32, #tpu.memory_space<hbm>> -> memref<64xf32, #tpu.memory_space<hbm>>
    %dma_start3A_1445 = arith.constant 0 : i32
    %dma_start3A_1446 = tpu.memref_slice %arg16[%dma_start3A_1438, %dma_start3A_1445] : memref<16x64xf32, #tpu.memory_space<vmem>> -> memref<1x64xf32, #tpu.memory_space<vmem>>
    %dma_start3A_1447 = tpu.memref_squeeze %dma_start3A_1446 : memref<1x64xf32, #tpu.memory_space<vmem>> -> memref<64xf32, #tpu.memory_space<vmem>>
    %dma_start3A_1448 = arith.constant 0 : i32
    %dma_start3A_1449 = tpu.memref_slice %arg6[%squeeze3A_1411, %dma_start3A_1448] : memref<1000000x64xf32, #tpu.memory_space<hbm>> -> memref<1x64xf32, #tpu.memory_space<hbm>>
    %dma_start3A_1450 = tpu.memref_squeeze %dma_start3A_1449 : memref<1x64xf32, #tpu.memory_space<hbm>> -> memref<64xf32, #tpu.memory_space<hbm>>
    tpu.enqueue_dma source(%dma_start3A_1450 : memref<64xf32, #tpu.memory_space<hbm>>) target(%dma_start3A_1447 : memref<64xf32, #tpu.memory_space<vmem>>) target_semaphore(%arg19 : memref<!tpu.dma_semaphore, #tpu.memory_space<semaphore_mem>>)
    %scan3A = arith.constant 0 : i32
    %scan3A_1451 = arith.constant 0 : i32
    %scan3A_1452 = arith.constant 16 : i32
    %scan3A_1453 = arith.addi %scan3A_1451, %scan3A_1452 : i32
    %scan3A_1454 = arith.constant 1 : i32
    scf.for %scan3A_1456 = %scan3A_1451 to %scan3A_1453 step %scan3A_1454  : i32 {
      %mul3A_1457 = arith.constant 2 : i32
      %mul3A_1458 = arith.muli %scan3A_1456, %mul3A_1457 : i32
      %dma_wait3A = arith.constant 0 : i32
      %dma_wait3A_1459 = arith.constant 0 : i32
      %dma_wait3A_1460 = tpu.memref_slice %arg5[%dma_wait3A, %dma_wait3A_1459] : memref<1000000x64xf32, #tpu.memory_space<hbm>> -> memref<16x64xf32, #tpu.memory_space<hbm>>
      %dma_wait3A_1461 = arith.constant 0 : i32
      %dma_wait3A_1462 = arith.constant 0 : i32
      %dma_wait3A_1463 = tpu.memref_slice %arg5[%dma_wait3A_1461, %dma_wait3A_1462] : memref<1000000x64xf32, #tpu.memory_space<hbm>> -> memref<16x64xf32, #tpu.memory_space<hbm>>
      tpu.wait_dma2 semaphore(%arg18 : memref<!tpu.dma_semaphore, #tpu.memory_space<semaphore_mem>>) src(%dma_wait3A_1463 : memref<16x64xf32, #tpu.memory_space<hbm>>) dst(%arg11 : memref<16x64xf32, #tpu.memory_space<vmem>>)
      %dma_wait3A_1464 = arith.constant 0 : i32
      %dma_wait3A_1465 = arith.constant 0 : i32
      %dma_wait3A_1466 = tpu.memref_slice %arg5[%dma_wait3A_1464, %dma_wait3A_1465] : memref<1000000x64xf32, #tpu.memory_space<hbm>> -> memref<16x64xf32, #tpu.memory_space<hbm>>
      %dma_wait3A_1467 = arith.constant 0 : i32
      %dma_wait3A_1468 = arith.constant 0 : i32
      %dma_wait3A_1469 = tpu.memref_slice %arg5[%dma_wait3A_1467, %dma_wait3A_1468] : memref<1000000x64xf32, #tpu.memory_space<hbm>> -> memref<16x64xf32, #tpu.memory_space<hbm>>
      tpu.wait_dma2 semaphore(%arg18 : memref<!tpu.dma_semaphore, #tpu.memory_space<semaphore_mem>>) src(%dma_wait3A_1469 : memref<16x64xf32, #tpu.memory_space<hbm>>) dst(%arg13 : memref<16x64xf32, #tpu.memory_space<vmem>>)
      %dma_wait3A_1470 = arith.constant 0 : i32
      %dma_wait3A_1471 = arith.constant 0 : i32
      %dma_wait3A_1472 = tpu.memref_slice %arg5[%dma_wait3A_1470, %dma_wait3A_1471] : memref<1000000x64xf32, #tpu.memory_space<hbm>> -> memref<16x64xf32, #tpu.memory_space<hbm>>
      %dma_wait3A_1473 = arith.constant 0 : i32
      %dma_wait3A_1474 = arith.constant 0 : i32
      %dma_wait3A_1475 = tpu.memref_slice %arg5[%dma_wait3A_1473, %dma_wait3A_1474] : memref<1000000x64xf32, #tpu.memory_space<hbm>> -> memref<16x64xf32, #tpu.memory_space<hbm>>
      tpu.wait_dma2 semaphore(%arg18 : memref<!tpu.dma_semaphore, #tpu.memory_space<semaphore_mem>>) src(%dma_wait3A_1475 : memref<16x64xf32, #tpu.memory_space<hbm>>) dst(%arg15 : memref<16x64xf32, #tpu.memory_space<vmem>>)
      %broadcast_in_dim3A = arith.constant 0.000000e+00 : f32
      %broadcast_in_dim3A_1476 = vector.broadcast %broadcast_in_dim3A : f32 to vector<16xf32>
      %scan3A_1477 = arith.constant 0 : i32
      %scan3A_1478 = arith.constant 64 : i32
      %scan3A_1479 = arith.addi %scan3A_1477, %scan3A_1478 : i32
      %scan3A_1480 = arith.constant 8 : i32
      %scan3A_1481 = scf.for %scan3A_1525 = %scan3A_1477 to %scan3A_1479 step %scan3A_1480 iter_args(%scan3A_1526 = %broadcast_in_dim3A_1476) -> (vector<16xf32>)  : i32 {
        %broadcast_in_dim3A_1527 = vector.broadcast %scan3A_1525 : i32 to vector<16xi32>
        %gather3A = tpu.vector_load_idx %arg11[%iota3A, %broadcast_in_dim3A_1527] : memref<16x64xf32, #tpu.memory_space<vmem>>[vector<16xi32>, vector<16xi32>], vector<16xf32>,
        %gather3A_1528 = tpu.vector_load_idx %arg13[%iota3A, %broadcast_in_dim3A_1527] : memref<16x64xf32, #tpu.memory_space<vmem>>[vector<16xi32>, vector<16xi32>], vector<16xf32>,
        %gather3A_1529 = tpu.vector_load_idx %arg15[%iota3A, %broadcast_in_dim3A_1527] : memref<16x64xf32, #tpu.memory_space<vmem>>[vector<16xi32>, vector<16xi32>], vector<16xf32>,
        %sub3A = arith.subf %gather3A_1528, %gather3A_1529 : vector<16xf32>
        %mul3A_1530 = arith.mulf %gather3A, %sub3A : vector<16xf32>
        %add3A_1531 = arith.addf %scan3A_1526, %mul3A_1530 : vector<16xf32>
        %scan3A_1532 = arith.constant 1 : i32
        %scan3A_1533 = arith.addi %scan3A_1525, %scan3A_1532 : i32
        %broadcast_in_dim3A_1534 = vector.broadcast %scan3A_1533 : i32 to vector<16xi32>
        %gather3A_1535 = tpu.vector_load_idx %arg11[%iota3A, %broadcast_in_dim3A_1534] : memref<16x64xf32, #tpu.memory_space<vmem>>[vector<16xi32>, vector<16xi32>], vector<16xf32>,
        %gather3A_1536 = tpu.vector_load_idx %arg13[%iota3A, %broadcast_in_dim3A_1534] : memref<16x64xf32, #tpu.memory_space<vmem>>[vector<16xi32>, vector<16xi32>], vector<16xf32>,
        %gather3A_1537 = tpu.vector_load_idx %arg15[%iota3A, %broadcast_in_dim3A_1534] : memref<16x64xf32, #tpu.memory_space<vmem>>[vector<16xi32>, vector<16xi32>], vector<16xf32>,
        %sub3A_1538 = arith.subf %gather3A_1536, %gather3A_1537 : vector<16xf32>
        %mul3A_1539 = arith.mulf %gather3A_1535, %sub3A_1538 : vector<16xf32>
        %add3A_1540 = arith.addf %add3A_1531, %mul3A_1539 : vector<16xf32>
        %scan3A_1541 = arith.constant 2 : i32
        %scan3A_1542 = arith.addi %scan3A_1525, %scan3A_1541 : i32
        %broadcast_in_dim3A_1543 = vector.broadcast %scan3A_1542 : i32 to vector<16xi32>
        %gather3A_1544 = tpu.vector_load_idx %arg11[%iota3A, %broadcast_in_dim3A_1543] : memref<16x64xf32, #tpu.memory_space<vmem>>[vector<16xi32>, vector<16xi32>], vector<16xf32>,
        %gather3A_1545 = tpu.vector_load_idx %arg13[%iota3A, %broadcast_in_dim3A_1543] : memref<16x64xf32, #tpu.memory_space<vmem>>[vector<16xi32>, vector<16xi32>], vector<16xf32>,
        %gather3A_1546 = tpu.vector_load_idx %arg15[%iota3A, %broadcast_in_dim3A_1543] : memref<16x64xf32, #tpu.memory_space<vmem>>[vector<16xi32>, vector<16xi32>], vector<16xf32>,
        %sub3A_1547 = arith.subf %gather3A_1545, %gather3A_1546 : vector<16xf32>
        %mul3A_1548 = arith.mulf %gather3A_1544, %sub3A_1547 : vector<16xf32>
        %add3A_1549 = arith.addf %add3A_1540, %mul3A_1548 : vector<16xf32>
        %scan3A_1550 = arith.constant 3 : i32
        %scan3A_1551 = arith.addi %scan3A_1525, %scan3A_1550 : i32
        %broadcast_in_dim3A_1552 = vector.broadcast %scan3A_1551 : i32 to vector<16xi32>
        %gather3A_1553 = tpu.vector_load_idx %arg11[%iota3A, %broadcast_in_dim3A_1552] : memref<16x64xf32, #tpu.memory_space<vmem>>[vector<16xi32>, vector<16xi32>], vector<16xf32>,
        %gather3A_1554 = tpu.vector_load_idx %arg13[%iota3A, %broadcast_in_dim3A_1552] : memref<16x64xf32, #tpu.memory_space<vmem>>[vector<16xi32>, vector<16xi32>], vector<16xf32>,
        %gather3A_1555 = tpu.vector_load_idx %arg15[%iota3A, %broadcast_in_dim3A_1552] : memref<16x64xf32, #tpu.memory_space<vmem>>[vector<16xi32>, vector<16xi32>], vector<16xf32>,
        %sub3A_1556 = arith.subf %gather3A_1554, %gather3A_1555 : vector<16xf32>
        %mul3A_1557 = arith.mulf %gather3A_1553, %sub3A_1556 : vector<16xf32>
        %add3A_1558 = arith.addf %add3A_1549, %mul3A_1557 : vector<16xf32>
        %scan3A_1559 = arith.constant 4 : i32
        %scan3A_1560 = arith.addi %scan3A_1525, %scan3A_1559 : i32
        %broadcast_in_dim3A_1561 = vector.broadcast %scan3A_1560 : i32 to vector<16xi32>
        %gather3A_1562 = tpu.vector_load_idx %arg11[%iota3A, %broadcast_in_dim3A_1561] : memref<16x64xf32, #tpu.memory_space<vmem>>[vector<16xi32>, vector<16xi32>], vector<16xf32>,
        %gather3A_1563 = tpu.vector_load_idx %arg13[%iota3A, %broadcast_in_dim3A_1561] : memref<16x64xf32, #tpu.memory_space<vmem>>[vector<16xi32>, vector<16xi32>], vector<16xf32>,
        %gather3A_1564 = tpu.vector_load_idx %arg15[%iota3A, %broadcast_in_dim3A_1561] : memref<16x64xf32, #tpu.memory_space<vmem>>[vector<16xi32>, vector<16xi32>], vector<16xf32>,
        %sub3A_1565 = arith.subf %gather3A_1563, %gather3A_1564 : vector<16xf32>
        %mul3A_1566 = arith.mulf %gather3A_1562, %sub3A_1565 : vector<16xf32>
        %add3A_1567 = arith.addf %add3A_1558, %mul3A_1566 : vector<16xf32>
        %scan3A_1568 = arith.constant 5 : i32
        %scan3A_1569 = arith.addi %scan3A_1525, %scan3A_1568 : i32
        %broadcast_in_dim3A_1570 = vector.broadcast %scan3A_1569 : i32 to vector<16xi32>
        %gather3A_1571 = tpu.vector_load_idx %arg11[%iota3A, %broadcast_in_dim3A_1570] : memref<16x64xf32, #tpu.memory_space<vmem>>[vector<16xi32>, vector<16xi32>], vector<16xf32>,
        %gather3A_1572 = tpu.vector_load_idx %arg13[%iota3A, %broadcast_in_dim3A_1570] : memref<16x64xf32, #tpu.memory_space<vmem>>[vector<16xi32>, vector<16xi32>], vector<16xf32>,
        %gather3A_1573 = tpu.vector_load_idx %arg15[%iota3A, %broadcast_in_dim3A_1570] : memref<16x64xf32, #tpu.memory_space<vmem>>[vector<16xi32>, vector<16xi32>], vector<16xf32>,
        %sub3A_1574 = arith.subf %gather3A_1572, %gather3A_1573 : vector<16xf32>
        %mul3A_1575 = arith.mulf %gather3A_1571, %sub3A_1574 : vector<16xf32>
        %add3A_1576 = arith.addf %add3A_1567, %mul3A_1575 : vector<16xf32>
        %scan3A_1577 = arith.constant 6 : i32
        %scan3A_1578 = arith.addi %scan3A_1525, %scan3A_1577 : i32
        %broadcast_in_dim3A_1579 = vector.broadcast %scan3A_1578 : i32 to vector<16xi32>
        %gather3A_1580 = tpu.vector_load_idx %arg11[%iota3A, %broadcast_in_dim3A_1579] : memref<16x64xf32, #tpu.memory_space<vmem>>[vector<16xi32>, vector<16xi32>], vector<16xf32>,
        %gather3A_1581 = tpu.vector_load_idx %arg13[%iota3A, %broadcast_in_dim3A_1579] : memref<16x64xf32, #tpu.memory_space<vmem>>[vector<16xi32>, vector<16xi32>], vector<16xf32>,
        %gather3A_1582 = tpu.vector_load_idx %arg15[%iota3A, %broadcast_in_dim3A_1579] : memref<16x64xf32, #tpu.memory_space<vmem>>[vector<16xi32>, vector<16xi32>], vector<16xf32>,
        %sub3A_1583 = arith.subf %gather3A_1581, %gather3A_1582 : vector<16xf32>
        %mul3A_1584 = arith.mulf %gather3A_1580, %sub3A_1583 : vector<16xf32>
        %add3A_1585 = arith.addf %add3A_1576, %mul3A_1584 : vector<16xf32>
        %scan3A_1586 = arith.constant 7 : i32
        %scan3A_1587 = arith.addi %scan3A_1525, %scan3A_1586 : i32
        %broadcast_in_dim3A_1588 = vector.broadcast %scan3A_1587 : i32 to vector<16xi32>
        %gather3A_1589 = tpu.vector_load_idx %arg11[%iota3A, %broadcast_in_dim3A_1588] : memref<16x64xf32, #tpu.memory_space<vmem>>[vector<16xi32>, vector<16xi32>], vector<16xf32>,
        %gather3A_1590 = tpu.vector_load_idx %arg13[%iota3A, %broadcast_in_dim3A_1588] : memref<16x64xf32, #tpu.memory_space<vmem>>[vector<16xi32>, vector<16xi32>], vector<16xf32>,
        %gather3A_1591 = tpu.vector_load_idx %arg15[%iota3A, %broadcast_in_dim3A_1588] : memref<16x64xf32, #tpu.memory_space<vmem>>[vector<16xi32>, vector<16xi32>], vector<16xf32>,
        %sub3A_1592 = arith.subf %gather3A_1590, %gather3A_1591 : vector<16xf32>
        %mul3A_1593 = arith.mulf %gather3A_1589, %sub3A_1592 : vector<16xf32>
        %add3A_1594 = arith.addf %add3A_1585, %mul3A_1593 : vector<16xf32>
        scf.yield %add3A_1594 : vector<16xf32>
      }
      %scan3A_1482 = arith.constant 64 : i32
      %mul3A_1483 = arith.constant 16 : i32
      %mul3A_1484 = arith.muli %mul3A_1458, %mul3A_1483 : i32
      %swap3A = arith.index_cast %mul3A_1484 : i32 to index
      %swap3A_1485 = tpu.vector_load %arg17[%swap3A] {strides = array<i32>} : memref<512xf32, #tpu.memory_space<vmem>>, vector<16xf32>,
      tpu.vector_store %arg17[%swap3A], %scan3A_1481 {strides = array<i32>} : memref<512xf32, #tpu.memory_space<vmem>>, vector<16xf32>,
      %lt3A = arith.constant 15 : i32
      %lt3A_1486 = arith.cmpi slt, %scan3A_1456, %lt3A : i32
      %convert_element_type3A = arith.extui %lt3A_1486 : i1 to i32
      %cond3A = arith.constant 0 : i32
      %cond3A_1487 = arith.cmpi ne, %convert_element_type3A, %cond3A : i32
      scf.if %cond3A_1487 {
        %add3A_1525 = arith.constant 2 : i32
        %add3A_1526 = arith.addi %mul3A_1458, %add3A_1525 : i32
        %mul3A_1527 = arith.constant 16 : i32
        %mul3A_1528 = arith.muli %add3A_1526, %mul3A_1527 : i32
        %get3A_1529 = arith.index_cast %mul3A_1528 : i32 to index
        %get3A_1530 = tpu.vector_load %arg8[%get3A_1529] {strides = array<i32>} : memref<512xi32, #tpu.memory_space<vmem>>, vector<16xi32>,
        %get3A_1531 = arith.index_cast %mul3A_1528 : i32 to index
        %get3A_1532 = tpu.vector_load %arg9[%get3A_1531] {strides = array<i32>} : memref<512xi32, #tpu.memory_space<vmem>>, vector<16xi32>,
        %get3A_1533 = arith.index_cast %mul3A_1528 : i32 to index
        %get3A_1534 = tpu.vector_load %arg10[%get3A_1533] {strides = array<i32>} : memref<512xi32, #tpu.memory_space<vmem>>, vector<16xi32>,
        %slice3A_1535 = vector.extract_strided_slice %get3A_1530 {offsets = [0], sizes = [1], strides = [1]} : vector<16xi32> to vector<1xi32>
        %squeeze3A_1536 = vector.extract %slice3A_1535[0] : i32 from vector<1xi32>
        %slice3A_1537 = vector.extract_strided_slice %get3A_1532 {offsets = [0], sizes = [1], strides = [1]} : vector<16xi32> to vector<1xi32>
        %squeeze3A_1538 = vector.extract %slice3A_1537[0] : i32 from vector<1xi32>
        %slice3A_1539 = vector.extract_strided_slice %get3A_1534 {offsets = [0], sizes = [1], strides = [1]} : vector<16xi32> to vector<1xi32>
        %squeeze3A_1540 = vector.extract %slice3A_1539[0] : i32 from vector<1xi32>
        %dma_start3A_1541 = arith.constant 0 : i32
        %dma_start3A_1542 = arith.constant 0 : i32
        %dma_start3A_1543 = tpu.memref_slice %arg11[%dma_start3A_1541, %dma_start3A_1542] : memref<16x64xf32, #tpu.memory_space<vmem>> -> memref<1x64xf32, #tpu.memory_space<vmem>>
        %dma_start3A_1544 = tpu.memref_squeeze %dma_start3A_1543 : memref<1x64xf32, #tpu.memory_space<vmem>> -> memref<64xf32, #tpu.memory_space<vmem>>
        %dma_start3A_1545 = arith.constant 0 : i32
        %dma_start3A_1546 = tpu.memref_slice %arg5[%squeeze3A_1536, %dma_start3A_1545] : memref<1000000x64xf32, #tpu.memory_space<hbm>> -> memref<1x64xf32, #tpu.memory_space<hbm>>
        %dma_start3A_1547 = tpu.memref_squeeze %dma_start3A_1546 : memref<1x64xf32, #tpu.memory_space<hbm>> -> memref<64xf32, #tpu.memory_space<hbm>>
        %dma_start3A_1548 = arith.constant 0 : i32
        %dma_start3A_1549 = tpu.memref_slice %arg11[%dma_start3A_1541, %dma_start3A_1548] : memref<16x64xf32, #tpu.memory_space<vmem>> -> memref<1x64xf32, #tpu.memory_space<vmem>>
        %dma_start3A_1550 = tpu.memref_squeeze %dma_start3A_1549 : memref<1x64xf32, #tpu.memory_space<vmem>> -> memref<64xf32, #tpu.memory_space<vmem>>
        %dma_start3A_1551 = arith.constant 0 : i32
        %dma_start3A_1552 = tpu.memref_slice %arg5[%squeeze3A_1536, %dma_start3A_1551] : memref<1000000x64xf32, #tpu.memory_space<hbm>> -> memref<1x64xf32, #tpu.memory_space<hbm>>
        %dma_start3A_1553 = tpu.memref_squeeze %dma_start3A_1552 : memref<1x64xf32, #tpu.memory_space<hbm>> -> memref<64xf32, #tpu.memory_space<hbm>>
        tpu.enqueue_dma source(%dma_start3A_1553 : memref<64xf32, #tpu.memory_space<hbm>>) target(%dma_start3A_1550 : memref<64xf32, #tpu.memory_space<vmem>>) target_semaphore(%arg18 : memref<!tpu.dma_semaphore, #tpu.memory_space<semaphore_mem>>)
        %dma_start3A_1554 = arith.constant 0 : i32
        %dma_start3A_1555 = arith.constant 0 : i32
        %dma_start3A_1556 = tpu.memref_slice %arg13[%dma_start3A_1554, %dma_start3A_1555] : memref<16x64xf32, #tpu.memory_space<vmem>> -> memref<1x64xf32, #tpu.memory_space<vmem>>
        %dma_start3A_1557 = tpu.memref_squeeze %dma_start3A_1556 : memref<1x64xf32, #tpu.memory_space<vmem>> -> memref<64xf32, #tpu.memory_space<vmem>>
        %dma_start3A_1558 = arith.constant 0 : i32
        %dma_start3A_1559 = tpu.memref_slice %arg6[%squeeze3A_1538, %dma_start3A_1558] : memref<1000000x64xf32, #tpu.memory_space<hbm>> -> memref<1x64xf32, #tpu.memory_space<hbm>>
        %dma_start3A_1560 = tpu.memref_squeeze %dma_start3A_1559 : memref<1x64xf32, #tpu.memory_space<hbm>> -> memref<64xf32, #tpu.memory_space<hbm>>
        %dma_start3A_1561 = arith.constant 0 : i32
        %dma_start3A_1562 = tpu.memref_slice %arg13[%dma_start3A_1554, %dma_start3A_1561] : memref<16x64xf32, #tpu.memory_space<vmem>> -> memref<1x64xf32, #tpu.memory_space<vmem>>
        %dma_start3A_1563 = tpu.memref_squeeze %dma_start3A_1562 : memref<1x64xf32, #tpu.memory_space<vmem>> -> memref<64xf32, #tpu.memory_space<vmem>>
        %dma_start3A_1564 = arith.constant 0 : i32
        %dma_start3A_1565 = tpu.memref_slice %arg6[%squeeze3A_1538, %dma_start3A_1564] : memref<1000000x64xf32, #tpu.memory_space<hbm>> -> memref<1x64xf32, #tpu.memory_space<hbm>>
        %dma_start3A_1566 = tpu.memref_squeeze %dma_start3A_1565 : memref<1x64xf32, #tpu.memory_space<hbm>> -> memref<64xf32, #tpu.memory_space<hbm>>
        tpu.enqueue_dma source(%dma_start3A_1566 : memref<64xf32, #tpu.memory_space<hbm>>) target(%dma_start3A_1563 : memref<64xf32, #tpu.memory_space<vmem>>) target_semaphore(%arg18 : memref<!tpu.dma_semaphore, #tpu.memory_space<semaphore_mem>>)
        %dma_start3A_1567 = arith.constant 0 : i32
        %dma_start3A_1568 = arith.constant 0 : i32
        %dma_start3A_1569 = tpu.memref_slice %arg15[%dma_start3A_1567, %dma_start3A_1568] : memref<16x64xf32, #tpu.memory_space<vmem>> -> memref<1x64xf32, #tpu.memory_space<vmem>>
        %dma_start3A_1570 = tpu.memref_squeeze %dma_start3A_1569 : memref<1x64xf32, #tpu.memory_space<vmem>> -> memref<64xf32, #tpu.memory_space<vmem>>
        %dma_start3A_1571 = arith.constant 0 : i32
        %dma_start3A_1572 = tpu.memref_slice %arg6[%squeeze3A_1540, %dma_start3A_1571] : memref<1000000x64xf32, #tpu.memory_space<hbm>> -> memref<1x64xf32, #tpu.memory_space<hbm>>
        %dma_start3A_1573 = tpu.memref_squeeze %dma_start3A_1572 : memref<1x64xf32, #tpu.memory_space<hbm>> -> memref<64xf32, #tpu.memory_space<hbm>>
        %dma_start3A_1574 = arith.constant 0 : i32
        %dma_start3A_1575 = tpu.memref_slice %arg15[%dma_start3A_1567, %dma_start3A_1574] : memref<16x64xf32, #tpu.memory_space<vmem>> -> memref<1x64xf32, #tpu.memory_space<vmem>>
        %dma_start3A_1576 = tpu.memref_squeeze %dma_start3A_1575 : memref<1x64xf32, #tpu.memory_space<vmem>> -> memref<64xf32, #tpu.memory_space<vmem>>
        %dma_start3A_1577 = arith.constant 0 : i32
        %dma_start3A_1578 = tpu.memref_slice %arg6[%squeeze3A_1540, %dma_start3A_1577] : memref<1000000x64xf32, #tpu.memory_space<hbm>> -> memref<1x64xf32, #tpu.memory_space<hbm>>
        %dma_start3A_1579 = tpu.memref_squeeze %dma_start3A_1578 : memref<1x64xf32, #tpu.memory_space<hbm>> -> memref<64xf32, #tpu.memory_space<hbm>>
        tpu.enqueue_dma source(%dma_start3A_1579 : memref<64xf32, #tpu.memory_space<hbm>>) target(%dma_start3A_1576 : memref<64xf32, #tpu.memory_space<vmem>>) target_semaphore(%arg18 : memref<!tpu.dma_semaphore, #tpu.memory_space<semaphore_mem>>)
        %slice3A_1580 = vector.extract_strided_slice %get3A_1530 {offsets = [1], sizes = [1], strides = [1]} : vector<16xi32> to vector<1xi32>
        %squeeze3A_1581 = vector.extract %slice3A_1580[0] : i32 from vector<1xi32>
        %slice3A_1582 = vector.extract_strided_slice %get3A_1532 {offsets = [1], sizes = [1], strides = [1]} : vector<16xi32> to vector<1xi32>
        %squeeze3A_1583 = vector.extract %slice3A_1582[0] : i32 from vector<1xi32>
        %slice3A_1584 = vector.extract_strided_slice %get3A_1534 {offsets = [1], sizes = [1], strides = [1]} : vector<16xi32> to vector<1xi32>
        %squeeze3A_1585 = vector.extract %slice3A_1584[0] : i32 from vector<1xi32>
        %dma_start3A_1586 = arith.constant 1 : i32
        %dma_start3A_1587 = arith.constant 0 : i32
        %dma_start3A_1588 = tpu.memref_slice %arg11[%dma_start3A_1586, %dma_start3A_1587] : memref<16x64xf32, #tpu.memory_space<vmem>> -> memref<1x64xf32, #tpu.memory_space<vmem>>
        %dma_start3A_1589 = tpu.memref_squeeze %dma_start3A_1588 : memref<1x64xf32, #tpu.memory_space<vmem>> -> memref<64xf32, #tpu.memory_space<vmem>>
        %dma_start3A_1590 = arith.constant 0 : i32
        %dma_start3A_1591 = tpu.memref_slice %arg5[%squeeze3A_1581, %dma_start3A_1590] : memref<1000000x64xf32, #tpu.memory_space<hbm>> -> memref<1x64xf32, #tpu.memory_space<hbm>>
        %dma_start3A_1592 = tpu.memref_squeeze %dma_start3A_1591 : memref<1x64xf32, #tpu.memory_space<hbm>> -> memref<64xf32, #tpu.memory_space<hbm>>
        %dma_start3A_1593 = arith.constant 0 : i32
        %dma_start3A_1594 = tpu.memref_slice %arg11[%dma_start3A_1586, %dma_start3A_1593] : memref<16x64xf32, #tpu.memory_space<vmem>> -> memref<1x64xf32, #tpu.memory_space<vmem>>
        %dma_start3A_1595 = tpu.memref_squeeze %dma_start3A_1594 : memref<1x64xf32, #tpu.memory_space<vmem>> -> memref<64xf32, #tpu.memory_space<vmem>>
        %dma_start3A_1596 = arith.constant 0 : i32
        %dma_start3A_1597 = tpu.memref_slice %arg5[%squeeze3A_1581, %dma_start3A_1596] : memref<1000000x64xf32, #tpu.memory_space<hbm>> -> memref<1x64xf32, #tpu.memory_space<hbm>>
        %dma_start3A_1598 = tpu.memref_squeeze %dma_start3A_1597 : memref<1x64xf32, #tpu.memory_space<hbm>> -> memref<64xf32, #tpu.memory_space<hbm>>
        tpu.enqueue_dma source(%dma_start3A_1598 : memref<64xf32, #tpu.memory_space<hbm>>) target(%dma_start3A_1595 : memref<64xf32, #tpu.memory_space<vmem>>) target_semaphore(%arg18 : memref<!tpu.dma_semaphore, #tpu.memory_space<semaphore_mem>>)
        %dma_start3A_1599 = arith.constant 1 : i32
        %dma_start3A_1600 = arith.constant 0 : i32
        %dma_start3A_1601 = tpu.memref_slice %arg13[%dma_start3A_1599, %dma_start3A_1600] : memref<16x64xf32, #tpu.memory_space<vmem>> -> memref<1x64xf32, #tpu.memory_space<vmem>>
        %dma_start3A_1602 = tpu.memref_squeeze %dma_start3A_1601 : memref<1x64xf32, #tpu.memory_space<vmem>> -> memref<64xf32, #tpu.memory_space<vmem>>
        %dma_start3A_1603 = arith.constant 0 : i32
        %dma_start3A_1604 = tpu.memref_slice %arg6[%squeeze3A_1583, %dma_start3A_1603] : memref<1000000x64xf32, #tpu.memory_space<hbm>> -> memref<1x64xf32, #tpu.memory_space<hbm>>
        %dma_start3A_1605 = tpu.memref_squeeze %dma_start3A_1604 : memref<1x64xf32, #tpu.memory_space<hbm>> -> memref<64xf32, #tpu.memory_space<hbm>>
        %dma_start3A_1606 = arith.constant 0 : i32
        %dma_start3A_1607 = tpu.memref_slice %arg13[%dma_start3A_1599, %dma_start3A_1606] : memref<16x64xf32, #tpu.memory_space<vmem>> -> memref<1x64xf32, #tpu.memory_space<vmem>>
        %dma_start3A_1608 = tpu.memref_squeeze %dma_start3A_1607 : memref<1x64xf32, #tpu.memory_space<vmem>> -> memref<64xf32, #tpu.memory_space<vmem>>
        %dma_start3A_1609 = arith.constant 0 : i32
        %dma_start3A_1610 = tpu.memref_slice %arg6[%squeeze3A_1583, %dma_start3A_1609] : memref<1000000x64xf32, #tpu.memory_space<hbm>> -> memref<1x64xf32, #tpu.memory_space<hbm>>
        %dma_start3A_1611 = tpu.memref_squeeze %dma_start3A_1610 : memref<1x64xf32, #tpu.memory_space<hbm>> -> memref<64xf32, #tpu.memory_space<hbm>>
        tpu.enqueue_dma source(%dma_start3A_1611 : memref<64xf32, #tpu.memory_space<hbm>>) target(%dma_start3A_1608 : memref<64xf32, #tpu.memory_space<vmem>>) target_semaphore(%arg18 : memref<!tpu.dma_semaphore, #tpu.memory_space<semaphore_mem>>)
        %dma_start3A_1612 = arith.constant 1 : i32
        %dma_start3A_1613 = arith.constant 0 : i32
        %dma_start3A_1614 = tpu.memref_slice %arg15[%dma_start3A_1612, %dma_start3A_1613] : memref<16x64xf32, #tpu.memory_space<vmem>> -> memref<1x64xf32, #tpu.memory_space<vmem>>
        %dma_start3A_1615 = tpu.memref_squeeze %dma_start3A_1614 : memref<1x64xf32, #tpu.memory_space<vmem>> -> memref<64xf32, #tpu.memory_space<vmem>>
        %dma_start3A_1616 = arith.constant 0 : i32
        %dma_start3A_1617 = tpu.memref_slice %arg6[%squeeze3A_1585, %dma_start3A_1616] : memref<1000000x64xf32, #tpu.memory_space<hbm>> -> memref<1x64xf32, #tpu.memory_space<hbm>>
        %dma_start3A_1618 = tpu.memref_squeeze %dma_start3A_1617 : memref<1x64xf32, #tpu.memory_space<hbm>> -> memref<64xf32, #tpu.memory_space<hbm>>
        %dma_start3A_1619 = arith.constant 0 : i32
        %dma_start3A_1620 = tpu.memref_slice %arg15[%dma_start3A_1612, %dma_start3A_1619] : memref<16x64xf32, #tpu.memory_space<vmem>> -> memref<1x64xf32, #tpu.memory_space<vmem>>
        %dma_start3A_1621 = tpu.memref_squeeze %dma_start3A_1620 : memref<1x64xf32, #tpu.memory_space<vmem>> -> memref<64xf32, #tpu.memory_space<vmem>>
        %dma_start3A_1622 = arith.constant 0 : i32
        %dma_start3A_1623 = tpu.memref_slice %arg6[%squeeze3A_1585, %dma_start3A_1622] : memref<1000000x64xf32, #tpu.memory_space<hbm>> -> memref<1x64xf32, #tpu.memory_space<hbm>>
        %dma_start3A_1624 = tpu.memref_squeeze %dma_start3A_1623 : memref<1x64xf32, #tpu.memory_space<hbm>> -> memref<64xf32, #tpu.memory_space<hbm>>
        tpu.enqueue_dma source(%dma_start3A_1624 : memref<64xf32, #tpu.memory_space<hbm>>) target(%dma_start3A_1621 : memref<64xf32, #tpu.memory_space<vmem>>) target_semaphore(%arg18 : memref<!tpu.dma_semaphore, #tpu.memory_space<semaphore_mem>>)
        %slice3A_1625 = vector.extract_strided_slice %get3A_1530 {offsets = [2], sizes = [1], strides = [1]} : vector<16xi32> to vector<1xi32>
        %squeeze3A_1626 = vector.extract %slice3A_1625[0] : i32 from vector<1xi32>
        %slice3A_1627 = vector.extract_strided_slice %get3A_1532 {offsets = [2], sizes = [1], strides = [1]} : vector<16xi32> to vector<1xi32>
        %squeeze3A_1628 = vector.extract %slice3A_1627[0] : i32 from vector<1xi32>
        %slice3A_1629 = vector.extract_strided_slice %get3A_1534 {offsets = [2], sizes = [1], strides = [1]} : vector<16xi32> to vector<1xi32>
        %squeeze3A_1630 = vector.extract %slice3A_1629[0] : i32 from vector<1xi32>
        %dma_start3A_1631 = arith.constant 2 : i32
        %dma_start3A_1632 = arith.constant 0 : i32
        %dma_start3A_1633 = tpu.memref_slice %arg11[%dma_start3A_1631, %dma_start3A_1632] : memref<16x64xf32, #tpu.memory_space<vmem>> -> memref<1x64xf32, #tpu.memory_space<vmem>>
        %dma_start3A_1634 = tpu.memref_squeeze %dma_start3A_1633 : memref<1x64xf32, #tpu.memory_space<vmem>> -> memref<64xf32, #tpu.memory_space<vmem>>
        %dma_start3A_1635 = arith.constant 0 : i32
        %dma_start3A_1636 = tpu.memref_slice %arg5[%squeeze3A_1626, %dma_start3A_1635] : memref<1000000x64xf32, #tpu.memory_space<hbm>> -> memref<1x64xf32, #tpu.memory_space<hbm>>
        %dma_start3A_1637 = tpu.memref_squeeze %dma_start3A_1636 : memref<1x64xf32, #tpu.memory_space<hbm>> -> memref<64xf32, #tpu.memory_space<hbm>>
        %dma_start3A_1638 = arith.constant 0 : i32
        %dma_start3A_1639 = tpu.memref_slice %arg11[%dma_start3A_1631, %dma_start3A_1638] : memref<16x64xf32, #tpu.memory_space<vmem>> -> memref<1x64xf32, #tpu.memory_space<vmem>>
        %dma_start3A_1640 = tpu.memref_squeeze %dma_start3A_1639 : memref<1x64xf32, #tpu.memory_space<vmem>> -> memref<64xf32, #tpu.memory_space<vmem>>
        %dma_start3A_1641 = arith.constant 0 : i32
        %dma_start3A_1642 = tpu.memref_slice %arg5[%squeeze3A_1626, %dma_start3A_1641] : memref<1000000x64xf32, #tpu.memory_space<hbm>> -> memref<1x64xf32, #tpu.memory_space<hbm>>
        %dma_start3A_1643 = tpu.memref_squeeze %dma_start3A_1642 : memref<1x64xf32, #tpu.memory_space<hbm>> -> memref<64xf32, #tpu.memory_space<hbm>>
        tpu.enqueue_dma source(%dma_start3A_1643 : memref<64xf32, #tpu.memory_space<hbm>>) target(%dma_start3A_1640 : memref<64xf32, #tpu.memory_space<vmem>>) target_semaphore(%arg18 : memref<!tpu.dma_semaphore, #tpu.memory_space<semaphore_mem>>)
        %dma_start3A_1644 = arith.constant 2 : i32
        %dma_start3A_1645 = arith.constant 0 : i32
        %dma_start3A_1646 = tpu.memref_slice %arg13[%dma_start3A_1644, %dma_start3A_1645] : memref<16x64xf32, #tpu.memory_space<vmem>> -> memref<1x64xf32, #tpu.memory_space<vmem>>
        %dma_start3A_1647 = tpu.memref_squeeze %dma_start3A_1646 : memref<1x64xf32, #tpu.memory_space<vmem>> -> memref<64xf32, #tpu.memory_space<vmem>>
        %dma_start3A_1648 = arith.constant 0 : i32
        %dma_start3A_1649 = tpu.memref_slice %arg6[%squeeze3A_1628, %dma_start3A_1648] : memref<1000000x64xf32, #tpu.memory_space<hbm>> -> memref<1x64xf32, #tpu.memory_space<hbm>>
        %dma_start3A_1650 = tpu.memref_squeeze %dma_start3A_1649 : memref<1x64xf32, #tpu.memory_space<hbm>> -> memref<64xf32, #tpu.memory_space<hbm>>
        %dma_start3A_1651 = arith.constant 0 : i32
        %dma_start3A_1652 = tpu.memref_slice %arg13[%dma_start3A_1644, %dma_start3A_1651] : memref<16x64xf32, #tpu.memory_space<vmem>> -> memref<1x64xf32, #tpu.memory_space<vmem>>
        %dma_start3A_1653 = tpu.memref_squeeze %dma_start3A_1652 : memref<1x64xf32, #tpu.memory_space<vmem>> -> memref<64xf32, #tpu.memory_space<vmem>>
        %dma_start3A_1654 = arith.constant 0 : i32
        %dma_start3A_1655 = tpu.memref_slice %arg6[%squeeze3A_1628, %dma_start3A_1654] : memref<1000000x64xf32, #tpu.memory_space<hbm>> -> memref<1x64xf32, #tpu.memory_space<hbm>>
        %dma_start3A_1656 = tpu.memref_squeeze %dma_start3A_1655 : memref<1x64xf32, #tpu.memory_space<hbm>> -> memref<64xf32, #tpu.memory_space<hbm>>
        tpu.enqueue_dma source(%dma_start3A_1656 : memref<64xf32, #tpu.memory_space<hbm>>) target(%dma_start3A_1653 : memref<64xf32, #tpu.memory_space<vmem>>) target_semaphore(%arg18 : memref<!tpu.dma_semaphore, #tpu.memory_space<semaphore_mem>>)
        %dma_start3A_1657 = arith.constant 2 : i32
        %dma_start3A_1658 = arith.constant 0 : i32
        %dma_start3A_1659 = tpu.memref_slice %arg15[%dma_start3A_1657, %dma_start3A_1658] : memref<16x64xf32, #tpu.memory_space<vmem>> -> memref<1x64xf32, #tpu.memory_space<vmem>>
        %dma_start3A_1660 = tpu.memref_squeeze %dma_start3A_1659 : memref<1x64xf32, #tpu.memory_space<vmem>> -> memref<64xf32, #tpu.memory_space<vmem>>
        %dma_start3A_1661 = arith.constant 0 : i32
        %dma_start3A_1662 = tpu.memref_slice %arg6[%squeeze3A_1630, %dma_start3A_1661] : memref<1000000x64xf32, #tpu.memory_space<hbm>> -> memref<1x64xf32, #tpu.memory_space<hbm>>
        %dma_start3A_1663 = tpu.memref_squeeze %dma_start3A_1662 : memref<1x64xf32, #tpu.memory_space<hbm>> -> memref<64xf32, #tpu.memory_space<hbm>>
        %dma_start3A_1664 = arith.constant 0 : i32
        %dma_start3A_1665 = tpu.memref_slice %arg15[%dma_start3A_1657, %dma_start3A_1664] : memref<16x64xf32, #tpu.memory_space<vmem>> -> memref<1x64xf32, #tpu.memory_space<vmem>>
        %dma_start3A_1666 = tpu.memref_squeeze %dma_start3A_1665 : memref<1x64xf32, #tpu.memory_space<vmem>> -> memref<64xf32, #tpu.memory_space<vmem>>
        %dma_start3A_1667 = arith.constant 0 : i32
        %dma_start3A_1668 = tpu.memref_slice %arg6[%squeeze3A_1630, %dma_start3A_1667] : memref<1000000x64xf32, #tpu.memory_space<hbm>> -> memref<1x64xf32, #tpu.memory_space<hbm>>
        %dma_start3A_1669 = tpu.memref_squeeze %dma_start3A_1668 : memref<1x64xf32, #tpu.memory_space<hbm>> -> memref<64xf32, #tpu.memory_space<hbm>>
        tpu.enqueue_dma source(%dma_start3A_1669 : memref<64xf32, #tpu.memory_space<hbm>>) target(%dma_start3A_1666 : memref<64xf32, #tpu.memory_space<vmem>>) target_semaphore(%arg18 : memref<!tpu.dma_semaphore, #tpu.memory_space<semaphore_mem>>)
        %slice3A_1670 = vector.extract_strided_slice %get3A_1530 {offsets = [3], sizes = [1], strides = [1]} : vector<16xi32> to vector<1xi32>
        %squeeze3A_1671 = vector.extract %slice3A_1670[0] : i32 from vector<1xi32>
        %slice3A_1672 = vector.extract_strided_slice %get3A_1532 {offsets = [3], sizes = [1], strides = [1]} : vector<16xi32> to vector<1xi32>
        %squeeze3A_1673 = vector.extract %slice3A_1672[0] : i32 from vector<1xi32>
        %slice3A_1674 = vector.extract_strided_slice %get3A_1534 {offsets = [3], sizes = [1], strides = [1]} : vector<16xi32> to vector<1xi32>
        %squeeze3A_1675 = vector.extract %slice3A_1674[0] : i32 from vector<1xi32>
        %dma_start3A_1676 = arith.constant 3 : i32
        %dma_start3A_1677 = arith.constant 0 : i32
        %dma_start3A_1678 = tpu.memref_slice %arg11[%dma_start3A_1676, %dma_start3A_1677] : memref<16x64xf32, #tpu.memory_space<vmem>> -> memref<1x64xf32, #tpu.memory_space<vmem>>
        %dma_start3A_1679 = tpu.memref_squeeze %dma_start3A_1678 : memref<1x64xf32, #tpu.memory_space<vmem>> -> memref<64xf32, #tpu.memory_space<vmem>>
        %dma_start3A_1680 = arith.constant 0 : i32
        %dma_start3A_1681 = tpu.memref_slice %arg5[%squeeze3A_1671, %dma_start3A_1680] : memref<1000000x64xf32, #tpu.memory_space<hbm>> -> memref<1x64xf32, #tpu.memory_space<hbm>>
        %dma_start3A_1682 = tpu.memref_squeeze %dma_start3A_1681 : memref<1x64xf32, #tpu.memory_space<hbm>> -> memref<64xf32, #tpu.memory_space<hbm>>
        %dma_start3A_1683 = arith.constant 0 : i32
        %dma_start3A_1684 = tpu.memref_slice %arg11[%dma_start3A_1676, %dma_start3A_1683] : memref<16x64xf32, #tpu.memory_space<vmem>> -> memref<1x64xf32, #tpu.memory_space<vmem>>
        %dma_start3A_1685 = tpu.memref_squeeze %dma_start3A_1684 : memref<1x64xf32, #tpu.memory_space<vmem>> -> memref<64xf32, #tpu.memory_space<vmem>>
        %dma_start3A_1686 = arith.constant 0 : i32
        %dma_start3A_1687 = tpu.memref_slice %arg5[%squeeze3A_1671, %dma_start3A_1686] : memref<1000000x64xf32, #tpu.memory_space<hbm>> -> memref<1x64xf32, #tpu.memory_space<hbm>>
        %dma_start3A_1688 = tpu.memref_squeeze %dma_start3A_1687 : memref<1x64xf32, #tpu.memory_space<hbm>> -> memref<64xf32, #tpu.memory_space<hbm>>
        tpu.enqueue_dma source(%dma_start3A_1688 : memref<64xf32, #tpu.memory_space<hbm>>) target(%dma_start3A_1685 : memref<64xf32, #tpu.memory_space<vmem>>) target_semaphore(%arg18 : memref<!tpu.dma_semaphore, #tpu.memory_space<semaphore_mem>>)
        %dma_start3A_1689 = arith.constant 3 : i32
        %dma_start3A_1690 = arith.constant 0 : i32
        %dma_start3A_1691 = tpu.memref_slice %arg13[%dma_start3A_1689, %dma_start3A_1690] : memref<16x64xf32, #tpu.memory_space<vmem>> -> memref<1x64xf32, #tpu.memory_space<vmem>>
        %dma_start3A_1692 = tpu.memref_squeeze %dma_start3A_1691 : memref<1x64xf32, #tpu.memory_space<vmem>> -> memref<64xf32, #tpu.memory_space<vmem>>
        %dma_start3A_1693 = arith.constant 0 : i32
        %dma_start3A_1694 = tpu.memref_slice %arg6[%squeeze3A_1673, %dma_start3A_1693] : memref<1000000x64xf32, #tpu.memory_space<hbm>> -> memref<1x64xf32, #tpu.memory_space<hbm>>
        %dma_start3A_1695 = tpu.memref_squeeze %dma_start3A_1694 : memref<1x64xf32, #tpu.memory_space<hbm>> -> memref<64xf32, #tpu.memory_space<hbm>>
        %dma_start3A_1696 = arith.constant 0 : i32
        %dma_start3A_1697 = tpu.memref_slice %arg13[%dma_start3A_1689, %dma_start3A_1696] : memref<16x64xf32, #tpu.memory_space<vmem>> -> memref<1x64xf32, #tpu.memory_space<vmem>>
        %dma_start3A_1698 = tpu.memref_squeeze %dma_start3A_1697 : memref<1x64xf32, #tpu.memory_space<vmem>> -> memref<64xf32, #tpu.memory_space<vmem>>
        %dma_start3A_1699 = arith.constant 0 : i32
        %dma_start3A_1700 = tpu.memref_slice %arg6[%squeeze3A_1673, %dma_start3A_1699] : memref<1000000x64xf32, #tpu.memory_space<hbm>> -> memref<1x64xf32, #tpu.memory_space<hbm>>
        %dma_start3A_1701 = tpu.memref_squeeze %dma_start3A_1700 : memref<1x64xf32, #tpu.memory_space<hbm>> -> memref<64xf32, #tpu.memory_space<hbm>>
        tpu.enqueue_dma source(%dma_start3A_1701 : memref<64xf32, #tpu.memory_space<hbm>>) target(%dma_start3A_1698 : memref<64xf32, #tpu.memory_space<vmem>>) target_semaphore(%arg18 : memref<!tpu.dma_semaphore, #tpu.memory_space<semaphore_mem>>)
        %dma_start3A_1702 = arith.constant 3 : i32
        %dma_start3A_1703 = arith.constant 0 : i32
        %dma_start3A_1704 = tpu.memref_slice %arg15[%dma_start3A_1702, %dma_start3A_1703] : memref<16x64xf32, #tpu.memory_space<vmem>> -> memref<1x64xf32, #tpu.memory_space<vmem>>
        %dma_start3A_1705 = tpu.memref_squeeze %dma_start3A_1704 : memref<1x64xf32, #tpu.memory_space<vmem>> -> memref<64xf32, #tpu.memory_space<vmem>>
        %dma_start3A_1706 = arith.constant 0 : i32
        %dma_start3A_1707 = tpu.memref_slice %arg6[%squeeze3A_1675, %dma_start3A_1706] : memref<1000000x64xf32, #tpu.memory_space<hbm>> -> memref<1x64xf32, #tpu.memory_space<hbm>>
        %dma_start3A_1708 = tpu.memref_squeeze %dma_start3A_1707 : memref<1x64xf32, #tpu.memory_space<hbm>> -> memref<64xf32, #tpu.memory_space<hbm>>
        %dma_start3A_1709 = arith.constant 0 : i32
        %dma_start3A_1710 = tpu.memref_slice %arg15[%dma_start3A_1702, %dma_start3A_1709] : memref<16x64xf32, #tpu.memory_space<vmem>> -> memref<1x64xf32, #tpu.memory_space<vmem>>
        %dma_start3A_1711 = tpu.memref_squeeze %dma_start3A_1710 : memref<1x64xf32, #tpu.memory_space<vmem>> -> memref<64xf32, #tpu.memory_space<vmem>>
        %dma_start3A_1712 = arith.constant 0 : i32
        %dma_start3A_1713 = tpu.memref_slice %arg6[%squeeze3A_1675, %dma_start3A_1712] : memref<1000000x64xf32, #tpu.memory_space<hbm>> -> memref<1x64xf32, #tpu.memory_space<hbm>>
        %dma_start3A_1714 = tpu.memref_squeeze %dma_start3A_1713 : memref<1x64xf32, #tpu.memory_space<hbm>> -> memref<64xf32, #tpu.memory_space<hbm>>
        tpu.enqueue_dma source(%dma_start3A_1714 : memref<64xf32, #tpu.memory_space<hbm>>) target(%dma_start3A_1711 : memref<64xf32, #tpu.memory_space<vmem>>) target_semaphore(%arg18 : memref<!tpu.dma_semaphore, #tpu.memory_space<semaphore_mem>>)
        %slice3A_1715 = vector.extract_strided_slice %get3A_1530 {offsets = [4], sizes = [1], strides = [1]} : vector<16xi32> to vector<1xi32>
        %squeeze3A_1716 = vector.extract %slice3A_1715[0] : i32 from vector<1xi32>
        %slice3A_1717 = vector.extract_strided_slice %get3A_1532 {offsets = [4], sizes = [1], strides = [1]} : vector<16xi32> to vector<1xi32>
        %squeeze3A_1718 = vector.extract %slice3A_1717[0] : i32 from vector<1xi32>
        %slice3A_1719 = vector.extract_strided_slice %get3A_1534 {offsets = [4], sizes = [1], strides = [1]} : vector<16xi32> to vector<1xi32>
        %squeeze3A_1720 = vector.extract %slice3A_1719[0] : i32 from vector<1xi32>
        %dma_start3A_1721 = arith.constant 4 : i32
        %dma_start3A_1722 = arith.constant 0 : i32
        %dma_start3A_1723 = tpu.memref_slice %arg11[%dma_start3A_1721, %dma_start3A_1722] : memref<16x64xf32, #tpu.memory_space<vmem>> -> memref<1x64xf32, #tpu.memory_space<vmem>>
        %dma_start3A_1724 = tpu.memref_squeeze %dma_start3A_1723 : memref<1x64xf32, #tpu.memory_space<vmem>> -> memref<64xf32, #tpu.memory_space<vmem>>
        %dma_start3A_1725 = arith.constant 0 : i32
        %dma_start3A_1726 = tpu.memref_slice %arg5[%squeeze3A_1716, %dma_start3A_1725] : memref<1000000x64xf32, #tpu.memory_space<hbm>> -> memref<1x64xf32, #tpu.memory_space<hbm>>
        %dma_start3A_1727 = tpu.memref_squeeze %dma_start3A_1726 : memref<1x64xf32, #tpu.memory_space<hbm>> -> memref<64xf32, #tpu.memory_space<hbm>>
        %dma_start3A_1728 = arith.constant 0 : i32
        %dma_start3A_1729 = tpu.memref_slice %arg11[%dma_start3A_1721, %dma_start3A_1728] : memref<16x64xf32, #tpu.memory_space<vmem>> -> memref<1x64xf32, #tpu.memory_space<vmem>>
        %dma_start3A_1730 = tpu.memref_squeeze %dma_start3A_1729 : memref<1x64xf32, #tpu.memory_space<vmem>> -> memref<64xf32, #tpu.memory_space<vmem>>
        %dma_start3A_1731 = arith.constant 0 : i32
        %dma_start3A_1732 = tpu.memref_slice %arg5[%squeeze3A_1716, %dma_start3A_1731] : memref<1000000x64xf32, #tpu.memory_space<hbm>> -> memref<1x64xf32, #tpu.memory_space<hbm>>
        %dma_start3A_1733 = tpu.memref_squeeze %dma_start3A_1732 : memref<1x64xf32, #tpu.memory_space<hbm>> -> memref<64xf32, #tpu.memory_space<hbm>>
        tpu.enqueue_dma source(%dma_start3A_1733 : memref<64xf32, #tpu.memory_space<hbm>>) target(%dma_start3A_1730 : memref<64xf32, #tpu.memory_space<vmem>>) target_semaphore(%arg18 : memref<!tpu.dma_semaphore, #tpu.memory_space<semaphore_mem>>)
        %dma_start3A_1734 = arith.constant 4 : i32
        %dma_start3A_1735 = arith.constant 0 : i32
        %dma_start3A_1736 = tpu.memref_slice %arg13[%dma_start3A_1734, %dma_start3A_1735] : memref<16x64xf32, #tpu.memory_space<vmem>> -> memref<1x64xf32, #tpu.memory_space<vmem>>
        %dma_start3A_1737 = tpu.memref_squeeze %dma_start3A_1736 : memref<1x64xf32, #tpu.memory_space<vmem>> -> memref<64xf32, #tpu.memory_space<vmem>>
        %dma_start3A_1738 = arith.constant 0 : i32
        %dma_start3A_1739 = tpu.memref_slice %arg6[%squeeze3A_1718, %dma_start3A_1738] : memref<1000000x64xf32, #tpu.memory_space<hbm>> -> memref<1x64xf32, #tpu.memory_space<hbm>>
        %dma_start3A_1740 = tpu.memref_squeeze %dma_start3A_1739 : memref<1x64xf32, #tpu.memory_space<hbm>> -> memref<64xf32, #tpu.memory_space<hbm>>
        %dma_start3A_1741 = arith.constant 0 : i32
        %dma_start3A_1742 = tpu.memref_slice %arg13[%dma_start3A_1734, %dma_start3A_1741] : memref<16x64xf32, #tpu.memory_space<vmem>> -> memref<1x64xf32, #tpu.memory_space<vmem>>
        %dma_start3A_1743 = tpu.memref_squeeze %dma_start3A_1742 : memref<1x64xf32, #tpu.memory_space<vmem>> -> memref<64xf32, #tpu.memory_space<vmem>>
        %dma_start3A_1744 = arith.constant 0 : i32
        %dma_start3A_1745 = tpu.memref_slice %arg6[%squeeze3A_1718, %dma_start3A_1744] : memref<1000000x64xf32, #tpu.memory_space<hbm>> -> memref<1x64xf32, #tpu.memory_space<hbm>>
        %dma_start3A_1746 = tpu.memref_squeeze %dma_start3A_1745 : memref<1x64xf32, #tpu.memory_space<hbm>> -> memref<64xf32, #tpu.memory_space<hbm>>
        tpu.enqueue_dma source(%dma_start3A_1746 : memref<64xf32, #tpu.memory_space<hbm>>) target(%dma_start3A_1743 : memref<64xf32, #tpu.memory_space<vmem>>) target_semaphore(%arg18 : memref<!tpu.dma_semaphore, #tpu.memory_space<semaphore_mem>>)
        %dma_start3A_1747 = arith.constant 4 : i32
        %dma_start3A_1748 = arith.constant 0 : i32
        %dma_start3A_1749 = tpu.memref_slice %arg15[%dma_start3A_1747, %dma_start3A_1748] : memref<16x64xf32, #tpu.memory_space<vmem>> -> memref<1x64xf32, #tpu.memory_space<vmem>>
        %dma_start3A_1750 = tpu.memref_squeeze %dma_start3A_1749 : memref<1x64xf32, #tpu.memory_space<vmem>> -> memref<64xf32, #tpu.memory_space<vmem>>
        %dma_start3A_1751 = arith.constant 0 : i32
        %dma_start3A_1752 = tpu.memref_slice %arg6[%squeeze3A_1720, %dma_start3A_1751] : memref<1000000x64xf32, #tpu.memory_space<hbm>> -> memref<1x64xf32, #tpu.memory_space<hbm>>
        %dma_start3A_1753 = tpu.memref_squeeze %dma_start3A_1752 : memref<1x64xf32, #tpu.memory_space<hbm>> -> memref<64xf32, #tpu.memory_space<hbm>>
        %dma_start3A_1754 = arith.constant 0 : i32
        %dma_start3A_1755 = tpu.memref_slice %arg15[%dma_start3A_1747, %dma_start3A_1754] : memref<16x64xf32, #tpu.memory_space<vmem>> -> memref<1x64xf32, #tpu.memory_space<vmem>>
        %dma_start3A_1756 = tpu.memref_squeeze %dma_start3A_1755 : memref<1x64xf32, #tpu.memory_space<vmem>> -> memref<64xf32, #tpu.memory_space<vmem>>
        %dma_start3A_1757 = arith.constant 0 : i32
        %dma_start3A_1758 = tpu.memref_slice %arg6[%squeeze3A_1720, %dma_start3A_1757] : memref<1000000x64xf32, #tpu.memory_space<hbm>> -> memref<1x64xf32, #tpu.memory_space<hbm>>
        %dma_start3A_1759 = tpu.memref_squeeze %dma_start3A_1758 : memref<1x64xf32, #tpu.memory_space<hbm>> -> memref<64xf32, #tpu.memory_space<hbm>>
        tpu.enqueue_dma source(%dma_start3A_1759 : memref<64xf32, #tpu.memory_space<hbm>>) target(%dma_start3A_1756 : memref<64xf32, #tpu.memory_space<vmem>>) target_semaphore(%arg18 : memref<!tpu.dma_semaphore, #tpu.memory_space<semaphore_mem>>)
        %slice3A_1760 = vector.extract_strided_slice %get3A_1530 {offsets = [5], sizes = [1], strides = [1]} : vector<16xi32> to vector<1xi32>
        %squeeze3A_1761 = vector.extract %slice3A_1760[0] : i32 from vector<1xi32>
        %slice3A_1762 = vector.extract_strided_slice %get3A_1532 {offsets = [5], sizes = [1], strides = [1]} : vector<16xi32> to vector<1xi32>
        %squeeze3A_1763 = vector.extract %slice3A_1762[0] : i32 from vector<1xi32>
        %slice3A_1764 = vector.extract_strided_slice %get3A_1534 {offsets = [5], sizes = [1], strides = [1]} : vector<16xi32> to vector<1xi32>
        %squeeze3A_1765 = vector.extract %slice3A_1764[0] : i32 from vector<1xi32>
        %dma_start3A_1766 = arith.constant 5 : i32
        %dma_start3A_1767 = arith.constant 0 : i32
        %dma_start3A_1768 = tpu.memref_slice %arg11[%dma_start3A_1766, %dma_start3A_1767] : memref<16x64xf32, #tpu.memory_space<vmem>> -> memref<1x64xf32, #tpu.memory_space<vmem>>
        %dma_start3A_1769 = tpu.memref_squeeze %dma_start3A_1768 : memref<1x64xf32, #tpu.memory_space<vmem>> -> memref<64xf32, #tpu.memory_space<vmem>>
        %dma_start3A_1770 = arith.constant 0 : i32
        %dma_start3A_1771 = tpu.memref_slice %arg5[%squeeze3A_1761, %dma_start3A_1770] : memref<1000000x64xf32, #tpu.memory_space<hbm>> -> memref<1x64xf32, #tpu.memory_space<hbm>>
        %dma_start3A_1772 = tpu.memref_squeeze %dma_start3A_1771 : memref<1x64xf32, #tpu.memory_space<hbm>> -> memref<64xf32, #tpu.memory_space<hbm>>
        %dma_start3A_1773 = arith.constant 0 : i32
        %dma_start3A_1774 = tpu.memref_slice %arg11[%dma_start3A_1766, %dma_start3A_1773] : memref<16x64xf32, #tpu.memory_space<vmem>> -> memref<1x64xf32, #tpu.memory_space<vmem>>
        %dma_start3A_1775 = tpu.memref_squeeze %dma_start3A_1774 : memref<1x64xf32, #tpu.memory_space<vmem>> -> memref<64xf32, #tpu.memory_space<vmem>>
        %dma_start3A_1776 = arith.constant 0 : i32
        %dma_start3A_1777 = tpu.memref_slice %arg5[%squeeze3A_1761, %dma_start3A_1776] : memref<1000000x64xf32, #tpu.memory_space<hbm>> -> memref<1x64xf32, #tpu.memory_space<hbm>>
        %dma_start3A_1778 = tpu.memref_squeeze %dma_start3A_1777 : memref<1x64xf32, #tpu.memory_space<hbm>> -> memref<64xf32, #tpu.memory_space<hbm>>
        tpu.enqueue_dma source(%dma_start3A_1778 : memref<64xf32, #tpu.memory_space<hbm>>) target(%dma_start3A_1775 : memref<64xf32, #tpu.memory_space<vmem>>) target_semaphore(%arg18 : memref<!tpu.dma_semaphore, #tpu.memory_space<semaphore_mem>>)
        %dma_start3A_1779 = arith.constant 5 : i32
        %dma_start3A_1780 = arith.constant 0 : i32
        %dma_start3A_1781 = tpu.memref_slice %arg13[%dma_start3A_1779, %dma_start3A_1780] : memref<16x64xf32, #tpu.memory_space<vmem>> -> memref<1x64xf32, #tpu.memory_space<vmem>>
        %dma_start3A_1782 = tpu.memref_squeeze %dma_start3A_1781 : memref<1x64xf32, #tpu.memory_space<vmem>> -> memref<64xf32, #tpu.memory_space<vmem>>
        %dma_start3A_1783 = arith.constant 0 : i32
        %dma_start3A_1784 = tpu.memref_slice %arg6[%squeeze3A_1763, %dma_start3A_1783] : memref<1000000x64xf32, #tpu.memory_space<hbm>> -> memref<1x64xf32, #tpu.memory_space<hbm>>
        %dma_start3A_1785 = tpu.memref_squeeze %dma_start3A_1784 : memref<1x64xf32, #tpu.memory_space<hbm>> -> memref<64xf32, #tpu.memory_space<hbm>>
        %dma_start3A_1786 = arith.constant 0 : i32
        %dma_start3A_1787 = tpu.memref_slice %arg13[%dma_start3A_1779, %dma_start3A_1786] : memref<16x64xf32, #tpu.memory_space<vmem>> -> memref<1x64xf32, #tpu.memory_space<vmem>>
        %dma_start3A_1788 = tpu.memref_squeeze %dma_start3A_1787 : memref<1x64xf32, #tpu.memory_space<vmem>> -> memref<64xf32, #tpu.memory_space<vmem>>
        %dma_start3A_1789 = arith.constant 0 : i32
        %dma_start3A_1790 = tpu.memref_slice %arg6[%squeeze3A_1763, %dma_start3A_1789] : memref<1000000x64xf32, #tpu.memory_space<hbm>> -> memref<1x64xf32, #tpu.memory_space<hbm>>
        %dma_start3A_1791 = tpu.memref_squeeze %dma_start3A_1790 : memref<1x64xf32, #tpu.memory_space<hbm>> -> memref<64xf32, #tpu.memory_space<hbm>>
        tpu.enqueue_dma source(%dma_start3A_1791 : memref<64xf32, #tpu.memory_space<hbm>>) target(%dma_start3A_1788 : memref<64xf32, #tpu.memory_space<vmem>>) target_semaphore(%arg18 : memref<!tpu.dma_semaphore, #tpu.memory_space<semaphore_mem>>)
        %dma_start3A_1792 = arith.constant 5 : i32
        %dma_start3A_1793 = arith.constant 0 : i32
        %dma_start3A_1794 = tpu.memref_slice %arg15[%dma_start3A_1792, %dma_start3A_1793] : memref<16x64xf32, #tpu.memory_space<vmem>> -> memref<1x64xf32, #tpu.memory_space<vmem>>
        %dma_start3A_1795 = tpu.memref_squeeze %dma_start3A_1794 : memref<1x64xf32, #tpu.memory_space<vmem>> -> memref<64xf32, #tpu.memory_space<vmem>>
        %dma_start3A_1796 = arith.constant 0 : i32
        %dma_start3A_1797 = tpu.memref_slice %arg6[%squeeze3A_1765, %dma_start3A_1796] : memref<1000000x64xf32, #tpu.memory_space<hbm>> -> memref<1x64xf32, #tpu.memory_space<hbm>>
        %dma_start3A_1798 = tpu.memref_squeeze %dma_start3A_1797 : memref<1x64xf32, #tpu.memory_space<hbm>> -> memref<64xf32, #tpu.memory_space<hbm>>
        %dma_start3A_1799 = arith.constant 0 : i32
        %dma_start3A_1800 = tpu.memref_slice %arg15[%dma_start3A_1792, %dma_start3A_1799] : memref<16x64xf32, #tpu.memory_space<vmem>> -> memref<1x64xf32, #tpu.memory_space<vmem>>
        %dma_start3A_1801 = tpu.memref_squeeze %dma_start3A_1800 : memref<1x64xf32, #tpu.memory_space<vmem>> -> memref<64xf32, #tpu.memory_space<vmem>>
        %dma_start3A_1802 = arith.constant 0 : i32
        %dma_start3A_1803 = tpu.memref_slice %arg6[%squeeze3A_1765, %dma_start3A_1802] : memref<1000000x64xf32, #tpu.memory_space<hbm>> -> memref<1x64xf32, #tpu.memory_space<hbm>>
        %dma_start3A_1804 = tpu.memref_squeeze %dma_start3A_1803 : memref<1x64xf32, #tpu.memory_space<hbm>> -> memref<64xf32, #tpu.memory_space<hbm>>
        tpu.enqueue_dma source(%dma_start3A_1804 : memref<64xf32, #tpu.memory_space<hbm>>) target(%dma_start3A_1801 : memref<64xf32, #tpu.memory_space<vmem>>) target_semaphore(%arg18 : memref<!tpu.dma_semaphore, #tpu.memory_space<semaphore_mem>>)
        %slice3A_1805 = vector.extract_strided_slice %get3A_1530 {offsets = [6], sizes = [1], strides = [1]} : vector<16xi32> to vector<1xi32>
        %squeeze3A_1806 = vector.extract %slice3A_1805[0] : i32 from vector<1xi32>
        %slice3A_1807 = vector.extract_strided_slice %get3A_1532 {offsets = [6], sizes = [1], strides = [1]} : vector<16xi32> to vector<1xi32>
        %squeeze3A_1808 = vector.extract %slice3A_1807[0] : i32 from vector<1xi32>
        %slice3A_1809 = vector.extract_strided_slice %get3A_1534 {offsets = [6], sizes = [1], strides = [1]} : vector<16xi32> to vector<1xi32>
        %squeeze3A_1810 = vector.extract %slice3A_1809[0] : i32 from vector<1xi32>
        %dma_start3A_1811 = arith.constant 6 : i32
        %dma_start3A_1812 = arith.constant 0 : i32
        %dma_start3A_1813 = tpu.memref_slice %arg11[%dma_start3A_1811, %dma_start3A_1812] : memref<16x64xf32, #tpu.memory_space<vmem>> -> memref<1x64xf32, #tpu.memory_space<vmem>>
        %dma_start3A_1814 = tpu.memref_squeeze %dma_start3A_1813 : memref<1x64xf32, #tpu.memory_space<vmem>> -> memref<64xf32, #tpu.memory_space<vmem>>
        %dma_start3A_1815 = arith.constant 0 : i32
        %dma_start3A_1816 = tpu.memref_slice %arg5[%squeeze3A_1806, %dma_start3A_1815] : memref<1000000x64xf32, #tpu.memory_space<hbm>> -> memref<1x64xf32, #tpu.memory_space<hbm>>
        %dma_start3A_1817 = tpu.memref_squeeze %dma_start3A_1816 : memref<1x64xf32, #tpu.memory_space<hbm>> -> memref<64xf32, #tpu.memory_space<hbm>>
        %dma_start3A_1818 = arith.constant 0 : i32
        %dma_start3A_1819 = tpu.memref_slice %arg11[%dma_start3A_1811, %dma_start3A_1818] : memref<16x64xf32, #tpu.memory_space<vmem>> -> memref<1x64xf32, #tpu.memory_space<vmem>>
        %dma_start3A_1820 = tpu.memref_squeeze %dma_start3A_1819 : memref<1x64xf32, #tpu.memory_space<vmem>> -> memref<64xf32, #tpu.memory_space<vmem>>
        %dma_start3A_1821 = arith.constant 0 : i32
        %dma_start3A_1822 = tpu.memref_slice %arg5[%squeeze3A_1806, %dma_start3A_1821] : memref<1000000x64xf32, #tpu.memory_space<hbm>> -> memref<1x64xf32, #tpu.memory_space<hbm>>
        %dma_start3A_1823 = tpu.memref_squeeze %dma_start3A_1822 : memref<1x64xf32, #tpu.memory_space<hbm>> -> memref<64xf32, #tpu.memory_space<hbm>>
        tpu.enqueue_dma source(%dma_start3A_1823 : memref<64xf32, #tpu.memory_space<hbm>>) target(%dma_start3A_1820 : memref<64xf32, #tpu.memory_space<vmem>>) target_semaphore(%arg18 : memref<!tpu.dma_semaphore, #tpu.memory_space<semaphore_mem>>)
        %dma_start3A_1824 = arith.constant 6 : i32
        %dma_start3A_1825 = arith.constant 0 : i32
        %dma_start3A_1826 = tpu.memref_slice %arg13[%dma_start3A_1824, %dma_start3A_1825] : memref<16x64xf32, #tpu.memory_space<vmem>> -> memref<1x64xf32, #tpu.memory_space<vmem>>
        %dma_start3A_1827 = tpu.memref_squeeze %dma_start3A_1826 : memref<1x64xf32, #tpu.memory_space<vmem>> -> memref<64xf32, #tpu.memory_space<vmem>>
        %dma_start3A_1828 = arith.constant 0 : i32
        %dma_start3A_1829 = tpu.memref_slice %arg6[%squeeze3A_1808, %dma_start3A_1828] : memref<1000000x64xf32, #tpu.memory_space<hbm>> -> memref<1x64xf32, #tpu.memory_space<hbm>>
        %dma_start3A_1830 = tpu.memref_squeeze %dma_start3A_1829 : memref<1x64xf32, #tpu.memory_space<hbm>> -> memref<64xf32, #tpu.memory_space<hbm>>
        %dma_start3A_1831 = arith.constant 0 : i32
        %dma_start3A_1832 = tpu.memref_slice %arg13[%dma_start3A_1824, %dma_start3A_1831] : memref<16x64xf32, #tpu.memory_space<vmem>> -> memref<1x64xf32, #tpu.memory_space<vmem>>
        %dma_start3A_1833 = tpu.memref_squeeze %dma_start3A_1832 : memref<1x64xf32, #tpu.memory_space<vmem>> -> memref<64xf32, #tpu.memory_space<vmem>>
        %dma_start3A_1834 = arith.constant 0 : i32
        %dma_start3A_1835 = tpu.memref_slice %arg6[%squeeze3A_1808, %dma_start3A_1834] : memref<1000000x64xf32, #tpu.memory_space<hbm>> -> memref<1x64xf32, #tpu.memory_space<hbm>>
        %dma_start3A_1836 = tpu.memref_squeeze %dma_start3A_1835 : memref<1x64xf32, #tpu.memory_space<hbm>> -> memref<64xf32, #tpu.memory_space<hbm>>
        tpu.enqueue_dma source(%dma_start3A_1836 : memref<64xf32, #tpu.memory_space<hbm>>) target(%dma_start3A_1833 : memref<64xf32, #tpu.memory_space<vmem>>) target_semaphore(%arg18 : memref<!tpu.dma_semaphore, #tpu.memory_space<semaphore_mem>>)
        %dma_start3A_1837 = arith.constant 6 : i32
        %dma_start3A_1838 = arith.constant 0 : i32
        %dma_start3A_1839 = tpu.memref_slice %arg15[%dma_start3A_1837, %dma_start3A_1838] : memref<16x64xf32, #tpu.memory_space<vmem>> -> memref<1x64xf32, #tpu.memory_space<vmem>>
        %dma_start3A_1840 = tpu.memref_squeeze %dma_start3A_1839 : memref<1x64xf32, #tpu.memory_space<vmem>> -> memref<64xf32, #tpu.memory_space<vmem>>
        %dma_start3A_1841 = arith.constant 0 : i32
        %dma_start3A_1842 = tpu.memref_slice %arg6[%squeeze3A_1810, %dma_start3A_1841] : memref<1000000x64xf32, #tpu.memory_space<hbm>> -> memref<1x64xf32, #tpu.memory_space<hbm>>
        %dma_start3A_1843 = tpu.memref_squeeze %dma_start3A_1842 : memref<1x64xf32, #tpu.memory_space<hbm>> -> memref<64xf32, #tpu.memory_space<hbm>>
        %dma_start3A_1844 = arith.constant 0 : i32
        %dma_start3A_1845 = tpu.memref_slice %arg15[%dma_start3A_1837, %dma_start3A_1844] : memref<16x64xf32, #tpu.memory_space<vmem>> -> memref<1x64xf32, #tpu.memory_space<vmem>>
        %dma_start3A_1846 = tpu.memref_squeeze %dma_start3A_1845 : memref<1x64xf32, #tpu.memory_space<vmem>> -> memref<64xf32, #tpu.memory_space<vmem>>
        %dma_start3A_1847 = arith.constant 0 : i32
        %dma_start3A_1848 = tpu.memref_slice %arg6[%squeeze3A_1810, %dma_start3A_1847] : memref<1000000x64xf32, #tpu.memory_space<hbm>> -> memref<1x64xf32, #tpu.memory_space<hbm>>
        %dma_start3A_1849 = tpu.memref_squeeze %dma_start3A_1848 : memref<1x64xf32, #tpu.memory_space<hbm>> -> memref<64xf32, #tpu.memory_space<hbm>>
        tpu.enqueue_dma source(%dma_start3A_1849 : memref<64xf32, #tpu.memory_space<hbm>>) target(%dma_start3A_1846 : memref<64xf32, #tpu.memory_space<vmem>>) target_semaphore(%arg18 : memref<!tpu.dma_semaphore, #tpu.memory_space<semaphore_mem>>)
        %slice3A_1850 = vector.extract_strided_slice %get3A_1530 {offsets = [7], sizes = [1], strides = [1]} : vector<16xi32> to vector<1xi32>
        %squeeze3A_1851 = vector.extract %slice3A_1850[0] : i32 from vector<1xi32>
        %slice3A_1852 = vector.extract_strided_slice %get3A_1532 {offsets = [7], sizes = [1], strides = [1]} : vector<16xi32> to vector<1xi32>
        %squeeze3A_1853 = vector.extract %slice3A_1852[0] : i32 from vector<1xi32>
        %slice3A_1854 = vector.extract_strided_slice %get3A_1534 {offsets = [7], sizes = [1], strides = [1]} : vector<16xi32> to vector<1xi32>
        %squeeze3A_1855 = vector.extract %slice3A_1854[0] : i32 from vector<1xi32>
        %dma_start3A_1856 = arith.constant 7 : i32
        %dma_start3A_1857 = arith.constant 0 : i32
        %dma_start3A_1858 = tpu.memref_slice %arg11[%dma_start3A_1856, %dma_start3A_1857] : memref<16x64xf32, #tpu.memory_space<vmem>> -> memref<1x64xf32, #tpu.memory_space<vmem>>
        %dma_start3A_1859 = tpu.memref_squeeze %dma_start3A_1858 : memref<1x64xf32, #tpu.memory_space<vmem>> -> memref<64xf32, #tpu.memory_space<vmem>>
        %dma_start3A_1860 = arith.constant 0 : i32
        %dma_start3A_1861 = tpu.memref_slice %arg5[%squeeze3A_1851, %dma_start3A_1860] : memref<1000000x64xf32, #tpu.memory_space<hbm>> -> memref<1x64xf32, #tpu.memory_space<hbm>>
        %dma_start3A_1862 = tpu.memref_squeeze %dma_start3A_1861 : memref<1x64xf32, #tpu.memory_space<hbm>> -> memref<64xf32, #tpu.memory_space<hbm>>
        %dma_start3A_1863 = arith.constant 0 : i32
        %dma_start3A_1864 = tpu.memref_slice %arg11[%dma_start3A_1856, %dma_start3A_1863] : memref<16x64xf32, #tpu.memory_space<vmem>> -> memref<1x64xf32, #tpu.memory_space<vmem>>
        %dma_start3A_1865 = tpu.memref_squeeze %dma_start3A_1864 : memref<1x64xf32, #tpu.memory_space<vmem>> -> memref<64xf32, #tpu.memory_space<vmem>>
        %dma_start3A_1866 = arith.constant 0 : i32
        %dma_start3A_1867 = tpu.memref_slice %arg5[%squeeze3A_1851, %dma_start3A_1866] : memref<1000000x64xf32, #tpu.memory_space<hbm>> -> memref<1x64xf32, #tpu.memory_space<hbm>>
        %dma_start3A_1868 = tpu.memref_squeeze %dma_start3A_1867 : memref<1x64xf32, #tpu.memory_space<hbm>> -> memref<64xf32, #tpu.memory_space<hbm>>
        tpu.enqueue_dma source(%dma_start3A_1868 : memref<64xf32, #tpu.memory_space<hbm>>) target(%dma_start3A_1865 : memref<64xf32, #tpu.memory_space<vmem>>) target_semaphore(%arg18 : memref<!tpu.dma_semaphore, #tpu.memory_space<semaphore_mem>>)
        %dma_start3A_1869 = arith.constant 7 : i32
        %dma_start3A_1870 = arith.constant 0 : i32
        %dma_start3A_1871 = tpu.memref_slice %arg13[%dma_start3A_1869, %dma_start3A_1870] : memref<16x64xf32, #tpu.memory_space<vmem>> -> memref<1x64xf32, #tpu.memory_space<vmem>>
        %dma_start3A_1872 = tpu.memref_squeeze %dma_start3A_1871 : memref<1x64xf32, #tpu.memory_space<vmem>> -> memref<64xf32, #tpu.memory_space<vmem>>
        %dma_start3A_1873 = arith.constant 0 : i32
        %dma_start3A_1874 = tpu.memref_slice %arg6[%squeeze3A_1853, %dma_start3A_1873] : memref<1000000x64xf32, #tpu.memory_space<hbm>> -> memref<1x64xf32, #tpu.memory_space<hbm>>
        %dma_start3A_1875 = tpu.memref_squeeze %dma_start3A_1874 : memref<1x64xf32, #tpu.memory_space<hbm>> -> memref<64xf32, #tpu.memory_space<hbm>>
        %dma_start3A_1876 = arith.constant 0 : i32
        %dma_start3A_1877 = tpu.memref_slice %arg13[%dma_start3A_1869, %dma_start3A_1876] : memref<16x64xf32, #tpu.memory_space<vmem>> -> memref<1x64xf32, #tpu.memory_space<vmem>>
        %dma_start3A_1878 = tpu.memref_squeeze %dma_start3A_1877 : memref<1x64xf32, #tpu.memory_space<vmem>> -> memref<64xf32, #tpu.memory_space<vmem>>
        %dma_start3A_1879 = arith.constant 0 : i32
        %dma_start3A_1880 = tpu.memref_slice %arg6[%squeeze3A_1853, %dma_start3A_1879] : memref<1000000x64xf32, #tpu.memory_space<hbm>> -> memref<1x64xf32, #tpu.memory_space<hbm>>
        %dma_start3A_1881 = tpu.memref_squeeze %dma_start3A_1880 : memref<1x64xf32, #tpu.memory_space<hbm>> -> memref<64xf32, #tpu.memory_space<hbm>>
        tpu.enqueue_dma source(%dma_start3A_1881 : memref<64xf32, #tpu.memory_space<hbm>>) target(%dma_start3A_1878 : memref<64xf32, #tpu.memory_space<vmem>>) target_semaphore(%arg18 : memref<!tpu.dma_semaphore, #tpu.memory_space<semaphore_mem>>)
        %dma_start3A_1882 = arith.constant 7 : i32
        %dma_start3A_1883 = arith.constant 0 : i32
        %dma_start3A_1884 = tpu.memref_slice %arg15[%dma_start3A_1882, %dma_start3A_1883] : memref<16x64xf32, #tpu.memory_space<vmem>> -> memref<1x64xf32, #tpu.memory_space<vmem>>
        %dma_start3A_1885 = tpu.memref_squeeze %dma_start3A_1884 : memref<1x64xf32, #tpu.memory_space<vmem>> -> memref<64xf32, #tpu.memory_space<vmem>>
        %dma_start3A_1886 = arith.constant 0 : i32
        %dma_start3A_1887 = tpu.memref_slice %arg6[%squeeze3A_1855, %dma_start3A_1886] : memref<1000000x64xf32, #tpu.memory_space<hbm>> -> memref<1x64xf32, #tpu.memory_space<hbm>>
        %dma_start3A_1888 = tpu.memref_squeeze %dma_start3A_1887 : memref<1x64xf32, #tpu.memory_space<hbm>> -> memref<64xf32, #tpu.memory_space<hbm>>
        %dma_start3A_1889 = arith.constant 0 : i32
        %dma_start3A_1890 = tpu.memref_slice %arg15[%dma_start3A_1882, %dma_start3A_1889] : memref<16x64xf32, #tpu.memory_space<vmem>> -> memref<1x64xf32, #tpu.memory_space<vmem>>
        %dma_start3A_1891 = tpu.memref_squeeze %dma_start3A_1890 : memref<1x64xf32, #tpu.memory_space<vmem>> -> memref<64xf32, #tpu.memory_space<vmem>>
        %dma_start3A_1892 = arith.constant 0 : i32
        %dma_start3A_1893 = tpu.memref_slice %arg6[%squeeze3A_1855, %dma_start3A_1892] : memref<1000000x64xf32, #tpu.memory_space<hbm>> -> memref<1x64xf32, #tpu.memory_space<hbm>>
        %dma_start3A_1894 = tpu.memref_squeeze %dma_start3A_1893 : memref<1x64xf32, #tpu.memory_space<hbm>> -> memref<64xf32, #tpu.memory_space<hbm>>
        tpu.enqueue_dma source(%dma_start3A_1894 : memref<64xf32, #tpu.memory_space<hbm>>) target(%dma_start3A_1891 : memref<64xf32, #tpu.memory_space<vmem>>) target_semaphore(%arg18 : memref<!tpu.dma_semaphore, #tpu.memory_space<semaphore_mem>>)
        %slice3A_1895 = vector.extract_strided_slice %get3A_1530 {offsets = [8], sizes = [1], strides = [1]} : vector<16xi32> to vector<1xi32>
        %squeeze3A_1896 = vector.extract %slice3A_1895[0] : i32 from vector<1xi32>
        %slice3A_1897 = vector.extract_strided_slice %get3A_1532 {offsets = [8], sizes = [1], strides = [1]} : vector<16xi32> to vector<1xi32>
        %squeeze3A_1898 = vector.extract %slice3A_1897[0] : i32 from vector<1xi32>
        %slice3A_1899 = vector.extract_strided_slice %get3A_1534 {offsets = [8], sizes = [1], strides = [1]} : vector<16xi32> to vector<1xi32>
        %squeeze3A_1900 = vector.extract %slice3A_1899[0] : i32 from vector<1xi32>
        %dma_start3A_1901 = arith.constant 8 : i32
        %dma_start3A_1902 = arith.constant 0 : i32
        %dma_start3A_1903 = tpu.memref_slice %arg11[%dma_start3A_1901, %dma_start3A_1902] : memref<16x64xf32, #tpu.memory_space<vmem>> -> memref<1x64xf32, #tpu.memory_space<vmem>>
        %dma_start3A_1904 = tpu.memref_squeeze %dma_start3A_1903 : memref<1x64xf32, #tpu.memory_space<vmem>> -> memref<64xf32, #tpu.memory_space<vmem>>
        %dma_start3A_1905 = arith.constant 0 : i32
        %dma_start3A_1906 = tpu.memref_slice %arg5[%squeeze3A_1896, %dma_start3A_1905] : memref<1000000x64xf32, #tpu.memory_space<hbm>> -> memref<1x64xf32, #tpu.memory_space<hbm>>
        %dma_start3A_1907 = tpu.memref_squeeze %dma_start3A_1906 : memref<1x64xf32, #tpu.memory_space<hbm>> -> memref<64xf32, #tpu.memory_space<hbm>>
        %dma_start3A_1908 = arith.constant 0 : i32
        %dma_start3A_1909 = tpu.memref_slice %arg11[%dma_start3A_1901, %dma_start3A_1908] : memref<16x64xf32, #tpu.memory_space<vmem>> -> memref<1x64xf32, #tpu.memory_space<vmem>>
        %dma_start3A_1910 = tpu.memref_squeeze %dma_start3A_1909 : memref<1x64xf32, #tpu.memory_space<vmem>> -> memref<64xf32, #tpu.memory_space<vmem>>
        %dma_start3A_1911 = arith.constant 0 : i32
        %dma_start3A_1912 = tpu.memref_slice %arg5[%squeeze3A_1896, %dma_start3A_1911] : memref<1000000x64xf32, #tpu.memory_space<hbm>> -> memref<1x64xf32, #tpu.memory_space<hbm>>
        %dma_start3A_1913 = tpu.memref_squeeze %dma_start3A_1912 : memref<1x64xf32, #tpu.memory_space<hbm>> -> memref<64xf32, #tpu.memory_space<hbm>>
        tpu.enqueue_dma source(%dma_start3A_1913 : memref<64xf32, #tpu.memory_space<hbm>>) target(%dma_start3A_1910 : memref<64xf32, #tpu.memory_space<vmem>>) target_semaphore(%arg18 : memref<!tpu.dma_semaphore, #tpu.memory_space<semaphore_mem>>)
        %dma_start3A_1914 = arith.constant 8 : i32
        %dma_start3A_1915 = arith.constant 0 : i32
        %dma_start3A_1916 = tpu.memref_slice %arg13[%dma_start3A_1914, %dma_start3A_1915] : memref<16x64xf32, #tpu.memory_space<vmem>> -> memref<1x64xf32, #tpu.memory_space<vmem>>
        %dma_start3A_1917 = tpu.memref_squeeze %dma_start3A_1916 : memref<1x64xf32, #tpu.memory_space<vmem>> -> memref<64xf32, #tpu.memory_space<vmem>>
        %dma_start3A_1918 = arith.constant 0 : i32
        %dma_start3A_1919 = tpu.memref_slice %arg6[%squeeze3A_1898, %dma_start3A_1918] : memref<1000000x64xf32, #tpu.memory_space<hbm>> -> memref<1x64xf32, #tpu.memory_space<hbm>>
        %dma_start3A_1920 = tpu.memref_squeeze %dma_start3A_1919 : memref<1x64xf32, #tpu.memory_space<hbm>> -> memref<64xf32, #tpu.memory_space<hbm>>
        %dma_start3A_1921 = arith.constant 0 : i32
        %dma_start3A_1922 = tpu.memref_slice %arg13[%dma_start3A_1914, %dma_start3A_1921] : memref<16x64xf32, #tpu.memory_space<vmem>> -> memref<1x64xf32, #tpu.memory_space<vmem>>
        %dma_start3A_1923 = tpu.memref_squeeze %dma_start3A_1922 : memref<1x64xf32, #tpu.memory_space<vmem>> -> memref<64xf32, #tpu.memory_space<vmem>>
        %dma_start3A_1924 = arith.constant 0 : i32
        %dma_start3A_1925 = tpu.memref_slice %arg6[%squeeze3A_1898, %dma_start3A_1924] : memref<1000000x64xf32, #tpu.memory_space<hbm>> -> memref<1x64xf32, #tpu.memory_space<hbm>>
        %dma_start3A_1926 = tpu.memref_squeeze %dma_start3A_1925 : memref<1x64xf32, #tpu.memory_space<hbm>> -> memref<64xf32, #tpu.memory_space<hbm>>
        tpu.enqueue_dma source(%dma_start3A_1926 : memref<64xf32, #tpu.memory_space<hbm>>) target(%dma_start3A_1923 : memref<64xf32, #tpu.memory_space<vmem>>) target_semaphore(%arg18 : memref<!tpu.dma_semaphore, #tpu.memory_space<semaphore_mem>>)
        %dma_start3A_1927 = arith.constant 8 : i32
        %dma_start3A_1928 = arith.constant 0 : i32
        %dma_start3A_1929 = tpu.memref_slice %arg15[%dma_start3A_1927, %dma_start3A_1928] : memref<16x64xf32, #tpu.memory_space<vmem>> -> memref<1x64xf32, #tpu.memory_space<vmem>>
        %dma_start3A_1930 = tpu.memref_squeeze %dma_start3A_1929 : memref<1x64xf32, #tpu.memory_space<vmem>> -> memref<64xf32, #tpu.memory_space<vmem>>
        %dma_start3A_1931 = arith.constant 0 : i32
        %dma_start3A_1932 = tpu.memref_slice %arg6[%squeeze3A_1900, %dma_start3A_1931] : memref<1000000x64xf32, #tpu.memory_space<hbm>> -> memref<1x64xf32, #tpu.memory_space<hbm>>
        %dma_start3A_1933 = tpu.memref_squeeze %dma_start3A_1932 : memref<1x64xf32, #tpu.memory_space<hbm>> -> memref<64xf32, #tpu.memory_space<hbm>>
        %dma_start3A_1934 = arith.constant 0 : i32
        %dma_start3A_1935 = tpu.memref_slice %arg15[%dma_start3A_1927, %dma_start3A_1934] : memref<16x64xf32, #tpu.memory_space<vmem>> -> memref<1x64xf32, #tpu.memory_space<vmem>>
        %dma_start3A_1936 = tpu.memref_squeeze %dma_start3A_1935 : memref<1x64xf32, #tpu.memory_space<vmem>> -> memref<64xf32, #tpu.memory_space<vmem>>
        %dma_start3A_1937 = arith.constant 0 : i32
        %dma_start3A_1938 = tpu.memref_slice %arg6[%squeeze3A_1900, %dma_start3A_1937] : memref<1000000x64xf32, #tpu.memory_space<hbm>> -> memref<1x64xf32, #tpu.memory_space<hbm>>
        %dma_start3A_1939 = tpu.memref_squeeze %dma_start3A_1938 : memref<1x64xf32, #tpu.memory_space<hbm>> -> memref<64xf32, #tpu.memory_space<hbm>>
        tpu.enqueue_dma source(%dma_start3A_1939 : memref<64xf32, #tpu.memory_space<hbm>>) target(%dma_start3A_1936 : memref<64xf32, #tpu.memory_space<vmem>>) target_semaphore(%arg18 : memref<!tpu.dma_semaphore, #tpu.memory_space<semaphore_mem>>)
        %slice3A_1940 = vector.extract_strided_slice %get3A_1530 {offsets = [9], sizes = [1], strides = [1]} : vector<16xi32> to vector<1xi32>
        %squeeze3A_1941 = vector.extract %slice3A_1940[0] : i32 from vector<1xi32>
        %slice3A_1942 = vector.extract_strided_slice %get3A_1532 {offsets = [9], sizes = [1], strides = [1]} : vector<16xi32> to vector<1xi32>
        %squeeze3A_1943 = vector.extract %slice3A_1942[0] : i32 from vector<1xi32>
        %slice3A_1944 = vector.extract_strided_slice %get3A_1534 {offsets = [9], sizes = [1], strides = [1]} : vector<16xi32> to vector<1xi32>
        %squeeze3A_1945 = vector.extract %slice3A_1944[0] : i32 from vector<1xi32>
        %dma_start3A_1946 = arith.constant 9 : i32
        %dma_start3A_1947 = arith.constant 0 : i32
        %dma_start3A_1948 = tpu.memref_slice %arg11[%dma_start3A_1946, %dma_start3A_1947] : memref<16x64xf32, #tpu.memory_space<vmem>> -> memref<1x64xf32, #tpu.memory_space<vmem>>
        %dma_start3A_1949 = tpu.memref_squeeze %dma_start3A_1948 : memref<1x64xf32, #tpu.memory_space<vmem>> -> memref<64xf32, #tpu.memory_space<vmem>>
        %dma_start3A_1950 = arith.constant 0 : i32
        %dma_start3A_1951 = tpu.memref_slice %arg5[%squeeze3A_1941, %dma_start3A_1950] : memref<1000000x64xf32, #tpu.memory_space<hbm>> -> memref<1x64xf32, #tpu.memory_space<hbm>>
        %dma_start3A_1952 = tpu.memref_squeeze %dma_start3A_1951 : memref<1x64xf32, #tpu.memory_space<hbm>> -> memref<64xf32, #tpu.memory_space<hbm>>
        %dma_start3A_1953 = arith.constant 0 : i32
        %dma_start3A_1954 = tpu.memref_slice %arg11[%dma_start3A_1946, %dma_start3A_1953] : memref<16x64xf32, #tpu.memory_space<vmem>> -> memref<1x64xf32, #tpu.memory_space<vmem>>
        %dma_start3A_1955 = tpu.memref_squeeze %dma_start3A_1954 : memref<1x64xf32, #tpu.memory_space<vmem>> -> memref<64xf32, #tpu.memory_space<vmem>>
        %dma_start3A_1956 = arith.constant 0 : i32
        %dma_start3A_1957 = tpu.memref_slice %arg5[%squeeze3A_1941, %dma_start3A_1956] : memref<1000000x64xf32, #tpu.memory_space<hbm>> -> memref<1x64xf32, #tpu.memory_space<hbm>>
        %dma_start3A_1958 = tpu.memref_squeeze %dma_start3A_1957 : memref<1x64xf32, #tpu.memory_space<hbm>> -> memref<64xf32, #tpu.memory_space<hbm>>
        tpu.enqueue_dma source(%dma_start3A_1958 : memref<64xf32, #tpu.memory_space<hbm>>) target(%dma_start3A_1955 : memref<64xf32, #tpu.memory_space<vmem>>) target_semaphore(%arg18 : memref<!tpu.dma_semaphore, #tpu.memory_space<semaphore_mem>>)
        %dma_start3A_1959 = arith.constant 9 : i32
        %dma_start3A_1960 = arith.constant 0 : i32
        %dma_start3A_1961 = tpu.memref_slice %arg13[%dma_start3A_1959, %dma_start3A_1960] : memref<16x64xf32, #tpu.memory_space<vmem>> -> memref<1x64xf32, #tpu.memory_space<vmem>>
        %dma_start3A_1962 = tpu.memref_squeeze %dma_start3A_1961 : memref<1x64xf32, #tpu.memory_space<vmem>> -> memref<64xf32, #tpu.memory_space<vmem>>
        %dma_start3A_1963 = arith.constant 0 : i32
        %dma_start3A_1964 = tpu.memref_slice %arg6[%squeeze3A_1943, %dma_start3A_1963] : memref<1000000x64xf32, #tpu.memory_space<hbm>> -> memref<1x64xf32, #tpu.memory_space<hbm>>
        %dma_start3A_1965 = tpu.memref_squeeze %dma_start3A_1964 : memref<1x64xf32, #tpu.memory_space<hbm>> -> memref<64xf32, #tpu.memory_space<hbm>>
        %dma_start3A_1966 = arith.constant 0 : i32
        %dma_start3A_1967 = tpu.memref_slice %arg13[%dma_start3A_1959, %dma_start3A_1966] : memref<16x64xf32, #tpu.memory_space<vmem>> -> memref<1x64xf32, #tpu.memory_space<vmem>>
        %dma_start3A_1968 = tpu.memref_squeeze %dma_start3A_1967 : memref<1x64xf32, #tpu.memory_space<vmem>> -> memref<64xf32, #tpu.memory_space<vmem>>
        %dma_start3A_1969 = arith.constant 0 : i32
        %dma_start3A_1970 = tpu.memref_slice %arg6[%squeeze3A_1943, %dma_start3A_1969] : memref<1000000x64xf32, #tpu.memory_space<hbm>> -> memref<1x64xf32, #tpu.memory_space<hbm>>
        %dma_start3A_1971 = tpu.memref_squeeze %dma_start3A_1970 : memref<1x64xf32, #tpu.memory_space<hbm>> -> memref<64xf32, #tpu.memory_space<hbm>>
        tpu.enqueue_dma source(%dma_start3A_1971 : memref<64xf32, #tpu.memory_space<hbm>>) target(%dma_start3A_1968 : memref<64xf32, #tpu.memory_space<vmem>>) target_semaphore(%arg18 : memref<!tpu.dma_semaphore, #tpu.memory_space<semaphore_mem>>)
        %dma_start3A_1972 = arith.constant 9 : i32
        %dma_start3A_1973 = arith.constant 0 : i32
        %dma_start3A_1974 = tpu.memref_slice %arg15[%dma_start3A_1972, %dma_start3A_1973] : memref<16x64xf32, #tpu.memory_space<vmem>> -> memref<1x64xf32, #tpu.memory_space<vmem>>
        %dma_start3A_1975 = tpu.memref_squeeze %dma_start3A_1974 : memref<1x64xf32, #tpu.memory_space<vmem>> -> memref<64xf32, #tpu.memory_space<vmem>>
        %dma_start3A_1976 = arith.constant 0 : i32
        %dma_start3A_1977 = tpu.memref_slice %arg6[%squeeze3A_1945, %dma_start3A_1976] : memref<1000000x64xf32, #tpu.memory_space<hbm>> -> memref<1x64xf32, #tpu.memory_space<hbm>>
        %dma_start3A_1978 = tpu.memref_squeeze %dma_start3A_1977 : memref<1x64xf32, #tpu.memory_space<hbm>> -> memref<64xf32, #tpu.memory_space<hbm>>
        %dma_start3A_1979 = arith.constant 0 : i32
        %dma_start3A_1980 = tpu.memref_slice %arg15[%dma_start3A_1972, %dma_start3A_1979] : memref<16x64xf32, #tpu.memory_space<vmem>> -> memref<1x64xf32, #tpu.memory_space<vmem>>
        %dma_start3A_1981 = tpu.memref_squeeze %dma_start3A_1980 : memref<1x64xf32, #tpu.memory_space<vmem>> -> memref<64xf32, #tpu.memory_space<vmem>>
        %dma_start3A_1982 = arith.constant 0 : i32
        %dma_start3A_1983 = tpu.memref_slice %arg6[%squeeze3A_1945, %dma_start3A_1982] : memref<1000000x64xf32, #tpu.memory_space<hbm>> -> memref<1x64xf32, #tpu.memory_space<hbm>>
        %dma_start3A_1984 = tpu.memref_squeeze %dma_start3A_1983 : memref<1x64xf32, #tpu.memory_space<hbm>> -> memref<64xf32, #tpu.memory_space<hbm>>
        tpu.enqueue_dma source(%dma_start3A_1984 : memref<64xf32, #tpu.memory_space<hbm>>) target(%dma_start3A_1981 : memref<64xf32, #tpu.memory_space<vmem>>) target_semaphore(%arg18 : memref<!tpu.dma_semaphore, #tpu.memory_space<semaphore_mem>>)
        %slice3A_1985 = vector.extract_strided_slice %get3A_1530 {offsets = [10], sizes = [1], strides = [1]} : vector<16xi32> to vector<1xi32>
        %squeeze3A_1986 = vector.extract %slice3A_1985[0] : i32 from vector<1xi32>
        %slice3A_1987 = vector.extract_strided_slice %get3A_1532 {offsets = [10], sizes = [1], strides = [1]} : vector<16xi32> to vector<1xi32>
        %squeeze3A_1988 = vector.extract %slice3A_1987[0] : i32 from vector<1xi32>
        %slice3A_1989 = vector.extract_strided_slice %get3A_1534 {offsets = [10], sizes = [1], strides = [1]} : vector<16xi32> to vector<1xi32>
        %squeeze3A_1990 = vector.extract %slice3A_1989[0] : i32 from vector<1xi32>
        %dma_start3A_1991 = arith.constant 10 : i32
        %dma_start3A_1992 = arith.constant 0 : i32
        %dma_start3A_1993 = tpu.memref_slice %arg11[%dma_start3A_1991, %dma_start3A_1992] : memref<16x64xf32, #tpu.memory_space<vmem>> -> memref<1x64xf32, #tpu.memory_space<vmem>>
        %dma_start3A_1994 = tpu.memref_squeeze %dma_start3A_1993 : memref<1x64xf32, #tpu.memory_space<vmem>> -> memref<64xf32, #tpu.memory_space<vmem>>
        %dma_start3A_1995 = arith.constant 0 : i32
        %dma_start3A_1996 = tpu.memref_slice %arg5[%squeeze3A_1986, %dma_start3A_1995] : memref<1000000x64xf32, #tpu.memory_space<hbm>> -> memref<1x64xf32, #tpu.memory_space<hbm>>
        %dma_start3A_1997 = tpu.memref_squeeze %dma_start3A_1996 : memref<1x64xf32, #tpu.memory_space<hbm>> -> memref<64xf32, #tpu.memory_space<hbm>>
        %dma_start3A_1998 = arith.constant 0 : i32
        %dma_start3A_1999 = tpu.memref_slice %arg11[%dma_start3A_1991, %dma_start3A_1998] : memref<16x64xf32, #tpu.memory_space<vmem>> -> memref<1x64xf32, #tpu.memory_space<vmem>>
        %dma_start3A_2000 = tpu.memref_squeeze %dma_start3A_1999 : memref<1x64xf32, #tpu.memory_space<vmem>> -> memref<64xf32, #tpu.memory_space<vmem>>
        %dma_start3A_2001 = arith.constant 0 : i32
        %dma_start3A_2002 = tpu.memref_slice %arg5[%squeeze3A_1986, %dma_start3A_2001] : memref<1000000x64xf32, #tpu.memory_space<hbm>> -> memref<1x64xf32, #tpu.memory_space<hbm>>
        %dma_start3A_2003 = tpu.memref_squeeze %dma_start3A_2002 : memref<1x64xf32, #tpu.memory_space<hbm>> -> memref<64xf32, #tpu.memory_space<hbm>>
        tpu.enqueue_dma source(%dma_start3A_2003 : memref<64xf32, #tpu.memory_space<hbm>>) target(%dma_start3A_2000 : memref<64xf32, #tpu.memory_space<vmem>>) target_semaphore(%arg18 : memref<!tpu.dma_semaphore, #tpu.memory_space<semaphore_mem>>)
        %dma_start3A_2004 = arith.constant 10 : i32
        %dma_start3A_2005 = arith.constant 0 : i32
        %dma_start3A_2006 = tpu.memref_slice %arg13[%dma_start3A_2004, %dma_start3A_2005] : memref<16x64xf32, #tpu.memory_space<vmem>> -> memref<1x64xf32, #tpu.memory_space<vmem>>
        %dma_start3A_2007 = tpu.memref_squeeze %dma_start3A_2006 : memref<1x64xf32, #tpu.memory_space<vmem>> -> memref<64xf32, #tpu.memory_space<vmem>>
        %dma_start3A_2008 = arith.constant 0 : i32
        %dma_start3A_2009 = tpu.memref_slice %arg6[%squeeze3A_1988, %dma_start3A_2008] : memref<1000000x64xf32, #tpu.memory_space<hbm>> -> memref<1x64xf32, #tpu.memory_space<hbm>>
        %dma_start3A_2010 = tpu.memref_squeeze %dma_start3A_2009 : memref<1x64xf32, #tpu.memory_space<hbm>> -> memref<64xf32, #tpu.memory_space<hbm>>
        %dma_start3A_2011 = arith.constant 0 : i32
        %dma_start3A_2012 = tpu.memref_slice %arg13[%dma_start3A_2004, %dma_start3A_2011] : memref<16x64xf32, #tpu.memory_space<vmem>> -> memref<1x64xf32, #tpu.memory_space<vmem>>
        %dma_start3A_2013 = tpu.memref_squeeze %dma_start3A_2012 : memref<1x64xf32, #tpu.memory_space<vmem>> -> memref<64xf32, #tpu.memory_space<vmem>>
        %dma_start3A_2014 = arith.constant 0 : i32
        %dma_start3A_2015 = tpu.memref_slice %arg6[%squeeze3A_1988, %dma_start3A_2014] : memref<1000000x64xf32, #tpu.memory_space<hbm>> -> memref<1x64xf32, #tpu.memory_space<hbm>>
        %dma_start3A_2016 = tpu.memref_squeeze %dma_start3A_2015 : memref<1x64xf32, #tpu.memory_space<hbm>> -> memref<64xf32, #tpu.memory_space<hbm>>
        tpu.enqueue_dma source(%dma_start3A_2016 : memref<64xf32, #tpu.memory_space<hbm>>) target(%dma_start3A_2013 : memref<64xf32, #tpu.memory_space<vmem>>) target_semaphore(%arg18 : memref<!tpu.dma_semaphore, #tpu.memory_space<semaphore_mem>>)
        %dma_start3A_2017 = arith.constant 10 : i32
        %dma_start3A_2018 = arith.constant 0 : i32
        %dma_start3A_2019 = tpu.memref_slice %arg15[%dma_start3A_2017, %dma_start3A_2018] : memref<16x64xf32, #tpu.memory_space<vmem>> -> memref<1x64xf32, #tpu.memory_space<vmem>>
        %dma_start3A_2020 = tpu.memref_squeeze %dma_start3A_2019 : memref<1x64xf32, #tpu.memory_space<vmem>> -> memref<64xf32, #tpu.memory_space<vmem>>
        %dma_start3A_2021 = arith.constant 0 : i32
        %dma_start3A_2022 = tpu.memref_slice %arg6[%squeeze3A_1990, %dma_start3A_2021] : memref<1000000x64xf32, #tpu.memory_space<hbm>> -> memref<1x64xf32, #tpu.memory_space<hbm>>
        %dma_start3A_2023 = tpu.memref_squeeze %dma_start3A_2022 : memref<1x64xf32, #tpu.memory_space<hbm>> -> memref<64xf32, #tpu.memory_space<hbm>>
        %dma_start3A_2024 = arith.constant 0 : i32
        %dma_start3A_2025 = tpu.memref_slice %arg15[%dma_start3A_2017, %dma_start3A_2024] : memref<16x64xf32, #tpu.memory_space<vmem>> -> memref<1x64xf32, #tpu.memory_space<vmem>>
        %dma_start3A_2026 = tpu.memref_squeeze %dma_start3A_2025 : memref<1x64xf32, #tpu.memory_space<vmem>> -> memref<64xf32, #tpu.memory_space<vmem>>
        %dma_start3A_2027 = arith.constant 0 : i32
        %dma_start3A_2028 = tpu.memref_slice %arg6[%squeeze3A_1990, %dma_start3A_2027] : memref<1000000x64xf32, #tpu.memory_space<hbm>> -> memref<1x64xf32, #tpu.memory_space<hbm>>
        %dma_start3A_2029 = tpu.memref_squeeze %dma_start3A_2028 : memref<1x64xf32, #tpu.memory_space<hbm>> -> memref<64xf32, #tpu.memory_space<hbm>>
        tpu.enqueue_dma source(%dma_start3A_2029 : memref<64xf32, #tpu.memory_space<hbm>>) target(%dma_start3A_2026 : memref<64xf32, #tpu.memory_space<vmem>>) target_semaphore(%arg18 : memref<!tpu.dma_semaphore, #tpu.memory_space<semaphore_mem>>)
        %slice3A_2030 = vector.extract_strided_slice %get3A_1530 {offsets = [11], sizes = [1], strides = [1]} : vector<16xi32> to vector<1xi32>
        %squeeze3A_2031 = vector.extract %slice3A_2030[0] : i32 from vector<1xi32>
        %slice3A_2032 = vector.extract_strided_slice %get3A_1532 {offsets = [11], sizes = [1], strides = [1]} : vector<16xi32> to vector<1xi32>
        %squeeze3A_2033 = vector.extract %slice3A_2032[0] : i32 from vector<1xi32>
        %slice3A_2034 = vector.extract_strided_slice %get3A_1534 {offsets = [11], sizes = [1], strides = [1]} : vector<16xi32> to vector<1xi32>
        %squeeze3A_2035 = vector.extract %slice3A_2034[0] : i32 from vector<1xi32>
        %dma_start3A_2036 = arith.constant 11 : i32
        %dma_start3A_2037 = arith.constant 0 : i32
        %dma_start3A_2038 = tpu.memref_slice %arg11[%dma_start3A_2036, %dma_start3A_2037] : memref<16x64xf32, #tpu.memory_space<vmem>> -> memref<1x64xf32, #tpu.memory_space<vmem>>
        %dma_start3A_2039 = tpu.memref_squeeze %dma_start3A_2038 : memref<1x64xf32, #tpu.memory_space<vmem>> -> memref<64xf32, #tpu.memory_space<vmem>>
        %dma_start3A_2040 = arith.constant 0 : i32
        %dma_start3A_2041 = tpu.memref_slice %arg5[%squeeze3A_2031, %dma_start3A_2040] : memref<1000000x64xf32, #tpu.memory_space<hbm>> -> memref<1x64xf32, #tpu.memory_space<hbm>>
        %dma_start3A_2042 = tpu.memref_squeeze %dma_start3A_2041 : memref<1x64xf32, #tpu.memory_space<hbm>> -> memref<64xf32, #tpu.memory_space<hbm>>
        %dma_start3A_2043 = arith.constant 0 : i32
        %dma_start3A_2044 = tpu.memref_slice %arg11[%dma_start3A_2036, %dma_start3A_2043] : memref<16x64xf32, #tpu.memory_space<vmem>> -> memref<1x64xf32, #tpu.memory_space<vmem>>
        %dma_start3A_2045 = tpu.memref_squeeze %dma_start3A_2044 : memref<1x64xf32, #tpu.memory_space<vmem>> -> memref<64xf32, #tpu.memory_space<vmem>>
        %dma_start3A_2046 = arith.constant 0 : i32
        %dma_start3A_2047 = tpu.memref_slice %arg5[%squeeze3A_2031, %dma_start3A_2046] : memref<1000000x64xf32, #tpu.memory_space<hbm>> -> memref<1x64xf32, #tpu.memory_space<hbm>>
        %dma_start3A_2048 = tpu.memref_squeeze %dma_start3A_2047 : memref<1x64xf32, #tpu.memory_space<hbm>> -> memref<64xf32, #tpu.memory_space<hbm>>
        tpu.enqueue_dma source(%dma_start3A_2048 : memref<64xf32, #tpu.memory_space<hbm>>) target(%dma_start3A_2045 : memref<64xf32, #tpu.memory_space<vmem>>) target_semaphore(%arg18 : memref<!tpu.dma_semaphore, #tpu.memory_space<semaphore_mem>>)
        %dma_start3A_2049 = arith.constant 11 : i32
        %dma_start3A_2050 = arith.constant 0 : i32
        %dma_start3A_2051 = tpu.memref_slice %arg13[%dma_start3A_2049, %dma_start3A_2050] : memref<16x64xf32, #tpu.memory_space<vmem>> -> memref<1x64xf32, #tpu.memory_space<vmem>>
        %dma_start3A_2052 = tpu.memref_squeeze %dma_start3A_2051 : memref<1x64xf32, #tpu.memory_space<vmem>> -> memref<64xf32, #tpu.memory_space<vmem>>
        %dma_start3A_2053 = arith.constant 0 : i32
        %dma_start3A_2054 = tpu.memref_slice %arg6[%squeeze3A_2033, %dma_start3A_2053] : memref<1000000x64xf32, #tpu.memory_space<hbm>> -> memref<1x64xf32, #tpu.memory_space<hbm>>
        %dma_start3A_2055 = tpu.memref_squeeze %dma_start3A_2054 : memref<1x64xf32, #tpu.memory_space<hbm>> -> memref<64xf32, #tpu.memory_space<hbm>>
        %dma_start3A_2056 = arith.constant 0 : i32
        %dma_start3A_2057 = tpu.memref_slice %arg13[%dma_start3A_2049, %dma_start3A_2056] : memref<16x64xf32, #tpu.memory_space<vmem>> -> memref<1x64xf32, #tpu.memory_space<vmem>>
        %dma_start3A_2058 = tpu.memref_squeeze %dma_start3A_2057 : memref<1x64xf32, #tpu.memory_space<vmem>> -> memref<64xf32, #tpu.memory_space<vmem>>
        %dma_start3A_2059 = arith.constant 0 : i32
        %dma_start3A_2060 = tpu.memref_slice %arg6[%squeeze3A_2033, %dma_start3A_2059] : memref<1000000x64xf32, #tpu.memory_space<hbm>> -> memref<1x64xf32, #tpu.memory_space<hbm>>
        %dma_start3A_2061 = tpu.memref_squeeze %dma_start3A_2060 : memref<1x64xf32, #tpu.memory_space<hbm>> -> memref<64xf32, #tpu.memory_space<hbm>>
        tpu.enqueue_dma source(%dma_start3A_2061 : memref<64xf32, #tpu.memory_space<hbm>>) target(%dma_start3A_2058 : memref<64xf32, #tpu.memory_space<vmem>>) target_semaphore(%arg18 : memref<!tpu.dma_semaphore, #tpu.memory_space<semaphore_mem>>)
        %dma_start3A_2062 = arith.constant 11 : i32
        %dma_start3A_2063 = arith.constant 0 : i32
        %dma_start3A_2064 = tpu.memref_slice %arg15[%dma_start3A_2062, %dma_start3A_2063] : memref<16x64xf32, #tpu.memory_space<vmem>> -> memref<1x64xf32, #tpu.memory_space<vmem>>
        %dma_start3A_2065 = tpu.memref_squeeze %dma_start3A_2064 : memref<1x64xf32, #tpu.memory_space<vmem>> -> memref<64xf32, #tpu.memory_space<vmem>>
        %dma_start3A_2066 = arith.constant 0 : i32
        %dma_start3A_2067 = tpu.memref_slice %arg6[%squeeze3A_2035, %dma_start3A_2066] : memref<1000000x64xf32, #tpu.memory_space<hbm>> -> memref<1x64xf32, #tpu.memory_space<hbm>>
        %dma_start3A_2068 = tpu.memref_squeeze %dma_start3A_2067 : memref<1x64xf32, #tpu.memory_space<hbm>> -> memref<64xf32, #tpu.memory_space<hbm>>
        %dma_start3A_2069 = arith.constant 0 : i32
        %dma_start3A_2070 = tpu.memref_slice %arg15[%dma_start3A_2062, %dma_start3A_2069] : memref<16x64xf32, #tpu.memory_space<vmem>> -> memref<1x64xf32, #tpu.memory_space<vmem>>
        %dma_start3A_2071 = tpu.memref_squeeze %dma_start3A_2070 : memref<1x64xf32, #tpu.memory_space<vmem>> -> memref<64xf32, #tpu.memory_space<vmem>>
        %dma_start3A_2072 = arith.constant 0 : i32
        %dma_start3A_2073 = tpu.memref_slice %arg6[%squeeze3A_2035, %dma_start3A_2072] : memref<1000000x64xf32, #tpu.memory_space<hbm>> -> memref<1x64xf32, #tpu.memory_space<hbm>>
        %dma_start3A_2074 = tpu.memref_squeeze %dma_start3A_2073 : memref<1x64xf32, #tpu.memory_space<hbm>> -> memref<64xf32, #tpu.memory_space<hbm>>
        tpu.enqueue_dma source(%dma_start3A_2074 : memref<64xf32, #tpu.memory_space<hbm>>) target(%dma_start3A_2071 : memref<64xf32, #tpu.memory_space<vmem>>) target_semaphore(%arg18 : memref<!tpu.dma_semaphore, #tpu.memory_space<semaphore_mem>>)
        %slice3A_2075 = vector.extract_strided_slice %get3A_1530 {offsets = [12], sizes = [1], strides = [1]} : vector<16xi32> to vector<1xi32>
        %squeeze3A_2076 = vector.extract %slice3A_2075[0] : i32 from vector<1xi32>
        %slice3A_2077 = vector.extract_strided_slice %get3A_1532 {offsets = [12], sizes = [1], strides = [1]} : vector<16xi32> to vector<1xi32>
        %squeeze3A_2078 = vector.extract %slice3A_2077[0] : i32 from vector<1xi32>
        %slice3A_2079 = vector.extract_strided_slice %get3A_1534 {offsets = [12], sizes = [1], strides = [1]} : vector<16xi32> to vector<1xi32>
        %squeeze3A_2080 = vector.extract %slice3A_2079[0] : i32 from vector<1xi32>
        %dma_start3A_2081 = arith.constant 12 : i32
        %dma_start3A_2082 = arith.constant 0 : i32
        %dma_start3A_2083 = tpu.memref_slice %arg11[%dma_start3A_2081, %dma_start3A_2082] : memref<16x64xf32, #tpu.memory_space<vmem>> -> memref<1x64xf32, #tpu.memory_space<vmem>>
        %dma_start3A_2084 = tpu.memref_squeeze %dma_start3A_2083 : memref<1x64xf32, #tpu.memory_space<vmem>> -> memref<64xf32, #tpu.memory_space<vmem>>
        %dma_start3A_2085 = arith.constant 0 : i32
        %dma_start3A_2086 = tpu.memref_slice %arg5[%squeeze3A_2076, %dma_start3A_2085] : memref<1000000x64xf32, #tpu.memory_space<hbm>> -> memref<1x64xf32, #tpu.memory_space<hbm>>
        %dma_start3A_2087 = tpu.memref_squeeze %dma_start3A_2086 : memref<1x64xf32, #tpu.memory_space<hbm>> -> memref<64xf32, #tpu.memory_space<hbm>>
        %dma_start3A_2088 = arith.constant 0 : i32
        %dma_start3A_2089 = tpu.memref_slice %arg11[%dma_start3A_2081, %dma_start3A_2088] : memref<16x64xf32, #tpu.memory_space<vmem>> -> memref<1x64xf32, #tpu.memory_space<vmem>>
        %dma_start3A_2090 = tpu.memref_squeeze %dma_start3A_2089 : memref<1x64xf32, #tpu.memory_space<vmem>> -> memref<64xf32, #tpu.memory_space<vmem>>
        %dma_start3A_2091 = arith.constant 0 : i32
        %dma_start3A_2092 = tpu.memref_slice %arg5[%squeeze3A_2076, %dma_start3A_2091] : memref<1000000x64xf32, #tpu.memory_space<hbm>> -> memref<1x64xf32, #tpu.memory_space<hbm>>
        %dma_start3A_2093 = tpu.memref_squeeze %dma_start3A_2092 : memref<1x64xf32, #tpu.memory_space<hbm>> -> memref<64xf32, #tpu.memory_space<hbm>>
        tpu.enqueue_dma source(%dma_start3A_2093 : memref<64xf32, #tpu.memory_space<hbm>>) target(%dma_start3A_2090 : memref<64xf32, #tpu.memory_space<vmem>>) target_semaphore(%arg18 : memref<!tpu.dma_semaphore, #tpu.memory_space<semaphore_mem>>)
        %dma_start3A_2094 = arith.constant 12 : i32
        %dma_start3A_2095 = arith.constant 0 : i32
        %dma_start3A_2096 = tpu.memref_slice %arg13[%dma_start3A_2094, %dma_start3A_2095] : memref<16x64xf32, #tpu.memory_space<vmem>> -> memref<1x64xf32, #tpu.memory_space<vmem>>
        %dma_start3A_2097 = tpu.memref_squeeze %dma_start3A_2096 : memref<1x64xf32, #tpu.memory_space<vmem>> -> memref<64xf32, #tpu.memory_space<vmem>>
        %dma_start3A_2098 = arith.constant 0 : i32
        %dma_start3A_2099 = tpu.memref_slice %arg6[%squeeze3A_2078, %dma_start3A_2098] : memref<1000000x64xf32, #tpu.memory_space<hbm>> -> memref<1x64xf32, #tpu.memory_space<hbm>>
        %dma_start3A_2100 = tpu.memref_squeeze %dma_start3A_2099 : memref<1x64xf32, #tpu.memory_space<hbm>> -> memref<64xf32, #tpu.memory_space<hbm>>
        %dma_start3A_2101 = arith.constant 0 : i32
        %dma_start3A_2102 = tpu.memref_slice %arg13[%dma_start3A_2094, %dma_start3A_2101] : memref<16x64xf32, #tpu.memory_space<vmem>> -> memref<1x64xf32, #tpu.memory_space<vmem>>
        %dma_start3A_2103 = tpu.memref_squeeze %dma_start3A_2102 : memref<1x64xf32, #tpu.memory_space<vmem>> -> memref<64xf32, #tpu.memory_space<vmem>>
        %dma_start3A_2104 = arith.constant 0 : i32
        %dma_start3A_2105 = tpu.memref_slice %arg6[%squeeze3A_2078, %dma_start3A_2104] : memref<1000000x64xf32, #tpu.memory_space<hbm>> -> memref<1x64xf32, #tpu.memory_space<hbm>>
        %dma_start3A_2106 = tpu.memref_squeeze %dma_start3A_2105 : memref<1x64xf32, #tpu.memory_space<hbm>> -> memref<64xf32, #tpu.memory_space<hbm>>
        tpu.enqueue_dma source(%dma_start3A_2106 : memref<64xf32, #tpu.memory_space<hbm>>) target(%dma_start3A_2103 : memref<64xf32, #tpu.memory_space<vmem>>) target_semaphore(%arg18 : memref<!tpu.dma_semaphore, #tpu.memory_space<semaphore_mem>>)
        %dma_start3A_2107 = arith.constant 12 : i32
        %dma_start3A_2108 = arith.constant 0 : i32
        %dma_start3A_2109 = tpu.memref_slice %arg15[%dma_start3A_2107, %dma_start3A_2108] : memref<16x64xf32, #tpu.memory_space<vmem>> -> memref<1x64xf32, #tpu.memory_space<vmem>>
        %dma_start3A_2110 = tpu.memref_squeeze %dma_start3A_2109 : memref<1x64xf32, #tpu.memory_space<vmem>> -> memref<64xf32, #tpu.memory_space<vmem>>
        %dma_start3A_2111 = arith.constant 0 : i32
        %dma_start3A_2112 = tpu.memref_slice %arg6[%squeeze3A_2080, %dma_start3A_2111] : memref<1000000x64xf32, #tpu.memory_space<hbm>> -> memref<1x64xf32, #tpu.memory_space<hbm>>
        %dma_start3A_2113 = tpu.memref_squeeze %dma_start3A_2112 : memref<1x64xf32, #tpu.memory_space<hbm>> -> memref<64xf32, #tpu.memory_space<hbm>>
        %dma_start3A_2114 = arith.constant 0 : i32
        %dma_start3A_2115 = tpu.memref_slice %arg15[%dma_start3A_2107, %dma_start3A_2114] : memref<16x64xf32, #tpu.memory_space<vmem>> -> memref<1x64xf32, #tpu.memory_space<vmem>>
        %dma_start3A_2116 = tpu.memref_squeeze %dma_start3A_2115 : memref<1x64xf32, #tpu.memory_space<vmem>> -> memref<64xf32, #tpu.memory_space<vmem>>
        %dma_start3A_2117 = arith.constant 0 : i32
        %dma_start3A_2118 = tpu.memref_slice %arg6[%squeeze3A_2080, %dma_start3A_2117] : memref<1000000x64xf32, #tpu.memory_space<hbm>> -> memref<1x64xf32, #tpu.memory_space<hbm>>
        %dma_start3A_2119 = tpu.memref_squeeze %dma_start3A_2118 : memref<1x64xf32, #tpu.memory_space<hbm>> -> memref<64xf32, #tpu.memory_space<hbm>>
        tpu.enqueue_dma source(%dma_start3A_2119 : memref<64xf32, #tpu.memory_space<hbm>>) target(%dma_start3A_2116 : memref<64xf32, #tpu.memory_space<vmem>>) target_semaphore(%arg18 : memref<!tpu.dma_semaphore, #tpu.memory_space<semaphore_mem>>)
        %slice3A_2120 = vector.extract_strided_slice %get3A_1530 {offsets = [13], sizes = [1], strides = [1]} : vector<16xi32> to vector<1xi32>
        %squeeze3A_2121 = vector.extract %slice3A_2120[0] : i32 from vector<1xi32>
        %slice3A_2122 = vector.extract_strided_slice %get3A_1532 {offsets = [13], sizes = [1], strides = [1]} : vector<16xi32> to vector<1xi32>
        %squeeze3A_2123 = vector.extract %slice3A_2122[0] : i32 from vector<1xi32>
        %slice3A_2124 = vector.extract_strided_slice %get3A_1534 {offsets = [13], sizes = [1], strides = [1]} : vector<16xi32> to vector<1xi32>
        %squeeze3A_2125 = vector.extract %slice3A_2124[0] : i32 from vector<1xi32>
        %dma_start3A_2126 = arith.constant 13 : i32
        %dma_start3A_2127 = arith.constant 0 : i32
        %dma_start3A_2128 = tpu.memref_slice %arg11[%dma_start3A_2126, %dma_start3A_2127] : memref<16x64xf32, #tpu.memory_space<vmem>> -> memref<1x64xf32, #tpu.memory_space<vmem>>
        %dma_start3A_2129 = tpu.memref_squeeze %dma_start3A_2128 : memref<1x64xf32, #tpu.memory_space<vmem>> -> memref<64xf32, #tpu.memory_space<vmem>>
        %dma_start3A_2130 = arith.constant 0 : i32
        %dma_start3A_2131 = tpu.memref_slice %arg5[%squeeze3A_2121, %dma_start3A_2130] : memref<1000000x64xf32, #tpu.memory_space<hbm>> -> memref<1x64xf32, #tpu.memory_space<hbm>>
        %dma_start3A_2132 = tpu.memref_squeeze %dma_start3A_2131 : memref<1x64xf32, #tpu.memory_space<hbm>> -> memref<64xf32, #tpu.memory_space<hbm>>
        %dma_start3A_2133 = arith.constant 0 : i32
        %dma_start3A_2134 = tpu.memref_slice %arg11[%dma_start3A_2126, %dma_start3A_2133] : memref<16x64xf32, #tpu.memory_space<vmem>> -> memref<1x64xf32, #tpu.memory_space<vmem>>
        %dma_start3A_2135 = tpu.memref_squeeze %dma_start3A_2134 : memref<1x64xf32, #tpu.memory_space<vmem>> -> memref<64xf32, #tpu.memory_space<vmem>>
        %dma_start3A_2136 = arith.constant 0 : i32
        %dma_start3A_2137 = tpu.memref_slice %arg5[%squeeze3A_2121, %dma_start3A_2136] : memref<1000000x64xf32, #tpu.memory_space<hbm>> -> memref<1x64xf32, #tpu.memory_space<hbm>>
        %dma_start3A_2138 = tpu.memref_squeeze %dma_start3A_2137 : memref<1x64xf32, #tpu.memory_space<hbm>> -> memref<64xf32, #tpu.memory_space<hbm>>
        tpu.enqueue_dma source(%dma_start3A_2138 : memref<64xf32, #tpu.memory_space<hbm>>) target(%dma_start3A_2135 : memref<64xf32, #tpu.memory_space<vmem>>) target_semaphore(%arg18 : memref<!tpu.dma_semaphore, #tpu.memory_space<semaphore_mem>>)
        %dma_start3A_2139 = arith.constant 13 : i32
        %dma_start3A_2140 = arith.constant 0 : i32
        %dma_start3A_2141 = tpu.memref_slice %arg13[%dma_start3A_2139, %dma_start3A_2140] : memref<16x64xf32, #tpu.memory_space<vmem>> -> memref<1x64xf32, #tpu.memory_space<vmem>>
        %dma_start3A_2142 = tpu.memref_squeeze %dma_start3A_2141 : memref<1x64xf32, #tpu.memory_space<vmem>> -> memref<64xf32, #tpu.memory_space<vmem>>
        %dma_start3A_2143 = arith.constant 0 : i32
        %dma_start3A_2144 = tpu.memref_slice %arg6[%squeeze3A_2123, %dma_start3A_2143] : memref<1000000x64xf32, #tpu.memory_space<hbm>> -> memref<1x64xf32, #tpu.memory_space<hbm>>
        %dma_start3A_2145 = tpu.memref_squeeze %dma_start3A_2144 : memref<1x64xf32, #tpu.memory_space<hbm>> -> memref<64xf32, #tpu.memory_space<hbm>>
        %dma_start3A_2146 = arith.constant 0 : i32
        %dma_start3A_2147 = tpu.memref_slice %arg13[%dma_start3A_2139, %dma_start3A_2146] : memref<16x64xf32, #tpu.memory_space<vmem>> -> memref<1x64xf32, #tpu.memory_space<vmem>>
        %dma_start3A_2148 = tpu.memref_squeeze %dma_start3A_2147 : memref<1x64xf32, #tpu.memory_space<vmem>> -> memref<64xf32, #tpu.memory_space<vmem>>
        %dma_start3A_2149 = arith.constant 0 : i32
        %dma_start3A_2150 = tpu.memref_slice %arg6[%squeeze3A_2123, %dma_start3A_2149] : memref<1000000x64xf32, #tpu.memory_space<hbm>> -> memref<1x64xf32, #tpu.memory_space<hbm>>
        %dma_start3A_2151 = tpu.memref_squeeze %dma_start3A_2150 : memref<1x64xf32, #tpu.memory_space<hbm>> -> memref<64xf32, #tpu.memory_space<hbm>>
        tpu.enqueue_dma source(%dma_start3A_2151 : memref<64xf32, #tpu.memory_space<hbm>>) target(%dma_start3A_2148 : memref<64xf32, #tpu.memory_space<vmem>>) target_semaphore(%arg18 : memref<!tpu.dma_semaphore, #tpu.memory_space<semaphore_mem>>)
        %dma_start3A_2152 = arith.constant 13 : i32
        %dma_start3A_2153 = arith.constant 0 : i32
        %dma_start3A_2154 = tpu.memref_slice %arg15[%dma_start3A_2152, %dma_start3A_2153] : memref<16x64xf32, #tpu.memory_space<vmem>> -> memref<1x64xf32, #tpu.memory_space<vmem>>
        %dma_start3A_2155 = tpu.memref_squeeze %dma_start3A_2154 : memref<1x64xf32, #tpu.memory_space<vmem>> -> memref<64xf32, #tpu.memory_space<vmem>>
        %dma_start3A_2156 = arith.constant 0 : i32
        %dma_start3A_2157 = tpu.memref_slice %arg6[%squeeze3A_2125, %dma_start3A_2156] : memref<1000000x64xf32, #tpu.memory_space<hbm>> -> memref<1x64xf32, #tpu.memory_space<hbm>>
        %dma_start3A_2158 = tpu.memref_squeeze %dma_start3A_2157 : memref<1x64xf32, #tpu.memory_space<hbm>> -> memref<64xf32, #tpu.memory_space<hbm>>
        %dma_start3A_2159 = arith.constant 0 : i32
        %dma_start3A_2160 = tpu.memref_slice %arg15[%dma_start3A_2152, %dma_start3A_2159] : memref<16x64xf32, #tpu.memory_space<vmem>> -> memref<1x64xf32, #tpu.memory_space<vmem>>
        %dma_start3A_2161 = tpu.memref_squeeze %dma_start3A_2160 : memref<1x64xf32, #tpu.memory_space<vmem>> -> memref<64xf32, #tpu.memory_space<vmem>>
        %dma_start3A_2162 = arith.constant 0 : i32
        %dma_start3A_2163 = tpu.memref_slice %arg6[%squeeze3A_2125, %dma_start3A_2162] : memref<1000000x64xf32, #tpu.memory_space<hbm>> -> memref<1x64xf32, #tpu.memory_space<hbm>>
        %dma_start3A_2164 = tpu.memref_squeeze %dma_start3A_2163 : memref<1x64xf32, #tpu.memory_space<hbm>> -> memref<64xf32, #tpu.memory_space<hbm>>
        tpu.enqueue_dma source(%dma_start3A_2164 : memref<64xf32, #tpu.memory_space<hbm>>) target(%dma_start3A_2161 : memref<64xf32, #tpu.memory_space<vmem>>) target_semaphore(%arg18 : memref<!tpu.dma_semaphore, #tpu.memory_space<semaphore_mem>>)
        %slice3A_2165 = vector.extract_strided_slice %get3A_1530 {offsets = [14], sizes = [1], strides = [1]} : vector<16xi32> to vector<1xi32>
        %squeeze3A_2166 = vector.extract %slice3A_2165[0] : i32 from vector<1xi32>
        %slice3A_2167 = vector.extract_strided_slice %get3A_1532 {offsets = [14], sizes = [1], strides = [1]} : vector<16xi32> to vector<1xi32>
        %squeeze3A_2168 = vector.extract %slice3A_2167[0] : i32 from vector<1xi32>
        %slice3A_2169 = vector.extract_strided_slice %get3A_1534 {offsets = [14], sizes = [1], strides = [1]} : vector<16xi32> to vector<1xi32>
        %squeeze3A_2170 = vector.extract %slice3A_2169[0] : i32 from vector<1xi32>
        %dma_start3A_2171 = arith.constant 14 : i32
        %dma_start3A_2172 = arith.constant 0 : i32
        %dma_start3A_2173 = tpu.memref_slice %arg11[%dma_start3A_2171, %dma_start3A_2172] : memref<16x64xf32, #tpu.memory_space<vmem>> -> memref<1x64xf32, #tpu.memory_space<vmem>>
        %dma_start3A_2174 = tpu.memref_squeeze %dma_start3A_2173 : memref<1x64xf32, #tpu.memory_space<vmem>> -> memref<64xf32, #tpu.memory_space<vmem>>
        %dma_start3A_2175 = arith.constant 0 : i32
        %dma_start3A_2176 = tpu.memref_slice %arg5[%squeeze3A_2166, %dma_start3A_2175] : memref<1000000x64xf32, #tpu.memory_space<hbm>> -> memref<1x64xf32, #tpu.memory_space<hbm>>
        %dma_start3A_2177 = tpu.memref_squeeze %dma_start3A_2176 : memref<1x64xf32, #tpu.memory_space<hbm>> -> memref<64xf32, #tpu.memory_space<hbm>>
        %dma_start3A_2178 = arith.constant 0 : i32
        %dma_start3A_2179 = tpu.memref_slice %arg11[%dma_start3A_2171, %dma_start3A_2178] : memref<16x64xf32, #tpu.memory_space<vmem>> -> memref<1x64xf32, #tpu.memory_space<vmem>>
        %dma_start3A_2180 = tpu.memref_squeeze %dma_start3A_2179 : memref<1x64xf32, #tpu.memory_space<vmem>> -> memref<64xf32, #tpu.memory_space<vmem>>
        %dma_start3A_2181 = arith.constant 0 : i32
        %dma_start3A_2182 = tpu.memref_slice %arg5[%squeeze3A_2166, %dma_start3A_2181] : memref<1000000x64xf32, #tpu.memory_space<hbm>> -> memref<1x64xf32, #tpu.memory_space<hbm>>
        %dma_start3A_2183 = tpu.memref_squeeze %dma_start3A_2182 : memref<1x64xf32, #tpu.memory_space<hbm>> -> memref<64xf32, #tpu.memory_space<hbm>>
        tpu.enqueue_dma source(%dma_start3A_2183 : memref<64xf32, #tpu.memory_space<hbm>>) target(%dma_start3A_2180 : memref<64xf32, #tpu.memory_space<vmem>>) target_semaphore(%arg18 : memref<!tpu.dma_semaphore, #tpu.memory_space<semaphore_mem>>)
        %dma_start3A_2184 = arith.constant 14 : i32
        %dma_start3A_2185 = arith.constant 0 : i32
        %dma_start3A_2186 = tpu.memref_slice %arg13[%dma_start3A_2184, %dma_start3A_2185] : memref<16x64xf32, #tpu.memory_space<vmem>> -> memref<1x64xf32, #tpu.memory_space<vmem>>
        %dma_start3A_2187 = tpu.memref_squeeze %dma_start3A_2186 : memref<1x64xf32, #tpu.memory_space<vmem>> -> memref<64xf32, #tpu.memory_space<vmem>>
        %dma_start3A_2188 = arith.constant 0 : i32
        %dma_start3A_2189 = tpu.memref_slice %arg6[%squeeze3A_2168, %dma_start3A_2188] : memref<1000000x64xf32, #tpu.memory_space<hbm>> -> memref<1x64xf32, #tpu.memory_space<hbm>>
        %dma_start3A_2190 = tpu.memref_squeeze %dma_start3A_2189 : memref<1x64xf32, #tpu.memory_space<hbm>> -> memref<64xf32, #tpu.memory_space<hbm>>
        %dma_start3A_2191 = arith.constant 0 : i32
        %dma_start3A_2192 = tpu.memref_slice %arg13[%dma_start3A_2184, %dma_start3A_2191] : memref<16x64xf32, #tpu.memory_space<vmem>> -> memref<1x64xf32, #tpu.memory_space<vmem>>
        %dma_start3A_2193 = tpu.memref_squeeze %dma_start3A_2192 : memref<1x64xf32, #tpu.memory_space<vmem>> -> memref<64xf32, #tpu.memory_space<vmem>>
        %dma_start3A_2194 = arith.constant 0 : i32
        %dma_start3A_2195 = tpu.memref_slice %arg6[%squeeze3A_2168, %dma_start3A_2194] : memref<1000000x64xf32, #tpu.memory_space<hbm>> -> memref<1x64xf32, #tpu.memory_space<hbm>>
        %dma_start3A_2196 = tpu.memref_squeeze %dma_start3A_2195 : memref<1x64xf32, #tpu.memory_space<hbm>> -> memref<64xf32, #tpu.memory_space<hbm>>
        tpu.enqueue_dma source(%dma_start3A_2196 : memref<64xf32, #tpu.memory_space<hbm>>) target(%dma_start3A_2193 : memref<64xf32, #tpu.memory_space<vmem>>) target_semaphore(%arg18 : memref<!tpu.dma_semaphore, #tpu.memory_space<semaphore_mem>>)
        %dma_start3A_2197 = arith.constant 14 : i32
        %dma_start3A_2198 = arith.constant 0 : i32
        %dma_start3A_2199 = tpu.memref_slice %arg15[%dma_start3A_2197, %dma_start3A_2198] : memref<16x64xf32, #tpu.memory_space<vmem>> -> memref<1x64xf32, #tpu.memory_space<vmem>>
        %dma_start3A_2200 = tpu.memref_squeeze %dma_start3A_2199 : memref<1x64xf32, #tpu.memory_space<vmem>> -> memref<64xf32, #tpu.memory_space<vmem>>
        %dma_start3A_2201 = arith.constant 0 : i32
        %dma_start3A_2202 = tpu.memref_slice %arg6[%squeeze3A_2170, %dma_start3A_2201] : memref<1000000x64xf32, #tpu.memory_space<hbm>> -> memref<1x64xf32, #tpu.memory_space<hbm>>
        %dma_start3A_2203 = tpu.memref_squeeze %dma_start3A_2202 : memref<1x64xf32, #tpu.memory_space<hbm>> -> memref<64xf32, #tpu.memory_space<hbm>>
        %dma_start3A_2204 = arith.constant 0 : i32
        %dma_start3A_2205 = tpu.memref_slice %arg15[%dma_start3A_2197, %dma_start3A_2204] : memref<16x64xf32, #tpu.memory_space<vmem>> -> memref<1x64xf32, #tpu.memory_space<vmem>>
        %dma_start3A_2206 = tpu.memref_squeeze %dma_start3A_2205 : memref<1x64xf32, #tpu.memory_space<vmem>> -> memref<64xf32, #tpu.memory_space<vmem>>
        %dma_start3A_2207 = arith.constant 0 : i32
        %dma_start3A_2208 = tpu.memref_slice %arg6[%squeeze3A_2170, %dma_start3A_2207] : memref<1000000x64xf32, #tpu.memory_space<hbm>> -> memref<1x64xf32, #tpu.memory_space<hbm>>
        %dma_start3A_2209 = tpu.memref_squeeze %dma_start3A_2208 : memref<1x64xf32, #tpu.memory_space<hbm>> -> memref<64xf32, #tpu.memory_space<hbm>>
        tpu.enqueue_dma source(%dma_start3A_2209 : memref<64xf32, #tpu.memory_space<hbm>>) target(%dma_start3A_2206 : memref<64xf32, #tpu.memory_space<vmem>>) target_semaphore(%arg18 : memref<!tpu.dma_semaphore, #tpu.memory_space<semaphore_mem>>)
        %slice3A_2210 = vector.extract_strided_slice %get3A_1530 {offsets = [15], sizes = [1], strides = [1]} : vector<16xi32> to vector<1xi32>
        %squeeze3A_2211 = vector.extract %slice3A_2210[0] : i32 from vector<1xi32>
        %slice3A_2212 = vector.extract_strided_slice %get3A_1532 {offsets = [15], sizes = [1], strides = [1]} : vector<16xi32> to vector<1xi32>
        %squeeze3A_2213 = vector.extract %slice3A_2212[0] : i32 from vector<1xi32>
        %slice3A_2214 = vector.extract_strided_slice %get3A_1534 {offsets = [15], sizes = [1], strides = [1]} : vector<16xi32> to vector<1xi32>
        %squeeze3A_2215 = vector.extract %slice3A_2214[0] : i32 from vector<1xi32>
        %dma_start3A_2216 = arith.constant 15 : i32
        %dma_start3A_2217 = arith.constant 0 : i32
        %dma_start3A_2218 = tpu.memref_slice %arg11[%dma_start3A_2216, %dma_start3A_2217] : memref<16x64xf32, #tpu.memory_space<vmem>> -> memref<1x64xf32, #tpu.memory_space<vmem>>
        %dma_start3A_2219 = tpu.memref_squeeze %dma_start3A_2218 : memref<1x64xf32, #tpu.memory_space<vmem>> -> memref<64xf32, #tpu.memory_space<vmem>>
        %dma_start3A_2220 = arith.constant 0 : i32
        %dma_start3A_2221 = tpu.memref_slice %arg5[%squeeze3A_2211, %dma_start3A_2220] : memref<1000000x64xf32, #tpu.memory_space<hbm>> -> memref<1x64xf32, #tpu.memory_space<hbm>>
        %dma_start3A_2222 = tpu.memref_squeeze %dma_start3A_2221 : memref<1x64xf32, #tpu.memory_space<hbm>> -> memref<64xf32, #tpu.memory_space<hbm>>
        %dma_start3A_2223 = arith.constant 0 : i32
        %dma_start3A_2224 = tpu.memref_slice %arg11[%dma_start3A_2216, %dma_start3A_2223] : memref<16x64xf32, #tpu.memory_space<vmem>> -> memref<1x64xf32, #tpu.memory_space<vmem>>
        %dma_start3A_2225 = tpu.memref_squeeze %dma_start3A_2224 : memref<1x64xf32, #tpu.memory_space<vmem>> -> memref<64xf32, #tpu.memory_space<vmem>>
        %dma_start3A_2226 = arith.constant 0 : i32
        %dma_start3A_2227 = tpu.memref_slice %arg5[%squeeze3A_2211, %dma_start3A_2226] : memref<1000000x64xf32, #tpu.memory_space<hbm>> -> memref<1x64xf32, #tpu.memory_space<hbm>>
        %dma_start3A_2228 = tpu.memref_squeeze %dma_start3A_2227 : memref<1x64xf32, #tpu.memory_space<hbm>> -> memref<64xf32, #tpu.memory_space<hbm>>
        tpu.enqueue_dma source(%dma_start3A_2228 : memref<64xf32, #tpu.memory_space<hbm>>) target(%dma_start3A_2225 : memref<64xf32, #tpu.memory_space<vmem>>) target_semaphore(%arg18 : memref<!tpu.dma_semaphore, #tpu.memory_space<semaphore_mem>>)
        %dma_start3A_2229 = arith.constant 15 : i32
        %dma_start3A_2230 = arith.constant 0 : i32
        %dma_start3A_2231 = tpu.memref_slice %arg13[%dma_start3A_2229, %dma_start3A_2230] : memref<16x64xf32, #tpu.memory_space<vmem>> -> memref<1x64xf32, #tpu.memory_space<vmem>>
        %dma_start3A_2232 = tpu.memref_squeeze %dma_start3A_2231 : memref<1x64xf32, #tpu.memory_space<vmem>> -> memref<64xf32, #tpu.memory_space<vmem>>
        %dma_start3A_2233 = arith.constant 0 : i32
        %dma_start3A_2234 = tpu.memref_slice %arg6[%squeeze3A_2213, %dma_start3A_2233] : memref<1000000x64xf32, #tpu.memory_space<hbm>> -> memref<1x64xf32, #tpu.memory_space<hbm>>
        %dma_start3A_2235 = tpu.memref_squeeze %dma_start3A_2234 : memref<1x64xf32, #tpu.memory_space<hbm>> -> memref<64xf32, #tpu.memory_space<hbm>>
        %dma_start3A_2236 = arith.constant 0 : i32
        %dma_start3A_2237 = tpu.memref_slice %arg13[%dma_start3A_2229, %dma_start3A_2236] : memref<16x64xf32, #tpu.memory_space<vmem>> -> memref<1x64xf32, #tpu.memory_space<vmem>>
        %dma_start3A_2238 = tpu.memref_squeeze %dma_start3A_2237 : memref<1x64xf32, #tpu.memory_space<vmem>> -> memref<64xf32, #tpu.memory_space<vmem>>
        %dma_start3A_2239 = arith.constant 0 : i32
        %dma_start3A_2240 = tpu.memref_slice %arg6[%squeeze3A_2213, %dma_start3A_2239] : memref<1000000x64xf32, #tpu.memory_space<hbm>> -> memref<1x64xf32, #tpu.memory_space<hbm>>
        %dma_start3A_2241 = tpu.memref_squeeze %dma_start3A_2240 : memref<1x64xf32, #tpu.memory_space<hbm>> -> memref<64xf32, #tpu.memory_space<hbm>>
        tpu.enqueue_dma source(%dma_start3A_2241 : memref<64xf32, #tpu.memory_space<hbm>>) target(%dma_start3A_2238 : memref<64xf32, #tpu.memory_space<vmem>>) target_semaphore(%arg18 : memref<!tpu.dma_semaphore, #tpu.memory_space<semaphore_mem>>)
        %dma_start3A_2242 = arith.constant 15 : i32
        %dma_start3A_2243 = arith.constant 0 : i32
        %dma_start3A_2244 = tpu.memref_slice %arg15[%dma_start3A_2242, %dma_start3A_2243] : memref<16x64xf32, #tpu.memory_space<vmem>> -> memref<1x64xf32, #tpu.memory_space<vmem>>
        %dma_start3A_2245 = tpu.memref_squeeze %dma_start3A_2244 : memref<1x64xf32, #tpu.memory_space<vmem>> -> memref<64xf32, #tpu.memory_space<vmem>>
        %dma_start3A_2246 = arith.constant 0 : i32
        %dma_start3A_2247 = tpu.memref_slice %arg6[%squeeze3A_2215, %dma_start3A_2246] : memref<1000000x64xf32, #tpu.memory_space<hbm>> -> memref<1x64xf32, #tpu.memory_space<hbm>>
        %dma_start3A_2248 = tpu.memref_squeeze %dma_start3A_2247 : memref<1x64xf32, #tpu.memory_space<hbm>> -> memref<64xf32, #tpu.memory_space<hbm>>
        %dma_start3A_2249 = arith.constant 0 : i32
        %dma_start3A_2250 = tpu.memref_slice %arg15[%dma_start3A_2242, %dma_start3A_2249] : memref<16x64xf32, #tpu.memory_space<vmem>> -> memref<1x64xf32, #tpu.memory_space<vmem>>
        %dma_start3A_2251 = tpu.memref_squeeze %dma_start3A_2250 : memref<1x64xf32, #tpu.memory_space<vmem>> -> memref<64xf32, #tpu.memory_space<vmem>>
        %dma_start3A_2252 = arith.constant 0 : i32
        %dma_start3A_2253 = tpu.memref_slice %arg6[%squeeze3A_2215, %dma_start3A_2252] : memref<1000000x64xf32, #tpu.memory_space<hbm>> -> memref<1x64xf32, #tpu.memory_space<hbm>>
        %dma_start3A_2254 = tpu.memref_squeeze %dma_start3A_2253 : memref<1x64xf32, #tpu.memory_space<hbm>> -> memref<64xf32, #tpu.memory_space<hbm>>
        tpu.enqueue_dma source(%dma_start3A_2254 : memref<64xf32, #tpu.memory_space<hbm>>) target(%dma_start3A_2251 : memref<64xf32, #tpu.memory_space<vmem>>) target_semaphore(%arg18 : memref<!tpu.dma_semaphore, #tpu.memory_space<semaphore_mem>>)
      } else {
      }
      %dma_wait3A_1488 = arith.constant 0 : i32
      %dma_wait3A_1489 = arith.constant 0 : i32
      %dma_wait3A_1490 = tpu.memref_slice %arg5[%dma_wait3A_1488, %dma_wait3A_1489] : memref<1000000x64xf32, #tpu.memory_space<hbm>> -> memref<16x64xf32, #tpu.memory_space<hbm>>
      %dma_wait3A_1491 = arith.constant 0 : i32
      %dma_wait3A_1492 = arith.constant 0 : i32
      %dma_wait3A_1493 = tpu.memref_slice %arg5[%dma_wait3A_1491, %dma_wait3A_1492] : memref<1000000x64xf32, #tpu.memory_space<hbm>> -> memref<16x64xf32, #tpu.memory_space<hbm>>
      tpu.wait_dma2 semaphore(%arg19 : memref<!tpu.dma_semaphore, #tpu.memory_space<semaphore_mem>>) src(%dma_wait3A_1493 : memref<16x64xf32, #tpu.memory_space<hbm>>) dst(%arg12 : memref<16x64xf32, #tpu.memory_space<vmem>>)
      %dma_wait3A_1494 = arith.constant 0 : i32
      %dma_wait3A_1495 = arith.constant 0 : i32
      %dma_wait3A_1496 = tpu.memref_slice %arg5[%dma_wait3A_1494, %dma_wait3A_1495] : memref<1000000x64xf32, #tpu.memory_space<hbm>> -> memref<16x64xf32, #tpu.memory_space<hbm>>
      %dma_wait3A_1497 = arith.constant 0 : i32
      %dma_wait3A_1498 = arith.constant 0 : i32
      %dma_wait3A_1499 = tpu.memref_slice %arg5[%dma_wait3A_1497, %dma_wait3A_1498] : memref<1000000x64xf32, #tpu.memory_space<hbm>> -> memref<16x64xf32, #tpu.memory_space<hbm>>
      tpu.wait_dma2 semaphore(%arg19 : memref<!tpu.dma_semaphore, #tpu.memory_space<semaphore_mem>>) src(%dma_wait3A_1499 : memref<16x64xf32, #tpu.memory_space<hbm>>) dst(%arg14 : memref<16x64xf32, #tpu.memory_space<vmem>>)
      %dma_wait3A_1500 = arith.constant 0 : i32
      %dma_wait3A_1501 = arith.constant 0 : i32
      %dma_wait3A_1502 = tpu.memref_slice %arg5[%dma_wait3A_1500, %dma_wait3A_1501] : memref<1000000x64xf32, #tpu.memory_space<hbm>> -> memref<16x64xf32, #tpu.memory_space<hbm>>
      %dma_wait3A_1503 = arith.constant 0 : i32
      %dma_wait3A_1504 = arith.constant 0 : i32
      %dma_wait3A_1505 = tpu.memref_slice %arg5[%dma_wait3A_1503, %dma_wait3A_1504] : memref<1000000x64xf32, #tpu.memory_space<hbm>> -> memref<16x64xf32, #tpu.memory_space<hbm>>
      tpu.wait_dma2 semaphore(%arg19 : memref<!tpu.dma_semaphore, #tpu.memory_space<semaphore_mem>>) src(%dma_wait3A_1505 : memref<16x64xf32, #tpu.memory_space<hbm>>) dst(%arg16 : memref<16x64xf32, #tpu.memory_space<vmem>>)
      %add3A_1506 = arith.constant 1 : i32
      %add3A_1507 = arith.addi %mul3A_1458, %add3A_1506 : i32
      %broadcast_in_dim3A_1508 = arith.constant 0.000000e+00 : f32
      %broadcast_in_dim3A_1509 = vector.broadcast %broadcast_in_dim3A_1508 : f32 to vector<16xf32>
      %scan3A_1510 = arith.constant 0 : i32
      %scan3A_1511 = arith.constant 64 : i32
      %scan3A_1512 = arith.addi %scan3A_1510, %scan3A_1511 : i32
      %scan3A_1513 = arith.constant 8 : i32
      %scan3A_1514 = scf.for %scan3A_1525 = %scan3A_1510 to %scan3A_1512 step %scan3A_1513 iter_args(%scan3A_1526 = %broadcast_in_dim3A_1509) -> (vector<16xf32>)  : i32 {
        %broadcast_in_dim3A_1527 = vector.broadcast %scan3A_1525 : i32 to vector<16xi32>
        %gather3A = tpu.vector_load_idx %arg12[%iota3A, %broadcast_in_dim3A_1527] : memref<16x64xf32, #tpu.memory_space<vmem>>[vector<16xi32>, vector<16xi32>], vector<16xf32>,
        %gather3A_1528 = tpu.vector_load_idx %arg14[%iota3A, %broadcast_in_dim3A_1527] : memref<16x64xf32, #tpu.memory_space<vmem>>[vector<16xi32>, vector<16xi32>], vector<16xf32>,
        %gather3A_1529 = tpu.vector_load_idx %arg16[%iota3A, %broadcast_in_dim3A_1527] : memref<16x64xf32, #tpu.memory_space<vmem>>[vector<16xi32>, vector<16xi32>], vector<16xf32>,
        %sub3A = arith.subf %gather3A_1528, %gather3A_1529 : vector<16xf32>
        %mul3A_1530 = arith.mulf %gather3A, %sub3A : vector<16xf32>
        %add3A_1531 = arith.addf %scan3A_1526, %mul3A_1530 : vector<16xf32>
        %scan3A_1532 = arith.constant 1 : i32
        %scan3A_1533 = arith.addi %scan3A_1525, %scan3A_1532 : i32
        %broadcast_in_dim3A_1534 = vector.broadcast %scan3A_1533 : i32 to vector<16xi32>
        %gather3A_1535 = tpu.vector_load_idx %arg12[%iota3A, %broadcast_in_dim3A_1534] : memref<16x64xf32, #tpu.memory_space<vmem>>[vector<16xi32>, vector<16xi32>], vector<16xf32>,
        %gather3A_1536 = tpu.vector_load_idx %arg14[%iota3A, %broadcast_in_dim3A_1534] : memref<16x64xf32, #tpu.memory_space<vmem>>[vector<16xi32>, vector<16xi32>], vector<16xf32>,
        %gather3A_1537 = tpu.vector_load_idx %arg16[%iota3A, %broadcast_in_dim3A_1534] : memref<16x64xf32, #tpu.memory_space<vmem>>[vector<16xi32>, vector<16xi32>], vector<16xf32>,
        %sub3A_1538 = arith.subf %gather3A_1536, %gather3A_1537 : vector<16xf32>
        %mul3A_1539 = arith.mulf %gather3A_1535, %sub3A_1538 : vector<16xf32>
        %add3A_1540 = arith.addf %add3A_1531, %mul3A_1539 : vector<16xf32>
        %scan3A_1541 = arith.constant 2 : i32
        %scan3A_1542 = arith.addi %scan3A_1525, %scan3A_1541 : i32
        %broadcast_in_dim3A_1543 = vector.broadcast %scan3A_1542 : i32 to vector<16xi32>
        %gather3A_1544 = tpu.vector_load_idx %arg12[%iota3A, %broadcast_in_dim3A_1543] : memref<16x64xf32, #tpu.memory_space<vmem>>[vector<16xi32>, vector<16xi32>], vector<16xf32>,
        %gather3A_1545 = tpu.vector_load_idx %arg14[%iota3A, %broadcast_in_dim3A_1543] : memref<16x64xf32, #tpu.memory_space<vmem>>[vector<16xi32>, vector<16xi32>], vector<16xf32>,
        %gather3A_1546 = tpu.vector_load_idx %arg16[%iota3A, %broadcast_in_dim3A_1543] : memref<16x64xf32, #tpu.memory_space<vmem>>[vector<16xi32>, vector<16xi32>], vector<16xf32>,
        %sub3A_1547 = arith.subf %gather3A_1545, %gather3A_1546 : vector<16xf32>
        %mul3A_1548 = arith.mulf %gather3A_1544, %sub3A_1547 : vector<16xf32>
        %add3A_1549 = arith.addf %add3A_1540, %mul3A_1548 : vector<16xf32>
        %scan3A_1550 = arith.constant 3 : i32
        %scan3A_1551 = arith.addi %scan3A_1525, %scan3A_1550 : i32
        %broadcast_in_dim3A_1552 = vector.broadcast %scan3A_1551 : i32 to vector<16xi32>
        %gather3A_1553 = tpu.vector_load_idx %arg12[%iota3A, %broadcast_in_dim3A_1552] : memref<16x64xf32, #tpu.memory_space<vmem>>[vector<16xi32>, vector<16xi32>], vector<16xf32>,
        %gather3A_1554 = tpu.vector_load_idx %arg14[%iota3A, %broadcast_in_dim3A_1552] : memref<16x64xf32, #tpu.memory_space<vmem>>[vector<16xi32>, vector<16xi32>], vector<16xf32>,
        %gather3A_1555 = tpu.vector_load_idx %arg16[%iota3A, %broadcast_in_dim3A_1552] : memref<16x64xf32, #tpu.memory_space<vmem>>[vector<16xi32>, vector<16xi32>], vector<16xf32>,
        %sub3A_1556 = arith.subf %gather3A_1554, %gather3A_1555 : vector<16xf32>
        %mul3A_1557 = arith.mulf %gather3A_1553, %sub3A_1556 : vector<16xf32>
        %add3A_1558 = arith.addf %add3A_1549, %mul3A_1557 : vector<16xf32>
        %scan3A_1559 = arith.constant 4 : i32
        %scan3A_1560 = arith.addi %scan3A_1525, %scan3A_1559 : i32
        %broadcast_in_dim3A_1561 = vector.broadcast %scan3A_1560 : i32 to vector<16xi32>
        %gather3A_1562 = tpu.vector_load_idx %arg12[%iota3A, %broadcast_in_dim3A_1561] : memref<16x64xf32, #tpu.memory_space<vmem>>[vector<16xi32>, vector<16xi32>], vector<16xf32>,
        %gather3A_1563 = tpu.vector_load_idx %arg14[%iota3A, %broadcast_in_dim3A_1561] : memref<16x64xf32, #tpu.memory_space<vmem>>[vector<16xi32>, vector<16xi32>], vector<16xf32>,
        %gather3A_1564 = tpu.vector_load_idx %arg16[%iota3A, %broadcast_in_dim3A_1561] : memref<16x64xf32, #tpu.memory_space<vmem>>[vector<16xi32>, vector<16xi32>], vector<16xf32>,
        %sub3A_1565 = arith.subf %gather3A_1563, %gather3A_1564 : vector<16xf32>
        %mul3A_1566 = arith.mulf %gather3A_1562, %sub3A_1565 : vector<16xf32>
        %add3A_1567 = arith.addf %add3A_1558, %mul3A_1566 : vector<16xf32>
        %scan3A_1568 = arith.constant 5 : i32
        %scan3A_1569 = arith.addi %scan3A_1525, %scan3A_1568 : i32
        %broadcast_in_dim3A_1570 = vector.broadcast %scan3A_1569 : i32 to vector<16xi32>
        %gather3A_1571 = tpu.vector_load_idx %arg12[%iota3A, %broadcast_in_dim3A_1570] : memref<16x64xf32, #tpu.memory_space<vmem>>[vector<16xi32>, vector<16xi32>], vector<16xf32>,
        %gather3A_1572 = tpu.vector_load_idx %arg14[%iota3A, %broadcast_in_dim3A_1570] : memref<16x64xf32, #tpu.memory_space<vmem>>[vector<16xi32>, vector<16xi32>], vector<16xf32>,
        %gather3A_1573 = tpu.vector_load_idx %arg16[%iota3A, %broadcast_in_dim3A_1570] : memref<16x64xf32, #tpu.memory_space<vmem>>[vector<16xi32>, vector<16xi32>], vector<16xf32>,
        %sub3A_1574 = arith.subf %gather3A_1572, %gather3A_1573 : vector<16xf32>
        %mul3A_1575 = arith.mulf %gather3A_1571, %sub3A_1574 : vector<16xf32>
        %add3A_1576 = arith.addf %add3A_1567, %mul3A_1575 : vector<16xf32>
        %scan3A_1577 = arith.constant 6 : i32
        %scan3A_1578 = arith.addi %scan3A_1525, %scan3A_1577 : i32
        %broadcast_in_dim3A_1579 = vector.broadcast %scan3A_1578 : i32 to vector<16xi32>
        %gather3A_1580 = tpu.vector_load_idx %arg12[%iota3A, %broadcast_in_dim3A_1579] : memref<16x64xf32, #tpu.memory_space<vmem>>[vector<16xi32>, vector<16xi32>], vector<16xf32>,
        %gather3A_1581 = tpu.vector_load_idx %arg14[%iota3A, %broadcast_in_dim3A_1579] : memref<16x64xf32, #tpu.memory_space<vmem>>[vector<16xi32>, vector<16xi32>], vector<16xf32>,
        %gather3A_1582 = tpu.vector_load_idx %arg16[%iota3A, %broadcast_in_dim3A_1579] : memref<16x64xf32, #tpu.memory_space<vmem>>[vector<16xi32>, vector<16xi32>], vector<16xf32>,
        %sub3A_1583 = arith.subf %gather3A_1581, %gather3A_1582 : vector<16xf32>
        %mul3A_1584 = arith.mulf %gather3A_1580, %sub3A_1583 : vector<16xf32>
        %add3A_1585 = arith.addf %add3A_1576, %mul3A_1584 : vector<16xf32>
        %scan3A_1586 = arith.constant 7 : i32
        %scan3A_1587 = arith.addi %scan3A_1525, %scan3A_1586 : i32
        %broadcast_in_dim3A_1588 = vector.broadcast %scan3A_1587 : i32 to vector<16xi32>
        %gather3A_1589 = tpu.vector_load_idx %arg12[%iota3A, %broadcast_in_dim3A_1588] : memref<16x64xf32, #tpu.memory_space<vmem>>[vector<16xi32>, vector<16xi32>], vector<16xf32>,
        %gather3A_1590 = tpu.vector_load_idx %arg14[%iota3A, %broadcast_in_dim3A_1588] : memref<16x64xf32, #tpu.memory_space<vmem>>[vector<16xi32>, vector<16xi32>], vector<16xf32>,
        %gather3A_1591 = tpu.vector_load_idx %arg16[%iota3A, %broadcast_in_dim3A_1588] : memref<16x64xf32, #tpu.memory_space<vmem>>[vector<16xi32>, vector<16xi32>], vector<16xf32>,
        %sub3A_1592 = arith.subf %gather3A_1590, %gather3A_1591 : vector<16xf32>
        %mul3A_1593 = arith.mulf %gather3A_1589, %sub3A_1592 : vector<16xf32>
        %add3A_1594 = arith.addf %add3A_1585, %mul3A_1593 : vector<16xf32>
        scf.yield %add3A_1594 : vector<16xf32>
      }
      %scan3A_1515 = arith.constant 64 : i32
      %mul3A_1516 = arith.constant 16 : i32
      %mul3A_1517 = arith.muli %add3A_1507, %mul3A_1516 : i32
      %swap3A_1518 = arith.index_cast %mul3A_1517 : i32 to index
      %swap3A_1519 = tpu.vector_load %arg17[%swap3A_1518] {strides = array<i32>} : memref<512xf32, #tpu.memory_space<vmem>>, vector<16xf32>,
      tpu.vector_store %arg17[%swap3A_1518], %scan3A_1514 {strides = array<i32>} : memref<512xf32, #tpu.memory_space<vmem>>, vector<16xf32>,
      %lt3A_1520 = arith.constant 15 : i32
      %lt3A_1521 = arith.cmpi slt, %scan3A_1456, %lt3A_1520 : i32
      %convert_element_type3A_1522 = arith.extui %lt3A_1521 : i1 to i32
      %cond3A_1523 = arith.constant 0 : i32
      %cond3A_1524 = arith.cmpi ne, %convert_element_type3A_1522, %cond3A_1523 : i32
      scf.if %cond3A_1524 {
        %add3A_1525 = arith.constant 3 : i32
        %add3A_1526 = arith.addi %mul3A_1458, %add3A_1525 : i32
        %mul3A_1527 = arith.constant 16 : i32
        %mul3A_1528 = arith.muli %add3A_1526, %mul3A_1527 : i32
        %get3A_1529 = arith.index_cast %mul3A_1528 : i32 to index
        %get3A_1530 = tpu.vector_load %arg8[%get3A_1529] {strides = array<i32>} : memref<512xi32, #tpu.memory_space<vmem>>, vector<16xi32>,
        %get3A_1531 = arith.index_cast %mul3A_1528 : i32 to index
        %get3A_1532 = tpu.vector_load %arg9[%get3A_1531] {strides = array<i32>} : memref<512xi32, #tpu.memory_space<vmem>>, vector<16xi32>,
        %get3A_1533 = arith.index_cast %mul3A_1528 : i32 to index
        %get3A_1534 = tpu.vector_load %arg10[%get3A_1533] {strides = array<i32>} : memref<512xi32, #tpu.memory_space<vmem>>, vector<16xi32>,
        %slice3A_1535 = vector.extract_strided_slice %get3A_1530 {offsets = [0], sizes = [1], strides = [1]} : vector<16xi32> to vector<1xi32>
        %squeeze3A_1536 = vector.extract %slice3A_1535[0] : i32 from vector<1xi32>
        %slice3A_1537 = vector.extract_strided_slice %get3A_1532 {offsets = [0], sizes = [1], strides = [1]} : vector<16xi32> to vector<1xi32>
        %squeeze3A_1538 = vector.extract %slice3A_1537[0] : i32 from vector<1xi32>
        %slice3A_1539 = vector.extract_strided_slice %get3A_1534 {offsets = [0], sizes = [1], strides = [1]} : vector<16xi32> to vector<1xi32>
        %squeeze3A_1540 = vector.extract %slice3A_1539[0] : i32 from vector<1xi32>
        %dma_start3A_1541 = arith.constant 0 : i32
        %dma_start3A_1542 = arith.constant 0 : i32
        %dma_start3A_1543 = tpu.memref_slice %arg12[%dma_start3A_1541, %dma_start3A_1542] : memref<16x64xf32, #tpu.memory_space<vmem>> -> memref<1x64xf32, #tpu.memory_space<vmem>>
        %dma_start3A_1544 = tpu.memref_squeeze %dma_start3A_1543 : memref<1x64xf32, #tpu.memory_space<vmem>> -> memref<64xf32, #tpu.memory_space<vmem>>
        %dma_start3A_1545 = arith.constant 0 : i32
        %dma_start3A_1546 = tpu.memref_slice %arg5[%squeeze3A_1536, %dma_start3A_1545] : memref<1000000x64xf32, #tpu.memory_space<hbm>> -> memref<1x64xf32, #tpu.memory_space<hbm>>
        %dma_start3A_1547 = tpu.memref_squeeze %dma_start3A_1546 : memref<1x64xf32, #tpu.memory_space<hbm>> -> memref<64xf32, #tpu.memory_space<hbm>>
        %dma_start3A_1548 = arith.constant 0 : i32
        %dma_start3A_1549 = tpu.memref_slice %arg12[%dma_start3A_1541, %dma_start3A_1548] : memref<16x64xf32, #tpu.memory_space<vmem>> -> memref<1x64xf32, #tpu.memory_space<vmem>>
        %dma_start3A_1550 = tpu.memref_squeeze %dma_start3A_1549 : memref<1x64xf32, #tpu.memory_space<vmem>> -> memref<64xf32, #tpu.memory_space<vmem>>
        %dma_start3A_1551 = arith.constant 0 : i32
        %dma_start3A_1552 = tpu.memref_slice %arg5[%squeeze3A_1536, %dma_start3A_1551] : memref<1000000x64xf32, #tpu.memory_space<hbm>> -> memref<1x64xf32, #tpu.memory_space<hbm>>
        %dma_start3A_1553 = tpu.memref_squeeze %dma_start3A_1552 : memref<1x64xf32, #tpu.memory_space<hbm>> -> memref<64xf32, #tpu.memory_space<hbm>>
        tpu.enqueue_dma source(%dma_start3A_1553 : memref<64xf32, #tpu.memory_space<hbm>>) target(%dma_start3A_1550 : memref<64xf32, #tpu.memory_space<vmem>>) target_semaphore(%arg19 : memref<!tpu.dma_semaphore, #tpu.memory_space<semaphore_mem>>)
        %dma_start3A_1554 = arith.constant 0 : i32
        %dma_start3A_1555 = arith.constant 0 : i32
        %dma_start3A_1556 = tpu.memref_slice %arg14[%dma_start3A_1554, %dma_start3A_1555] : memref<16x64xf32, #tpu.memory_space<vmem>> -> memref<1x64xf32, #tpu.memory_space<vmem>>
        %dma_start3A_1557 = tpu.memref_squeeze %dma_start3A_1556 : memref<1x64xf32, #tpu.memory_space<vmem>> -> memref<64xf32, #tpu.memory_space<vmem>>
        %dma_start3A_1558 = arith.constant 0 : i32
        %dma_start3A_1559 = tpu.memref_slice %arg6[%squeeze3A_1538, %dma_start3A_1558] : memref<1000000x64xf32, #tpu.memory_space<hbm>> -> memref<1x64xf32, #tpu.memory_space<hbm>>
        %dma_start3A_1560 = tpu.memref_squeeze %dma_start3A_1559 : memref<1x64xf32, #tpu.memory_space<hbm>> -> memref<64xf32, #tpu.memory_space<hbm>>
        %dma_start3A_1561 = arith.constant 0 : i32
        %dma_start3A_1562 = tpu.memref_slice %arg14[%dma_start3A_1554, %dma_start3A_1561] : memref<16x64xf32, #tpu.memory_space<vmem>> -> memref<1x64xf32, #tpu.memory_space<vmem>>
        %dma_start3A_1563 = tpu.memref_squeeze %dma_start3A_1562 : memref<1x64xf32, #tpu.memory_space<vmem>> -> memref<64xf32, #tpu.memory_space<vmem>>
        %dma_start3A_1564 = arith.constant 0 : i32
        %dma_start3A_1565 = tpu.memref_slice %arg6[%squeeze3A_1538, %dma_start3A_1564] : memref<1000000x64xf32, #tpu.memory_space<hbm>> -> memref<1x64xf32, #tpu.memory_space<hbm>>
        %dma_start3A_1566 = tpu.memref_squeeze %dma_start3A_1565 : memref<1x64xf32, #tpu.memory_space<hbm>> -> memref<64xf32, #tpu.memory_space<hbm>>
        tpu.enqueue_dma source(%dma_start3A_1566 : memref<64xf32, #tpu.memory_space<hbm>>) target(%dma_start3A_1563 : memref<64xf32, #tpu.memory_space<vmem>>) target_semaphore(%arg19 : memref<!tpu.dma_semaphore, #tpu.memory_space<semaphore_mem>>)
        %dma_start3A_1567 = arith.constant 0 : i32
        %dma_start3A_1568 = arith.constant 0 : i32
        %dma_start3A_1569 = tpu.memref_slice %arg16[%dma_start3A_1567, %dma_start3A_1568] : memref<16x64xf32, #tpu.memory_space<vmem>> -> memref<1x64xf32, #tpu.memory_space<vmem>>
        %dma_start3A_1570 = tpu.memref_squeeze %dma_start3A_1569 : memref<1x64xf32, #tpu.memory_space<vmem>> -> memref<64xf32, #tpu.memory_space<vmem>>
        %dma_start3A_1571 = arith.constant 0 : i32
        %dma_start3A_1572 = tpu.memref_slice %arg6[%squeeze3A_1540, %dma_start3A_1571] : memref<1000000x64xf32, #tpu.memory_space<hbm>> -> memref<1x64xf32, #tpu.memory_space<hbm>>
        %dma_start3A_1573 = tpu.memref_squeeze %dma_start3A_1572 : memref<1x64xf32, #tpu.memory_space<hbm>> -> memref<64xf32, #tpu.memory_space<hbm>>
        %dma_start3A_1574 = arith.constant 0 : i32
        %dma_start3A_1575 = tpu.memref_slice %arg16[%dma_start3A_1567, %dma_start3A_1574] : memref<16x64xf32, #tpu.memory_space<vmem>> -> memref<1x64xf32, #tpu.memory_space<vmem>>
        %dma_start3A_1576 = tpu.memref_squeeze %dma_start3A_1575 : memref<1x64xf32, #tpu.memory_space<vmem>> -> memref<64xf32, #tpu.memory_space<vmem>>
        %dma_start3A_1577 = arith.constant 0 : i32
        %dma_start3A_1578 = tpu.memref_slice %arg6[%squeeze3A_1540, %dma_start3A_1577] : memref<1000000x64xf32, #tpu.memory_space<hbm>> -> memref<1x64xf32, #tpu.memory_space<hbm>>
        %dma_start3A_1579 = tpu.memref_squeeze %dma_start3A_1578 : memref<1x64xf32, #tpu.memory_space<hbm>> -> memref<64xf32, #tpu.memory_space<hbm>>
        tpu.enqueue_dma source(%dma_start3A_1579 : memref<64xf32, #tpu.memory_space<hbm>>) target(%dma_start3A_1576 : memref<64xf32, #tpu.memory_space<vmem>>) target_semaphore(%arg19 : memref<!tpu.dma_semaphore, #tpu.memory_space<semaphore_mem>>)
        %slice3A_1580 = vector.extract_strided_slice %get3A_1530 {offsets = [1], sizes = [1], strides = [1]} : vector<16xi32> to vector<1xi32>
        %squeeze3A_1581 = vector.extract %slice3A_1580[0] : i32 from vector<1xi32>
        %slice3A_1582 = vector.extract_strided_slice %get3A_1532 {offsets = [1], sizes = [1], strides = [1]} : vector<16xi32> to vector<1xi32>
        %squeeze3A_1583 = vector.extract %slice3A_1582[0] : i32 from vector<1xi32>
        %slice3A_1584 = vector.extract_strided_slice %get3A_1534 {offsets = [1], sizes = [1], strides = [1]} : vector<16xi32> to vector<1xi32>
        %squeeze3A_1585 = vector.extract %slice3A_1584[0] : i32 from vector<1xi32>
        %dma_start3A_1586 = arith.constant 1 : i32
        %dma_start3A_1587 = arith.constant 0 : i32
        %dma_start3A_1588 = tpu.memref_slice %arg12[%dma_start3A_1586, %dma_start3A_1587] : memref<16x64xf32, #tpu.memory_space<vmem>> -> memref<1x64xf32, #tpu.memory_space<vmem>>
        %dma_start3A_1589 = tpu.memref_squeeze %dma_start3A_1588 : memref<1x64xf32, #tpu.memory_space<vmem>> -> memref<64xf32, #tpu.memory_space<vmem>>
        %dma_start3A_1590 = arith.constant 0 : i32
        %dma_start3A_1591 = tpu.memref_slice %arg5[%squeeze3A_1581, %dma_start3A_1590] : memref<1000000x64xf32, #tpu.memory_space<hbm>> -> memref<1x64xf32, #tpu.memory_space<hbm>>
        %dma_start3A_1592 = tpu.memref_squeeze %dma_start3A_1591 : memref<1x64xf32, #tpu.memory_space<hbm>> -> memref<64xf32, #tpu.memory_space<hbm>>
        %dma_start3A_1593 = arith.constant 0 : i32
        %dma_start3A_1594 = tpu.memref_slice %arg12[%dma_start3A_1586, %dma_start3A_1593] : memref<16x64xf32, #tpu.memory_space<vmem>> -> memref<1x64xf32, #tpu.memory_space<vmem>>
        %dma_start3A_1595 = tpu.memref_squeeze %dma_start3A_1594 : memref<1x64xf32, #tpu.memory_space<vmem>> -> memref<64xf32, #tpu.memory_space<vmem>>
        %dma_start3A_1596 = arith.constant 0 : i32
        %dma_start3A_1597 = tpu.memref_slice %arg5[%squeeze3A_1581, %dma_start3A_1596] : memref<1000000x64xf32, #tpu.memory_space<hbm>> -> memref<1x64xf32, #tpu.memory_space<hbm>>
        %dma_start3A_1598 = tpu.memref_squeeze %dma_start3A_1597 : memref<1x64xf32, #tpu.memory_space<hbm>> -> memref<64xf32, #tpu.memory_space<hbm>>
        tpu.enqueue_dma source(%dma_start3A_1598 : memref<64xf32, #tpu.memory_space<hbm>>) target(%dma_start3A_1595 : memref<64xf32, #tpu.memory_space<vmem>>) target_semaphore(%arg19 : memref<!tpu.dma_semaphore, #tpu.memory_space<semaphore_mem>>)
        %dma_start3A_1599 = arith.constant 1 : i32
        %dma_start3A_1600 = arith.constant 0 : i32
        %dma_start3A_1601 = tpu.memref_slice %arg14[%dma_start3A_1599, %dma_start3A_1600] : memref<16x64xf32, #tpu.memory_space<vmem>> -> memref<1x64xf32, #tpu.memory_space<vmem>>
        %dma_start3A_1602 = tpu.memref_squeeze %dma_start3A_1601 : memref<1x64xf32, #tpu.memory_space<vmem>> -> memref<64xf32, #tpu.memory_space<vmem>>
        %dma_start3A_1603 = arith.constant 0 : i32
        %dma_start3A_1604 = tpu.memref_slice %arg6[%squeeze3A_1583, %dma_start3A_1603] : memref<1000000x64xf32, #tpu.memory_space<hbm>> -> memref<1x64xf32, #tpu.memory_space<hbm>>
        %dma_start3A_1605 = tpu.memref_squeeze %dma_start3A_1604 : memref<1x64xf32, #tpu.memory_space<hbm>> -> memref<64xf32, #tpu.memory_space<hbm>>
        %dma_start3A_1606 = arith.constant 0 : i32
        %dma_start3A_1607 = tpu.memref_slice %arg14[%dma_start3A_1599, %dma_start3A_1606] : memref<16x64xf32, #tpu.memory_space<vmem>> -> memref<1x64xf32, #tpu.memory_space<vmem>>
        %dma_start3A_1608 = tpu.memref_squeeze %dma_start3A_1607 : memref<1x64xf32, #tpu.memory_space<vmem>> -> memref<64xf32, #tpu.memory_space<vmem>>
        %dma_start3A_1609 = arith.constant 0 : i32
        %dma_start3A_1610 = tpu.memref_slice %arg6[%squeeze3A_1583, %dma_start3A_1609] : memref<1000000x64xf32, #tpu.memory_space<hbm>> -> memref<1x64xf32, #tpu.memory_space<hbm>>
        %dma_start3A_1611 = tpu.memref_squeeze %dma_start3A_1610 : memref<1x64xf32, #tpu.memory_space<hbm>> -> memref<64xf32, #tpu.memory_space<hbm>>
        tpu.enqueue_dma source(%dma_start3A_1611 : memref<64xf32, #tpu.memory_space<hbm>>) target(%dma_start3A_1608 : memref<64xf32, #tpu.memory_space<vmem>>) target_semaphore(%arg19 : memref<!tpu.dma_semaphore, #tpu.memory_space<semaphore_mem>>)
        %dma_start3A_1612 = arith.constant 1 : i32
        %dma_start3A_1613 = arith.constant 0 : i32
        %dma_start3A_1614 = tpu.memref_slice %arg16[%dma_start3A_1612, %dma_start3A_1613] : memref<16x64xf32, #tpu.memory_space<vmem>> -> memref<1x64xf32, #tpu.memory_space<vmem>>
        %dma_start3A_1615 = tpu.memref_squeeze %dma_start3A_1614 : memref<1x64xf32, #tpu.memory_space<vmem>> -> memref<64xf32, #tpu.memory_space<vmem>>
        %dma_start3A_1616 = arith.constant 0 : i32
        %dma_start3A_1617 = tpu.memref_slice %arg6[%squeeze3A_1585, %dma_start3A_1616] : memref<1000000x64xf32, #tpu.memory_space<hbm>> -> memref<1x64xf32, #tpu.memory_space<hbm>>
        %dma_start3A_1618 = tpu.memref_squeeze %dma_start3A_1617 : memref<1x64xf32, #tpu.memory_space<hbm>> -> memref<64xf32, #tpu.memory_space<hbm>>
        %dma_start3A_1619 = arith.constant 0 : i32
        %dma_start3A_1620 = tpu.memref_slice %arg16[%dma_start3A_1612, %dma_start3A_1619] : memref<16x64xf32, #tpu.memory_space<vmem>> -> memref<1x64xf32, #tpu.memory_space<vmem>>
        %dma_start3A_1621 = tpu.memref_squeeze %dma_start3A_1620 : memref<1x64xf32, #tpu.memory_space<vmem>> -> memref<64xf32, #tpu.memory_space<vmem>>
        %dma_start3A_1622 = arith.constant 0 : i32
        %dma_start3A_1623 = tpu.memref_slice %arg6[%squeeze3A_1585, %dma_start3A_1622] : memref<1000000x64xf32, #tpu.memory_space<hbm>> -> memref<1x64xf32, #tpu.memory_space<hbm>>
        %dma_start3A_1624 = tpu.memref_squeeze %dma_start3A_1623 : memref<1x64xf32, #tpu.memory_space<hbm>> -> memref<64xf32, #tpu.memory_space<hbm>>
        tpu.enqueue_dma source(%dma_start3A_1624 : memref<64xf32, #tpu.memory_space<hbm>>) target(%dma_start3A_1621 : memref<64xf32, #tpu.memory_space<vmem>>) target_semaphore(%arg19 : memref<!tpu.dma_semaphore, #tpu.memory_space<semaphore_mem>>)
        %slice3A_1625 = vector.extract_strided_slice %get3A_1530 {offsets = [2], sizes = [1], strides = [1]} : vector<16xi32> to vector<1xi32>
        %squeeze3A_1626 = vector.extract %slice3A_1625[0] : i32 from vector<1xi32>
        %slice3A_1627 = vector.extract_strided_slice %get3A_1532 {offsets = [2], sizes = [1], strides = [1]} : vector<16xi32> to vector<1xi32>
        %squeeze3A_1628 = vector.extract %slice3A_1627[0] : i32 from vector<1xi32>
        %slice3A_1629 = vector.extract_strided_slice %get3A_1534 {offsets = [2], sizes = [1], strides = [1]} : vector<16xi32> to vector<1xi32>
        %squeeze3A_1630 = vector.extract %slice3A_1629[0] : i32 from vector<1xi32>
        %dma_start3A_1631 = arith.constant 2 : i32
        %dma_start3A_1632 = arith.constant 0 : i32
        %dma_start3A_1633 = tpu.memref_slice %arg12[%dma_start3A_1631, %dma_start3A_1632] : memref<16x64xf32, #tpu.memory_space<vmem>> -> memref<1x64xf32, #tpu.memory_space<vmem>>
        %dma_start3A_1634 = tpu.memref_squeeze %dma_start3A_1633 : memref<1x64xf32, #tpu.memory_space<vmem>> -> memref<64xf32, #tpu.memory_space<vmem>>
        %dma_start3A_1635 = arith.constant 0 : i32
        %dma_start3A_1636 = tpu.memref_slice %arg5[%squeeze3A_1626, %dma_start3A_1635] : memref<1000000x64xf32, #tpu.memory_space<hbm>> -> memref<1x64xf32, #tpu.memory_space<hbm>>
        %dma_start3A_1637 = tpu.memref_squeeze %dma_start3A_1636 : memref<1x64xf32, #tpu.memory_space<hbm>> -> memref<64xf32, #tpu.memory_space<hbm>>
        %dma_start3A_1638 = arith.constant 0 : i32
        %dma_start3A_1639 = tpu.memref_slice %arg12[%dma_start3A_1631, %dma_start3A_1638] : memref<16x64xf32, #tpu.memory_space<vmem>> -> memref<1x64xf32, #tpu.memory_space<vmem>>
        %dma_start3A_1640 = tpu.memref_squeeze %dma_start3A_1639 : memref<1x64xf32, #tpu.memory_space<vmem>> -> memref<64xf32, #tpu.memory_space<vmem>>
        %dma_start3A_1641 = arith.constant 0 : i32
        %dma_start3A_1642 = tpu.memref_slice %arg5[%squeeze3A_1626, %dma_start3A_1641] : memref<1000000x64xf32, #tpu.memory_space<hbm>> -> memref<1x64xf32, #tpu.memory_space<hbm>>
        %dma_start3A_1643 = tpu.memref_squeeze %dma_start3A_1642 : memref<1x64xf32, #tpu.memory_space<hbm>> -> memref<64xf32, #tpu.memory_space<hbm>>
        tpu.enqueue_dma source(%dma_start3A_1643 : memref<64xf32, #tpu.memory_space<hbm>>) target(%dma_start3A_1640 : memref<64xf32, #tpu.memory_space<vmem>>) target_semaphore(%arg19 : memref<!tpu.dma_semaphore, #tpu.memory_space<semaphore_mem>>)
        %dma_start3A_1644 = arith.constant 2 : i32
        %dma_start3A_1645 = arith.constant 0 : i32
        %dma_start3A_1646 = tpu.memref_slice %arg14[%dma_start3A_1644, %dma_start3A_1645] : memref<16x64xf32, #tpu.memory_space<vmem>> -> memref<1x64xf32, #tpu.memory_space<vmem>>
        %dma_start3A_1647 = tpu.memref_squeeze %dma_start3A_1646 : memref<1x64xf32, #tpu.memory_space<vmem>> -> memref<64xf32, #tpu.memory_space<vmem>>
        %dma_start3A_1648 = arith.constant 0 : i32
        %dma_start3A_1649 = tpu.memref_slice %arg6[%squeeze3A_1628, %dma_start3A_1648] : memref<1000000x64xf32, #tpu.memory_space<hbm>> -> memref<1x64xf32, #tpu.memory_space<hbm>>
        %dma_start3A_1650 = tpu.memref_squeeze %dma_start3A_1649 : memref<1x64xf32, #tpu.memory_space<hbm>> -> memref<64xf32, #tpu.memory_space<hbm>>
        %dma_start3A_1651 = arith.constant 0 : i32
        %dma_start3A_1652 = tpu.memref_slice %arg14[%dma_start3A_1644, %dma_start3A_1651] : memref<16x64xf32, #tpu.memory_space<vmem>> -> memref<1x64xf32, #tpu.memory_space<vmem>>
        %dma_start3A_1653 = tpu.memref_squeeze %dma_start3A_1652 : memref<1x64xf32, #tpu.memory_space<vmem>> -> memref<64xf32, #tpu.memory_space<vmem>>
        %dma_start3A_1654 = arith.constant 0 : i32
        %dma_start3A_1655 = tpu.memref_slice %arg6[%squeeze3A_1628, %dma_start3A_1654] : memref<1000000x64xf32, #tpu.memory_space<hbm>> -> memref<1x64xf32, #tpu.memory_space<hbm>>
        %dma_start3A_1656 = tpu.memref_squeeze %dma_start3A_1655 : memref<1x64xf32, #tpu.memory_space<hbm>> -> memref<64xf32, #tpu.memory_space<hbm>>
        tpu.enqueue_dma source(%dma_start3A_1656 : memref<64xf32, #tpu.memory_space<hbm>>) target(%dma_start3A_1653 : memref<64xf32, #tpu.memory_space<vmem>>) target_semaphore(%arg19 : memref<!tpu.dma_semaphore, #tpu.memory_space<semaphore_mem>>)
        %dma_start3A_1657 = arith.constant 2 : i32
        %dma_start3A_1658 = arith.constant 0 : i32
        %dma_start3A_1659 = tpu.memref_slice %arg16[%dma_start3A_1657, %dma_start3A_1658] : memref<16x64xf32, #tpu.memory_space<vmem>> -> memref<1x64xf32, #tpu.memory_space<vmem>>
        %dma_start3A_1660 = tpu.memref_squeeze %dma_start3A_1659 : memref<1x64xf32, #tpu.memory_space<vmem>> -> memref<64xf32, #tpu.memory_space<vmem>>
        %dma_start3A_1661 = arith.constant 0 : i32
        %dma_start3A_1662 = tpu.memref_slice %arg6[%squeeze3A_1630, %dma_start3A_1661] : memref<1000000x64xf32, #tpu.memory_space<hbm>> -> memref<1x64xf32, #tpu.memory_space<hbm>>
        %dma_start3A_1663 = tpu.memref_squeeze %dma_start3A_1662 : memref<1x64xf32, #tpu.memory_space<hbm>> -> memref<64xf32, #tpu.memory_space<hbm>>
        %dma_start3A_1664 = arith.constant 0 : i32
        %dma_start3A_1665 = tpu.memref_slice %arg16[%dma_start3A_1657, %dma_start3A_1664] : memref<16x64xf32, #tpu.memory_space<vmem>> -> memref<1x64xf32, #tpu.memory_space<vmem>>
        %dma_start3A_1666 = tpu.memref_squeeze %dma_start3A_1665 : memref<1x64xf32, #tpu.memory_space<vmem>> -> memref<64xf32, #tpu.memory_space<vmem>>
        %dma_start3A_1667 = arith.constant 0 : i32
        %dma_start3A_1668 = tpu.memref_slice %arg6[%squeeze3A_1630, %dma_start3A_1667] : memref<1000000x64xf32, #tpu.memory_space<hbm>> -> memref<1x64xf32, #tpu.memory_space<hbm>>
        %dma_start3A_1669 = tpu.memref_squeeze %dma_start3A_1668 : memref<1x64xf32, #tpu.memory_space<hbm>> -> memref<64xf32, #tpu.memory_space<hbm>>
        tpu.enqueue_dma source(%dma_start3A_1669 : memref<64xf32, #tpu.memory_space<hbm>>) target(%dma_start3A_1666 : memref<64xf32, #tpu.memory_space<vmem>>) target_semaphore(%arg19 : memref<!tpu.dma_semaphore, #tpu.memory_space<semaphore_mem>>)
        %slice3A_1670 = vector.extract_strided_slice %get3A_1530 {offsets = [3], sizes = [1], strides = [1]} : vector<16xi32> to vector<1xi32>
        %squeeze3A_1671 = vector.extract %slice3A_1670[0] : i32 from vector<1xi32>
        %slice3A_1672 = vector.extract_strided_slice %get3A_1532 {offsets = [3], sizes = [1], strides = [1]} : vector<16xi32> to vector<1xi32>
        %squeeze3A_1673 = vector.extract %slice3A_1672[0] : i32 from vector<1xi32>
        %slice3A_1674 = vector.extract_strided_slice %get3A_1534 {offsets = [3], sizes = [1], strides = [1]} : vector<16xi32> to vector<1xi32>
        %squeeze3A_1675 = vector.extract %slice3A_1674[0] : i32 from vector<1xi32>
        %dma_start3A_1676 = arith.constant 3 : i32
        %dma_start3A_1677 = arith.constant 0 : i32
        %dma_start3A_1678 = tpu.memref_slice %arg12[%dma_start3A_1676, %dma_start3A_1677] : memref<16x64xf32, #tpu.memory_space<vmem>> -> memref<1x64xf32, #tpu.memory_space<vmem>>
        %dma_start3A_1679 = tpu.memref_squeeze %dma_start3A_1678 : memref<1x64xf32, #tpu.memory_space<vmem>> -> memref<64xf32, #tpu.memory_space<vmem>>
        %dma_start3A_1680 = arith.constant 0 : i32
        %dma_start3A_1681 = tpu.memref_slice %arg5[%squeeze3A_1671, %dma_start3A_1680] : memref<1000000x64xf32, #tpu.memory_space<hbm>> -> memref<1x64xf32, #tpu.memory_space<hbm>>
        %dma_start3A_1682 = tpu.memref_squeeze %dma_start3A_1681 : memref<1x64xf32, #tpu.memory_space<hbm>> -> memref<64xf32, #tpu.memory_space<hbm>>
        %dma_start3A_1683 = arith.constant 0 : i32
        %dma_start3A_1684 = tpu.memref_slice %arg12[%dma_start3A_1676, %dma_start3A_1683] : memref<16x64xf32, #tpu.memory_space<vmem>> -> memref<1x64xf32, #tpu.memory_space<vmem>>
        %dma_start3A_1685 = tpu.memref_squeeze %dma_start3A_1684 : memref<1x64xf32, #tpu.memory_space<vmem>> -> memref<64xf32, #tpu.memory_space<vmem>>
        %dma_start3A_1686 = arith.constant 0 : i32
        %dma_start3A_1687 = tpu.memref_slice %arg5[%squeeze3A_1671, %dma_start3A_1686] : memref<1000000x64xf32, #tpu.memory_space<hbm>> -> memref<1x64xf32, #tpu.memory_space<hbm>>
        %dma_start3A_1688 = tpu.memref_squeeze %dma_start3A_1687 : memref<1x64xf32, #tpu.memory_space<hbm>> -> memref<64xf32, #tpu.memory_space<hbm>>
        tpu.enqueue_dma source(%dma_start3A_1688 : memref<64xf32, #tpu.memory_space<hbm>>) target(%dma_start3A_1685 : memref<64xf32, #tpu.memory_space<vmem>>) target_semaphore(%arg19 : memref<!tpu.dma_semaphore, #tpu.memory_space<semaphore_mem>>)
        %dma_start3A_1689 = arith.constant 3 : i32
        %dma_start3A_1690 = arith.constant 0 : i32
        %dma_start3A_1691 = tpu.memref_slice %arg14[%dma_start3A_1689, %dma_start3A_1690] : memref<16x64xf32, #tpu.memory_space<vmem>> -> memref<1x64xf32, #tpu.memory_space<vmem>>
        %dma_start3A_1692 = tpu.memref_squeeze %dma_start3A_1691 : memref<1x64xf32, #tpu.memory_space<vmem>> -> memref<64xf32, #tpu.memory_space<vmem>>
        %dma_start3A_1693 = arith.constant 0 : i32
        %dma_start3A_1694 = tpu.memref_slice %arg6[%squeeze3A_1673, %dma_start3A_1693] : memref<1000000x64xf32, #tpu.memory_space<hbm>> -> memref<1x64xf32, #tpu.memory_space<hbm>>
        %dma_start3A_1695 = tpu.memref_squeeze %dma_start3A_1694 : memref<1x64xf32, #tpu.memory_space<hbm>> -> memref<64xf32, #tpu.memory_space<hbm>>
        %dma_start3A_1696 = arith.constant 0 : i32
        %dma_start3A_1697 = tpu.memref_slice %arg14[%dma_start3A_1689, %dma_start3A_1696] : memref<16x64xf32, #tpu.memory_space<vmem>> -> memref<1x64xf32, #tpu.memory_space<vmem>>
        %dma_start3A_1698 = tpu.memref_squeeze %dma_start3A_1697 : memref<1x64xf32, #tpu.memory_space<vmem>> -> memref<64xf32, #tpu.memory_space<vmem>>
        %dma_start3A_1699 = arith.constant 0 : i32
        %dma_start3A_1700 = tpu.memref_slice %arg6[%squeeze3A_1673, %dma_start3A_1699] : memref<1000000x64xf32, #tpu.memory_space<hbm>> -> memref<1x64xf32, #tpu.memory_space<hbm>>
        %dma_start3A_1701 = tpu.memref_squeeze %dma_start3A_1700 : memref<1x64xf32, #tpu.memory_space<hbm>> -> memref<64xf32, #tpu.memory_space<hbm>>
        tpu.enqueue_dma source(%dma_start3A_1701 : memref<64xf32, #tpu.memory_space<hbm>>) target(%dma_start3A_1698 : memref<64xf32, #tpu.memory_space<vmem>>) target_semaphore(%arg19 : memref<!tpu.dma_semaphore, #tpu.memory_space<semaphore_mem>>)
        %dma_start3A_1702 = arith.constant 3 : i32
        %dma_start3A_1703 = arith.constant 0 : i32
        %dma_start3A_1704 = tpu.memref_slice %arg16[%dma_start3A_1702, %dma_start3A_1703] : memref<16x64xf32, #tpu.memory_space<vmem>> -> memref<1x64xf32, #tpu.memory_space<vmem>>
        %dma_start3A_1705 = tpu.memref_squeeze %dma_start3A_1704 : memref<1x64xf32, #tpu.memory_space<vmem>> -> memref<64xf32, #tpu.memory_space<vmem>>
        %dma_start3A_1706 = arith.constant 0 : i32
        %dma_start3A_1707 = tpu.memref_slice %arg6[%squeeze3A_1675, %dma_start3A_1706] : memref<1000000x64xf32, #tpu.memory_space<hbm>> -> memref<1x64xf32, #tpu.memory_space<hbm>>
        %dma_start3A_1708 = tpu.memref_squeeze %dma_start3A_1707 : memref<1x64xf32, #tpu.memory_space<hbm>> -> memref<64xf32, #tpu.memory_space<hbm>>
        %dma_start3A_1709 = arith.constant 0 : i32
        %dma_start3A_1710 = tpu.memref_slice %arg16[%dma_start3A_1702, %dma_start3A_1709] : memref<16x64xf32, #tpu.memory_space<vmem>> -> memref<1x64xf32, #tpu.memory_space<vmem>>
        %dma_start3A_1711 = tpu.memref_squeeze %dma_start3A_1710 : memref<1x64xf32, #tpu.memory_space<vmem>> -> memref<64xf32, #tpu.memory_space<vmem>>
        %dma_start3A_1712 = arith.constant 0 : i32
        %dma_start3A_1713 = tpu.memref_slice %arg6[%squeeze3A_1675, %dma_start3A_1712] : memref<1000000x64xf32, #tpu.memory_space<hbm>> -> memref<1x64xf32, #tpu.memory_space<hbm>>
        %dma_start3A_1714 = tpu.memref_squeeze %dma_start3A_1713 : memref<1x64xf32, #tpu.memory_space<hbm>> -> memref<64xf32, #tpu.memory_space<hbm>>
        tpu.enqueue_dma source(%dma_start3A_1714 : memref<64xf32, #tpu.memory_space<hbm>>) target(%dma_start3A_1711 : memref<64xf32, #tpu.memory_space<vmem>>) target_semaphore(%arg19 : memref<!tpu.dma_semaphore, #tpu.memory_space<semaphore_mem>>)
        %slice3A_1715 = vector.extract_strided_slice %get3A_1530 {offsets = [4], sizes = [1], strides = [1]} : vector<16xi32> to vector<1xi32>
        %squeeze3A_1716 = vector.extract %slice3A_1715[0] : i32 from vector<1xi32>
        %slice3A_1717 = vector.extract_strided_slice %get3A_1532 {offsets = [4], sizes = [1], strides = [1]} : vector<16xi32> to vector<1xi32>
        %squeeze3A_1718 = vector.extract %slice3A_1717[0] : i32 from vector<1xi32>
        %slice3A_1719 = vector.extract_strided_slice %get3A_1534 {offsets = [4], sizes = [1], strides = [1]} : vector<16xi32> to vector<1xi32>
        %squeeze3A_1720 = vector.extract %slice3A_1719[0] : i32 from vector<1xi32>
        %dma_start3A_1721 = arith.constant 4 : i32
        %dma_start3A_1722 = arith.constant 0 : i32
        %dma_start3A_1723 = tpu.memref_slice %arg12[%dma_start3A_1721, %dma_start3A_1722] : memref<16x64xf32, #tpu.memory_space<vmem>> -> memref<1x64xf32, #tpu.memory_space<vmem>>
        %dma_start3A_1724 = tpu.memref_squeeze %dma_start3A_1723 : memref<1x64xf32, #tpu.memory_space<vmem>> -> memref<64xf32, #tpu.memory_space<vmem>>
        %dma_start3A_1725 = arith.constant 0 : i32
        %dma_start3A_1726 = tpu.memref_slice %arg5[%squeeze3A_1716, %dma_start3A_1725] : memref<1000000x64xf32, #tpu.memory_space<hbm>> -> memref<1x64xf32, #tpu.memory_space<hbm>>
        %dma_start3A_1727 = tpu.memref_squeeze %dma_start3A_1726 : memref<1x64xf32, #tpu.memory_space<hbm>> -> memref<64xf32, #tpu.memory_space<hbm>>
        %dma_start3A_1728 = arith.constant 0 : i32
        %dma_start3A_1729 = tpu.memref_slice %arg12[%dma_start3A_1721, %dma_start3A_1728] : memref<16x64xf32, #tpu.memory_space<vmem>> -> memref<1x64xf32, #tpu.memory_space<vmem>>
        %dma_start3A_1730 = tpu.memref_squeeze %dma_start3A_1729 : memref<1x64xf32, #tpu.memory_space<vmem>> -> memref<64xf32, #tpu.memory_space<vmem>>
        %dma_start3A_1731 = arith.constant 0 : i32
        %dma_start3A_1732 = tpu.memref_slice %arg5[%squeeze3A_1716, %dma_start3A_1731] : memref<1000000x64xf32, #tpu.memory_space<hbm>> -> memref<1x64xf32, #tpu.memory_space<hbm>>
        %dma_start3A_1733 = tpu.memref_squeeze %dma_start3A_1732 : memref<1x64xf32, #tpu.memory_space<hbm>> -> memref<64xf32, #tpu.memory_space<hbm>>
        tpu.enqueue_dma source(%dma_start3A_1733 : memref<64xf32, #tpu.memory_space<hbm>>) target(%dma_start3A_1730 : memref<64xf32, #tpu.memory_space<vmem>>) target_semaphore(%arg19 : memref<!tpu.dma_semaphore, #tpu.memory_space<semaphore_mem>>)
        %dma_start3A_1734 = arith.constant 4 : i32
        %dma_start3A_1735 = arith.constant 0 : i32
        %dma_start3A_1736 = tpu.memref_slice %arg14[%dma_start3A_1734, %dma_start3A_1735] : memref<16x64xf32, #tpu.memory_space<vmem>> -> memref<1x64xf32, #tpu.memory_space<vmem>>
        %dma_start3A_1737 = tpu.memref_squeeze %dma_start3A_1736 : memref<1x64xf32, #tpu.memory_space<vmem>> -> memref<64xf32, #tpu.memory_space<vmem>>
        %dma_start3A_1738 = arith.constant 0 : i32
        %dma_start3A_1739 = tpu.memref_slice %arg6[%squeeze3A_1718, %dma_start3A_1738] : memref<1000000x64xf32, #tpu.memory_space<hbm>> -> memref<1x64xf32, #tpu.memory_space<hbm>>
        %dma_start3A_1740 = tpu.memref_squeeze %dma_start3A_1739 : memref<1x64xf32, #tpu.memory_space<hbm>> -> memref<64xf32, #tpu.memory_space<hbm>>
        %dma_start3A_1741 = arith.constant 0 : i32
        %dma_start3A_1742 = tpu.memref_slice %arg14[%dma_start3A_1734, %dma_start3A_1741] : memref<16x64xf32, #tpu.memory_space<vmem>> -> memref<1x64xf32, #tpu.memory_space<vmem>>
        %dma_start3A_1743 = tpu.memref_squeeze %dma_start3A_1742 : memref<1x64xf32, #tpu.memory_space<vmem>> -> memref<64xf32, #tpu.memory_space<vmem>>
        %dma_start3A_1744 = arith.constant 0 : i32
        %dma_start3A_1745 = tpu.memref_slice %arg6[%squeeze3A_1718, %dma_start3A_1744] : memref<1000000x64xf32, #tpu.memory_space<hbm>> -> memref<1x64xf32, #tpu.memory_space<hbm>>
        %dma_start3A_1746 = tpu.memref_squeeze %dma_start3A_1745 : memref<1x64xf32, #tpu.memory_space<hbm>> -> memref<64xf32, #tpu.memory_space<hbm>>
        tpu.enqueue_dma source(%dma_start3A_1746 : memref<64xf32, #tpu.memory_space<hbm>>) target(%dma_start3A_1743 : memref<64xf32, #tpu.memory_space<vmem>>) target_semaphore(%arg19 : memref<!tpu.dma_semaphore, #tpu.memory_space<semaphore_mem>>)
        %dma_start3A_1747 = arith.constant 4 : i32
        %dma_start3A_1748 = arith.constant 0 : i32
        %dma_start3A_1749 = tpu.memref_slice %arg16[%dma_start3A_1747, %dma_start3A_1748] : memref<16x64xf32, #tpu.memory_space<vmem>> -> memref<1x64xf32, #tpu.memory_space<vmem>>
        %dma_start3A_1750 = tpu.memref_squeeze %dma_start3A_1749 : memref<1x64xf32, #tpu.memory_space<vmem>> -> memref<64xf32, #tpu.memory_space<vmem>>
        %dma_start3A_1751 = arith.constant 0 : i32
        %dma_start3A_1752 = tpu.memref_slice %arg6[%squeeze3A_1720, %dma_start3A_1751] : memref<1000000x64xf32, #tpu.memory_space<hbm>> -> memref<1x64xf32, #tpu.memory_space<hbm>>
        %dma_start3A_1753 = tpu.memref_squeeze %dma_start3A_1752 : memref<1x64xf32, #tpu.memory_space<hbm>> -> memref<64xf32, #tpu.memory_space<hbm>>
        %dma_start3A_1754 = arith.constant 0 : i32
        %dma_start3A_1755 = tpu.memref_slice %arg16[%dma_start3A_1747, %dma_start3A_1754] : memref<16x64xf32, #tpu.memory_space<vmem>> -> memref<1x64xf32, #tpu.memory_space<vmem>>
        %dma_start3A_1756 = tpu.memref_squeeze %dma_start3A_1755 : memref<1x64xf32, #tpu.memory_space<vmem>> -> memref<64xf32, #tpu.memory_space<vmem>>
        %dma_start3A_1757 = arith.constant 0 : i32
        %dma_start3A_1758 = tpu.memref_slice %arg6[%squeeze3A_1720, %dma_start3A_1757] : memref<1000000x64xf32, #tpu.memory_space<hbm>> -> memref<1x64xf32, #tpu.memory_space<hbm>>
        %dma_start3A_1759 = tpu.memref_squeeze %dma_start3A_1758 : memref<1x64xf32, #tpu.memory_space<hbm>> -> memref<64xf32, #tpu.memory_space<hbm>>
        tpu.enqueue_dma source(%dma_start3A_1759 : memref<64xf32, #tpu.memory_space<hbm>>) target(%dma_start3A_1756 : memref<64xf32, #tpu.memory_space<vmem>>) target_semaphore(%arg19 : memref<!tpu.dma_semaphore, #tpu.memory_space<semaphore_mem>>)
        %slice3A_1760 = vector.extract_strided_slice %get3A_1530 {offsets = [5], sizes = [1], strides = [1]} : vector<16xi32> to vector<1xi32>
        %squeeze3A_1761 = vector.extract %slice3A_1760[0] : i32 from vector<1xi32>
        %slice3A_1762 = vector.extract_strided_slice %get3A_1532 {offsets = [5], sizes = [1], strides = [1]} : vector<16xi32> to vector<1xi32>
        %squeeze3A_1763 = vector.extract %slice3A_1762[0] : i32 from vector<1xi32>
        %slice3A_1764 = vector.extract_strided_slice %get3A_1534 {offsets = [5], sizes = [1], strides = [1]} : vector<16xi32> to vector<1xi32>
        %squeeze3A_1765 = vector.extract %slice3A_1764[0] : i32 from vector<1xi32>
        %dma_start3A_1766 = arith.constant 5 : i32
        %dma_start3A_1767 = arith.constant 0 : i32
        %dma_start3A_1768 = tpu.memref_slice %arg12[%dma_start3A_1766, %dma_start3A_1767] : memref<16x64xf32, #tpu.memory_space<vmem>> -> memref<1x64xf32, #tpu.memory_space<vmem>>
        %dma_start3A_1769 = tpu.memref_squeeze %dma_start3A_1768 : memref<1x64xf32, #tpu.memory_space<vmem>> -> memref<64xf32, #tpu.memory_space<vmem>>
        %dma_start3A_1770 = arith.constant 0 : i32
        %dma_start3A_1771 = tpu.memref_slice %arg5[%squeeze3A_1761, %dma_start3A_1770] : memref<1000000x64xf32, #tpu.memory_space<hbm>> -> memref<1x64xf32, #tpu.memory_space<hbm>>
        %dma_start3A_1772 = tpu.memref_squeeze %dma_start3A_1771 : memref<1x64xf32, #tpu.memory_space<hbm>> -> memref<64xf32, #tpu.memory_space<hbm>>
        %dma_start3A_1773 = arith.constant 0 : i32
        %dma_start3A_1774 = tpu.memref_slice %arg12[%dma_start3A_1766, %dma_start3A_1773] : memref<16x64xf32, #tpu.memory_space<vmem>> -> memref<1x64xf32, #tpu.memory_space<vmem>>
        %dma_start3A_1775 = tpu.memref_squeeze %dma_start3A_1774 : memref<1x64xf32, #tpu.memory_space<vmem>> -> memref<64xf32, #tpu.memory_space<vmem>>
        %dma_start3A_1776 = arith.constant 0 : i32
        %dma_start3A_1777 = tpu.memref_slice %arg5[%squeeze3A_1761, %dma_start3A_1776] : memref<1000000x64xf32, #tpu.memory_space<hbm>> -> memref<1x64xf32, #tpu.memory_space<hbm>>
        %dma_start3A_1778 = tpu.memref_squeeze %dma_start3A_1777 : memref<1x64xf32, #tpu.memory_space<hbm>> -> memref<64xf32, #tpu.memory_space<hbm>>
        tpu.enqueue_dma source(%dma_start3A_1778 : memref<64xf32, #tpu.memory_space<hbm>>) target(%dma_start3A_1775 : memref<64xf32, #tpu.memory_space<vmem>>) target_semaphore(%arg19 : memref<!tpu.dma_semaphore, #tpu.memory_space<semaphore_mem>>)
        %dma_start3A_1779 = arith.constant 5 : i32
        %dma_start3A_1780 = arith.constant 0 : i32
        %dma_start3A_1781 = tpu.memref_slice %arg14[%dma_start3A_1779, %dma_start3A_1780] : memref<16x64xf32, #tpu.memory_space<vmem>> -> memref<1x64xf32, #tpu.memory_space<vmem>>
        %dma_start3A_1782 = tpu.memref_squeeze %dma_start3A_1781 : memref<1x64xf32, #tpu.memory_space<vmem>> -> memref<64xf32, #tpu.memory_space<vmem>>
        %dma_start3A_1783 = arith.constant 0 : i32
        %dma_start3A_1784 = tpu.memref_slice %arg6[%squeeze3A_1763, %dma_start3A_1783] : memref<1000000x64xf32, #tpu.memory_space<hbm>> -> memref<1x64xf32, #tpu.memory_space<hbm>>
        %dma_start3A_1785 = tpu.memref_squeeze %dma_start3A_1784 : memref<1x64xf32, #tpu.memory_space<hbm>> -> memref<64xf32, #tpu.memory_space<hbm>>
        %dma_start3A_1786 = arith.constant 0 : i32
        %dma_start3A_1787 = tpu.memref_slice %arg14[%dma_start3A_1779, %dma_start3A_1786] : memref<16x64xf32, #tpu.memory_space<vmem>> -> memref<1x64xf32, #tpu.memory_space<vmem>>
        %dma_start3A_1788 = tpu.memref_squeeze %dma_start3A_1787 : memref<1x64xf32, #tpu.memory_space<vmem>> -> memref<64xf32, #tpu.memory_space<vmem>>
        %dma_start3A_1789 = arith.constant 0 : i32
        %dma_start3A_1790 = tpu.memref_slice %arg6[%squeeze3A_1763, %dma_start3A_1789] : memref<1000000x64xf32, #tpu.memory_space<hbm>> -> memref<1x64xf32, #tpu.memory_space<hbm>>
        %dma_start3A_1791 = tpu.memref_squeeze %dma_start3A_1790 : memref<1x64xf32, #tpu.memory_space<hbm>> -> memref<64xf32, #tpu.memory_space<hbm>>
        tpu.enqueue_dma source(%dma_start3A_1791 : memref<64xf32, #tpu.memory_space<hbm>>) target(%dma_start3A_1788 : memref<64xf32, #tpu.memory_space<vmem>>) target_semaphore(%arg19 : memref<!tpu.dma_semaphore, #tpu.memory_space<semaphore_mem>>)
        %dma_start3A_1792 = arith.constant 5 : i32
        %dma_start3A_1793 = arith.constant 0 : i32
        %dma_start3A_1794 = tpu.memref_slice %arg16[%dma_start3A_1792, %dma_start3A_1793] : memref<16x64xf32, #tpu.memory_space<vmem>> -> memref<1x64xf32, #tpu.memory_space<vmem>>
        %dma_start3A_1795 = tpu.memref_squeeze %dma_start3A_1794 : memref<1x64xf32, #tpu.memory_space<vmem>> -> memref<64xf32, #tpu.memory_space<vmem>>
        %dma_start3A_1796 = arith.constant 0 : i32
        %dma_start3A_1797 = tpu.memref_slice %arg6[%squeeze3A_1765, %dma_start3A_1796] : memref<1000000x64xf32, #tpu.memory_space<hbm>> -> memref<1x64xf32, #tpu.memory_space<hbm>>
        %dma_start3A_1798 = tpu.memref_squeeze %dma_start3A_1797 : memref<1x64xf32, #tpu.memory_space<hbm>> -> memref<64xf32, #tpu.memory_space<hbm>>
        %dma_start3A_1799 = arith.constant 0 : i32
        %dma_start3A_1800 = tpu.memref_slice %arg16[%dma_start3A_1792, %dma_start3A_1799] : memref<16x64xf32, #tpu.memory_space<vmem>> -> memref<1x64xf32, #tpu.memory_space<vmem>>
        %dma_start3A_1801 = tpu.memref_squeeze %dma_start3A_1800 : memref<1x64xf32, #tpu.memory_space<vmem>> -> memref<64xf32, #tpu.memory_space<vmem>>
        %dma_start3A_1802 = arith.constant 0 : i32
        %dma_start3A_1803 = tpu.memref_slice %arg6[%squeeze3A_1765, %dma_start3A_1802] : memref<1000000x64xf32, #tpu.memory_space<hbm>> -> memref<1x64xf32, #tpu.memory_space<hbm>>
        %dma_start3A_1804 = tpu.memref_squeeze %dma_start3A_1803 : memref<1x64xf32, #tpu.memory_space<hbm>> -> memref<64xf32, #tpu.memory_space<hbm>>
        tpu.enqueue_dma source(%dma_start3A_1804 : memref<64xf32, #tpu.memory_space<hbm>>) target(%dma_start3A_1801 : memref<64xf32, #tpu.memory_space<vmem>>) target_semaphore(%arg19 : memref<!tpu.dma_semaphore, #tpu.memory_space<semaphore_mem>>)
        %slice3A_1805 = vector.extract_strided_slice %get3A_1530 {offsets = [6], sizes = [1], strides = [1]} : vector<16xi32> to vector<1xi32>
        %squeeze3A_1806 = vector.extract %slice3A_1805[0] : i32 from vector<1xi32>
        %slice3A_1807 = vector.extract_strided_slice %get3A_1532 {offsets = [6], sizes = [1], strides = [1]} : vector<16xi32> to vector<1xi32>
        %squeeze3A_1808 = vector.extract %slice3A_1807[0] : i32 from vector<1xi32>
        %slice3A_1809 = vector.extract_strided_slice %get3A_1534 {offsets = [6], sizes = [1], strides = [1]} : vector<16xi32> to vector<1xi32>
        %squeeze3A_1810 = vector.extract %slice3A_1809[0] : i32 from vector<1xi32>
        %dma_start3A_1811 = arith.constant 6 : i32
        %dma_start3A_1812 = arith.constant 0 : i32
        %dma_start3A_1813 = tpu.memref_slice %arg12[%dma_start3A_1811, %dma_start3A_1812] : memref<16x64xf32, #tpu.memory_space<vmem>> -> memref<1x64xf32, #tpu.memory_space<vmem>>
        %dma_start3A_1814 = tpu.memref_squeeze %dma_start3A_1813 : memref<1x64xf32, #tpu.memory_space<vmem>> -> memref<64xf32, #tpu.memory_space<vmem>>
        %dma_start3A_1815 = arith.constant 0 : i32
        %dma_start3A_1816 = tpu.memref_slice %arg5[%squeeze3A_1806, %dma_start3A_1815] : memref<1000000x64xf32, #tpu.memory_space<hbm>> -> memref<1x64xf32, #tpu.memory_space<hbm>>
        %dma_start3A_1817 = tpu.memref_squeeze %dma_start3A_1816 : memref<1x64xf32, #tpu.memory_space<hbm>> -> memref<64xf32, #tpu.memory_space<hbm>>
        %dma_start3A_1818 = arith.constant 0 : i32
        %dma_start3A_1819 = tpu.memref_slice %arg12[%dma_start3A_1811, %dma_start3A_1818] : memref<16x64xf32, #tpu.memory_space<vmem>> -> memref<1x64xf32, #tpu.memory_space<vmem>>
        %dma_start3A_1820 = tpu.memref_squeeze %dma_start3A_1819 : memref<1x64xf32, #tpu.memory_space<vmem>> -> memref<64xf32, #tpu.memory_space<vmem>>
        %dma_start3A_1821 = arith.constant 0 : i32
        %dma_start3A_1822 = tpu.memref_slice %arg5[%squeeze3A_1806, %dma_start3A_1821] : memref<1000000x64xf32, #tpu.memory_space<hbm>> -> memref<1x64xf32, #tpu.memory_space<hbm>>
        %dma_start3A_1823 = tpu.memref_squeeze %dma_start3A_1822 : memref<1x64xf32, #tpu.memory_space<hbm>> -> memref<64xf32, #tpu.memory_space<hbm>>
        tpu.enqueue_dma source(%dma_start3A_1823 : memref<64xf32, #tpu.memory_space<hbm>>) target(%dma_start3A_1820 : memref<64xf32, #tpu.memory_space<vmem>>) target_semaphore(%arg19 : memref<!tpu.dma_semaphore, #tpu.memory_space<semaphore_mem>>)
        %dma_start3A_1824 = arith.constant 6 : i32
        %dma_start3A_1825 = arith.constant 0 : i32
        %dma_start3A_1826 = tpu.memref_slice %arg14[%dma_start3A_1824, %dma_start3A_1825] : memref<16x64xf32, #tpu.memory_space<vmem>> -> memref<1x64xf32, #tpu.memory_space<vmem>>
        %dma_start3A_1827 = tpu.memref_squeeze %dma_start3A_1826 : memref<1x64xf32, #tpu.memory_space<vmem>> -> memref<64xf32, #tpu.memory_space<vmem>>
        %dma_start3A_1828 = arith.constant 0 : i32
        %dma_start3A_1829 = tpu.memref_slice %arg6[%squeeze3A_1808, %dma_start3A_1828] : memref<1000000x64xf32, #tpu.memory_space<hbm>> -> memref<1x64xf32, #tpu.memory_space<hbm>>
        %dma_start3A_1830 = tpu.memref_squeeze %dma_start3A_1829 : memref<1x64xf32, #tpu.memory_space<hbm>> -> memref<64xf32, #tpu.memory_space<hbm>>
        %dma_start3A_1831 = arith.constant 0 : i32
        %dma_start3A_1832 = tpu.memref_slice %arg14[%dma_start3A_1824, %dma_start3A_1831] : memref<16x64xf32, #tpu.memory_space<vmem>> -> memref<1x64xf32, #tpu.memory_space<vmem>>
        %dma_start3A_1833 = tpu.memref_squeeze %dma_start3A_1832 : memref<1x64xf32, #tpu.memory_space<vmem>> -> memref<64xf32, #tpu.memory_space<vmem>>
        %dma_start3A_1834 = arith.constant 0 : i32
        %dma_start3A_1835 = tpu.memref_slice %arg6[%squeeze3A_1808, %dma_start3A_1834] : memref<1000000x64xf32, #tpu.memory_space<hbm>> -> memref<1x64xf32, #tpu.memory_space<hbm>>
        %dma_start3A_1836 = tpu.memref_squeeze %dma_start3A_1835 : memref<1x64xf32, #tpu.memory_space<hbm>> -> memref<64xf32, #tpu.memory_space<hbm>>
        tpu.enqueue_dma source(%dma_start3A_1836 : memref<64xf32, #tpu.memory_space<hbm>>) target(%dma_start3A_1833 : memref<64xf32, #tpu.memory_space<vmem>>) target_semaphore(%arg19 : memref<!tpu.dma_semaphore, #tpu.memory_space<semaphore_mem>>)
        %dma_start3A_1837 = arith.constant 6 : i32
        %dma_start3A_1838 = arith.constant 0 : i32
        %dma_start3A_1839 = tpu.memref_slice %arg16[%dma_start3A_1837, %dma_start3A_1838] : memref<16x64xf32, #tpu.memory_space<vmem>> -> memref<1x64xf32, #tpu.memory_space<vmem>>
        %dma_start3A_1840 = tpu.memref_squeeze %dma_start3A_1839 : memref<1x64xf32, #tpu.memory_space<vmem>> -> memref<64xf32, #tpu.memory_space<vmem>>
        %dma_start3A_1841 = arith.constant 0 : i32
        %dma_start3A_1842 = tpu.memref_slice %arg6[%squeeze3A_1810, %dma_start3A_1841] : memref<1000000x64xf32, #tpu.memory_space<hbm>> -> memref<1x64xf32, #tpu.memory_space<hbm>>
        %dma_start3A_1843 = tpu.memref_squeeze %dma_start3A_1842 : memref<1x64xf32, #tpu.memory_space<hbm>> -> memref<64xf32, #tpu.memory_space<hbm>>
        %dma_start3A_1844 = arith.constant 0 : i32
        %dma_start3A_1845 = tpu.memref_slice %arg16[%dma_start3A_1837, %dma_start3A_1844] : memref<16x64xf32, #tpu.memory_space<vmem>> -> memref<1x64xf32, #tpu.memory_space<vmem>>
        %dma_start3A_1846 = tpu.memref_squeeze %dma_start3A_1845 : memref<1x64xf32, #tpu.memory_space<vmem>> -> memref<64xf32, #tpu.memory_space<vmem>>
        %dma_start3A_1847 = arith.constant 0 : i32
        %dma_start3A_1848 = tpu.memref_slice %arg6[%squeeze3A_1810, %dma_start3A_1847] : memref<1000000x64xf32, #tpu.memory_space<hbm>> -> memref<1x64xf32, #tpu.memory_space<hbm>>
        %dma_start3A_1849 = tpu.memref_squeeze %dma_start3A_1848 : memref<1x64xf32, #tpu.memory_space<hbm>> -> memref<64xf32, #tpu.memory_space<hbm>>
        tpu.enqueue_dma source(%dma_start3A_1849 : memref<64xf32, #tpu.memory_space<hbm>>) target(%dma_start3A_1846 : memref<64xf32, #tpu.memory_space<vmem>>) target_semaphore(%arg19 : memref<!tpu.dma_semaphore, #tpu.memory_space<semaphore_mem>>)
        %slice3A_1850 = vector.extract_strided_slice %get3A_1530 {offsets = [7], sizes = [1], strides = [1]} : vector<16xi32> to vector<1xi32>
        %squeeze3A_1851 = vector.extract %slice3A_1850[0] : i32 from vector<1xi32>
        %slice3A_1852 = vector.extract_strided_slice %get3A_1532 {offsets = [7], sizes = [1], strides = [1]} : vector<16xi32> to vector<1xi32>
        %squeeze3A_1853 = vector.extract %slice3A_1852[0] : i32 from vector<1xi32>
        %slice3A_1854 = vector.extract_strided_slice %get3A_1534 {offsets = [7], sizes = [1], strides = [1]} : vector<16xi32> to vector<1xi32>
        %squeeze3A_1855 = vector.extract %slice3A_1854[0] : i32 from vector<1xi32>
        %dma_start3A_1856 = arith.constant 7 : i32
        %dma_start3A_1857 = arith.constant 0 : i32
        %dma_start3A_1858 = tpu.memref_slice %arg12[%dma_start3A_1856, %dma_start3A_1857] : memref<16x64xf32, #tpu.memory_space<vmem>> -> memref<1x64xf32, #tpu.memory_space<vmem>>
        %dma_start3A_1859 = tpu.memref_squeeze %dma_start3A_1858 : memref<1x64xf32, #tpu.memory_space<vmem>> -> memref<64xf32, #tpu.memory_space<vmem>>
        %dma_start3A_1860 = arith.constant 0 : i32
        %dma_start3A_1861 = tpu.memref_slice %arg5[%squeeze3A_1851, %dma_start3A_1860] : memref<1000000x64xf32, #tpu.memory_space<hbm>> -> memref<1x64xf32, #tpu.memory_space<hbm>>
        %dma_start3A_1862 = tpu.memref_squeeze %dma_start3A_1861 : memref<1x64xf32, #tpu.memory_space<hbm>> -> memref<64xf32, #tpu.memory_space<hbm>>
        %dma_start3A_1863 = arith.constant 0 : i32
        %dma_start3A_1864 = tpu.memref_slice %arg12[%dma_start3A_1856, %dma_start3A_1863] : memref<16x64xf32, #tpu.memory_space<vmem>> -> memref<1x64xf32, #tpu.memory_space<vmem>>
        %dma_start3A_1865 = tpu.memref_squeeze %dma_start3A_1864 : memref<1x64xf32, #tpu.memory_space<vmem>> -> memref<64xf32, #tpu.memory_space<vmem>>
        %dma_start3A_1866 = arith.constant 0 : i32
        %dma_start3A_1867 = tpu.memref_slice %arg5[%squeeze3A_1851, %dma_start3A_1866] : memref<1000000x64xf32, #tpu.memory_space<hbm>> -> memref<1x64xf32, #tpu.memory_space<hbm>>
        %dma_start3A_1868 = tpu.memref_squeeze %dma_start3A_1867 : memref<1x64xf32, #tpu.memory_space<hbm>> -> memref<64xf32, #tpu.memory_space<hbm>>
        tpu.enqueue_dma source(%dma_start3A_1868 : memref<64xf32, #tpu.memory_space<hbm>>) target(%dma_start3A_1865 : memref<64xf32, #tpu.memory_space<vmem>>) target_semaphore(%arg19 : memref<!tpu.dma_semaphore, #tpu.memory_space<semaphore_mem>>)
        %dma_start3A_1869 = arith.constant 7 : i32
        %dma_start3A_1870 = arith.constant 0 : i32
        %dma_start3A_1871 = tpu.memref_slice %arg14[%dma_start3A_1869, %dma_start3A_1870] : memref<16x64xf32, #tpu.memory_space<vmem>> -> memref<1x64xf32, #tpu.memory_space<vmem>>
        %dma_start3A_1872 = tpu.memref_squeeze %dma_start3A_1871 : memref<1x64xf32, #tpu.memory_space<vmem>> -> memref<64xf32, #tpu.memory_space<vmem>>
        %dma_start3A_1873 = arith.constant 0 : i32
        %dma_start3A_1874 = tpu.memref_slice %arg6[%squeeze3A_1853, %dma_start3A_1873] : memref<1000000x64xf32, #tpu.memory_space<hbm>> -> memref<1x64xf32, #tpu.memory_space<hbm>>
        %dma_start3A_1875 = tpu.memref_squeeze %dma_start3A_1874 : memref<1x64xf32, #tpu.memory_space<hbm>> -> memref<64xf32, #tpu.memory_space<hbm>>
        %dma_start3A_1876 = arith.constant 0 : i32
        %dma_start3A_1877 = tpu.memref_slice %arg14[%dma_start3A_1869, %dma_start3A_1876] : memref<16x64xf32, #tpu.memory_space<vmem>> -> memref<1x64xf32, #tpu.memory_space<vmem>>
        %dma_start3A_1878 = tpu.memref_squeeze %dma_start3A_1877 : memref<1x64xf32, #tpu.memory_space<vmem>> -> memref<64xf32, #tpu.memory_space<vmem>>
        %dma_start3A_1879 = arith.constant 0 : i32
        %dma_start3A_1880 = tpu.memref_slice %arg6[%squeeze3A_1853, %dma_start3A_1879] : memref<1000000x64xf32, #tpu.memory_space<hbm>> -> memref<1x64xf32, #tpu.memory_space<hbm>>
        %dma_start3A_1881 = tpu.memref_squeeze %dma_start3A_1880 : memref<1x64xf32, #tpu.memory_space<hbm>> -> memref<64xf32, #tpu.memory_space<hbm>>
        tpu.enqueue_dma source(%dma_start3A_1881 : memref<64xf32, #tpu.memory_space<hbm>>) target(%dma_start3A_1878 : memref<64xf32, #tpu.memory_space<vmem>>) target_semaphore(%arg19 : memref<!tpu.dma_semaphore, #tpu.memory_space<semaphore_mem>>)
        %dma_start3A_1882 = arith.constant 7 : i32
        %dma_start3A_1883 = arith.constant 0 : i32
        %dma_start3A_1884 = tpu.memref_slice %arg16[%dma_start3A_1882, %dma_start3A_1883] : memref<16x64xf32, #tpu.memory_space<vmem>> -> memref<1x64xf32, #tpu.memory_space<vmem>>
        %dma_start3A_1885 = tpu.memref_squeeze %dma_start3A_1884 : memref<1x64xf32, #tpu.memory_space<vmem>> -> memref<64xf32, #tpu.memory_space<vmem>>
        %dma_start3A_1886 = arith.constant 0 : i32
        %dma_start3A_1887 = tpu.memref_slice %arg6[%squeeze3A_1855, %dma_start3A_1886] : memref<1000000x64xf32, #tpu.memory_space<hbm>> -> memref<1x64xf32, #tpu.memory_space<hbm>>
        %dma_start3A_1888 = tpu.memref_squeeze %dma_start3A_1887 : memref<1x64xf32, #tpu.memory_space<hbm>> -> memref<64xf32, #tpu.memory_space<hbm>>
        %dma_start3A_1889 = arith.constant 0 : i32
        %dma_start3A_1890 = tpu.memref_slice %arg16[%dma_start3A_1882, %dma_start3A_1889] : memref<16x64xf32, #tpu.memory_space<vmem>> -> memref<1x64xf32, #tpu.memory_space<vmem>>
        %dma_start3A_1891 = tpu.memref_squeeze %dma_start3A_1890 : memref<1x64xf32, #tpu.memory_space<vmem>> -> memref<64xf32, #tpu.memory_space<vmem>>
        %dma_start3A_1892 = arith.constant 0 : i32
        %dma_start3A_1893 = tpu.memref_slice %arg6[%squeeze3A_1855, %dma_start3A_1892] : memref<1000000x64xf32, #tpu.memory_space<hbm>> -> memref<1x64xf32, #tpu.memory_space<hbm>>
        %dma_start3A_1894 = tpu.memref_squeeze %dma_start3A_1893 : memref<1x64xf32, #tpu.memory_space<hbm>> -> memref<64xf32, #tpu.memory_space<hbm>>
        tpu.enqueue_dma source(%dma_start3A_1894 : memref<64xf32, #tpu.memory_space<hbm>>) target(%dma_start3A_1891 : memref<64xf32, #tpu.memory_space<vmem>>) target_semaphore(%arg19 : memref<!tpu.dma_semaphore, #tpu.memory_space<semaphore_mem>>)
        %slice3A_1895 = vector.extract_strided_slice %get3A_1530 {offsets = [8], sizes = [1], strides = [1]} : vector<16xi32> to vector<1xi32>
        %squeeze3A_1896 = vector.extract %slice3A_1895[0] : i32 from vector<1xi32>
        %slice3A_1897 = vector.extract_strided_slice %get3A_1532 {offsets = [8], sizes = [1], strides = [1]} : vector<16xi32> to vector<1xi32>
        %squeeze3A_1898 = vector.extract %slice3A_1897[0] : i32 from vector<1xi32>
        %slice3A_1899 = vector.extract_strided_slice %get3A_1534 {offsets = [8], sizes = [1], strides = [1]} : vector<16xi32> to vector<1xi32>
        %squeeze3A_1900 = vector.extract %slice3A_1899[0] : i32 from vector<1xi32>
        %dma_start3A_1901 = arith.constant 8 : i32
        %dma_start3A_1902 = arith.constant 0 : i32
        %dma_start3A_1903 = tpu.memref_slice %arg12[%dma_start3A_1901, %dma_start3A_1902] : memref<16x64xf32, #tpu.memory_space<vmem>> -> memref<1x64xf32, #tpu.memory_space<vmem>>
        %dma_start3A_1904 = tpu.memref_squeeze %dma_start3A_1903 : memref<1x64xf32, #tpu.memory_space<vmem>> -> memref<64xf32, #tpu.memory_space<vmem>>
        %dma_start3A_1905 = arith.constant 0 : i32
        %dma_start3A_1906 = tpu.memref_slice %arg5[%squeeze3A_1896, %dma_start3A_1905] : memref<1000000x64xf32, #tpu.memory_space<hbm>> -> memref<1x64xf32, #tpu.memory_space<hbm>>
        %dma_start3A_1907 = tpu.memref_squeeze %dma_start3A_1906 : memref<1x64xf32, #tpu.memory_space<hbm>> -> memref<64xf32, #tpu.memory_space<hbm>>
        %dma_start3A_1908 = arith.constant 0 : i32
        %dma_start3A_1909 = tpu.memref_slice %arg12[%dma_start3A_1901, %dma_start3A_1908] : memref<16x64xf32, #tpu.memory_space<vmem>> -> memref<1x64xf32, #tpu.memory_space<vmem>>
        %dma_start3A_1910 = tpu.memref_squeeze %dma_start3A_1909 : memref<1x64xf32, #tpu.memory_space<vmem>> -> memref<64xf32, #tpu.memory_space<vmem>>
        %dma_start3A_1911 = arith.constant 0 : i32
        %dma_start3A_1912 = tpu.memref_slice %arg5[%squeeze3A_1896, %dma_start3A_1911] : memref<1000000x64xf32, #tpu.memory_space<hbm>> -> memref<1x64xf32, #tpu.memory_space<hbm>>
        %dma_start3A_1913 = tpu.memref_squeeze %dma_start3A_1912 : memref<1x64xf32, #tpu.memory_space<hbm>> -> memref<64xf32, #tpu.memory_space<hbm>>
        tpu.enqueue_dma source(%dma_start3A_1913 : memref<64xf32, #tpu.memory_space<hbm>>) target(%dma_start3A_1910 : memref<64xf32, #tpu.memory_space<vmem>>) target_semaphore(%arg19 : memref<!tpu.dma_semaphore, #tpu.memory_space<semaphore_mem>>)
        %dma_start3A_1914 = arith.constant 8 : i32
        %dma_start3A_1915 = arith.constant 0 : i32
        %dma_start3A_1916 = tpu.memref_slice %arg14[%dma_start3A_1914, %dma_start3A_1915] : memref<16x64xf32, #tpu.memory_space<vmem>> -> memref<1x64xf32, #tpu.memory_space<vmem>>
        %dma_start3A_1917 = tpu.memref_squeeze %dma_start3A_1916 : memref<1x64xf32, #tpu.memory_space<vmem>> -> memref<64xf32, #tpu.memory_space<vmem>>
        %dma_start3A_1918 = arith.constant 0 : i32
        %dma_start3A_1919 = tpu.memref_slice %arg6[%squeeze3A_1898, %dma_start3A_1918] : memref<1000000x64xf32, #tpu.memory_space<hbm>> -> memref<1x64xf32, #tpu.memory_space<hbm>>
        %dma_start3A_1920 = tpu.memref_squeeze %dma_start3A_1919 : memref<1x64xf32, #tpu.memory_space<hbm>> -> memref<64xf32, #tpu.memory_space<hbm>>
        %dma_start3A_1921 = arith.constant 0 : i32
        %dma_start3A_1922 = tpu.memref_slice %arg14[%dma_start3A_1914, %dma_start3A_1921] : memref<16x64xf32, #tpu.memory_space<vmem>> -> memref<1x64xf32, #tpu.memory_space<vmem>>
        %dma_start3A_1923 = tpu.memref_squeeze %dma_start3A_1922 : memref<1x64xf32, #tpu.memory_space<vmem>> -> memref<64xf32, #tpu.memory_space<vmem>>
        %dma_start3A_1924 = arith.constant 0 : i32
        %dma_start3A_1925 = tpu.memref_slice %arg6[%squeeze3A_1898, %dma_start3A_1924] : memref<1000000x64xf32, #tpu.memory_space<hbm>> -> memref<1x64xf32, #tpu.memory_space<hbm>>
        %dma_start3A_1926 = tpu.memref_squeeze %dma_start3A_1925 : memref<1x64xf32, #tpu.memory_space<hbm>> -> memref<64xf32, #tpu.memory_space<hbm>>
        tpu.enqueue_dma source(%dma_start3A_1926 : memref<64xf32, #tpu.memory_space<hbm>>) target(%dma_start3A_1923 : memref<64xf32, #tpu.memory_space<vmem>>) target_semaphore(%arg19 : memref<!tpu.dma_semaphore, #tpu.memory_space<semaphore_mem>>)
        %dma_start3A_1927 = arith.constant 8 : i32
        %dma_start3A_1928 = arith.constant 0 : i32
        %dma_start3A_1929 = tpu.memref_slice %arg16[%dma_start3A_1927, %dma_start3A_1928] : memref<16x64xf32, #tpu.memory_space<vmem>> -> memref<1x64xf32, #tpu.memory_space<vmem>>
        %dma_start3A_1930 = tpu.memref_squeeze %dma_start3A_1929 : memref<1x64xf32, #tpu.memory_space<vmem>> -> memref<64xf32, #tpu.memory_space<vmem>>
        %dma_start3A_1931 = arith.constant 0 : i32
        %dma_start3A_1932 = tpu.memref_slice %arg6[%squeeze3A_1900, %dma_start3A_1931] : memref<1000000x64xf32, #tpu.memory_space<hbm>> -> memref<1x64xf32, #tpu.memory_space<hbm>>
        %dma_start3A_1933 = tpu.memref_squeeze %dma_start3A_1932 : memref<1x64xf32, #tpu.memory_space<hbm>> -> memref<64xf32, #tpu.memory_space<hbm>>
        %dma_start3A_1934 = arith.constant 0 : i32
        %dma_start3A_1935 = tpu.memref_slice %arg16[%dma_start3A_1927, %dma_start3A_1934] : memref<16x64xf32, #tpu.memory_space<vmem>> -> memref<1x64xf32, #tpu.memory_space<vmem>>
        %dma_start3A_1936 = tpu.memref_squeeze %dma_start3A_1935 : memref<1x64xf32, #tpu.memory_space<vmem>> -> memref<64xf32, #tpu.memory_space<vmem>>
        %dma_start3A_1937 = arith.constant 0 : i32
        %dma_start3A_1938 = tpu.memref_slice %arg6[%squeeze3A_1900, %dma_start3A_1937] : memref<1000000x64xf32, #tpu.memory_space<hbm>> -> memref<1x64xf32, #tpu.memory_space<hbm>>
        %dma_start3A_1939 = tpu.memref_squeeze %dma_start3A_1938 : memref<1x64xf32, #tpu.memory_space<hbm>> -> memref<64xf32, #tpu.memory_space<hbm>>
        tpu.enqueue_dma source(%dma_start3A_1939 : memref<64xf32, #tpu.memory_space<hbm>>) target(%dma_start3A_1936 : memref<64xf32, #tpu.memory_space<vmem>>) target_semaphore(%arg19 : memref<!tpu.dma_semaphore, #tpu.memory_space<semaphore_mem>>)
        %slice3A_1940 = vector.extract_strided_slice %get3A_1530 {offsets = [9], sizes = [1], strides = [1]} : vector<16xi32> to vector<1xi32>
        %squeeze3A_1941 = vector.extract %slice3A_1940[0] : i32 from vector<1xi32>
        %slice3A_1942 = vector.extract_strided_slice %get3A_1532 {offsets = [9], sizes = [1], strides = [1]} : vector<16xi32> to vector<1xi32>
        %squeeze3A_1943 = vector.extract %slice3A_1942[0] : i32 from vector<1xi32>
        %slice3A_1944 = vector.extract_strided_slice %get3A_1534 {offsets = [9], sizes = [1], strides = [1]} : vector<16xi32> to vector<1xi32>
        %squeeze3A_1945 = vector.extract %slice3A_1944[0] : i32 from vector<1xi32>
        %dma_start3A_1946 = arith.constant 9 : i32
        %dma_start3A_1947 = arith.constant 0 : i32
        %dma_start3A_1948 = tpu.memref_slice %arg12[%dma_start3A_1946, %dma_start3A_1947] : memref<16x64xf32, #tpu.memory_space<vmem>> -> memref<1x64xf32, #tpu.memory_space<vmem>>
        %dma_start3A_1949 = tpu.memref_squeeze %dma_start3A_1948 : memref<1x64xf32, #tpu.memory_space<vmem>> -> memref<64xf32, #tpu.memory_space<vmem>>
        %dma_start3A_1950 = arith.constant 0 : i32
        %dma_start3A_1951 = tpu.memref_slice %arg5[%squeeze3A_1941, %dma_start3A_1950] : memref<1000000x64xf32, #tpu.memory_space<hbm>> -> memref<1x64xf32, #tpu.memory_space<hbm>>
        %dma_start3A_1952 = tpu.memref_squeeze %dma_start3A_1951 : memref<1x64xf32, #tpu.memory_space<hbm>> -> memref<64xf32, #tpu.memory_space<hbm>>
        %dma_start3A_1953 = arith.constant 0 : i32
        %dma_start3A_1954 = tpu.memref_slice %arg12[%dma_start3A_1946, %dma_start3A_1953] : memref<16x64xf32, #tpu.memory_space<vmem>> -> memref<1x64xf32, #tpu.memory_space<vmem>>
        %dma_start3A_1955 = tpu.memref_squeeze %dma_start3A_1954 : memref<1x64xf32, #tpu.memory_space<vmem>> -> memref<64xf32, #tpu.memory_space<vmem>>
        %dma_start3A_1956 = arith.constant 0 : i32
        %dma_start3A_1957 = tpu.memref_slice %arg5[%squeeze3A_1941, %dma_start3A_1956] : memref<1000000x64xf32, #tpu.memory_space<hbm>> -> memref<1x64xf32, #tpu.memory_space<hbm>>
        %dma_start3A_1958 = tpu.memref_squeeze %dma_start3A_1957 : memref<1x64xf32, #tpu.memory_space<hbm>> -> memref<64xf32, #tpu.memory_space<hbm>>
        tpu.enqueue_dma source(%dma_start3A_1958 : memref<64xf32, #tpu.memory_space<hbm>>) target(%dma_start3A_1955 : memref<64xf32, #tpu.memory_space<vmem>>) target_semaphore(%arg19 : memref<!tpu.dma_semaphore, #tpu.memory_space<semaphore_mem>>)
        %dma_start3A_1959 = arith.constant 9 : i32
        %dma_start3A_1960 = arith.constant 0 : i32
        %dma_start3A_1961 = tpu.memref_slice %arg14[%dma_start3A_1959, %dma_start3A_1960] : memref<16x64xf32, #tpu.memory_space<vmem>> -> memref<1x64xf32, #tpu.memory_space<vmem>>
        %dma_start3A_1962 = tpu.memref_squeeze %dma_start3A_1961 : memref<1x64xf32, #tpu.memory_space<vmem>> -> memref<64xf32, #tpu.memory_space<vmem>>
        %dma_start3A_1963 = arith.constant 0 : i32
        %dma_start3A_1964 = tpu.memref_slice %arg6[%squeeze3A_1943, %dma_start3A_1963] : memref<1000000x64xf32, #tpu.memory_space<hbm>> -> memref<1x64xf32, #tpu.memory_space<hbm>>
        %dma_start3A_1965 = tpu.memref_squeeze %dma_start3A_1964 : memref<1x64xf32, #tpu.memory_space<hbm>> -> memref<64xf32, #tpu.memory_space<hbm>>
        %dma_start3A_1966 = arith.constant 0 : i32
        %dma_start3A_1967 = tpu.memref_slice %arg14[%dma_start3A_1959, %dma_start3A_1966] : memref<16x64xf32, #tpu.memory_space<vmem>> -> memref<1x64xf32, #tpu.memory_space<vmem>>
        %dma_start3A_1968 = tpu.memref_squeeze %dma_start3A_1967 : memref<1x64xf32, #tpu.memory_space<vmem>> -> memref<64xf32, #tpu.memory_space<vmem>>
        %dma_start3A_1969 = arith.constant 0 : i32
        %dma_start3A_1970 = tpu.memref_slice %arg6[%squeeze3A_1943, %dma_start3A_1969] : memref<1000000x64xf32, #tpu.memory_space<hbm>> -> memref<1x64xf32, #tpu.memory_space<hbm>>
        %dma_start3A_1971 = tpu.memref_squeeze %dma_start3A_1970 : memref<1x64xf32, #tpu.memory_space<hbm>> -> memref<64xf32, #tpu.memory_space<hbm>>
        tpu.enqueue_dma source(%dma_start3A_1971 : memref<64xf32, #tpu.memory_space<hbm>>) target(%dma_start3A_1968 : memref<64xf32, #tpu.memory_space<vmem>>) target_semaphore(%arg19 : memref<!tpu.dma_semaphore, #tpu.memory_space<semaphore_mem>>)
        %dma_start3A_1972 = arith.constant 9 : i32
        %dma_start3A_1973 = arith.constant 0 : i32
        %dma_start3A_1974 = tpu.memref_slice %arg16[%dma_start3A_1972, %dma_start3A_1973] : memref<16x64xf32, #tpu.memory_space<vmem>> -> memref<1x64xf32, #tpu.memory_space<vmem>>
        %dma_start3A_1975 = tpu.memref_squeeze %dma_start3A_1974 : memref<1x64xf32, #tpu.memory_space<vmem>> -> memref<64xf32, #tpu.memory_space<vmem>>
        %dma_start3A_1976 = arith.constant 0 : i32
        %dma_start3A_1977 = tpu.memref_slice %arg6[%squeeze3A_1945, %dma_start3A_1976] : memref<1000000x64xf32, #tpu.memory_space<hbm>> -> memref<1x64xf32, #tpu.memory_space<hbm>>
        %dma_start3A_1978 = tpu.memref_squeeze %dma_start3A_1977 : memref<1x64xf32, #tpu.memory_space<hbm>> -> memref<64xf32, #tpu.memory_space<hbm>>
        %dma_start3A_1979 = arith.constant 0 : i32
        %dma_start3A_1980 = tpu.memref_slice %arg16[%dma_start3A_1972, %dma_start3A_1979] : memref<16x64xf32, #tpu.memory_space<vmem>> -> memref<1x64xf32, #tpu.memory_space<vmem>>
        %dma_start3A_1981 = tpu.memref_squeeze %dma_start3A_1980 : memref<1x64xf32, #tpu.memory_space<vmem>> -> memref<64xf32, #tpu.memory_space<vmem>>
        %dma_start3A_1982 = arith.constant 0 : i32
        %dma_start3A_1983 = tpu.memref_slice %arg6[%squeeze3A_1945, %dma_start3A_1982] : memref<1000000x64xf32, #tpu.memory_space<hbm>> -> memref<1x64xf32, #tpu.memory_space<hbm>>
        %dma_start3A_1984 = tpu.memref_squeeze %dma_start3A_1983 : memref<1x64xf32, #tpu.memory_space<hbm>> -> memref<64xf32, #tpu.memory_space<hbm>>
        tpu.enqueue_dma source(%dma_start3A_1984 : memref<64xf32, #tpu.memory_space<hbm>>) target(%dma_start3A_1981 : memref<64xf32, #tpu.memory_space<vmem>>) target_semaphore(%arg19 : memref<!tpu.dma_semaphore, #tpu.memory_space<semaphore_mem>>)
        %slice3A_1985 = vector.extract_strided_slice %get3A_1530 {offsets = [10], sizes = [1], strides = [1]} : vector<16xi32> to vector<1xi32>
        %squeeze3A_1986 = vector.extract %slice3A_1985[0] : i32 from vector<1xi32>
        %slice3A_1987 = vector.extract_strided_slice %get3A_1532 {offsets = [10], sizes = [1], strides = [1]} : vector<16xi32> to vector<1xi32>
        %squeeze3A_1988 = vector.extract %slice3A_1987[0] : i32 from vector<1xi32>
        %slice3A_1989 = vector.extract_strided_slice %get3A_1534 {offsets = [10], sizes = [1], strides = [1]} : vector<16xi32> to vector<1xi32>
        %squeeze3A_1990 = vector.extract %slice3A_1989[0] : i32 from vector<1xi32>
        %dma_start3A_1991 = arith.constant 10 : i32
        %dma_start3A_1992 = arith.constant 0 : i32
        %dma_start3A_1993 = tpu.memref_slice %arg12[%dma_start3A_1991, %dma_start3A_1992] : memref<16x64xf32, #tpu.memory_space<vmem>> -> memref<1x64xf32, #tpu.memory_space<vmem>>
        %dma_start3A_1994 = tpu.memref_squeeze %dma_start3A_1993 : memref<1x64xf32, #tpu.memory_space<vmem>> -> memref<64xf32, #tpu.memory_space<vmem>>
        %dma_start3A_1995 = arith.constant 0 : i32
        %dma_start3A_1996 = tpu.memref_slice %arg5[%squeeze3A_1986, %dma_start3A_1995] : memref<1000000x64xf32, #tpu.memory_space<hbm>> -> memref<1x64xf32, #tpu.memory_space<hbm>>
        %dma_start3A_1997 = tpu.memref_squeeze %dma_start3A_1996 : memref<1x64xf32, #tpu.memory_space<hbm>> -> memref<64xf32, #tpu.memory_space<hbm>>
        %dma_start3A_1998 = arith.constant 0 : i32
        %dma_start3A_1999 = tpu.memref_slice %arg12[%dma_start3A_1991, %dma_start3A_1998] : memref<16x64xf32, #tpu.memory_space<vmem>> -> memref<1x64xf32, #tpu.memory_space<vmem>>
        %dma_start3A_2000 = tpu.memref_squeeze %dma_start3A_1999 : memref<1x64xf32, #tpu.memory_space<vmem>> -> memref<64xf32, #tpu.memory_space<vmem>>
        %dma_start3A_2001 = arith.constant 0 : i32
        %dma_start3A_2002 = tpu.memref_slice %arg5[%squeeze3A_1986, %dma_start3A_2001] : memref<1000000x64xf32, #tpu.memory_space<hbm>> -> memref<1x64xf32, #tpu.memory_space<hbm>>
        %dma_start3A_2003 = tpu.memref_squeeze %dma_start3A_2002 : memref<1x64xf32, #tpu.memory_space<hbm>> -> memref<64xf32, #tpu.memory_space<hbm>>
        tpu.enqueue_dma source(%dma_start3A_2003 : memref<64xf32, #tpu.memory_space<hbm>>) target(%dma_start3A_2000 : memref<64xf32, #tpu.memory_space<vmem>>) target_semaphore(%arg19 : memref<!tpu.dma_semaphore, #tpu.memory_space<semaphore_mem>>)
        %dma_start3A_2004 = arith.constant 10 : i32
        %dma_start3A_2005 = arith.constant 0 : i32
        %dma_start3A_2006 = tpu.memref_slice %arg14[%dma_start3A_2004, %dma_start3A_2005] : memref<16x64xf32, #tpu.memory_space<vmem>> -> memref<1x64xf32, #tpu.memory_space<vmem>>
        %dma_start3A_2007 = tpu.memref_squeeze %dma_start3A_2006 : memref<1x64xf32, #tpu.memory_space<vmem>> -> memref<64xf32, #tpu.memory_space<vmem>>
        %dma_start3A_2008 = arith.constant 0 : i32
        %dma_start3A_2009 = tpu.memref_slice %arg6[%squeeze3A_1988, %dma_start3A_2008] : memref<1000000x64xf32, #tpu.memory_space<hbm>> -> memref<1x64xf32, #tpu.memory_space<hbm>>
        %dma_start3A_2010 = tpu.memref_squeeze %dma_start3A_2009 : memref<1x64xf32, #tpu.memory_space<hbm>> -> memref<64xf32, #tpu.memory_space<hbm>>
        %dma_start3A_2011 = arith.constant 0 : i32
        %dma_start3A_2012 = tpu.memref_slice %arg14[%dma_start3A_2004, %dma_start3A_2011] : memref<16x64xf32, #tpu.memory_space<vmem>> -> memref<1x64xf32, #tpu.memory_space<vmem>>
        %dma_start3A_2013 = tpu.memref_squeeze %dma_start3A_2012 : memref<1x64xf32, #tpu.memory_space<vmem>> -> memref<64xf32, #tpu.memory_space<vmem>>
        %dma_start3A_2014 = arith.constant 0 : i32
        %dma_start3A_2015 = tpu.memref_slice %arg6[%squeeze3A_1988, %dma_start3A_2014] : memref<1000000x64xf32, #tpu.memory_space<hbm>> -> memref<1x64xf32, #tpu.memory_space<hbm>>
        %dma_start3A_2016 = tpu.memref_squeeze %dma_start3A_2015 : memref<1x64xf32, #tpu.memory_space<hbm>> -> memref<64xf32, #tpu.memory_space<hbm>>
        tpu.enqueue_dma source(%dma_start3A_2016 : memref<64xf32, #tpu.memory_space<hbm>>) target(%dma_start3A_2013 : memref<64xf32, #tpu.memory_space<vmem>>) target_semaphore(%arg19 : memref<!tpu.dma_semaphore, #tpu.memory_space<semaphore_mem>>)
        %dma_start3A_2017 = arith.constant 10 : i32
        %dma_start3A_2018 = arith.constant 0 : i32
        %dma_start3A_2019 = tpu.memref_slice %arg16[%dma_start3A_2017, %dma_start3A_2018] : memref<16x64xf32, #tpu.memory_space<vmem>> -> memref<1x64xf32, #tpu.memory_space<vmem>>
        %dma_start3A_2020 = tpu.memref_squeeze %dma_start3A_2019 : memref<1x64xf32, #tpu.memory_space<vmem>> -> memref<64xf32, #tpu.memory_space<vmem>>
        %dma_start3A_2021 = arith.constant 0 : i32
        %dma_start3A_2022 = tpu.memref_slice %arg6[%squeeze3A_1990, %dma_start3A_2021] : memref<1000000x64xf32, #tpu.memory_space<hbm>> -> memref<1x64xf32, #tpu.memory_space<hbm>>
        %dma_start3A_2023 = tpu.memref_squeeze %dma_start3A_2022 : memref<1x64xf32, #tpu.memory_space<hbm>> -> memref<64xf32, #tpu.memory_space<hbm>>
        %dma_start3A_2024 = arith.constant 0 : i32
        %dma_start3A_2025 = tpu.memref_slice %arg16[%dma_start3A_2017, %dma_start3A_2024] : memref<16x64xf32, #tpu.memory_space<vmem>> -> memref<1x64xf32, #tpu.memory_space<vmem>>
        %dma_start3A_2026 = tpu.memref_squeeze %dma_start3A_2025 : memref<1x64xf32, #tpu.memory_space<vmem>> -> memref<64xf32, #tpu.memory_space<vmem>>
        %dma_start3A_2027 = arith.constant 0 : i32
        %dma_start3A_2028 = tpu.memref_slice %arg6[%squeeze3A_1990, %dma_start3A_2027] : memref<1000000x64xf32, #tpu.memory_space<hbm>> -> memref<1x64xf32, #tpu.memory_space<hbm>>
        %dma_start3A_2029 = tpu.memref_squeeze %dma_start3A_2028 : memref<1x64xf32, #tpu.memory_space<hbm>> -> memref<64xf32, #tpu.memory_space<hbm>>
        tpu.enqueue_dma source(%dma_start3A_2029 : memref<64xf32, #tpu.memory_space<hbm>>) target(%dma_start3A_2026 : memref<64xf32, #tpu.memory_space<vmem>>) target_semaphore(%arg19 : memref<!tpu.dma_semaphore, #tpu.memory_space<semaphore_mem>>)
        %slice3A_2030 = vector.extract_strided_slice %get3A_1530 {offsets = [11], sizes = [1], strides = [1]} : vector<16xi32> to vector<1xi32>
        %squeeze3A_2031 = vector.extract %slice3A_2030[0] : i32 from vector<1xi32>
        %slice3A_2032 = vector.extract_strided_slice %get3A_1532 {offsets = [11], sizes = [1], strides = [1]} : vector<16xi32> to vector<1xi32>
        %squeeze3A_2033 = vector.extract %slice3A_2032[0] : i32 from vector<1xi32>
        %slice3A_2034 = vector.extract_strided_slice %get3A_1534 {offsets = [11], sizes = [1], strides = [1]} : vector<16xi32> to vector<1xi32>
        %squeeze3A_2035 = vector.extract %slice3A_2034[0] : i32 from vector<1xi32>
        %dma_start3A_2036 = arith.constant 11 : i32
        %dma_start3A_2037 = arith.constant 0 : i32
        %dma_start3A_2038 = tpu.memref_slice %arg12[%dma_start3A_2036, %dma_start3A_2037] : memref<16x64xf32, #tpu.memory_space<vmem>> -> memref<1x64xf32, #tpu.memory_space<vmem>>
        %dma_start3A_2039 = tpu.memref_squeeze %dma_start3A_2038 : memref<1x64xf32, #tpu.memory_space<vmem>> -> memref<64xf32, #tpu.memory_space<vmem>>
        %dma_start3A_2040 = arith.constant 0 : i32
        %dma_start3A_2041 = tpu.memref_slice %arg5[%squeeze3A_2031, %dma_start3A_2040] : memref<1000000x64xf32, #tpu.memory_space<hbm>> -> memref<1x64xf32, #tpu.memory_space<hbm>>
        %dma_start3A_2042 = tpu.memref_squeeze %dma_start3A_2041 : memref<1x64xf32, #tpu.memory_space<hbm>> -> memref<64xf32, #tpu.memory_space<hbm>>
        %dma_start3A_2043 = arith.constant 0 : i32
        %dma_start3A_2044 = tpu.memref_slice %arg12[%dma_start3A_2036, %dma_start3A_2043] : memref<16x64xf32, #tpu.memory_space<vmem>> -> memref<1x64xf32, #tpu.memory_space<vmem>>
        %dma_start3A_2045 = tpu.memref_squeeze %dma_start3A_2044 : memref<1x64xf32, #tpu.memory_space<vmem>> -> memref<64xf32, #tpu.memory_space<vmem>>
        %dma_start3A_2046 = arith.constant 0 : i32
        %dma_start3A_2047 = tpu.memref_slice %arg5[%squeeze3A_2031, %dma_start3A_2046] : memref<1000000x64xf32, #tpu.memory_space<hbm>> -> memref<1x64xf32, #tpu.memory_space<hbm>>
        %dma_start3A_2048 = tpu.memref_squeeze %dma_start3A_2047 : memref<1x64xf32, #tpu.memory_space<hbm>> -> memref<64xf32, #tpu.memory_space<hbm>>
        tpu.enqueue_dma source(%dma_start3A_2048 : memref<64xf32, #tpu.memory_space<hbm>>) target(%dma_start3A_2045 : memref<64xf32, #tpu.memory_space<vmem>>) target_semaphore(%arg19 : memref<!tpu.dma_semaphore, #tpu.memory_space<semaphore_mem>>)
        %dma_start3A_2049 = arith.constant 11 : i32
        %dma_start3A_2050 = arith.constant 0 : i32
        %dma_start3A_2051 = tpu.memref_slice %arg14[%dma_start3A_2049, %dma_start3A_2050] : memref<16x64xf32, #tpu.memory_space<vmem>> -> memref<1x64xf32, #tpu.memory_space<vmem>>
        %dma_start3A_2052 = tpu.memref_squeeze %dma_start3A_2051 : memref<1x64xf32, #tpu.memory_space<vmem>> -> memref<64xf32, #tpu.memory_space<vmem>>
        %dma_start3A_2053 = arith.constant 0 : i32
        %dma_start3A_2054 = tpu.memref_slice %arg6[%squeeze3A_2033, %dma_start3A_2053] : memref<1000000x64xf32, #tpu.memory_space<hbm>> -> memref<1x64xf32, #tpu.memory_space<hbm>>
        %dma_start3A_2055 = tpu.memref_squeeze %dma_start3A_2054 : memref<1x64xf32, #tpu.memory_space<hbm>> -> memref<64xf32, #tpu.memory_space<hbm>>
        %dma_start3A_2056 = arith.constant 0 : i32
        %dma_start3A_2057 = tpu.memref_slice %arg14[%dma_start3A_2049, %dma_start3A_2056] : memref<16x64xf32, #tpu.memory_space<vmem>> -> memref<1x64xf32, #tpu.memory_space<vmem>>
        %dma_start3A_2058 = tpu.memref_squeeze %dma_start3A_2057 : memref<1x64xf32, #tpu.memory_space<vmem>> -> memref<64xf32, #tpu.memory_space<vmem>>
        %dma_start3A_2059 = arith.constant 0 : i32
        %dma_start3A_2060 = tpu.memref_slice %arg6[%squeeze3A_2033, %dma_start3A_2059] : memref<1000000x64xf32, #tpu.memory_space<hbm>> -> memref<1x64xf32, #tpu.memory_space<hbm>>
        %dma_start3A_2061 = tpu.memref_squeeze %dma_start3A_2060 : memref<1x64xf32, #tpu.memory_space<hbm>> -> memref<64xf32, #tpu.memory_space<hbm>>
        tpu.enqueue_dma source(%dma_start3A_2061 : memref<64xf32, #tpu.memory_space<hbm>>) target(%dma_start3A_2058 : memref<64xf32, #tpu.memory_space<vmem>>) target_semaphore(%arg19 : memref<!tpu.dma_semaphore, #tpu.memory_space<semaphore_mem>>)
        %dma_start3A_2062 = arith.constant 11 : i32
        %dma_start3A_2063 = arith.constant 0 : i32
        %dma_start3A_2064 = tpu.memref_slice %arg16[%dma_start3A_2062, %dma_start3A_2063] : memref<16x64xf32, #tpu.memory_space<vmem>> -> memref<1x64xf32, #tpu.memory_space<vmem>>
        %dma_start3A_2065 = tpu.memref_squeeze %dma_start3A_2064 : memref<1x64xf32, #tpu.memory_space<vmem>> -> memref<64xf32, #tpu.memory_space<vmem>>
        %dma_start3A_2066 = arith.constant 0 : i32
        %dma_start3A_2067 = tpu.memref_slice %arg6[%squeeze3A_2035, %dma_start3A_2066] : memref<1000000x64xf32, #tpu.memory_space<hbm>> -> memref<1x64xf32, #tpu.memory_space<hbm>>
        %dma_start3A_2068 = tpu.memref_squeeze %dma_start3A_2067 : memref<1x64xf32, #tpu.memory_space<hbm>> -> memref<64xf32, #tpu.memory_space<hbm>>
        %dma_start3A_2069 = arith.constant 0 : i32
        %dma_start3A_2070 = tpu.memref_slice %arg16[%dma_start3A_2062, %dma_start3A_2069] : memref<16x64xf32, #tpu.memory_space<vmem>> -> memref<1x64xf32, #tpu.memory_space<vmem>>
        %dma_start3A_2071 = tpu.memref_squeeze %dma_start3A_2070 : memref<1x64xf32, #tpu.memory_space<vmem>> -> memref<64xf32, #tpu.memory_space<vmem>>
        %dma_start3A_2072 = arith.constant 0 : i32
        %dma_start3A_2073 = tpu.memref_slice %arg6[%squeeze3A_2035, %dma_start3A_2072] : memref<1000000x64xf32, #tpu.memory_space<hbm>> -> memref<1x64xf32, #tpu.memory_space<hbm>>
        %dma_start3A_2074 = tpu.memref_squeeze %dma_start3A_2073 : memref<1x64xf32, #tpu.memory_space<hbm>> -> memref<64xf32, #tpu.memory_space<hbm>>
        tpu.enqueue_dma source(%dma_start3A_2074 : memref<64xf32, #tpu.memory_space<hbm>>) target(%dma_start3A_2071 : memref<64xf32, #tpu.memory_space<vmem>>) target_semaphore(%arg19 : memref<!tpu.dma_semaphore, #tpu.memory_space<semaphore_mem>>)
        %slice3A_2075 = vector.extract_strided_slice %get3A_1530 {offsets = [12], sizes = [1], strides = [1]} : vector<16xi32> to vector<1xi32>
        %squeeze3A_2076 = vector.extract %slice3A_2075[0] : i32 from vector<1xi32>
        %slice3A_2077 = vector.extract_strided_slice %get3A_1532 {offsets = [12], sizes = [1], strides = [1]} : vector<16xi32> to vector<1xi32>
        %squeeze3A_2078 = vector.extract %slice3A_2077[0] : i32 from vector<1xi32>
        %slice3A_2079 = vector.extract_strided_slice %get3A_1534 {offsets = [12], sizes = [1], strides = [1]} : vector<16xi32> to vector<1xi32>
        %squeeze3A_2080 = vector.extract %slice3A_2079[0] : i32 from vector<1xi32>
        %dma_start3A_2081 = arith.constant 12 : i32
        %dma_start3A_2082 = arith.constant 0 : i32
        %dma_start3A_2083 = tpu.memref_slice %arg12[%dma_start3A_2081, %dma_start3A_2082] : memref<16x64xf32, #tpu.memory_space<vmem>> -> memref<1x64xf32, #tpu.memory_space<vmem>>
        %dma_start3A_2084 = tpu.memref_squeeze %dma_start3A_2083 : memref<1x64xf32, #tpu.memory_space<vmem>> -> memref<64xf32, #tpu.memory_space<vmem>>
        %dma_start3A_2085 = arith.constant 0 : i32
        %dma_start3A_2086 = tpu.memref_slice %arg5[%squeeze3A_2076, %dma_start3A_2085] : memref<1000000x64xf32, #tpu.memory_space<hbm>> -> memref<1x64xf32, #tpu.memory_space<hbm>>
        %dma_start3A_2087 = tpu.memref_squeeze %dma_start3A_2086 : memref<1x64xf32, #tpu.memory_space<hbm>> -> memref<64xf32, #tpu.memory_space<hbm>>
        %dma_start3A_2088 = arith.constant 0 : i32
        %dma_start3A_2089 = tpu.memref_slice %arg12[%dma_start3A_2081, %dma_start3A_2088] : memref<16x64xf32, #tpu.memory_space<vmem>> -> memref<1x64xf32, #tpu.memory_space<vmem>>
        %dma_start3A_2090 = tpu.memref_squeeze %dma_start3A_2089 : memref<1x64xf32, #tpu.memory_space<vmem>> -> memref<64xf32, #tpu.memory_space<vmem>>
        %dma_start3A_2091 = arith.constant 0 : i32
        %dma_start3A_2092 = tpu.memref_slice %arg5[%squeeze3A_2076, %dma_start3A_2091] : memref<1000000x64xf32, #tpu.memory_space<hbm>> -> memref<1x64xf32, #tpu.memory_space<hbm>>
        %dma_start3A_2093 = tpu.memref_squeeze %dma_start3A_2092 : memref<1x64xf32, #tpu.memory_space<hbm>> -> memref<64xf32, #tpu.memory_space<hbm>>
        tpu.enqueue_dma source(%dma_start3A_2093 : memref<64xf32, #tpu.memory_space<hbm>>) target(%dma_start3A_2090 : memref<64xf32, #tpu.memory_space<vmem>>) target_semaphore(%arg19 : memref<!tpu.dma_semaphore, #tpu.memory_space<semaphore_mem>>)
        %dma_start3A_2094 = arith.constant 12 : i32
        %dma_start3A_2095 = arith.constant 0 : i32
        %dma_start3A_2096 = tpu.memref_slice %arg14[%dma_start3A_2094, %dma_start3A_2095] : memref<16x64xf32, #tpu.memory_space<vmem>> -> memref<1x64xf32, #tpu.memory_space<vmem>>
        %dma_start3A_2097 = tpu.memref_squeeze %dma_start3A_2096 : memref<1x64xf32, #tpu.memory_space<vmem>> -> memref<64xf32, #tpu.memory_space<vmem>>
        %dma_start3A_2098 = arith.constant 0 : i32
        %dma_start3A_2099 = tpu.memref_slice %arg6[%squeeze3A_2078, %dma_start3A_2098] : memref<1000000x64xf32, #tpu.memory_space<hbm>> -> memref<1x64xf32, #tpu.memory_space<hbm>>
        %dma_start3A_2100 = tpu.memref_squeeze %dma_start3A_2099 : memref<1x64xf32, #tpu.memory_space<hbm>> -> memref<64xf32, #tpu.memory_space<hbm>>
        %dma_start3A_2101 = arith.constant 0 : i32
        %dma_start3A_2102 = tpu.memref_slice %arg14[%dma_start3A_2094, %dma_start3A_2101] : memref<16x64xf32, #tpu.memory_space<vmem>> -> memref<1x64xf32, #tpu.memory_space<vmem>>
        %dma_start3A_2103 = tpu.memref_squeeze %dma_start3A_2102 : memref<1x64xf32, #tpu.memory_space<vmem>> -> memref<64xf32, #tpu.memory_space<vmem>>
        %dma_start3A_2104 = arith.constant 0 : i32
        %dma_start3A_2105 = tpu.memref_slice %arg6[%squeeze3A_2078, %dma_start3A_2104] : memref<1000000x64xf32, #tpu.memory_space<hbm>> -> memref<1x64xf32, #tpu.memory_space<hbm>>
        %dma_start3A_2106 = tpu.memref_squeeze %dma_start3A_2105 : memref<1x64xf32, #tpu.memory_space<hbm>> -> memref<64xf32, #tpu.memory_space<hbm>>
        tpu.enqueue_dma source(%dma_start3A_2106 : memref<64xf32, #tpu.memory_space<hbm>>) target(%dma_start3A_2103 : memref<64xf32, #tpu.memory_space<vmem>>) target_semaphore(%arg19 : memref<!tpu.dma_semaphore, #tpu.memory_space<semaphore_mem>>)
        %dma_start3A_2107 = arith.constant 12 : i32
        %dma_start3A_2108 = arith.constant 0 : i32
        %dma_start3A_2109 = tpu.memref_slice %arg16[%dma_start3A_2107, %dma_start3A_2108] : memref<16x64xf32, #tpu.memory_space<vmem>> -> memref<1x64xf32, #tpu.memory_space<vmem>>
        %dma_start3A_2110 = tpu.memref_squeeze %dma_start3A_2109 : memref<1x64xf32, #tpu.memory_space<vmem>> -> memref<64xf32, #tpu.memory_space<vmem>>
        %dma_start3A_2111 = arith.constant 0 : i32
        %dma_start3A_2112 = tpu.memref_slice %arg6[%squeeze3A_2080, %dma_start3A_2111] : memref<1000000x64xf32, #tpu.memory_space<hbm>> -> memref<1x64xf32, #tpu.memory_space<hbm>>
        %dma_start3A_2113 = tpu.memref_squeeze %dma_start3A_2112 : memref<1x64xf32, #tpu.memory_space<hbm>> -> memref<64xf32, #tpu.memory_space<hbm>>
        %dma_start3A_2114 = arith.constant 0 : i32
        %dma_start3A_2115 = tpu.memref_slice %arg16[%dma_start3A_2107, %dma_start3A_2114] : memref<16x64xf32, #tpu.memory_space<vmem>> -> memref<1x64xf32, #tpu.memory_space<vmem>>
        %dma_start3A_2116 = tpu.memref_squeeze %dma_start3A_2115 : memref<1x64xf32, #tpu.memory_space<vmem>> -> memref<64xf32, #tpu.memory_space<vmem>>
        %dma_start3A_2117 = arith.constant 0 : i32
        %dma_start3A_2118 = tpu.memref_slice %arg6[%squeeze3A_2080, %dma_start3A_2117] : memref<1000000x64xf32, #tpu.memory_space<hbm>> -> memref<1x64xf32, #tpu.memory_space<hbm>>
        %dma_start3A_2119 = tpu.memref_squeeze %dma_start3A_2118 : memref<1x64xf32, #tpu.memory_space<hbm>> -> memref<64xf32, #tpu.memory_space<hbm>>
        tpu.enqueue_dma source(%dma_start3A_2119 : memref<64xf32, #tpu.memory_space<hbm>>) target(%dma_start3A_2116 : memref<64xf32, #tpu.memory_space<vmem>>) target_semaphore(%arg19 : memref<!tpu.dma_semaphore, #tpu.memory_space<semaphore_mem>>)
        %slice3A_2120 = vector.extract_strided_slice %get3A_1530 {offsets = [13], sizes = [1], strides = [1]} : vector<16xi32> to vector<1xi32>
        %squeeze3A_2121 = vector.extract %slice3A_2120[0] : i32 from vector<1xi32>
        %slice3A_2122 = vector.extract_strided_slice %get3A_1532 {offsets = [13], sizes = [1], strides = [1]} : vector<16xi32> to vector<1xi32>
        %squeeze3A_2123 = vector.extract %slice3A_2122[0] : i32 from vector<1xi32>
        %slice3A_2124 = vector.extract_strided_slice %get3A_1534 {offsets = [13], sizes = [1], strides = [1]} : vector<16xi32> to vector<1xi32>
        %squeeze3A_2125 = vector.extract %slice3A_2124[0] : i32 from vector<1xi32>
        %dma_start3A_2126 = arith.constant 13 : i32
        %dma_start3A_2127 = arith.constant 0 : i32
        %dma_start3A_2128 = tpu.memref_slice %arg12[%dma_start3A_2126, %dma_start3A_2127] : memref<16x64xf32, #tpu.memory_space<vmem>> -> memref<1x64xf32, #tpu.memory_space<vmem>>
        %dma_start3A_2129 = tpu.memref_squeeze %dma_start3A_2128 : memref<1x64xf32, #tpu.memory_space<vmem>> -> memref<64xf32, #tpu.memory_space<vmem>>
        %dma_start3A_2130 = arith.constant 0 : i32
        %dma_start3A_2131 = tpu.memref_slice %arg5[%squeeze3A_2121, %dma_start3A_2130] : memref<1000000x64xf32, #tpu.memory_space<hbm>> -> memref<1x64xf32, #tpu.memory_space<hbm>>
        %dma_start3A_2132 = tpu.memref_squeeze %dma_start3A_2131 : memref<1x64xf32, #tpu.memory_space<hbm>> -> memref<64xf32, #tpu.memory_space<hbm>>
        %dma_start3A_2133 = arith.constant 0 : i32
        %dma_start3A_2134 = tpu.memref_slice %arg12[%dma_start3A_2126, %dma_start3A_2133] : memref<16x64xf32, #tpu.memory_space<vmem>> -> memref<1x64xf32, #tpu.memory_space<vmem>>
        %dma_start3A_2135 = tpu.memref_squeeze %dma_start3A_2134 : memref<1x64xf32, #tpu.memory_space<vmem>> -> memref<64xf32, #tpu.memory_space<vmem>>
        %dma_start3A_2136 = arith.constant 0 : i32
        %dma_start3A_2137 = tpu.memref_slice %arg5[%squeeze3A_2121, %dma_start3A_2136] : memref<1000000x64xf32, #tpu.memory_space<hbm>> -> memref<1x64xf32, #tpu.memory_space<hbm>>
        %dma_start3A_2138 = tpu.memref_squeeze %dma_start3A_2137 : memref<1x64xf32, #tpu.memory_space<hbm>> -> memref<64xf32, #tpu.memory_space<hbm>>
        tpu.enqueue_dma source(%dma_start3A_2138 : memref<64xf32, #tpu.memory_space<hbm>>) target(%dma_start3A_2135 : memref<64xf32, #tpu.memory_space<vmem>>) target_semaphore(%arg19 : memref<!tpu.dma_semaphore, #tpu.memory_space<semaphore_mem>>)
        %dma_start3A_2139 = arith.constant 13 : i32
        %dma_start3A_2140 = arith.constant 0 : i32
        %dma_start3A_2141 = tpu.memref_slice %arg14[%dma_start3A_2139, %dma_start3A_2140] : memref<16x64xf32, #tpu.memory_space<vmem>> -> memref<1x64xf32, #tpu.memory_space<vmem>>
        %dma_start3A_2142 = tpu.memref_squeeze %dma_start3A_2141 : memref<1x64xf32, #tpu.memory_space<vmem>> -> memref<64xf32, #tpu.memory_space<vmem>>
        %dma_start3A_2143 = arith.constant 0 : i32
        %dma_start3A_2144 = tpu.memref_slice %arg6[%squeeze3A_2123, %dma_start3A_2143] : memref<1000000x64xf32, #tpu.memory_space<hbm>> -> memref<1x64xf32, #tpu.memory_space<hbm>>
        %dma_start3A_2145 = tpu.memref_squeeze %dma_start3A_2144 : memref<1x64xf32, #tpu.memory_space<hbm>> -> memref<64xf32, #tpu.memory_space<hbm>>
        %dma_start3A_2146 = arith.constant 0 : i32
        %dma_start3A_2147 = tpu.memref_slice %arg14[%dma_start3A_2139, %dma_start3A_2146] : memref<16x64xf32, #tpu.memory_space<vmem>> -> memref<1x64xf32, #tpu.memory_space<vmem>>
        %dma_start3A_2148 = tpu.memref_squeeze %dma_start3A_2147 : memref<1x64xf32, #tpu.memory_space<vmem>> -> memref<64xf32, #tpu.memory_space<vmem>>
        %dma_start3A_2149 = arith.constant 0 : i32
        %dma_start3A_2150 = tpu.memref_slice %arg6[%squeeze3A_2123, %dma_start3A_2149] : memref<1000000x64xf32, #tpu.memory_space<hbm>> -> memref<1x64xf32, #tpu.memory_space<hbm>>
        %dma_start3A_2151 = tpu.memref_squeeze %dma_start3A_2150 : memref<1x64xf32, #tpu.memory_space<hbm>> -> memref<64xf32, #tpu.memory_space<hbm>>
        tpu.enqueue_dma source(%dma_start3A_2151 : memref<64xf32, #tpu.memory_space<hbm>>) target(%dma_start3A_2148 : memref<64xf32, #tpu.memory_space<vmem>>) target_semaphore(%arg19 : memref<!tpu.dma_semaphore, #tpu.memory_space<semaphore_mem>>)
        %dma_start3A_2152 = arith.constant 13 : i32
        %dma_start3A_2153 = arith.constant 0 : i32
        %dma_start3A_2154 = tpu.memref_slice %arg16[%dma_start3A_2152, %dma_start3A_2153] : memref<16x64xf32, #tpu.memory_space<vmem>> -> memref<1x64xf32, #tpu.memory_space<vmem>>
        %dma_start3A_2155 = tpu.memref_squeeze %dma_start3A_2154 : memref<1x64xf32, #tpu.memory_space<vmem>> -> memref<64xf32, #tpu.memory_space<vmem>>
        %dma_start3A_2156 = arith.constant 0 : i32
        %dma_start3A_2157 = tpu.memref_slice %arg6[%squeeze3A_2125, %dma_start3A_2156] : memref<1000000x64xf32, #tpu.memory_space<hbm>> -> memref<1x64xf32, #tpu.memory_space<hbm>>
        %dma_start3A_2158 = tpu.memref_squeeze %dma_start3A_2157 : memref<1x64xf32, #tpu.memory_space<hbm>> -> memref<64xf32, #tpu.memory_space<hbm>>
        %dma_start3A_2159 = arith.constant 0 : i32
        %dma_start3A_2160 = tpu.memref_slice %arg16[%dma_start3A_2152, %dma_start3A_2159] : memref<16x64xf32, #tpu.memory_space<vmem>> -> memref<1x64xf32, #tpu.memory_space<vmem>>
        %dma_start3A_2161 = tpu.memref_squeeze %dma_start3A_2160 : memref<1x64xf32, #tpu.memory_space<vmem>> -> memref<64xf32, #tpu.memory_space<vmem>>
        %dma_start3A_2162 = arith.constant 0 : i32
        %dma_start3A_2163 = tpu.memref_slice %arg6[%squeeze3A_2125, %dma_start3A_2162] : memref<1000000x64xf32, #tpu.memory_space<hbm>> -> memref<1x64xf32, #tpu.memory_space<hbm>>
        %dma_start3A_2164 = tpu.memref_squeeze %dma_start3A_2163 : memref<1x64xf32, #tpu.memory_space<hbm>> -> memref<64xf32, #tpu.memory_space<hbm>>
        tpu.enqueue_dma source(%dma_start3A_2164 : memref<64xf32, #tpu.memory_space<hbm>>) target(%dma_start3A_2161 : memref<64xf32, #tpu.memory_space<vmem>>) target_semaphore(%arg19 : memref<!tpu.dma_semaphore, #tpu.memory_space<semaphore_mem>>)
        %slice3A_2165 = vector.extract_strided_slice %get3A_1530 {offsets = [14], sizes = [1], strides = [1]} : vector<16xi32> to vector<1xi32>
        %squeeze3A_2166 = vector.extract %slice3A_2165[0] : i32 from vector<1xi32>
        %slice3A_2167 = vector.extract_strided_slice %get3A_1532 {offsets = [14], sizes = [1], strides = [1]} : vector<16xi32> to vector<1xi32>
        %squeeze3A_2168 = vector.extract %slice3A_2167[0] : i32 from vector<1xi32>
        %slice3A_2169 = vector.extract_strided_slice %get3A_1534 {offsets = [14], sizes = [1], strides = [1]} : vector<16xi32> to vector<1xi32>
        %squeeze3A_2170 = vector.extract %slice3A_2169[0] : i32 from vector<1xi32>
        %dma_start3A_2171 = arith.constant 14 : i32
        %dma_start3A_2172 = arith.constant 0 : i32
        %dma_start3A_2173 = tpu.memref_slice %arg12[%dma_start3A_2171, %dma_start3A_2172] : memref<16x64xf32, #tpu.memory_space<vmem>> -> memref<1x64xf32, #tpu.memory_space<vmem>>
        %dma_start3A_2174 = tpu.memref_squeeze %dma_start3A_2173 : memref<1x64xf32, #tpu.memory_space<vmem>> -> memref<64xf32, #tpu.memory_space<vmem>>
        %dma_start3A_2175 = arith.constant 0 : i32
        %dma_start3A_2176 = tpu.memref_slice %arg5[%squeeze3A_2166, %dma_start3A_2175] : memref<1000000x64xf32, #tpu.memory_space<hbm>> -> memref<1x64xf32, #tpu.memory_space<hbm>>
        %dma_start3A_2177 = tpu.memref_squeeze %dma_start3A_2176 : memref<1x64xf32, #tpu.memory_space<hbm>> -> memref<64xf32, #tpu.memory_space<hbm>>
        %dma_start3A_2178 = arith.constant 0 : i32
        %dma_start3A_2179 = tpu.memref_slice %arg12[%dma_start3A_2171, %dma_start3A_2178] : memref<16x64xf32, #tpu.memory_space<vmem>> -> memref<1x64xf32, #tpu.memory_space<vmem>>
        %dma_start3A_2180 = tpu.memref_squeeze %dma_start3A_2179 : memref<1x64xf32, #tpu.memory_space<vmem>> -> memref<64xf32, #tpu.memory_space<vmem>>
        %dma_start3A_2181 = arith.constant 0 : i32
        %dma_start3A_2182 = tpu.memref_slice %arg5[%squeeze3A_2166, %dma_start3A_2181] : memref<1000000x64xf32, #tpu.memory_space<hbm>> -> memref<1x64xf32, #tpu.memory_space<hbm>>
        %dma_start3A_2183 = tpu.memref_squeeze %dma_start3A_2182 : memref<1x64xf32, #tpu.memory_space<hbm>> -> memref<64xf32, #tpu.memory_space<hbm>>
        tpu.enqueue_dma source(%dma_start3A_2183 : memref<64xf32, #tpu.memory_space<hbm>>) target(%dma_start3A_2180 : memref<64xf32, #tpu.memory_space<vmem>>) target_semaphore(%arg19 : memref<!tpu.dma_semaphore, #tpu.memory_space<semaphore_mem>>)
        %dma_start3A_2184 = arith.constant 14 : i32
        %dma_start3A_2185 = arith.constant 0 : i32
        %dma_start3A_2186 = tpu.memref_slice %arg14[%dma_start3A_2184, %dma_start3A_2185] : memref<16x64xf32, #tpu.memory_space<vmem>> -> memref<1x64xf32, #tpu.memory_space<vmem>>
        %dma_start3A_2187 = tpu.memref_squeeze %dma_start3A_2186 : memref<1x64xf32, #tpu.memory_space<vmem>> -> memref<64xf32, #tpu.memory_space<vmem>>
        %dma_start3A_2188 = arith.constant 0 : i32
        %dma_start3A_2189 = tpu.memref_slice %arg6[%squeeze3A_2168, %dma_start3A_2188] : memref<1000000x64xf32, #tpu.memory_space<hbm>> -> memref<1x64xf32, #tpu.memory_space<hbm>>
        %dma_start3A_2190 = tpu.memref_squeeze %dma_start3A_2189 : memref<1x64xf32, #tpu.memory_space<hbm>> -> memref<64xf32, #tpu.memory_space<hbm>>
        %dma_start3A_2191 = arith.constant 0 : i32
        %dma_start3A_2192 = tpu.memref_slice %arg14[%dma_start3A_2184, %dma_start3A_2191] : memref<16x64xf32, #tpu.memory_space<vmem>> -> memref<1x64xf32, #tpu.memory_space<vmem>>
        %dma_start3A_2193 = tpu.memref_squeeze %dma_start3A_2192 : memref<1x64xf32, #tpu.memory_space<vmem>> -> memref<64xf32, #tpu.memory_space<vmem>>
        %dma_start3A_2194 = arith.constant 0 : i32
        %dma_start3A_2195 = tpu.memref_slice %arg6[%squeeze3A_2168, %dma_start3A_2194] : memref<1000000x64xf32, #tpu.memory_space<hbm>> -> memref<1x64xf32, #tpu.memory_space<hbm>>
        %dma_start3A_2196 = tpu.memref_squeeze %dma_start3A_2195 : memref<1x64xf32, #tpu.memory_space<hbm>> -> memref<64xf32, #tpu.memory_space<hbm>>
        tpu.enqueue_dma source(%dma_start3A_2196 : memref<64xf32, #tpu.memory_space<hbm>>) target(%dma_start3A_2193 : memref<64xf32, #tpu.memory_space<vmem>>) target_semaphore(%arg19 : memref<!tpu.dma_semaphore, #tpu.memory_space<semaphore_mem>>)
        %dma_start3A_2197 = arith.constant 14 : i32
        %dma_start3A_2198 = arith.constant 0 : i32
        %dma_start3A_2199 = tpu.memref_slice %arg16[%dma_start3A_2197, %dma_start3A_2198] : memref<16x64xf32, #tpu.memory_space<vmem>> -> memref<1x64xf32, #tpu.memory_space<vmem>>
        %dma_start3A_2200 = tpu.memref_squeeze %dma_start3A_2199 : memref<1x64xf32, #tpu.memory_space<vmem>> -> memref<64xf32, #tpu.memory_space<vmem>>
        %dma_start3A_2201 = arith.constant 0 : i32
        %dma_start3A_2202 = tpu.memref_slice %arg6[%squeeze3A_2170, %dma_start3A_2201] : memref<1000000x64xf32, #tpu.memory_space<hbm>> -> memref<1x64xf32, #tpu.memory_space<hbm>>
        %dma_start3A_2203 = tpu.memref_squeeze %dma_start3A_2202 : memref<1x64xf32, #tpu.memory_space<hbm>> -> memref<64xf32, #tpu.memory_space<hbm>>
        %dma_start3A_2204 = arith.constant 0 : i32
        %dma_start3A_2205 = tpu.memref_slice %arg16[%dma_start3A_2197, %dma_start3A_2204] : memref<16x64xf32, #tpu.memory_space<vmem>> -> memref<1x64xf32, #tpu.memory_space<vmem>>
        %dma_start3A_2206 = tpu.memref_squeeze %dma_start3A_2205 : memref<1x64xf32, #tpu.memory_space<vmem>> -> memref<64xf32, #tpu.memory_space<vmem>>
        %dma_start3A_2207 = arith.constant 0 : i32
        %dma_start3A_2208 = tpu.memref_slice %arg6[%squeeze3A_2170, %dma_start3A_2207] : memref<1000000x64xf32, #tpu.memory_space<hbm>> -> memref<1x64xf32, #tpu.memory_space<hbm>>
        %dma_start3A_2209 = tpu.memref_squeeze %dma_start3A_2208 : memref<1x64xf32, #tpu.memory_space<hbm>> -> memref<64xf32, #tpu.memory_space<hbm>>
        tpu.enqueue_dma source(%dma_start3A_2209 : memref<64xf32, #tpu.memory_space<hbm>>) target(%dma_start3A_2206 : memref<64xf32, #tpu.memory_space<vmem>>) target_semaphore(%arg19 : memref<!tpu.dma_semaphore, #tpu.memory_space<semaphore_mem>>)
        %slice3A_2210 = vector.extract_strided_slice %get3A_1530 {offsets = [15], sizes = [1], strides = [1]} : vector<16xi32> to vector<1xi32>
        %squeeze3A_2211 = vector.extract %slice3A_2210[0] : i32 from vector<1xi32>
        %slice3A_2212 = vector.extract_strided_slice %get3A_1532 {offsets = [15], sizes = [1], strides = [1]} : vector<16xi32> to vector<1xi32>
        %squeeze3A_2213 = vector.extract %slice3A_2212[0] : i32 from vector<1xi32>
        %slice3A_2214 = vector.extract_strided_slice %get3A_1534 {offsets = [15], sizes = [1], strides = [1]} : vector<16xi32> to vector<1xi32>
        %squeeze3A_2215 = vector.extract %slice3A_2214[0] : i32 from vector<1xi32>
        %dma_start3A_2216 = arith.constant 15 : i32
        %dma_start3A_2217 = arith.constant 0 : i32
        %dma_start3A_2218 = tpu.memref_slice %arg12[%dma_start3A_2216, %dma_start3A_2217] : memref<16x64xf32, #tpu.memory_space<vmem>> -> memref<1x64xf32, #tpu.memory_space<vmem>>
        %dma_start3A_2219 = tpu.memref_squeeze %dma_start3A_2218 : memref<1x64xf32, #tpu.memory_space<vmem>> -> memref<64xf32, #tpu.memory_space<vmem>>
        %dma_start3A_2220 = arith.constant 0 : i32
        %dma_start3A_2221 = tpu.memref_slice %arg5[%squeeze3A_2211, %dma_start3A_2220] : memref<1000000x64xf32, #tpu.memory_space<hbm>> -> memref<1x64xf32, #tpu.memory_space<hbm>>
        %dma_start3A_2222 = tpu.memref_squeeze %dma_start3A_2221 : memref<1x64xf32, #tpu.memory_space<hbm>> -> memref<64xf32, #tpu.memory_space<hbm>>
        %dma_start3A_2223 = arith.constant 0 : i32
        %dma_start3A_2224 = tpu.memref_slice %arg12[%dma_start3A_2216, %dma_start3A_2223] : memref<16x64xf32, #tpu.memory_space<vmem>> -> memref<1x64xf32, #tpu.memory_space<vmem>>
        %dma_start3A_2225 = tpu.memref_squeeze %dma_start3A_2224 : memref<1x64xf32, #tpu.memory_space<vmem>> -> memref<64xf32, #tpu.memory_space<vmem>>
        %dma_start3A_2226 = arith.constant 0 : i32
        %dma_start3A_2227 = tpu.memref_slice %arg5[%squeeze3A_2211, %dma_start3A_2226] : memref<1000000x64xf32, #tpu.memory_space<hbm>> -> memref<1x64xf32, #tpu.memory_space<hbm>>
        %dma_start3A_2228 = tpu.memref_squeeze %dma_start3A_2227 : memref<1x64xf32, #tpu.memory_space<hbm>> -> memref<64xf32, #tpu.memory_space<hbm>>
        tpu.enqueue_dma source(%dma_start3A_2228 : memref<64xf32, #tpu.memory_space<hbm>>) target(%dma_start3A_2225 : memref<64xf32, #tpu.memory_space<vmem>>) target_semaphore(%arg19 : memref<!tpu.dma_semaphore, #tpu.memory_space<semaphore_mem>>)
        %dma_start3A_2229 = arith.constant 15 : i32
        %dma_start3A_2230 = arith.constant 0 : i32
        %dma_start3A_2231 = tpu.memref_slice %arg14[%dma_start3A_2229, %dma_start3A_2230] : memref<16x64xf32, #tpu.memory_space<vmem>> -> memref<1x64xf32, #tpu.memory_space<vmem>>
        %dma_start3A_2232 = tpu.memref_squeeze %dma_start3A_2231 : memref<1x64xf32, #tpu.memory_space<vmem>> -> memref<64xf32, #tpu.memory_space<vmem>>
        %dma_start3A_2233 = arith.constant 0 : i32
        %dma_start3A_2234 = tpu.memref_slice %arg6[%squeeze3A_2213, %dma_start3A_2233] : memref<1000000x64xf32, #tpu.memory_space<hbm>> -> memref<1x64xf32, #tpu.memory_space<hbm>>
        %dma_start3A_2235 = tpu.memref_squeeze %dma_start3A_2234 : memref<1x64xf32, #tpu.memory_space<hbm>> -> memref<64xf32, #tpu.memory_space<hbm>>
        %dma_start3A_2236 = arith.constant 0 : i32
        %dma_start3A_2237 = tpu.memref_slice %arg14[%dma_start3A_2229, %dma_start3A_2236] : memref<16x64xf32, #tpu.memory_space<vmem>> -> memref<1x64xf32, #tpu.memory_space<vmem>>
        %dma_start3A_2238 = tpu.memref_squeeze %dma_start3A_2237 : memref<1x64xf32, #tpu.memory_space<vmem>> -> memref<64xf32, #tpu.memory_space<vmem>>
        %dma_start3A_2239 = arith.constant 0 : i32
        %dma_start3A_2240 = tpu.memref_slice %arg6[%squeeze3A_2213, %dma_start3A_2239] : memref<1000000x64xf32, #tpu.memory_space<hbm>> -> memref<1x64xf32, #tpu.memory_space<hbm>>
        %dma_start3A_2241 = tpu.memref_squeeze %dma_start3A_2240 : memref<1x64xf32, #tpu.memory_space<hbm>> -> memref<64xf32, #tpu.memory_space<hbm>>
        tpu.enqueue_dma source(%dma_start3A_2241 : memref<64xf32, #tpu.memory_space<hbm>>) target(%dma_start3A_2238 : memref<64xf32, #tpu.memory_space<vmem>>) target_semaphore(%arg19 : memref<!tpu.dma_semaphore, #tpu.memory_space<semaphore_mem>>)
        %dma_start3A_2242 = arith.constant 15 : i32
        %dma_start3A_2243 = arith.constant 0 : i32
        %dma_start3A_2244 = tpu.memref_slice %arg16[%dma_start3A_2242, %dma_start3A_2243] : memref<16x64xf32, #tpu.memory_space<vmem>> -> memref<1x64xf32, #tpu.memory_space<vmem>>
        %dma_start3A_2245 = tpu.memref_squeeze %dma_start3A_2244 : memref<1x64xf32, #tpu.memory_space<vmem>> -> memref<64xf32, #tpu.memory_space<vmem>>
        %dma_start3A_2246 = arith.constant 0 : i32
        %dma_start3A_2247 = tpu.memref_slice %arg6[%squeeze3A_2215, %dma_start3A_2246] : memref<1000000x64xf32, #tpu.memory_space<hbm>> -> memref<1x64xf32, #tpu.memory_space<hbm>>
        %dma_start3A_2248 = tpu.memref_squeeze %dma_start3A_2247 : memref<1x64xf32, #tpu.memory_space<hbm>> -> memref<64xf32, #tpu.memory_space<hbm>>
        %dma_start3A_2249 = arith.constant 0 : i32
        %dma_start3A_2250 = tpu.memref_slice %arg16[%dma_start3A_2242, %dma_start3A_2249] : memref<16x64xf32, #tpu.memory_space<vmem>> -> memref<1x64xf32, #tpu.memory_space<vmem>>
        %dma_start3A_2251 = tpu.memref_squeeze %dma_start3A_2250 : memref<1x64xf32, #tpu.memory_space<vmem>> -> memref<64xf32, #tpu.memory_space<vmem>>
        %dma_start3A_2252 = arith.constant 0 : i32
        %dma_start3A_2253 = tpu.memref_slice %arg6[%squeeze3A_2215, %dma_start3A_2252] : memref<1000000x64xf32, #tpu.memory_space<hbm>> -> memref<1x64xf32, #tpu.memory_space<hbm>>
        %dma_start3A_2254 = tpu.memref_squeeze %dma_start3A_2253 : memref<1x64xf32, #tpu.memory_space<hbm>> -> memref<64xf32, #tpu.memory_space<hbm>>
        tpu.enqueue_dma source(%dma_start3A_2254 : memref<64xf32, #tpu.memory_space<hbm>>) target(%dma_start3A_2251 : memref<64xf32, #tpu.memory_space<vmem>>) target_semaphore(%arg19 : memref<!tpu.dma_semaphore, #tpu.memory_space<semaphore_mem>>)
      } else {
      }
    }
    %scan3A_1455 = arith.constant 16 : i32
    "tpu.region"() ({
      %run_scoped3A = tpu.sem_alloc : memref<!tpu.dma_semaphore, #tpu.memory_space<semaphore_mem>>
      %dma_start3A_1456 = tpu.memref_slice %arg7[%mul3A_2] : memref<16384xf32, #tpu.memory_space<hbm>> -> memref<512xf32, #tpu.memory_space<hbm>>
      %dma_start3A_1457 = tpu.memref_slice %arg7[%mul3A_2] : memref<16384xf32, #tpu.memory_space<hbm>> -> memref<512xf32, #tpu.memory_space<hbm>>
      tpu.enqueue_dma source(%arg17 : memref<512xf32, #tpu.memory_space<vmem>>) target(%dma_start3A_1457 : memref<512xf32, #tpu.memory_space<hbm>>) target_semaphore(%run_scoped3A : memref<!tpu.dma_semaphore, #tpu.memory_space<semaphore_mem>>)
      %dma_wait3A = tpu.memref_slice %arg7[%mul3A_2] : memref<16384xf32, #tpu.memory_space<hbm>> -> memref<512xf32, #tpu.memory_space<hbm>>
      %dma_wait3A_1458 = tpu.memref_slice %arg7[%mul3A_2] : memref<16384xf32, #tpu.memory_space<hbm>> -> memref<512xf32, #tpu.memory_space<hbm>>
      tpu.wait_dma2 semaphore(%run_scoped3A : memref<!tpu.dma_semaphore, #tpu.memory_space<semaphore_mem>>) src(%arg17 : memref<512xf32, #tpu.memory_space<vmem>>) dst(%dma_wait3A_1458 : memref<512xf32, #tpu.memory_space<hbm>>)
      tpu.yield
    }) : () -> ()
    return
  }
}

</mosaic_0001>

<sc_bundles>
// kernel: kernel.3.cloned.1.call-start
scs
__scs_entry_jumppad:
0x0: {  	(pc) =	sbr.rel $0x88, $3  }
0x1: {  	(tag) =	ssettag $0x0;
	lr =	simm.s32 $0x1  }
0x2: {  	[smem:$0x3F9C] =	sst lr;
	_ =	strace $0xD0000000  }
0x3: {  	_ = 	snop  }
0x4: {  	_ = 	snop  }
0x5: {  	_ = 	snop  }
0x6: {  	_ = 	snop  }
0x7: {  	_ = 	snop  }
__scs_overlays_trampoline_lowered:
0x8: {  	[smem:$0x3FAB] =	sst s0  }
0x9: {  	[smem:$0x3FAC] =	sst s1  }
0xa: {  	[smem:$0x3FAD] =	sst s2  }
0xb: {  	[smem:$0x3FAE] =	sst s3  }
0xc: {  	[smem:$0x3FAF] =	sst s4  }
0xd: {  	[smem:$0x3FB0] =	sst s5  }
0xe: {  	[smem:$0x3FB1] =	sst s6  }
0xf: {  	[smem:$0x3FB2] =	sst s7  }
0x10: {  	[smem:$0x3FB3] =	sst s8  }
0x11: {  	[smem:$0x3FB4] =	sst s9;
	s0 =	simm.s32 @!p0 $0x0  }
0x12: {  	s1 =	sld [smem:$0x3F9A];
	s0 =	simm.s32 @p0 $0x1  }
0x13: {  	[smem:$0x3FB5] =	sst s0;
	s0 =	simm.s32 @!p1 $0x0  }
0x14: {  	s2 =	sld [smem:$0x3F99];
	s0 =	simm.s32 @p1 $0x1  }
0x15: {  	[smem:$0x3FB6] =	sst s0;
	s0 =	simm.s32 @!p2 $0x0  }
0x16: {  	s3 =	sld [smem:$0x3FDB];
	s0 =	simm.s32 @p2 $0x1  }
0x17: {  	s4 =	simm.s32 $0x1BF5;
	[smem:$0x3FB8] =	sst s0  }
0x18: {  	s0 =	sld [smem:$0x3F9B];
	_ =	swait.ge [sflag:s4], $0x0  }
0x19: {  	s7 =	sld [smem:$0x3F9C]  }
0x1a: {  	s8 =	sadd.s32 $0xFFFFE003, lr  }
0x1b: {  	s9 =	sadd.s32 $0xFFFFFEF7, lr;
	s5 =	simm.s32 $0xFFFFFFFF;
	p2 =	slt.u32 s8, $0xFFFFF086  }
0x1c: {  	p1 =	slt.u32 s9, $0xF7A;
	s5 =	simm.s32 @!p2 $0x0  }
0x1d: {  	s5 =	simm.s32 @p1 $0x1;
	p0 =	seq.s32 s7, s2  }
0x1e: {  	s7 =	smul.u32 @!p0 $0xF7A, s2;
	p2 =	seq.s32 @!p0 s5, $0x0  }
0x1f: {  	s9 =	smul.u32 $0xF7A, s1;
	s8 =	simm.s32 @!p0 $0x1BF5;
	p2 =	por !p2, p0  }
0x20: {  	[sflag:s8] =	ssyncset.s32 @!p0 $0xFFFFF086;
	s6 =	sadd.s32 @!p0 s3, s7;
	s7 =	simm.s32 @!p0 $0x108  }
0x21: {  	s3 =	sadd.s32 s3, s9;
	s6 =	sadd.s32 @!p0 $0x88, s6;
	s7 =	simm.s32 @p2 $0x1082  }
0x22: {  	[simem:s7], [sflag:s8] =	dma.local @!p0 [hbm:s6], $0xF7A  }
0x23: {  	s9 =	sor.u32 $0xD0000000, s2;
	s6 =	simm.s32 $0x108;
	_ =	swait.ge @!p0 [sflag:s8], $0x0  }
0x24: {  	s3 =	sadd.s32 $0x88, s3;
	s6 =	simm.s32 @!p1 $0x1082;
	[sflag:s4] =	ssyncset.s32 $0xFFFFF086  }
0x25: {  	[simem:s6], [sflag:s4] =	dma.local [hbm:s3], $0xF7A  }
0x26: {  	[smem:$0x3F9C] =	sst s1;
	(tag) =	ssettag s2;
	_ =	strace s9  }
0x27: {  	s1 =	sld [smem:$0x3FAC]  }
0x28: {  	s2 =	sld [smem:$0x3FAD]  }
0x29: {  	s4 =	sld [smem:$0x3FAF]  }
0x2a: {  	p0 =	seq.s32 s5, $0x0;
	s5 =	sld [smem:$0x3FB0]  }
0x2b: {  	s6 =	sld [smem:$0x3FB1]  }
0x2c: {  	s7 =	sld [smem:$0x3FB2]  }
0x2d: {  	s3 =	simm.s32 $0x108;
	s8 =	sld [smem:$0x3FB3]  }
0x2e: {  	s3 =	simm.s32 @!p0 $0x1082;
	s9 =	sld [smem:$0x3FB4]  }
0x2f: {  	lr =	sadd.s32 s0, s3;
	s0 =	sld [smem:$0x3FAB]  }
0x30: {  	s3 =	sld [smem:$0x3FAE]  }
0x31: {  	[smem:$0x3FB7] =	sst s10  }
0x32: {  	s10 =	sld [smem:$0x3FB5];
	_ =	sdelay $0x3  }
0x33: {  	p0 =	seq.s32 s10, $0x1;
	s10 =	sld [smem:$0x3FB7];
	_ =	sdelay $0x3  }
0x34: {  	[smem:$0x3FB7] =	sst s10  }
0x35: {  	s10 =	sld [smem:$0x3FB6];
	_ =	sdelay $0x3  }
0x36: {  	p1 =	seq.s32 s10, $0x1;
	s10 =	sld [smem:$0x3FB7];
	_ =	sdelay $0x3  }
0x37: {  	[smem:$0x3FB7] =	sst s10  }
0x38: {  	s10 =	sld [smem:$0x3FB8]  }
0x39: {  	_ = 	snop;
	(pc) =	sbr.ind lr, $3  }
0x3a: {  	_ = 	snop  }
0x3b: {  	_ = 	snop  }
0x3c: {  	p2 =	seq.s32 s10, $0x1;
	s10 =	sld [smem:$0x3FB7]  }
0x3d: {  	_ =	shalt  }
0x3e: {  	_ =	shalt  }
0x3f: {  	_ =	shalt  }
0x40: {  	_ =	shalt  }
0x41: {  	_ =	shalt  }
0x42: {  	_ =	shalt  }
0x43: {  	_ =	shalt  }
0x44: {  	_ =	shalt  }
0x45: {  	_ =	shalt  }
0x46: {  	_ =	shalt  }
0x47: {  	_ =	shalt  }
0x48: {  	_ =	shalt  }
0x49: {  	_ =	shalt  }
0x4a: {  	_ =	shalt  }
0x4b: {  	_ =	shalt  }
0x4c: {  	_ =	shalt  }
0x4d: {  	_ =	shalt  }
0x4e: {  	_ =	shalt  }
0x4f: {  	_ =	shalt  }
0x50: {  	_ =	shalt  }
0x51: {  	_ =	shalt  }
0x52: {  	_ =	shalt  }
0x53: {  	_ =	shalt  }
0x54: {  	_ =	shalt  }
0x55: {  	_ =	shalt  }
0x56: {  	_ =	shalt  }
0x57: {  	_ =	shalt  }
0x58: {  	_ =	shalt  }
0x59: {  	_ =	shalt  }
0x5a: {  	_ =	shalt  }
0x5b: {  	_ =	shalt  }
0x5c: {  	_ =	shalt  }
0x5d: {  	_ =	shalt  }
0x5e: {  	_ =	shalt  }
0x5f: {  	_ =	shalt  }
0x60: {  	_ =	shalt  }
0x61: {  	_ =	shalt  }
0x62: {  	_ =	shalt  }
0x63: {  	_ =	shalt  }
0x64: {  	_ =	shalt  }
0x65: {  	_ =	shalt  }
0x66: {  	_ =	shalt  }
0x67: {  	_ =	shalt  }
0x68: {  	_ =	shalt  }
0x69: {  	_ =	shalt  }
0x6a: {  	_ =	shalt  }
0x6b: {  	_ =	shalt  }
0x6c: {  	_ =	shalt  }
0x6d: {  	_ =	shalt  }
0x6e: {  	_ =	shalt  }
0x6f: {  	_ =	shalt  }
0x70: {  	_ =	shalt  }
0x71: {  	_ =	shalt  }
0x72: {  	_ =	shalt  }
0x73: {  	_ =	shalt  }
0x74: {  	_ =	shalt  }
0x75: {  	_ =	shalt  }
0x76: {  	_ =	shalt  }
0x77: {  	_ =	shalt  }
0x78: {  	_ =	shalt  }
0x79: {  	_ =	shalt  }
0x7a: {  	_ =	shalt  }
0x7b: {  	_ =	shalt  }
0x7c: {  	_ =	shalt  }
0x7d: {  	_ =	shalt  }
0x7e: {  	_ =	shalt  }
0x7f: {  	_ =	shalt  }
0x80: {  	_ =	shalt  }
0x81: {  	_ =	shalt  }
0x82: {  	_ =	shalt  }
0x83: {  	_ =	shalt  }
0x84: {  	_ =	shalt  }
0x85: {  	_ =	shalt  }
0x86: {  	_ =	shalt  }
0x87: {  	_ =	shalt  }
.Lfunc_end0:
.L_simem_size_0:
called_computation_lowered:
.L_overlay_start_0:
0x88: {  	s2 =	sld [smem:$0x3FD9]  }
0x89: {  	s3 =	sld [smem:$0x3FFE];
	_ =	sdelay $0x1  }
0x8a: {  	s1 =	srdreg.scid  }
0x8b: {  	s0 =	sand.u32 $0x1, s1  }
0x8c: {  	s17 =	sshll.u32 s0, $0xA;
	s2 =	sadd.s32 s3, s2  }
0x8d: {  	s2 =	sadd.s32 s2, s17  }
0x8e: {  	[smem:$0x3FC3] =	sst s2  }
0x8f: {  	_ = 	snop  }
0x90: {  	s2 =	sld [smem:$0x3FC9]  }
0x91: {  	s18 =	sld [smem:$0x3FC8]  }
0x92: {  	s4 =	sld [smem:$0x3FC7]  }
0x93: {  	s5 =	sld [smem:$0x3FD0];
	(tm) =	ssettm $0x1  }
0x94: {  	s6 =	sld [smem:$0x3FFB];
	_ =	sdelay $0x3  }
0x95: {  	_ =	strace s6  }
0x96: {  	s6 =	sld [smem:$0x3FFC];
	_ =	sdelay $0x3  }
0x97: {  	_ =	strace s6  }
0x98: {  	s6 =	sld [smem:$0x3FFD];
	_ =	sdelay $0x3  }
0x99: {  	_ =	strace s6  }
0x9a: {  	_ =	strace $0x8FFFFFFF  }
0x9b: {  	s19 =	sld [smem:$0x3FDB];
	_ =	sdelay $0x1  }
0x9c: {  	s7 =	simm.s32 $_scs_section_size  }
0x9d: {  	s8 =	simm.s32 $_size__tile_overlayer_lowered;
	s9 =	simm.s32 $_tile_overlayer_lowered  }
0x9e: {  	s22 =	simm.s32 $0x1BFF;
	s21 =	sshll.u32 s9, $0x1;
	s6 =	sadd.s32 s7, s19  }
0x9f: {  	s10 =	simm.s32 $0x0;
	s20 =	sshll.u32 s8, $0x1;
	s8 =	sadd.s32 s21, s6  }
0xa0: {  	[timem:s10], [sflag:s22] =	dma.local [hbm:s8], s20  }
0xa1: {  	_ =	swait.ge [sflag:s22], s20  }
0xa2: {  	s7 =	ssub.s32 $0x0, s20;
	[sflag:s22] =	ssyncset.done $0x0  }
0xa3: {  	[sflag:s22] =	ssyncadd.s32 s7;
	_ =	sdelay $0x1  }
0xa4: {  	s23 =	simm.s32 $0x1B8B  }
0xa5: {  	_ =	swait.ge [sflag:s23], $0x1  }
0xa6: {  	[sflag:s23] =	ssyncset.done $0x0  }
0xa7: {  	s25 =	simm.s32 $0x1B8E;
	s24 =	sld [smem:$0x3FFE];
	[sflag:s23] =	ssyncadd.s32 $0xFFFFFFFF  }
0xa8: {  	s26 =	simm.s32 $execute0_lowered;
	[smem:$0x3FD2] =	sst s25  }
0xa9: {  	s8 =	sshll.u32 s26, $0x1;
	_ =	strace $0x80000046;
	[dreg:$0x1] =	wrdreg $0xFFFFFFFF  }
0xaa: {  	s28 =	simm.s32 $_size_execute0_lowered;
	s6 =	sadd.s32 s6, s8;
	[dreg:$0x0] =	wrdreg $0x0  }
0xab: {  	s8 =	sshll.u32 s28, $0x1;
	[dreg:$0x2] =	wrdreg s6  }
0xac: {  	[dreg:$0x3] =	wrdreg s8  }
0xad: {  	[dreg:$0x4] =	wrdreg $0xC0  }
0xae: {  	_ =	task [dreg:s10], $0x5FFFF  }
0xaf: {  	[dreg:$0x1] =	wrdreg $0xFFFFFFFF  }
0xb0: {  	[dreg:$0x0] =	wrdreg $0x60  }
0xb1: {  	[dreg:$0x2] =	wrdreg s2  }
0xb2: {  	[dreg:$0x3] =	wrdreg s18  }
0xb3: {  	[dreg:$0x4] =	wrdreg s4  }
0xb4: {  	[dreg:$0x5] =	wrdreg s24  }
0xb5: {  	[dreg:$0x6] =	wrdreg s5  }
0xb6: {  	[dreg:$0x7] =	wrdreg $0x9  }
0xb7: {  	_ =	task.clear_ibuf [dreg:s10], $0x8FFFF;
	_ =	strace $0x90000046  }
0xb8: {  	s29 =	simm.s32 $0x9;
	_ =	strace $0x80000048  }
0xb9: {  	_ =	swait.ge [sflag:s29], $0x1  }
0xba: {  	[sflag:s29] =	ssyncadd.s32 $0xFFFFFFFF  }
0xbb: {  	_ =	strace $0x90000048  }
0xbc: {  	_ =	sfence  }
0xbd: {  	s30 =	sld [smem:$0x0];
	_ =	sdelay $0x2  }
0xbe: {  	s31 =	sshll.u32 s1, $0xD;
	s1 =	sshrl.u32 s1, $0x2  }
0xbf: {  	s3 =	sand.u32 $0x4000, s31;
	s1 =	sadd.s32 s1, s30  }
0xc0: {  	s0 =	sor.u32 s3, s0;
	s1 =	sshll.u32 s1, $0x11  }
0xc1: {  	s0 =	sor.u32 s1, s0  }
0xc2: {  	s0 =	sadd.s32 $0x8F2B, s0  }
0xc3: {  	[sflag:s0] =	ssyncadd.remote.s32 $0x1  }
0xc4: {  	_ =	sfence.sel $0xFFFF  }
0xc5: {  	[dreg:$0x0] =	wrdreg $0xFFFFFFFF;
	(pc) =	sbr.abs _section_cstart, $3  }
0xc6: {  	[dreg:$0x1] =	wrdreg $0xFFFFFFFF  }
0xc7: {  	_ =	task.clear_ibuf [dreg:s10], $0x2FFFF;
	_ =	strace $0x9FFFFFFF  }
0xc8: {  	(tm) =	ssettm $0x7FFFFFFF  }
0xc9: {  	_ =	shalt  }
tec
execute0_lowered:
.L_overlay_start_1:
0x0: {  	(tag) =	ssettag $0x1  }
0x1: {  	s0 =	rddreg [dreg:$0x0]  }
0x2: {  	s2 =	rddreg [dreg:$0x1]  }
0x3: {  	s5 =	rddreg [dreg:$0x2]  }
0x4: {  	s4 =	rddreg [dreg:$0x3]  }
0x5: {  	s6 =	rddreg [dreg:$0x4]  }
0x6: {  	s1 =	simm.s32 $0x0;
	s3 =	srdreg.scid;
	s10 =	stileid.u32  }
0x7: {  	s18 =	simm.s32 $0x3;
	s13 =	simm.s32 $0x600;
	s14 =	simm.s32 $0x1600  }
0x8: {  	s15 =	simm.s32 $0x2600;
	s28 =	simm.s32 $0x3400;
	s29 =	simm.s32 $0x1480  }
0x9: {  	s30 =	simm.s32 $0x2480;
	s31 =	simm.s32 $0x3480;
	s11 =	simm.s32 $0x3500  }
0xa: {  	s12 =	simm.s32 $0x1580;
	s16 =	simm.s32 $0x2;
	s19 =	simm.s32 $0x0  }
0xb: {  	[smem:$0x7FF] =	sst s1;
	s7 =	sand.u32 $0x1, s3;
	s3 =	sadd.s32 $0x400, s4  }
0xc: {  	s10 =	sshll.u32 s10, $0x7;
	s4 =	sadd.s32 $0xF42800, s4;
	s8 =	ssub.s32 $0x2, s7  }
0xd: {  	_ =	strace $0x80000047;
	s7 =	sshll.u32 s7, $0x6;
	s9 =	sshrl.u32 s8, $0x1  }
0xe: {  	s7 =	sor.u32 s7, s10;
	s10 =	simm.s32 $0x1;
	s8 =	ssub.s32 s8, s9  }
0xf: {  	s0 =	sadd.s32 s0, s7;
	s23 =	sadd.s32 s2, s7;
	s24 =	sadd.s32 s5, s7  }
.Ltmp0:
0x10: {  	s25 =	sadd.s32 s6, s7;
	[dreg:$0x6] =	wrdreg s0;
	(pc) =	sbr.rel .LBB2_1-.Ltmp0, $4  }
0x11: {  	s6 =	simm.s32 $0xE00;
	s7 =	simm.s32 $0x1E00;
	[dreg:$0x7] =	wrdreg s23  }
0x12: {  	s2 =	simm.s32 $0x2500;
	s5 =	simm.s32 $0x2580;
	[dreg:$0x8] =	wrdreg s24  }
0x13: {  	v0 =	vlaneseq.u32;
	s9 =	simm.s32 $0x3580;
	[dreg:$0x9] =	wrdreg s25;
	s26 =	smax.u32 s8, $0x1  }
0x14: {  	v0 =	vmul.u32 $0x80, v0;
	s8 =	simm.s32 $0x2E00;
	s0 =	simm.s32 $0x1500;
	[dreg:$0xa] =	wrdreg s26  }
.LBB2_10:
0x15: {  	s17 =	rddreg [dreg:$0x9];
	s18 =	simm.s32 $0x3600  }
0x16: {  	[hbm4b:s17+s1] =	stream.linear.scatter [tilespmem:s18], [sflag:$0x3], $0x200, $0x38;
	[tilespmem:$0x3800] =	vst v63  }
0x17: {  	s18 =	simm.s32 $0x3  }
0x18: {  	_ =	swait.ge [sflag:s18], $0x200  }
0x19: {  	s19 =	rddreg [dreg:$0xb]  }
0x1a: {  	s26 =	rddreg [dreg:$0xa];
	s19 =	sadd.s32 $0x1, s19  }
0x1b: {  	p0 =	sne.s32 s19, s26  }
.Ltmp1:
0x1c: {  	_ = 	snop;
	(pc) =	sbr.rel @!p0 .LBB2_11-.Ltmp1, $3  }
0x1d: {  	_ =	sdelay $0x1  }
0x1e: {  	[sflag:s18] =	ssyncset.done $0x0  }
0x1f: {  	[sflag:s18] =	ssyncadd.s32 $0xFFFFFE00  }
.LBB2_1:
0x20: {  	[dreg:$0xb] =	wrdreg s19  }
0x21: {  	s17 =	rddreg [dreg:$0x6]  }
0x22: {  	[tilespmem:s1], [sflag:$0x3] =	stream.linear.gather [hbm4b:s17+s1], $0x200, $0x38;
	[tilespmem:$0x3800] =	vst v63  }
0x23: {  	_ =	swait.ge [sflag:s18], $0x200  }
0x24: {  	[sflag:s18] =	ssyncset.done $0x0  }
0x25: {  	s26 =	simm.s32 $0x200;
	s25 =	rddreg [dreg:$0x7];
	[sflag:s18] =	ssyncadd.s32 $0xFFFFFE00  }
0x26: {  	[tilespmem:s26], [sflag:$0x3] =	stream.linear.gather [hbm4b:s25+s1], $0x200, $0x38;
	[tilespmem:$0x3800] =	vst v63  }
0x27: {  	_ =	swait.ge [sflag:s18], $0x200  }
0x28: {  	[sflag:s18] =	ssyncset.done $0x0  }
0x29: {  	s21 =	simm.s32 $0x400;
	s20 =	rddreg [dreg:$0x8];
	[sflag:s18] =	ssyncadd.s32 $0xFFFFFE00  }
0x2a: {  	[tilespmem:s21], [sflag:$0x3] =	stream.linear.gather [hbm4b:s20+s1], $0x200, $0x38;
	[tilespmem:$0x3800] =	vst v63  }
0x2b: {  	_ =	swait.ge [sflag:s18], $0x200  }
0x2c: {  	[sflag:s18] =	ssyncset.done $0x0  }
0x2d: {  	[sflag:s18] =	ssyncadd.s32 $0xFFFFFE00  }
0x2e: {  	v1 =	vld [tilespmem:$0x0];
	_ =	sdelay $0x1  }
0x2f: {  	v2 =	vld [tilespmem:$0x200];
	_ =	sdelay $0x2  }
0x30: {  	v3 =	vshll.u32 v1, $0x4  }
0x31: {  	(v2sf) =	vpush v3, $0x0  }
0x32: {  	v1 =	vld [tilespmem:$0x400];
	v2 =	vshll.u32 v2, $0x4  }
0x33: {  	(v2sf) =	vpush v2, $0x0;
	_ =	sdelay $0x3  }
0x34: {  	v1 =	vshll.u32 v1, $0x4  }
0x35: {  	(v2sf) =	vpush v1, $0x0;
	_ =	sdelay $0x1  }
0x36: {  	(v2sf) =	vpush v3, $0x1;
	_ =	sdelay $0x5  }
0x37: {  	s22 =	spop (v2sf);
	(v2sf) =	vpush v2, $0x1;
	_ =	sdelay $0x1  }
0x38: {  	s23 =	spop (v2sf);
	(v2sf) =	vpush v1, $0x1;
	_ =	sdelay $0x4  }
0x39: {  	s24 =	spop (v2sf);
	(v2sf) =	vpush v3, $0x2;
	_ =	sdelay $0x1  }
0x3a: {  	s25 =	spop (v2sf);
	(v2sf) =	vpush v2, $0x2;
	_ =	sdelay $0x4  }
0x3b: {  	s17 =	sand.u32 $0x1FFFFFF0, s22  }
0x3c: {  	s17 =	sadd.s32 s3, s17;
	s19 =	spop (v2sf);
	(v2sf) =	vpush v1, $0x2  }
0x3d: {  	[tilespmem:s13], [sflag:$0x1] =	stream.linear.gather [hbm4b:s17+s1], $0x80, $0x38;
	[tilespmem:$0x3800] =	vst v63  }
0x3e: {  	s21 =	spop (v2sf);
	(v2sf) =	vpush v3, $0x3  }
0x3f: {  	s17 =	sand.u32 $0x1FFFFFF0, s23  }
0x40: {  	s17 =	sadd.s32 s4, s17  }
0x41: {  	[tilespmem:s14], [sflag:$0x1] =	stream.linear.gather [hbm4b:s17+s1], $0x80, $0x38;
	[tilespmem:$0x3800] =	vst v63  }
0x42: {  	s17 =	sand.u32 $0x1FFFFFF0, s24  }
0x43: {  	s17 =	sadd.s32 s4, s17;
	s23 =	spop (v2sf);
	(v2sf) =	vpush v2, $0x3  }
0x44: {  	[tilespmem:s15], [sflag:$0x1] =	stream.linear.gather [hbm4b:s17+s1], $0x80, $0x38;
	[tilespmem:$0x3800] =	vst v63  }
0x45: {  	s17 =	sand.u32 $0x1FFFFFF0, s25;
	s25 =	spop (v2sf);
	(v2sf) =	vpush v1, $0x3;
	_ =	sdelay $0x2  }
0x46: {  	s26 =	simm.s32 $0x680;
	s17 =	sadd.s32 s3, s17  }
0x47: {  	[tilespmem:s26], [sflag:$0x1] =	stream.linear.gather [hbm4b:s17+s1], $0x80, $0x38;
	[tilespmem:$0x3800] =	vst v63  }
0x48: {  	s17 =	sand.u32 $0x1FFFFFF0, s19  }
0x49: {  	s20 =	simm.s32 $0x1680;
	s17 =	sadd.s32 s4, s17;
	s19 =	spop (v2sf);
	(v2sf) =	vpush v3, $0x4  }
0x4a: {  	[tilespmem:s20], [sflag:$0x1] =	stream.linear.gather [hbm4b:s17+s1], $0x80, $0x38;
	[tilespmem:$0x3800] =	vst v63  }
0x4b: {  	s17 =	sand.u32 $0x1FFFFFF0, s21;
	s21 =	spop (v2sf);
	(v2sf) =	vpush v2, $0x4;
	_ =	sdelay $0x1  }
0x4c: {  	s22 =	simm.s32 $0x2680;
	s17 =	sadd.s32 s4, s17  }
0x4d: {  	[tilespmem:s22], [sflag:$0x1] =	stream.linear.gather [hbm4b:s17+s1], $0x80, $0x38;
	[tilespmem:$0x3800] =	vst v63  }
0x4e: {  	s17 =	sand.u32 $0x1FFFFFF0, s23  }
0x4f: {  	s24 =	simm.s32 $0x700;
	s17 =	sadd.s32 s3, s17;
	s23 =	spop (v2sf);
	(v2sf) =	vpush v1, $0x4  }
0x50: {  	[tilespmem:s24], [sflag:$0x1] =	stream.linear.gather [hbm4b:s17+s1], $0x80, $0x38;
	[tilespmem:$0x3800] =	vst v63  }
0x51: {  	s17 =	sand.u32 $0x1FFFFFF0, s25;
	s25 =	spop (v2sf);
	(v2sf) =	vpush v3, $0x5;
	_ =	sdelay $0x2  }
0x52: {  	s26 =	simm.s32 $0x1700;
	s17 =	sadd.s32 s4, s17  }
0x53: {  	[tilespmem:s26], [sflag:$0x1] =	stream.linear.gather [hbm4b:s17+s1], $0x80, $0x38;
	[tilespmem:$0x3800] =	vst v63  }
0x54: {  	s17 =	sand.u32 $0x1FFFFFF0, s19  }
0x55: {  	s20 =	simm.s32 $0x2700;
	s17 =	sadd.s32 s4, s17;
	s19 =	spop (v2sf);
	(v2sf) =	vpush v2, $0x5  }
0x56: {  	[tilespmem:s20], [sflag:$0x1] =	stream.linear.gather [hbm4b:s17+s1], $0x80, $0x38;
	[tilespmem:$0x3800] =	vst v63  }
0x57: {  	s17 =	sand.u32 $0x1FFFFFF0, s21;
	s21 =	spop (v2sf);
	(v2sf) =	vpush v1, $0x5;
	_ =	sdelay $0x1  }
0x58: {  	s22 =	simm.s32 $0x780;
	s17 =	sadd.s32 s3, s17  }
0x59: {  	[tilespmem:s22], [sflag:$0x1] =	stream.linear.gather [hbm4b:s17+s1], $0x80, $0x38;
	[tilespmem:$0x3800] =	vst v63  }
0x5a: {  	s17 =	sand.u32 $0x1FFFFFF0, s23  }
0x5b: {  	s24 =	simm.s32 $0x1780;
	s17 =	sadd.s32 s4, s17;
	s23 =	spop (v2sf);
	(v2sf) =	vpush v3, $0x6  }
0x5c: {  	[tilespmem:s24], [sflag:$0x1] =	stream.linear.gather [hbm4b:s17+s1], $0x80, $0x38;
	[tilespmem:$0x3800] =	vst v63  }
0x5d: {  	s17 =	sand.u32 $0x1FFFFFF0, s25;
	s25 =	spop (v2sf);
	(v2sf) =	vpush v2, $0x6;
	_ =	sdelay $0x2  }
0x5e: {  	s26 =	simm.s32 $0x2780;
	s17 =	sadd.s32 s4, s17  }
0x5f: {  	[tilespmem:s26], [sflag:$0x1] =	stream.linear.gather [hbm4b:s17+s1], $0x80, $0x38;
	[tilespmem:$0x3800] =	vst v63  }
0x60: {  	s17 =	sand.u32 $0x1FFFFFF0, s19  }
0x61: {  	s20 =	simm.s32 $0x800;
	s17 =	sadd.s32 s3, s17;
	s19 =	spop (v2sf);
	(v2sf) =	vpush v1, $0x6  }
0x62: {  	[tilespmem:s20], [sflag:$0x1] =	stream.linear.gather [hbm4b:s17+s1], $0x80, $0x38;
	[tilespmem:$0x3800] =	vst v63  }
0x63: {  	s17 =	sand.u32 $0x1FFFFFF0, s21;
	s21 =	spop (v2sf);
	(v2sf) =	vpush v3, $0x7;
	_ =	sdelay $0x1  }
0x64: {  	s22 =	simm.s32 $0x1800;
	s17 =	sadd.s32 s4, s17  }
0x65: {  	[tilespmem:s22], [sflag:$0x1] =	stream.linear.gather [hbm4b:s17+s1], $0x80, $0x38;
	[tilespmem:$0x3800] =	vst v63  }
0x66: {  	s17 =	sand.u32 $0x1FFFFFF0, s23  }
0x67: {  	s24 =	simm.s32 $0x2800;
	s17 =	sadd.s32 s4, s17;
	s23 =	spop (v2sf);
	(v2sf) =	vpush v2, $0x7  }
0x68: {  	[tilespmem:s24], [sflag:$0x1] =	stream.linear.gather [hbm4b:s17+s1], $0x80, $0x38;
	[tilespmem:$0x3800] =	vst v63  }
0x69: {  	s17 =	sand.u32 $0x1FFFFFF0, s25;
	s25 =	spop (v2sf);
	(v2sf) =	vpush v1, $0x7  }
0x6a: {  	s26 =	simm.s32 $0x880;
	s17 =	sadd.s32 s3, s17  }
0x6b: {  	[tilespmem:s26], [sflag:$0x1] =	stream.linear.gather [hbm4b:s17+s1], $0x80, $0x38;
	[tilespmem:$0x3800] =	vst v63  }
0x6c: {  	s17 =	sand.u32 $0x1FFFFFF0, s19  }
0x6d: {  	s20 =	simm.s32 $0x1880;
	s17 =	sadd.s32 s4, s17  }
0x6e: {  	[tilespmem:s20], [sflag:$0x1] =	stream.linear.gather [hbm4b:s17+s1], $0x80, $0x38;
	[tilespmem:$0x3800] =	vst v63  }
0x6f: {  	s19 =	spop (v2sf);
	(v2sf) =	vpush v3, $0x8  }
0x70: {  	s17 =	sand.u32 $0x1FFFFFF0, s21  }
0x71: {  	s22 =	simm.s32 $0x2880;
	s17 =	sadd.s32 s4, s17;
	s21 =	spop (v2sf);
	(v2sf) =	vpush v2, $0x8  }
0x72: {  	[tilespmem:s22], [sflag:$0x1] =	stream.linear.gather [hbm4b:s17+s1], $0x80, $0x38;
	[tilespmem:$0x3800] =	vst v63  }
0x73: {  	s17 =	sand.u32 $0x1FFFFFF0, s23  }
0x74: {  	s24 =	simm.s32 $0x900;
	s17 =	sadd.s32 s3, s17  }
0x75: {  	[tilespmem:s24], [sflag:$0x1] =	stream.linear.gather [hbm4b:s17+s1], $0x80, $0x38;
	[tilespmem:$0x3800] =	vst v63  }
0x76: {  	s23 =	spop (v2sf);
	(v2sf) =	vpush v1, $0x8  }
0x77: {  	s17 =	sand.u32 $0x1FFFFFF0, s25  }
0x78: {  	s26 =	simm.s32 $0x1900;
	s17 =	sadd.s32 s4, s17;
	s25 =	spop (v2sf);
	(v2sf) =	vpush v3, $0x9  }
0x79: {  	[tilespmem:s26], [sflag:$0x1] =	stream.linear.gather [hbm4b:s17+s1], $0x80, $0x38;
	[tilespmem:$0x3800] =	vst v63  }
0x7a: {  	s17 =	sand.u32 $0x1FFFFFF0, s19  }
0x7b: {  	s20 =	simm.s32 $0x2900;
	s17 =	sadd.s32 s4, s17  }
0x7c: {  	[tilespmem:s20], [sflag:$0x1] =	stream.linear.gather [hbm4b:s17+s1], $0x80, $0x38;
	[tilespmem:$0x3800] =	vst v63  }
0x7d: {  	s17 =	sand.u32 $0x1FFFFFF0, s21  }
0x7e: {  	s22 =	simm.s32 $0x980;
	s17 =	sadd.s32 s3, s17;
	s19 =	spop (v2sf);
	(v2sf) =	vpush v2, $0x9  }
0x7f: {  	[tilespmem:s22], [sflag:$0x1] =	stream.linear.gather [hbm4b:s17+s1], $0x80, $0x38;
	[tilespmem:$0x3800] =	vst v63  }
0x80: {  	s21 =	spop (v2sf);
	(v2sf) =	vpush v1, $0x9  }
0x81: {  	s17 =	sand.u32 $0x1FFFFFF0, s23  }
0x82: {  	s24 =	simm.s32 $0x1980;
	s17 =	sadd.s32 s4, s17  }
0x83: {  	[tilespmem:s24], [sflag:$0x1] =	stream.linear.gather [hbm4b:s17+s1], $0x80, $0x38;
	[tilespmem:$0x3800] =	vst v63  }
0x84: {  	s17 =	sand.u32 $0x1FFFFFF0, s25  }
0x85: {  	s26 =	simm.s32 $0x2980;
	s17 =	sadd.s32 s4, s17;
	s23 =	spop (v2sf);
	(v2sf) =	vpush v3, $0xA  }
0x86: {  	[tilespmem:s26], [sflag:$0x1] =	stream.linear.gather [hbm4b:s17+s1], $0x80, $0x38;
	[tilespmem:$0x3800] =	vst v63  }
0x87: {  	s17 =	sand.u32 $0x1FFFFFF0, s19;
	s25 =	spop (v2sf);
	(v2sf) =	vpush v2, $0xA  }
0x88: {  	s20 =	simm.s32 $0xA00;
	s17 =	sadd.s32 s3, s17  }
0x89: {  	[tilespmem:s20], [sflag:$0x1] =	stream.linear.gather [hbm4b:s17+s1], $0x80, $0x38;
	[tilespmem:$0x3800] =	vst v63  }
0x8a: {  	s17 =	sand.u32 $0x1FFFFFF0, s21  }
0x8b: {  	s22 =	simm.s32 $0x1A00;
	s17 =	sadd.s32 s4, s17  }
0x8c: {  	[tilespmem:s22], [sflag:$0x1] =	stream.linear.gather [hbm4b:s17+s1], $0x80, $0x38;
	[tilespmem:$0x3800] =	vst v63  }
0x8d: {  	s19 =	spop (v2sf);
	(v2sf) =	vpush v1, $0xA  }
0x8e: {  	s17 =	sand.u32 $0x1FFFFFF0, s23  }
0x8f: {  	s24 =	simm.s32 $0x2A00;
	s17 =	sadd.s32 s4, s17;
	s21 =	spop (v2sf);
	(v2sf) =	vpush v3, $0xB  }
0x90: {  	[tilespmem:s24], [sflag:$0x1] =	stream.linear.gather [hbm4b:s17+s1], $0x80, $0x38;
	[tilespmem:$0x3800] =	vst v63  }
0x91: {  	s17 =	sand.u32 $0x1FFFFFF0, s25  }
0x92: {  	s26 =	simm.s32 $0xA80;
	s17 =	sadd.s32 s3, s17  }
0x93: {  	[tilespmem:s26], [sflag:$0x1] =	stream.linear.gather [hbm4b:s17+s1], $0x80, $0x38;
	[tilespmem:$0x3800] =	vst v63  }
0x94: {  	s23 =	spop (v2sf);
	(v2sf) =	vpush v2, $0xB  }
0x95: {  	s17 =	sand.u32 $0x1FFFFFF0, s19  }
0x96: {  	s20 =	simm.s32 $0x1A80;
	s17 =	sadd.s32 s4, s17;
	s25 =	spop (v2sf);
	(v2sf) =	vpush v1, $0xB  }
0x97: {  	[tilespmem:s20], [sflag:$0x1] =	stream.linear.gather [hbm4b:s17+s1], $0x80, $0x38;
	[tilespmem:$0x3800] =	vst v63  }
0x98: {  	s17 =	sand.u32 $0x1FFFFFF0, s21  }
0x99: {  	s22 =	simm.s32 $0x2A80;
	s17 =	sadd.s32 s4, s17  }
0x9a: {  	[tilespmem:s22], [sflag:$0x1] =	stream.linear.gather [hbm4b:s17+s1], $0x80, $0x38;
	[tilespmem:$0x3800] =	vst v63  }
0x9b: {  	s17 =	sand.u32 $0x1FFFFFF0, s23  }
0x9c: {  	s24 =	simm.s32 $0xB00;
	s17 =	sadd.s32 s3, s17;
	s19 =	spop (v2sf);
	(v2sf) =	vpush v3, $0xC  }
0x9d: {  	[tilespmem:s24], [sflag:$0x1] =	stream.linear.gather [hbm4b:s17+s1], $0x80, $0x38;
	[tilespmem:$0x3800] =	vst v63  }
0x9e: {  	s21 =	spop (v2sf);
	(v2sf) =	vpush v2, $0xC  }
0x9f: {  	s17 =	sand.u32 $0x1FFFFFF0, s25  }
0xa0: {  	s26 =	simm.s32 $0x1B00;
	s17 =	sadd.s32 s4, s17  }
0xa1: {  	[tilespmem:s26], [sflag:$0x1] =	stream.linear.gather [hbm4b:s17+s1], $0x80, $0x38;
	[tilespmem:$0x3800] =	vst v63  }
0xa2: {  	s17 =	sand.u32 $0x1FFFFFF0, s19  }
0xa3: {  	s20 =	simm.s32 $0x2B00;
	s17 =	sadd.s32 s4, s17;
	s23 =	spop (v2sf);
	(v2sf) =	vpush v1, $0xC  }
0xa4: {  	[tilespmem:s20], [sflag:$0x1] =	stream.linear.gather [hbm4b:s17+s1], $0x80, $0x38;
	[tilespmem:$0x3800] =	vst v63  }
0xa5: {  	s17 =	sand.u32 $0x1FFFFFF0, s21;
	s25 =	spop (v2sf);
	(v2sf) =	vpush v3, $0xD  }
0xa6: {  	s22 =	simm.s32 $0xB80;
	s17 =	sadd.s32 s3, s17  }
0xa7: {  	[tilespmem:s22], [sflag:$0x1] =	stream.linear.gather [hbm4b:s17+s1], $0x80, $0x38;
	[tilespmem:$0x3800] =	vst v63  }
0xa8: {  	s17 =	sand.u32 $0x1FFFFFF0, s23  }
0xa9: {  	s24 =	simm.s32 $0x1B80;
	s17 =	sadd.s32 s4, s17  }
0xaa: {  	[tilespmem:s24], [sflag:$0x1] =	stream.linear.gather [hbm4b:s17+s1], $0x80, $0x38;
	[tilespmem:$0x3800] =	vst v63  }
0xab: {  	s19 =	spop (v2sf);
	(v2sf) =	vpush v2, $0xD  }
0xac: {  	s17 =	sand.u32 $0x1FFFFFF0, s25  }
0xad: {  	s26 =	simm.s32 $0x2B80;
	s17 =	sadd.s32 s4, s17;
	s21 =	spop (v2sf);
	(v2sf) =	vpush v1, $0xD  }
0xae: {  	[tilespmem:s26], [sflag:$0x1] =	stream.linear.gather [hbm4b:s17+s1], $0x80, $0x38;
	[tilespmem:$0x3800] =	vst v63  }
0xaf: {  	s17 =	sand.u32 $0x1FFFFFF0, s19  }
0xb0: {  	s20 =	simm.s32 $0xC00;
	s17 =	sadd.s32 s3, s17  }
0xb1: {  	[tilespmem:s20], [sflag:$0x1] =	stream.linear.gather [hbm4b:s17+s1], $0x80, $0x38;
	[tilespmem:$0x3800] =	vst v63  }
0xb2: {  	s23 =	spop (v2sf);
	(v2sf) =	vpush v3, $0xE  }
0xb3: {  	s17 =	sand.u32 $0x1FFFFFF0, s21  }
0xb4: {  	s22 =	simm.s32 $0x1C00;
	s17 =	sadd.s32 s4, s17;
	s25 =	spop (v2sf);
	(v2sf) =	vpush v2, $0xE  }
0xb5: {  	[tilespmem:s22], [sflag:$0x1] =	stream.linear.gather [hbm4b:s17+s1], $0x80, $0x38;
	[tilespmem:$0x3800] =	vst v63  }
0xb6: {  	s17 =	sand.u32 $0x1FFFFFF0, s23  }
0xb7: {  	s24 =	simm.s32 $0x2C00;
	s17 =	sadd.s32 s4, s17  }
0xb8: {  	[tilespmem:s24], [sflag:$0x1] =	stream.linear.gather [hbm4b:s17+s1], $0x80, $0x38;
	[tilespmem:$0x3800] =	vst v63  }
0xb9: {  	s17 =	sand.u32 $0x1FFFFFF0, s25  }
0xba: {  	s26 =	simm.s32 $0xC80;
	s17 =	sadd.s32 s3, s17;
	s19 =	spop (v2sf);
	(v2sf) =	vpush v1, $0xE  }
0xbb: {  	[tilespmem:s26], [sflag:$0x1] =	stream.linear.gather [hbm4b:s17+s1], $0x80, $0x38;
	[tilespmem:$0x3800] =	vst v63  }
0xbc: {  	s21 =	spop (v2sf);
	(v2sf) =	vpush v3, $0xF  }
0xbd: {  	s17 =	sand.u32 $0x1FFFFFF0, s19  }
0xbe: {  	s20 =	simm.s32 $0x1C80;
	s17 =	sadd.s32 s4, s17  }
0xbf: {  	[tilespmem:s20], [sflag:$0x1] =	stream.linear.gather [hbm4b:s17+s1], $0x80, $0x38;
	[tilespmem:$0x3800] =	vst v63  }
0xc0: {  	s17 =	sand.u32 $0x1FFFFFF0, s21  }
0xc1: {  	s22 =	simm.s32 $0x2C80;
	s17 =	sadd.s32 s4, s17;
	s23 =	spop (v2sf);
	(v2sf) =	vpush v2, $0xF  }
0xc2: {  	[tilespmem:s22], [sflag:$0x1] =	stream.linear.gather [hbm4b:s17+s1], $0x80, $0x38;
	[tilespmem:$0x3800] =	vst v63  }
0xc3: {  	s17 =	sand.u32 $0x1FFFFFF0, s23;
	s25 =	spop (v2sf);
	(v2sf) =	vpush v1, $0xF  }
0xc4: {  	s24 =	simm.s32 $0xD00;
	s17 =	sadd.s32 s3, s17  }
0xc5: {  	[tilespmem:s24], [sflag:$0x1] =	stream.linear.gather [hbm4b:s17+s1], $0x80, $0x38;
	[tilespmem:$0x3800] =	vst v63  }
0xc6: {  	s17 =	sand.u32 $0x1FFFFFF0, s25  }
0xc7: {  	s26 =	simm.s32 $0x1D00;
	s17 =	sadd.s32 s4, s17  }
0xc8: {  	[tilespmem:s26], [sflag:$0x1] =	stream.linear.gather [hbm4b:s17+s1], $0x80, $0x38;
	[tilespmem:$0x3800] =	vst v63  }
0xc9: {  	s19 =	spop (v2sf)  }
0xca: {  	s17 =	sand.u32 $0x1FFFFFF0, s19  }
0xcb: {  	s20 =	simm.s32 $0x2D00;
	s21 =	spop (v2sf);
	s17 =	sadd.s32 s4, s17  }
0xcc: {  	[tilespmem:s20], [sflag:$0x1] =	stream.linear.gather [hbm4b:s17+s1], $0x80, $0x38;
	[tilespmem:$0x3800] =	vst v63  }
0xcd: {  	s17 =	sand.u32 $0x1FFFFFF0, s21  }
0xce: {  	s22 =	simm.s32 $0xD80;
	s17 =	sadd.s32 s3, s17  }
0xcf: {  	[tilespmem:s22], [sflag:$0x1] =	stream.linear.gather [hbm4b:s17+s1], $0x80, $0x38;
	[tilespmem:$0x3800] =	vst v63  }
0xd0: {  	s23 =	spop (v2sf)  }
0xd1: {  	s17 =	sand.u32 $0x1FFFFFF0, s23  }
0xd2: {  	s24 =	simm.s32 $0x1D80;
	s25 =	spop (v2sf);
	s17 =	sadd.s32 s4, s17  }
0xd3: {  	[tilespmem:s24], [sflag:$0x1] =	stream.linear.gather [hbm4b:s17+s1], $0x80, $0x38;
	[tilespmem:$0x3800] =	vst v63  }
0xd4: {  	s17 =	sand.u32 $0x1FFFFFF0, s25  }
0xd5: {  	s26 =	simm.s32 $0x2D80;
	s17 =	sadd.s32 s4, s17  }
0xd6: {  	[tilespmem:s26], [sflag:$0x1] =	stream.linear.gather [hbm4b:s17+s1], $0x80, $0x38;
	[tilespmem:$0x3800] =	vst v63  }
0xd7: {  	v1 =	vld [tilespmem:$0x10];
	_ =	sdelay $0x1  }
0xd8: {  	v2 =	vld [tilespmem:$0x210];
	_ =	sdelay $0x2  }
0xd9: {  	v3 =	vshll.u32 v1, $0x4  }
0xda: {  	(v2sf) =	vpush v3, $0x0  }
0xdb: {  	v1 =	vld [tilespmem:$0x410];
	v2 =	vshll.u32 v2, $0x4  }
0xdc: {  	(v2sf) =	vpush v2, $0x0;
	_ =	sdelay $0x3  }
0xdd: {  	v1 =	vshll.u32 v1, $0x4  }
0xde: {  	(v2sf) =	vpush v1, $0x0;
	_ =	sdelay $0x1  }
0xdf: {  	(v2sf) =	vpush v3, $0x1;
	_ =	sdelay $0x5  }
0xe0: {  	s18 =	spop (v2sf);
	(v2sf) =	vpush v2, $0x1;
	_ =	sdelay $0x1  }
0xe1: {  	s19 =	spop (v2sf);
	(v2sf) =	vpush v1, $0x1;
	_ =	sdelay $0x4  }
0xe2: {  	s20 =	spop (v2sf);
	(v2sf) =	vpush v3, $0x2;
	_ =	sdelay $0x1  }
0xe3: {  	s21 =	spop (v2sf);
	(v2sf) =	vpush v2, $0x2;
	_ =	sdelay $0x4  }
0xe4: {  	s17 =	sand.u32 $0x1FFFFFF0, s18  }
0xe5: {  	s17 =	sadd.s32 s3, s17;
	s23 =	spop (v2sf);
	(v2sf) =	vpush v1, $0x2  }
0xe6: {  	[tilespmem:s6], [sflag:$0x2] =	stream.linear.gather [hbm4b:s17+s1], $0x80, $0x38;
	[tilespmem:$0x3800] =	vst v63  }
0xe7: {  	s25 =	spop (v2sf);
	(v2sf) =	vpush v3, $0x3  }
0xe8: {  	s17 =	sand.u32 $0x1FFFFFF0, s19  }
0xe9: {  	s17 =	sadd.s32 s4, s17  }
0xea: {  	[tilespmem:s7], [sflag:$0x2] =	stream.linear.gather [hbm4b:s17+s1], $0x80, $0x38;
	[tilespmem:$0x3800] =	vst v63  }
0xeb: {  	s17 =	sand.u32 $0x1FFFFFF0, s20  }
0xec: {  	s17 =	sadd.s32 s4, s17;
	s19 =	spop (v2sf);
	(v2sf) =	vpush v2, $0x3  }
0xed: {  	[tilespmem:s8], [sflag:$0x2] =	stream.linear.gather [hbm4b:s17+s1], $0x80, $0x38;
	[tilespmem:$0x3800] =	vst v63  }
0xee: {  	s17 =	sand.u32 $0x1FFFFFF0, s21;
	s21 =	spop (v2sf);
	(v2sf) =	vpush v1, $0x3;
	_ =	sdelay $0x2  }
0xef: {  	s22 =	simm.s32 $0xE80;
	s17 =	sadd.s32 s3, s17  }
0xf0: {  	[tilespmem:s22], [sflag:$0x2] =	stream.linear.gather [hbm4b:s17+s1], $0x80, $0x38;
	[tilespmem:$0x3800] =	vst v63  }
0xf1: {  	s17 =	sand.u32 $0x1FFFFFF0, s23  }
0xf2: {  	s24 =	simm.s32 $0x1E80;
	s17 =	sadd.s32 s4, s17;
	s23 =	spop (v2sf);
	(v2sf) =	vpush v3, $0x4  }
0xf3: {  	[tilespmem:s24], [sflag:$0x2] =	stream.linear.gather [hbm4b:s17+s1], $0x80, $0x38;
	[tilespmem:$0x3800] =	vst v63  }
0xf4: {  	s17 =	sand.u32 $0x1FFFFFF0, s25;
	s25 =	spop (v2sf);
	(v2sf) =	vpush v2, $0x4;
	_ =	sdelay $0x1  }
0xf5: {  	s26 =	simm.s32 $0x2E80;
	s17 =	sadd.s32 s4, s17  }
0xf6: {  	[tilespmem:s26], [sflag:$0x2] =	stream.linear.gather [hbm4b:s17+s1], $0x80, $0x38;
	[tilespmem:$0x3800] =	vst v63  }
0xf7: {  	s17 =	sand.u32 $0x1FFFFFF0, s19  }
0xf8: {  	s20 =	simm.s32 $0xF00;
	s17 =	sadd.s32 s3, s17;
	s19 =	spop (v2sf);
	(v2sf) =	vpush v1, $0x4  }
0xf9: {  	[tilespmem:s20], [sflag:$0x2] =	stream.linear.gather [hbm4b:s17+s1], $0x80, $0x38;
	[tilespmem:$0x3800] =	vst v63  }
0xfa: {  	s17 =	sand.u32 $0x1FFFFFF0, s21;
	s21 =	spop (v2sf);
	(v2sf) =	vpush v3, $0x5;
	_ =	sdelay $0x2  }
0xfb: {  	s22 =	simm.s32 $0x1F00;
	s17 =	sadd.s32 s4, s17  }
0xfc: {  	[tilespmem:s22], [sflag:$0x2] =	stream.linear.gather [hbm4b:s17+s1], $0x80, $0x38;
	[tilespmem:$0x3800] =	vst v63  }
0xfd: {  	s17 =	sand.u32 $0x1FFFFFF0, s23  }
0xfe: {  	s24 =	simm.s32 $0x2F00;
	s17 =	sadd.s32 s4, s17;
	s23 =	spop (v2sf);
	(v2sf) =	vpush v2, $0x5  }
0xff: {  	[tilespmem:s24], [sflag:$0x2] =	stream.linear.gather [hbm4b:s17+s1], $0x80, $0x38;
	[tilespmem:$0x3800] =	vst v63  }
0x100: {  	s17 =	sand.u32 $0x1FFFFFF0, s25;
	s25 =	spop (v2sf);
	(v2sf) =	vpush v1, $0x5;
	_ =	sdelay $0x1  }
0x101: {  	s26 =	simm.s32 $0xF80;
	s17 =	sadd.s32 s3, s17  }
0x102: {  	[tilespmem:s26], [sflag:$0x2] =	stream.linear.gather [hbm4b:s17+s1], $0x80, $0x38;
	[tilespmem:$0x3800] =	vst v63  }
0x103: {  	s17 =	sand.u32 $0x1FFFFFF0, s19  }
0x104: {  	s20 =	simm.s32 $0x1F80;
	s17 =	sadd.s32 s4, s17;
	s19 =	spop (v2sf);
	(v2sf) =	vpush v3, $0x6  }
0x105: {  	[tilespmem:s20], [sflag:$0x2] =	stream.linear.gather [hbm4b:s17+s1], $0x80, $0x38;
	[tilespmem:$0x3800] =	vst v63  }
0x106: {  	s17 =	sand.u32 $0x1FFFFFF0, s21;
	s21 =	spop (v2sf);
	(v2sf) =	vpush v2, $0x6;
	_ =	sdelay $0x2  }
0x107: {  	s22 =	simm.s32 $0x2F80;
	s17 =	sadd.s32 s4, s17  }
0x108: {  	[tilespmem:s22], [sflag:$0x2] =	stream.linear.gather [hbm4b:s17+s1], $0x80, $0x38;
	[tilespmem:$0x3800] =	vst v63  }
0x109: {  	s17 =	sand.u32 $0x1FFFFFF0, s23  }
0x10a: {  	s24 =	simm.s32 $0x1000;
	s17 =	sadd.s32 s3, s17;
	s23 =	spop (v2sf);
	(v2sf) =	vpush v1, $0x6  }
0x10b: {  	[tilespmem:s24], [sflag:$0x2] =	stream.linear.gather [hbm4b:s17+s1], $0x80, $0x38;
	[tilespmem:$0x3800] =	vst v63  }
0x10c: {  	s17 =	sand.u32 $0x1FFFFFF0, s25;
	s25 =	spop (v2sf);
	(v2sf) =	vpush v3, $0x7;
	_ =	sdelay $0x1  }
0x10d: {  	s26 =	simm.s32 $0x2000;
	s17 =	sadd.s32 s4, s17  }
0x10e: {  	[tilespmem:s26], [sflag:$0x2] =	stream.linear.gather [hbm4b:s17+s1], $0x80, $0x38;
	[tilespmem:$0x3800] =	vst v63  }
0x10f: {  	s17 =	sand.u32 $0x1FFFFFF0, s19  }
0x110: {  	s20 =	simm.s32 $0x3000;
	s17 =	sadd.s32 s4, s17;
	s19 =	spop (v2sf);
	(v2sf) =	vpush v2, $0x7  }
0x111: {  	[tilespmem:s20], [sflag:$0x2] =	stream.linear.gather [hbm4b:s17+s1], $0x80, $0x38;
	[tilespmem:$0x3800] =	vst v63  }
0x112: {  	s17 =	sand.u32 $0x1FFFFFF0, s21;
	s21 =	spop (v2sf);
	(v2sf) =	vpush v1, $0x7  }
0x113: {  	s22 =	simm.s32 $0x1080;
	s17 =	sadd.s32 s3, s17  }
0x114: {  	[tilespmem:s22], [sflag:$0x2] =	stream.linear.gather [hbm4b:s17+s1], $0x80, $0x38;
	[tilespmem:$0x3800] =	vst v63  }
0x115: {  	s17 =	sand.u32 $0x1FFFFFF0, s23  }
0x116: {  	s24 =	simm.s32 $0x2080;
	s17 =	sadd.s32 s4, s17  }
0x117: {  	[tilespmem:s24], [sflag:$0x2] =	stream.linear.gather [hbm4b:s17+s1], $0x80, $0x38;
	[tilespmem:$0x3800] =	vst v63  }
0x118: {  	s23 =	spop (v2sf);
	(v2sf) =	vpush v3, $0x8  }
0x119: {  	s17 =	sand.u32 $0x1FFFFFF0, s25  }
0x11a: {  	s26 =	simm.s32 $0x3080;
	s17 =	sadd.s32 s4, s17;
	s25 =	spop (v2sf);
	(v2sf) =	vpush v2, $0x8  }
0x11b: {  	[tilespmem:s26], [sflag:$0x2] =	stream.linear.gather [hbm4b:s17+s1], $0x80, $0x38;
	[tilespmem:$0x3800] =	vst v63  }
0x11c: {  	s17 =	sand.u32 $0x1FFFFFF0, s19  }
0x11d: {  	s20 =	simm.s32 $0x1100;
	s17 =	sadd.s32 s3, s17  }
0x11e: {  	[tilespmem:s20], [sflag:$0x2] =	stream.linear.gather [hbm4b:s17+s1], $0x80, $0x38;
	[tilespmem:$0x3800] =	vst v63  }
0x11f: {  	s19 =	spop (v2sf);
	(v2sf) =	vpush v1, $0x8  }
0x120: {  	s17 =	sand.u32 $0x1FFFFFF0, s21  }
0x121: {  	s22 =	simm.s32 $0x2100;
	s17 =	sadd.s32 s4, s17;
	s21 =	spop (v2sf);
	(v2sf) =	vpush v3, $0x9  }
0x122: {  	[tilespmem:s22], [sflag:$0x2] =	stream.linear.gather [hbm4b:s17+s1], $0x80, $0x38;
	[tilespmem:$0x3800] =	vst v63  }
0x123: {  	s17 =	sand.u32 $0x1FFFFFF0, s23  }
0x124: {  	s24 =	simm.s32 $0x3100;
	s17 =	sadd.s32 s4, s17  }
0x125: {  	[tilespmem:s24], [sflag:$0x2] =	stream.linear.gather [hbm4b:s17+s1], $0x80, $0x38;
	[tilespmem:$0x3800] =	vst v63  }
0x126: {  	s17 =	sand.u32 $0x1FFFFFF0, s25  }
0x127: {  	s26 =	simm.s32 $0x1180;
	s17 =	sadd.s32 s3, s17;
	s23 =	spop (v2sf);
	(v2sf) =	vpush v2, $0x9  }
0x128: {  	[tilespmem:s26], [sflag:$0x2] =	stream.linear.gather [hbm4b:s17+s1], $0x80, $0x38;
	[tilespmem:$0x3800] =	vst v63  }
0x129: {  	s25 =	spop (v2sf);
	(v2sf) =	vpush v1, $0x9  }
0x12a: {  	s17 =	sand.u32 $0x1FFFFFF0, s19  }
0x12b: {  	s20 =	simm.s32 $0x2180;
	s17 =	sadd.s32 s4, s17  }
0x12c: {  	[tilespmem:s20], [sflag:$0x2] =	stream.linear.gather [hbm4b:s17+s1], $0x80, $0x38;
	[tilespmem:$0x3800] =	vst v63  }
0x12d: {  	s17 =	sand.u32 $0x1FFFFFF0, s21  }
0x12e: {  	s22 =	simm.s32 $0x3180;
	s17 =	sadd.s32 s4, s17;
	s19 =	spop (v2sf);
	(v2sf) =	vpush v3, $0xA  }
0x12f: {  	[tilespmem:s22], [sflag:$0x2] =	stream.linear.gather [hbm4b:s17+s1], $0x80, $0x38;
	[tilespmem:$0x3800] =	vst v63  }
0x130: {  	s17 =	sand.u32 $0x1FFFFFF0, s23;
	s21 =	spop (v2sf);
	(v2sf) =	vpush v2, $0xA  }
0x131: {  	s24 =	simm.s32 $0x1200;
	s17 =	sadd.s32 s3, s17  }
0x132: {  	[tilespmem:s24], [sflag:$0x2] =	stream.linear.gather [hbm4b:s17+s1], $0x80, $0x38;
	[tilespmem:$0x3800] =	vst v63  }
0x133: {  	s17 =	sand.u32 $0x1FFFFFF0, s25  }
0x134: {  	s26 =	simm.s32 $0x2200;
	s17 =	sadd.s32 s4, s17  }
0x135: {  	[tilespmem:s26], [sflag:$0x2] =	stream.linear.gather [hbm4b:s17+s1], $0x80, $0x38;
	[tilespmem:$0x3800] =	vst v63  }
0x136: {  	s23 =	spop (v2sf);
	(v2sf) =	vpush v1, $0xA  }
0x137: {  	s17 =	sand.u32 $0x1FFFFFF0, s19  }
0x138: {  	s20 =	simm.s32 $0x3200;
	s17 =	sadd.s32 s4, s17;
	s25 =	spop (v2sf);
	(v2sf) =	vpush v3, $0xB  }
0x139: {  	[tilespmem:s20], [sflag:$0x2] =	stream.linear.gather [hbm4b:s17+s1], $0x80, $0x38;
	[tilespmem:$0x3800] =	vst v63  }
0x13a: {  	s17 =	sand.u32 $0x1FFFFFF0, s21  }
0x13b: {  	s22 =	simm.s32 $0x1280;
	s17 =	sadd.s32 s3, s17  }
0x13c: {  	[tilespmem:s22], [sflag:$0x2] =	stream.linear.gather [hbm4b:s17+s1], $0x80, $0x38;
	[tilespmem:$0x3800] =	vst v63  }
0x13d: {  	s19 =	spop (v2sf);
	(v2sf) =	vpush v2, $0xB  }
0x13e: {  	s17 =	sand.u32 $0x1FFFFFF0, s23  }
0x13f: {  	s24 =	simm.s32 $0x2280;
	s17 =	sadd.s32 s4, s17;
	s21 =	spop (v2sf);
	(v2sf) =	vpush v1, $0xB  }
0x140: {  	[tilespmem:s24], [sflag:$0x2] =	stream.linear.gather [hbm4b:s17+s1], $0x80, $0x38;
	[tilespmem:$0x3800] =	vst v63  }
0x141: {  	s17 =	sand.u32 $0x1FFFFFF0, s25  }
0x142: {  	s26 =	simm.s32 $0x3280;
	s17 =	sadd.s32 s4, s17  }
0x143: {  	[tilespmem:s26], [sflag:$0x2] =	stream.linear.gather [hbm4b:s17+s1], $0x80, $0x38;
	[tilespmem:$0x3800] =	vst v63  }
0x144: {  	s17 =	sand.u32 $0x1FFFFFF0, s19  }
0x145: {  	s20 =	simm.s32 $0x1300;
	s17 =	sadd.s32 s3, s17;
	s23 =	spop (v2sf);
	(v2sf) =	vpush v3, $0xC  }
0x146: {  	[tilespmem:s20], [sflag:$0x2] =	stream.linear.gather [hbm4b:s17+s1], $0x80, $0x38;
	[tilespmem:$0x3800] =	vst v63  }
0x147: {  	s25 =	spop (v2sf);
	(v2sf) =	vpush v2, $0xC  }
0x148: {  	s17 =	sand.u32 $0x1FFFFFF0, s21  }
0x149: {  	s22 =	simm.s32 $0x2300;
	s17 =	sadd.s32 s4, s17  }
0x14a: {  	[tilespmem:s22], [sflag:$0x2] =	stream.linear.gather [hbm4b:s17+s1], $0x80, $0x38;
	[tilespmem:$0x3800] =	vst v63  }
0x14b: {  	s17 =	sand.u32 $0x1FFFFFF0, s23  }
0x14c: {  	s24 =	simm.s32 $0x3300;
	s17 =	sadd.s32 s4, s17;
	s18 =	spop (v2sf);
	(v2sf) =	vpush v1, $0xC  }
0x14d: {  	[tilespmem:s24], [sflag:$0x2] =	stream.linear.gather [hbm4b:s17+s1], $0x80, $0x38;
	[tilespmem:$0x3800] =	vst v63  }
0x14e: {  	s17 =	sand.u32 $0x1FFFFFF0, s25;
	s20 =	spop (v2sf);
	(v2sf) =	vpush v3, $0xD  }
0x14f: {  	s26 =	simm.s32 $0x1380;
	s17 =	sadd.s32 s3, s17  }
0x150: {  	[tilespmem:s26], [sflag:$0x2] =	stream.linear.gather [hbm4b:s17+s1], $0x80, $0x38;
	[tilespmem:$0x3800] =	vst v63  }
0x151: {  	s17 =	sand.u32 $0x1FFFFFF0, s18  }
0x152: {  	s19 =	simm.s32 $0x2380;
	s17 =	sadd.s32 s4, s17  }
0x153: {  	[tilespmem:s19], [sflag:$0x2] =	stream.linear.gather [hbm4b:s17+s1], $0x80, $0x38;
	[tilespmem:$0x3800] =	vst v63  }
0x154: {  	s22 =	spop (v2sf);
	(v2sf) =	vpush v2, $0xD  }
0x155: {  	s17 =	sand.u32 $0x1FFFFFF0, s20  }
0x156: {  	s21 =	simm.s32 $0x3380;
	s17 =	sadd.s32 s4, s17;
	s24 =	spop (v2sf);
	(v2sf) =	vpush v1, $0xD  }
0x157: {  	[tilespmem:s21], [sflag:$0x2] =	stream.linear.gather [hbm4b:s17+s1], $0x80, $0x38;
	[tilespmem:$0x3800] =	vst v63  }
0x158: {  	s17 =	sand.u32 $0x1FFFFFF0, s22  }
0x159: {  	s23 =	simm.s32 $0x1400;
	s17 =	sadd.s32 s3, s17  }
0x15a: {  	[tilespmem:s23], [sflag:$0x2] =	stream.linear.gather [hbm4b:s17+s1], $0x80, $0x38;
	[tilespmem:$0x3800] =	vst v63  }
0x15b: {  	s26 =	spop (v2sf);
	(v2sf) =	vpush v3, $0xE  }
0x15c: {  	s17 =	sand.u32 $0x1FFFFFF0, s24  }
0x15d: {  	s25 =	simm.s32 $0x2400;
	s17 =	sadd.s32 s4, s17;
	s18 =	spop (v2sf);
	(v2sf) =	vpush v2, $0xE  }
0x15e: {  	[tilespmem:s25], [sflag:$0x2] =	stream.linear.gather [hbm4b:s17+s1], $0x80, $0x38;
	[tilespmem:$0x3800] =	vst v63  }
0x15f: {  	s17 =	sand.u32 $0x1FFFFFF0, s26  }
0x160: {  	s17 =	sadd.s32 s4, s17  }
0x161: {  	[tilespmem:s28], [sflag:$0x2] =	stream.linear.gather [hbm4b:s17+s1], $0x80, $0x38;
	[tilespmem:$0x3800] =	vst v63  }
0x162: {  	s17 =	sand.u32 $0x1FFFFFF0, s18  }
0x163: {  	s17 =	sadd.s32 s3, s17;
	s19 =	spop (v2sf);
	(v2sf) =	vpush v1, $0xE  }
0x164: {  	[tilespmem:s29], [sflag:$0x2] =	stream.linear.gather [hbm4b:s17+s1], $0x80, $0x38;
	[tilespmem:$0x3800] =	vst v63  }
0x165: {  	s20 =	spop (v2sf);
	(v2sf) =	vpush v3, $0xF  }
0x166: {  	s17 =	sand.u32 $0x1FFFFFF0, s19  }
0x167: {  	s17 =	sadd.s32 s4, s17  }
0x168: {  	[tilespmem:s30], [sflag:$0x2] =	stream.linear.gather [hbm4b:s17+s1], $0x80, $0x38;
	[tilespmem:$0x3800] =	vst v63  }
0x169: {  	s17 =	sand.u32 $0x1FFFFFF0, s20  }
0x16a: {  	s17 =	sadd.s32 s4, s17;
	s21 =	spop (v2sf);
	(v2sf) =	vpush v2, $0xF  }
0x16b: {  	[tilespmem:s31], [sflag:$0x2] =	stream.linear.gather [hbm4b:s17+s1], $0x80, $0x38;
	[tilespmem:$0x3800] =	vst v63  }
0x16c: {  	s17 =	sand.u32 $0x1FFFFFF0, s21;
	s22 =	spop (v2sf);
	(v2sf) =	vpush v1, $0xF  }
0x16d: {  	s17 =	sadd.s32 s3, s17  }
0x16e: {  	[tilespmem:s0], [sflag:$0x2] =	stream.linear.gather [hbm4b:s17+s1], $0x80, $0x38;
	[tilespmem:$0x3800] =	vst v63  }
0x16f: {  	s17 =	sand.u32 $0x1FFFFFF0, s22  }
0x170: {  	s17 =	sadd.s32 s4, s17  }
0x171: {  	[tilespmem:s2], [sflag:$0x2] =	stream.linear.gather [hbm4b:s17+s1], $0x80, $0x38;
	[tilespmem:$0x3800] =	vst v63  }
0x172: {  	s23 =	spop (v2sf)  }
0x173: {  	s17 =	sand.u32 $0x1FFFFFF0, s23  }
0x174: {  	s24 =	spop (v2sf);
	s17 =	sadd.s32 s4, s17  }
0x175: {  	[tilespmem:s11], [sflag:$0x2] =	stream.linear.gather [hbm4b:s17+s1], $0x80, $0x38;
	[tilespmem:$0x3800] =	vst v63  }
0x176: {  	s17 =	sand.u32 $0x1FFFFFF0, s24  }
0x177: {  	s17 =	sadd.s32 s3, s17  }
0x178: {  	[tilespmem:s12], [sflag:$0x2] =	stream.linear.gather [hbm4b:s17+s1], $0x80, $0x38;
	[tilespmem:$0x3800] =	vst v63  }
0x179: {  	s25 =	spop (v2sf)  }
0x17a: {  	s17 =	sand.u32 $0x1FFFFFF0, s25  }
0x17b: {  	s26 =	spop (v2sf);
	s17 =	sadd.s32 s4, s17  }
0x17c: {  	[tilespmem:s5], [sflag:$0x2] =	stream.linear.gather [hbm4b:s17+s1], $0x80, $0x38;
	[tilespmem:$0x3800] =	vst v63  }
0x17d: {  	s17 =	sand.u32 $0x1FFFFFF0, s26  }
0x17e: {  	s17 =	sadd.s32 s4, s17  }
0x17f: {  	[tilespmem:s9], [sflag:$0x2] =	stream.linear.gather [hbm4b:s17+s1], $0x80, $0x38;
	[tilespmem:$0x3800] =	vst v63  }
0x180: {  	s17 =	simm.s32 $0x0  }
.LBB2_2:
0x181: {  	s18 =	simm.s32 $0x0  }
0x182: {  	_ =	swait.ge [sflag:s10], $0x800;
	v1 =	vmov s18  }
0x183: {  	s24 =	simm.s32 $0x5;
	[sflag:s10] =	ssyncset.done $0x0;
	v1 =	vand.u32 $0x78, v1  }
0x184: {  	s19 =	simm.s32 $0x6;
	s20 =	simm.s32 $0x2;
	[sflag:s10] =	ssyncadd.s32 $0xFFFFF800;
	v1 =	vbroadcast v1, $0x0  }
0x185: {  	s21 =	simm.s32 $0x3;
	v2 =	vmov s24;
	v3 =	vmov s19;
	v4 =	vmov s20;
	_ =	swait.ge [sflag:s10], $0x800  }
0x186: {  	s25 =	simm.s32 $0x4;
	v5 =	vmov s21;
	v3 =	vand.u32 $0x7E, v3;
	[sflag:s10] =	ssyncset.done $0x0;
	v1 =	vor.u32 v0, v1  }
0x187: {  	s26 =	simm.s32 $0x1;
	v6 =	vmov s25;
	v2 =	vand.u32 $0x7D, v2;
	v3 =	vbroadcast v3, $0x0;
	[sflag:s10] =	ssyncadd.s32 $0xFFFFF800  }
0x188: {  	v7 =	vmov s26;
	v6 =	vand.u32 $0x7C, v6;
	v2 =	vbroadcast v2, $0x0;
	_ =	swait.ge [sflag:s10], $0x800  }
0x189: {  	v5 =	vand.u32 $0x7B, v5;
	v6 =	vbroadcast v6, $0x0;
	v12 =	vor.u32 v0, v3;
	[sflag:s10] =	ssyncset.done $0x0  }
0x18a: {  	v3 =	vand.u32 $0x7A, v4;
	v4 =	vbroadcast v5, $0x0;
	v5 =	vor.u32 v0, v2;
	[sflag:s10] =	ssyncadd.s32 $0xFFFFF800  }
0x18b: {  	v2 =	vand.u32 $0x79, v7;
	v6 =	vor.u32 v0, v6;
	v7 =	vld.idx.msk [tilespmem:v1+s13+$0x0], $0xffff  }
0x18c: {  	v2 =	vbroadcast v2, $0x0;
	v4 =	vor.u32 v0, v4;
	v8 =	vld.idx.msk [tilespmem:v1+s14+$0x0], $0xffff  }
0x18d: {  	v10 =	vld.idx.msk [tilespmem:v1+s15+$0x0], $0xffff  }
0x18e: {  	v3 =	vbroadcast v3, $0x0;
	v11 =	vor.u32 v0, v2;
	v2 =	vld.idx.msk [tilespmem:v12+s13+$0x0], $0xffff  }
0x18f: {  	v1 =	vld.idx.msk [tilespmem:v5+s13+$0x0], $0xffff  }
0x190: {  	v9 =	vor.u32 v0, v3;
	v3 =	vld.idx.msk [tilespmem:v6+s13+$0x0], $0xffff  }
0x191: {  	v15 =	vld.idx.msk [tilespmem:v4+s13+$0x0], $0xffff  }
0x192: {  	v27 =	vld.idx.msk [tilespmem:v4+s14+$0x0], $0xffff  }
0x193: {  	v4 =	vld.idx.msk [tilespmem:v4+s15+$0x0], $0xffff  }
0x194: {  	s22 =	simm.s32 $0xA;
	v13 =	vld.idx.msk [tilespmem:v11+s13+$0x0], $0xffff  }
0x195: {  	v17 =	vimm.f32 $0.0e+00;
	s23 =	simm.s32 $0xB;
	s18 =	simm.s32 $0x8;
	s20 =	simm.s32 $0xD;
	v23 =	vmov s22;
	v16 =	vld.idx.msk [tilespmem:v11+s14+$0x0], $0xffff  }
0x196: {  	s21 =	simm.s32 $0xE;
	s25 =	simm.s32 $0x7;
	s24 =	simm.s32 $0xC;
	v24 =	vmov s23;
	v18 =	vmov s18;
	v19 =	vmov s20;
	v11 =	vld.idx.msk [tilespmem:v11+s15+$0x0], $0xffff  }
0x197: {  	v20 =	vmov s21;
	v22 =	vmov s25;
	v25 =	vmov s24;
	v21 =	vld.idx.msk [tilespmem:v9+s14+$0x0], $0xffff  }
0x198: {  	v23 =	vand.u32 $0x7A, v23;
	v24 =	vand.u32 $0x7B, v24;
	v22 =	vand.u32 $0x7F, v22;
	v26 =	vld.idx.msk [tilespmem:v9+s15+$0x0], $0xffff  }
0x199: {  	v14 =	vld.idx.msk [tilespmem:v9+s13+$0x0], $0xffff;
	v9 =	vand.u32 $0x78, v18;
	v8 =	vsub.f32 v8, v10;
	v10 =	vbroadcast v22, $0x0  }
0x19a: {  	v20 =	vand.u32 $0x7E, v20;
	v19 =	vand.u32 $0x7D, v19;
	v63 =	vld.idx.msk [tilespmem:v6+s14+$0x0], $0xffff;
	v9 =	vbroadcast v9, $0x0  }
0x19b: {  	s26 =	simm.s32 $0x9;
	v6 =	vld.idx.msk [tilespmem:v6+s15+$0x0], $0xffff;
	v7 =	vmul.f32 v8, v7;
	v10 =	vor.u32 v0, v10;
	v11 =	vsub.f32 v16, v11  }
0x19c: {  	v18 =	vmov s26;
	v22 =	vand.u32 $0x7C, v25;
	v8 =	vor.u32 v0, v9;
	v9 =	vld.idx.msk [tilespmem:v5+s14+$0x0], $0xffff  }
0x19d: {  	v21 =	vsub.f32 v21, v26;
	v7 =	vadd.f32 v7, v17;
	v17 =	vmul.f32 v11, v13;
	v13 =	vld.idx.msk [tilespmem:v5+s15+$0x0], $0xffff  }
0x19e: {  	v16 =	vand.u32 $0x79, v18;
	v18 =	vbroadcast v20, $0x0;
	v20 =	vsub.f32 v27, v4;
	v11 =	vld.idx.msk [tilespmem:v12+s14+$0x0], $0xffff  }
0x19f: {  	v5 =	vbroadcast v19, $0x0;
	v19 =	vmul.f32 v21, v14;
	v14 =	vld.idx.msk [tilespmem:v12+s15+$0x0], $0xffff;
	v7 =	vadd.f32 v17, v7  }
0x1a0: {  	v22 =	vbroadcast v22, $0x0;
	v4 =	vor.u32 v0, v18;
	v21 =	vbroadcast v23, $0x0;
	v12 =	vld.idx.msk [tilespmem:v10+s14+$0x0], $0xffff  }
0x1a1: {  	v18 =	vadd.f32 v19, v7;
	v19 =	vmul.f32 v20, v15;
	v20 =	vsub.f32 v63, v6;
	v15 =	vld.idx.msk [tilespmem:v10+s15+$0x0], $0xffff  }
0x1a2: {  	s19 =	simm.s32 $0x10;
	v17 =	vbroadcast v24, $0x0;
	v5 =	vor.u32 v0, v5;
	v7 =	vld.idx.msk [tilespmem:v8+s13+$0x0], $0xffff;
	v6 =	vor.u32 v0, v22  }
.LBB2_3:
0x1a3: {  	p0 =	slt.u32 s19, $0x38;
	v18 =	vadd.f32 v19, v18;
	v3 =	vmul.f32 v20, v3;
	v9 =	vsub.f32 v9, v13;
	v10 =	vld.idx.msk [tilespmem:v10+s13+$0x0], $0xffff  }
0x1a4: {  	v16 =	vbroadcast v16, $0x0;
	v17 =	vor.u32 v0, v17;
	v13 =	vld.idx.msk [tilespmem:v8+s14+$0x0], $0xffff;
	v19 =	vor.u32 v0, v21  }
0x1a5: {  	v11 =	vsub.f32 v11, v14;
	v8 =	vld.idx.msk [tilespmem:v8+s15+$0x0], $0xffff;
	v3 =	vadd.f32 v3, v18;
	v9 =	vmul.f32 v9, v1  }
0x1a6: {  	v14 =	vor.u32 v0, v16;
	v16 =	vld.idx.msk [tilespmem:v4+s13+$0x0], $0xffff  }
0x1a7: {  	v2 =	vmul.f32 v11, v2;
	v11 =	vsub.f32 v12, v15;
	v1 =	vld.idx.msk [tilespmem:v5+s13+$0x0], $0xffff;
	v9 =	vadd.f32 v9, v3  }
0x1a8: {  	v3 =	vld.idx.msk [tilespmem:v6+s13+$0x0], $0xffff  }
0x1a9: {  	v15 =	vld.idx.msk [tilespmem:v17+s13+$0x0], $0xffff;
	v20 =	vadd.f32 v2, v9;
	v9 =	vmul.f32 v11, v10  }
0x1aa: {  	v12 =	vld.idx.msk [tilespmem:v19+s13+$0x0], $0xffff  }
0x1ab: {  	v11 =	vld.idx.msk [tilespmem:v14+s13+$0x0], $0xffff;
	v18 =	vadd.f32 v9, v20  }
0x1ac: {  	v2 =	vmov v16;
	v9 =	vld.idx.msk [tilespmem:v14+s14+$0x0], $0xffff  }
0x1ad: {  	s20 =	sadd.s32 $0x5, s19;
	s21 =	sadd.s32 $0x6, s19;
	s18 =	sadd.s32 $0x7, s18;
	v10 =	vmov s19;
	v14 =	vld.idx.msk [tilespmem:v14+s15+$0x0], $0xffff  }
0x1ae: {  	s22 =	sadd.s32 $0x2, s19;
	s23 =	sadd.s32 $0x3, s19;
	s24 =	sadd.s32 $0x4, s19;
	v22 =	vmov s18;
	v16 =	vmov s20;
	v20 =	vmov s21;
	v21 =	vld.idx.msk [tilespmem:v19+s14+$0x0], $0xffff  }
0x1af: {  	v23 =	vmov s22;
	v24 =	vmov s23;
	v25 =	vmov s24;
	s18 =	smov.u32 s19;
	s20 =	sadd.s32 $0x1, s19;
	v19 =	vld.idx.msk [tilespmem:v19+s15+$0x0], $0xffff  }
0x1b0: {  	v22 =	vand.u32 $0x7F, v22;
	v10 =	vand.u32 $0x78, v10;
	v26 =	vmov s20;
	v27 =	vld.idx.msk [tilespmem:v17+s14+$0x0], $0xffff  }
0x1b1: {  	v8 =	vsub.f32 v13, v8;
	v13 =	vbroadcast v22, $0x0;
	v20 =	vand.u32 $0x7E, v20;
	v17 =	vld.idx.msk [tilespmem:v17+s15+$0x0], $0xffff  }
0x1b2: {  	v25 =	vand.u32 $0x7C, v25;
	v22 =	vbroadcast v10, $0x0;
	v28 =	vand.u32 $0x7D, v16;
	v29 =	vld.idx.msk [tilespmem:v6+s14+$0x0], $0xffff  }
0x1b3: {  	v7 =	vmul.f32 v8, v7;
	v10 =	vor.u32 v0, v13;
	v14 =	vsub.f32 v9, v14;
	v6 =	vld.idx.msk [tilespmem:v6+s15+$0x0], $0xffff  }
0x1b4: {  	v8 =	vor.u32 v0, v22;
	v22 =	vand.u32 $0x7A, v23;
	v23 =	vand.u32 $0x7B, v24;
	v9 =	vld.idx.msk [tilespmem:v5+s14+$0x0], $0xffff  }
0x1b5: {  	v7 =	vadd.f32 v7, v18;
	v14 =	vmul.f32 v14, v11;
	v18 =	vsub.f32 v21, v19;
	v13 =	vld.idx.msk [tilespmem:v5+s15+$0x0], $0xffff  }
.Ltmp2:
0x1b6: {  	v16 =	vand.u32 $0x79, v26;
	v19 =	vbroadcast v20, $0x0;
	v5 =	vbroadcast v28, $0x0;
	v11 =	vld.idx.msk [tilespmem:v4+s14+$0x0], $0xffff;
	(pc) =	sbr.rel @p0 .LBB2_3-.Ltmp2, $4  }
0x1b7: {  	v7 =	vadd.f32 v14, v7;
	v18 =	vmul.f32 v18, v12;
	v20 =	vsub.f32 v27, v17;
	v14 =	vld.idx.msk [tilespmem:v4+s15+$0x0], $0xffff  }
0x1b8: {  	v17 =	vbroadcast v23, $0x0;
	v23 =	vbroadcast v25, $0x0;
	v4 =	vor.u32 v0, v19;
	v12 =	vld.idx.msk [tilespmem:v10+s14+$0x0], $0xffff  }
0x1b9: {  	v18 =	vadd.f32 v18, v7;
	v19 =	vmul.f32 v20, v15;
	v20 =	vsub.f32 v29, v6;
	v15 =	vld.idx.msk [tilespmem:v10+s15+$0x0], $0xffff  }
0x1ba: {  	s19 =	sadd.s32 $0x8, s19;
	v21 =	vbroadcast v22, $0x0;
	v5 =	vor.u32 v0, v5;
	v6 =	vor.u32 v0, v23;
	v7 =	vld.idx.msk [tilespmem:v8+s13+$0x0], $0xffff  }
0x1bb: {  	_ =	sdelay $0x3  }
0x1bc: {  	v10 =	vld.idx.msk [tilespmem:v10+s13+$0x0], $0xffff  }
0x1bd: {  	v22 =	vld.idx.msk [tilespmem:v8+s14+$0x0], $0xffff  }
0x1be: {  	v16 =	vbroadcast v16, $0x0;
	v17 =	vor.u32 v0, v17;
	v42 =	vld.idx.msk [tilespmem:v8+s15+$0x0], $0xffff  }
0x1bf: {  	v23 =	vld.idx.msk [tilespmem:v4+s13+$0x0], $0xffff;
	v21 =	vor.u32 v0, v21  }
0x1c0: {  	v24 =	vld.idx.msk [tilespmem:v5+s13+$0x0], $0xffff;
	v16 =	vor.u32 v0, v16  }
0x1c1: {  	v25 =	vld.idx.msk [tilespmem:v6+s13+$0x0], $0xffff  }
0x1c2: {  	v18 =	vadd.f32 v19, v18;
	v3 =	vmul.f32 v20, v3;
	v9 =	vsub.f32 v9, v13;
	v53 =	vld.idx.msk [tilespmem:v6+s14+$0x0], $0xffff  }
0x1c3: {  	v51 =	vld.idx.msk [tilespmem:v17+s14+$0x0], $0xffff  }
0x1c4: {  	v45 =	vsub.f32 v11, v14;
	v3 =	vadd.f32 v3, v18;
	v1 =	vmul.f32 v9, v1;
	v49 =	vld.idx.msk [tilespmem:v21+s14+$0x0], $0xffff  }
0x1c5: {  	v47 =	vld.idx.msk [tilespmem:v16+s14+$0x0], $0xffff  }
0x1c6: {  	v2 =	vmul.f32 v45, v2;
	v1 =	vadd.f32 v1, v3;
	v3 =	vld.idx.msk [tilespmem:v16+s15+$0x0], $0xffff  }
0x1c7: {  	s18 =	sadd.s32 $0x7, s18;
	v48 =	vsub.f32 v12, v15;
	v50 =	vld.idx.msk [tilespmem:v21+s15+$0x0], $0xffff  }
0x1c8: {  	v1 =	vadd.f32 v2, v1;
	v2 =	vmov s18;
	v46 =	vld.idx.msk [tilespmem:v16+s13+$0x0], $0xffff  }
0x1c9: {  	v9 =	vmul.f32 v48, v10;
	v8 =	vsub.f32 v22, v42;
	v52 =	vld.idx.msk [tilespmem:v17+s15+$0x0], $0xffff;
	v2 =	vand.u32 $0x7F, v2  }
0x1ca: {  	v44 =	vld.idx.msk [tilespmem:v21+s13+$0x0], $0xffff;
	v2 =	vbroadcast v2, $0x0  }
0x1cb: {  	v54 =	vld.idx.msk [tilespmem:v6+s15+$0x0], $0xffff;
	v7 =	vmul.f32 v8, v7;
	v1 =	vadd.f32 v9, v1;
	v3 =	vsub.f32 v47, v3  }
0x1cc: {  	v43 =	vld.idx.msk [tilespmem:v17+s13+$0x0], $0xffff;
	v2 =	vor.u32 v0, v2  }
0x1cd: {  	v55 =	vld.idx.msk [tilespmem:v5+s14+$0x0], $0xffff;
	v1 =	vadd.f32 v7, v1;
	v56 =	vsub.f32 v49, v50;
	v3 =	vmul.f32 v3, v46  }
0x1ce: {  	v57 =	vld.idx.msk [tilespmem:v5+s15+$0x0], $0xffff  }
0x1cf: {  	v58 =	vld.idx.msk [tilespmem:v4+s14+$0x0], $0xffff;
	v59 =	vsub.f32 v51, v52;
	v1 =	vadd.f32 v3, v1;
	v3 =	vmul.f32 v56, v44  }
0x1d0: {  	v60 =	vld.idx.msk [tilespmem:v4+s15+$0x0], $0xffff  }
0x1d1: {  	v6 =	vsub.f32 v53, v54;
	v61 =	vld.idx.msk [tilespmem:v2+s14+$0x0], $0xffff;
	v1 =	vadd.f32 v3, v1;
	v3 =	vmul.f32 v59, v43  }
0x1d2: {  	v62 =	vld.idx.msk [tilespmem:v2+s15+$0x0], $0xffff  }
0x1d3: {  	v5 =	vsub.f32 v55, v57;
	v1 =	vadd.f32 v3, v1;
	v3 =	vmul.f32 v6, v25  }
0x1d4: {  	v2 =	vld.idx.msk [tilespmem:v2+s13+$0x0], $0xffff  }
0x1d5: {  	v4 =	vsub.f32 v58, v60;
	v1 =	vadd.f32 v3, v1;
	v3 =	vmul.f32 v5, v24;
	_ =	sdelay $0x1  }
0x1d6: {  	v63 =	vsub.f32 v61, v62;
	v1 =	vadd.f32 v3, v1;
	v3 =	vmul.f32 v4, v23  }
0x1d7: {  	p0 =	seq.s32 s17, $0xF  }
.Ltmp3:
0x1d8: {  	v2 =	vmul.f32 v63, v2;
	v1 =	vadd.f32 v3, v1;
	(pc) =	sbr.rel @p0 .LBB2_6-.Ltmp3, $4  }
0x1d9: {  	_ = 	snop  }
0x1da: {  	s18 =	sshll.u32 s17, $0x5;
	v1 =	vadd.f32 v2, v1  }
0x1db: {  	s19 =	sand.u32 $0x3FFFFFE0, s18  }
0x1dc: {  	[tilespmem:s19+$0x3600] =	vst v1  }
0x1dd: {  	v1 =	vld [tilespmem:s18+$0x20];
	_ =	sdelay $0x1  }
0x1de: {  	v2 =	vld [tilespmem:s18+$0x220];
	_ =	sdelay $0x2  }
0x1df: {  	v3 =	vshll.u32 v1, $0x4  }
0x1e0: {  	(v2sf) =	vpush v3, $0x0  }
0x1e1: {  	v1 =	vld [tilespmem:s18+$0x420];
	v2 =	vshll.u32 v2, $0x4  }
0x1e2: {  	(v2sf) =	vpush v2, $0x0;
	_ =	sdelay $0x3  }
0x1e3: {  	v1 =	vshll.u32 v1, $0x4  }
0x1e4: {  	(v2sf) =	vpush v1, $0x0;
	_ =	sdelay $0x1  }
0x1e5: {  	(v2sf) =	vpush v3, $0x1;
	_ =	sdelay $0x5  }
0x1e6: {  	s20 =	spop (v2sf);
	(v2sf) =	vpush v2, $0x1;
	_ =	sdelay $0x1  }
0x1e7: {  	s26 =	spop (v2sf);
	(v2sf) =	vpush v1, $0x1;
	_ =	sdelay $0x4  }
0x1e8: {  	s21 =	spop (v2sf);
	(v2sf) =	vpush v3, $0x2;
	_ =	sdelay $0x1  }
0x1e9: {  	s20 =	sand.u32 $0x1FFFFFF0, s20;
	s22 =	spop (v2sf);
	(v2sf) =	vpush v2, $0x2  }
0x1ea: {  	s20 =	sadd.s32 s3, s20  }
0x1eb: {  	[tilespmem:s13], [sflag:$0x1] =	stream.linear.gather [hbm4b:s20+s1], $0x80, $0x38;
	[tilespmem:$0x3800] =	vst v63  }
0x1ec: {  	s20 =	sand.u32 $0x1FFFFFF0, s26  }
0x1ed: {  	s20 =	sadd.s32 s4, s20  }
0x1ee: {  	[tilespmem:s14], [sflag:$0x1] =	stream.linear.gather [hbm4b:s20+s1], $0x80, $0x38;
	[tilespmem:$0x3800] =	vst v63  }
0x1ef: {  	s23 =	spop (v2sf);
	(v2sf) =	vpush v1, $0x2  }
0x1f0: {  	s20 =	sand.u32 $0x1FFFFFF0, s21  }
0x1f1: {  	s20 =	sadd.s32 s4, s20;
	s25 =	spop (v2sf);
	(v2sf) =	vpush v3, $0x3  }
0x1f2: {  	[tilespmem:s15], [sflag:$0x1] =	stream.linear.gather [hbm4b:s20+s1], $0x80, $0x38;
	[tilespmem:$0x3800] =	vst v63  }
0x1f3: {  	s20 =	sand.u32 $0x1FFFFFF0, s22  }
0x1f4: {  	s21 =	simm.s32 $0x680;
	s20 =	sadd.s32 s3, s20  }
0x1f5: {  	[tilespmem:s21], [sflag:$0x1] =	stream.linear.gather [hbm4b:s20+s1], $0x80, $0x38;
	[tilespmem:$0x3800] =	vst v63  }
0x1f6: {  	s21 =	spop (v2sf);
	(v2sf) =	vpush v2, $0x3;
	_ =	sdelay $0x1  }
0x1f7: {  	s20 =	sand.u32 $0x1FFFFFF0, s23;
	s23 =	spop (v2sf);
	(v2sf) =	vpush v1, $0x3;
	_ =	sdelay $0x2  }
0x1f8: {  	s24 =	simm.s32 $0x1680;
	s20 =	sadd.s32 s4, s20  }
0x1f9: {  	[tilespmem:s24], [sflag:$0x1] =	stream.linear.gather [hbm4b:s20+s1], $0x80, $0x38;
	[tilespmem:$0x3800] =	vst v63  }
0x1fa: {  	s20 =	sand.u32 $0x1FFFFFF0, s25  }
0x1fb: {  	s26 =	simm.s32 $0x2680;
	s20 =	sadd.s32 s4, s20;
	s25 =	spop (v2sf);
	(v2sf) =	vpush v3, $0x4  }
0x1fc: {  	[tilespmem:s26], [sflag:$0x1] =	stream.linear.gather [hbm4b:s20+s1], $0x80, $0x38;
	[tilespmem:$0x3800] =	vst v63  }
0x1fd: {  	s20 =	sand.u32 $0x1FFFFFF0, s21;
	s21 =	spop (v2sf);
	(v2sf) =	vpush v2, $0x4;
	_ =	sdelay $0x1  }
0x1fe: {  	s22 =	simm.s32 $0x700;
	s20 =	sadd.s32 s3, s20  }
0x1ff: {  	[tilespmem:s22], [sflag:$0x1] =	stream.linear.gather [hbm4b:s20+s1], $0x80, $0x38;
	[tilespmem:$0x3800] =	vst v63  }
0x200: {  	s20 =	sand.u32 $0x1FFFFFF0, s23  }
0x201: {  	s24 =	simm.s32 $0x1700;
	s20 =	sadd.s32 s4, s20;
	s23 =	spop (v2sf);
	(v2sf) =	vpush v1, $0x4  }
0x202: {  	[tilespmem:s24], [sflag:$0x1] =	stream.linear.gather [hbm4b:s20+s1], $0x80, $0x38;
	[tilespmem:$0x3800] =	vst v63  }
0x203: {  	s20 =	sand.u32 $0x1FFFFFF0, s25;
	s25 =	spop (v2sf);
	(v2sf) =	vpush v3, $0x5;
	_ =	sdelay $0x2  }
0x204: {  	s26 =	simm.s32 $0x2700;
	s20 =	sadd.s32 s4, s20  }
0x205: {  	[tilespmem:s26], [sflag:$0x1] =	stream.linear.gather [hbm4b:s20+s1], $0x80, $0x38;
	[tilespmem:$0x3800] =	vst v63  }
0x206: {  	s20 =	sand.u32 $0x1FFFFFF0, s21  }
0x207: {  	s22 =	simm.s32 $0x780;
	s20 =	sadd.s32 s3, s20;
	s21 =	spop (v2sf);
	(v2sf) =	vpush v2, $0x5  }
0x208: {  	[tilespmem:s22], [sflag:$0x1] =	stream.linear.gather [hbm4b:s20+s1], $0x80, $0x38;
	[tilespmem:$0x3800] =	vst v63  }
0x209: {  	s20 =	sand.u32 $0x1FFFFFF0, s23;
	s23 =	spop (v2sf);
	(v2sf) =	vpush v1, $0x5;
	_ =	sdelay $0x1  }
0x20a: {  	s24 =	simm.s32 $0x1780;
	s20 =	sadd.s32 s4, s20  }
0x20b: {  	[tilespmem:s24], [sflag:$0x1] =	stream.linear.gather [hbm4b:s20+s1], $0x80, $0x38;
	[tilespmem:$0x3800] =	vst v63  }
0x20c: {  	s20 =	sand.u32 $0x1FFFFFF0, s25  }
0x20d: {  	s26 =	simm.s32 $0x2780;
	s20 =	sadd.s32 s4, s20;
	s25 =	spop (v2sf);
	(v2sf) =	vpush v3, $0x6  }
0x20e: {  	[tilespmem:s26], [sflag:$0x1] =	stream.linear.gather [hbm4b:s20+s1], $0x80, $0x38;
	[tilespmem:$0x3800] =	vst v63  }
0x20f: {  	s20 =	sand.u32 $0x1FFFFFF0, s21;
	s21 =	spop (v2sf);
	(v2sf) =	vpush v2, $0x6;
	_ =	sdelay $0x2  }
0x210: {  	s22 =	simm.s32 $0x800;
	s20 =	sadd.s32 s3, s20  }
0x211: {  	[tilespmem:s22], [sflag:$0x1] =	stream.linear.gather [hbm4b:s20+s1], $0x80, $0x38;
	[tilespmem:$0x3800] =	vst v63  }
0x212: {  	s20 =	sand.u32 $0x1FFFFFF0, s23  }
0x213: {  	s24 =	simm.s32 $0x1800;
	s20 =	sadd.s32 s4, s20;
	s23 =	spop (v2sf);
	(v2sf) =	vpush v1, $0x6  }
0x214: {  	[tilespmem:s24], [sflag:$0x1] =	stream.linear.gather [hbm4b:s20+s1], $0x80, $0x38;
	[tilespmem:$0x3800] =	vst v63  }
0x215: {  	s20 =	sand.u32 $0x1FFFFFF0, s25;
	s25 =	spop (v2sf);
	(v2sf) =	vpush v3, $0x7;
	_ =	sdelay $0x1  }
0x216: {  	s26 =	simm.s32 $0x2800;
	s20 =	sadd.s32 s4, s20  }
0x217: {  	[tilespmem:s26], [sflag:$0x1] =	stream.linear.gather [hbm4b:s20+s1], $0x80, $0x38;
	[tilespmem:$0x3800] =	vst v63  }
0x218: {  	s20 =	sand.u32 $0x1FFFFFF0, s21  }
0x219: {  	s22 =	simm.s32 $0x880;
	s20 =	sadd.s32 s3, s20;
	s21 =	spop (v2sf);
	(v2sf) =	vpush v2, $0x7  }
0x21a: {  	[tilespmem:s22], [sflag:$0x1] =	stream.linear.gather [hbm4b:s20+s1], $0x80, $0x38;
	[tilespmem:$0x3800] =	vst v63  }
0x21b: {  	s20 =	sand.u32 $0x1FFFFFF0, s23;
	s23 =	spop (v2sf);
	(v2sf) =	vpush v1, $0x7;
	_ =	sdelay $0x2  }
0x21c: {  	s24 =	simm.s32 $0x1880;
	s20 =	sadd.s32 s4, s20  }
0x21d: {  	[tilespmem:s24], [sflag:$0x1] =	stream.linear.gather [hbm4b:s20+s1], $0x80, $0x38;
	[tilespmem:$0x3800] =	vst v63  }
0x21e: {  	s20 =	sand.u32 $0x1FFFFFF0, s25  }
0x21f: {  	s26 =	simm.s32 $0x2880;
	s20 =	sadd.s32 s4, s20;
	s25 =	spop (v2sf);
	(v2sf) =	vpush v3, $0x8  }
0x220: {  	[tilespmem:s26], [sflag:$0x1] =	stream.linear.gather [hbm4b:s20+s1], $0x80, $0x38;
	[tilespmem:$0x3800] =	vst v63  }
0x221: {  	s20 =	sand.u32 $0x1FFFFFF0, s21;
	s21 =	spop (v2sf);
	(v2sf) =	vpush v2, $0x8;
	_ =	sdelay $0x1  }
0x222: {  	s22 =	simm.s32 $0x900;
	s20 =	sadd.s32 s3, s20  }
0x223: {  	[tilespmem:s22], [sflag:$0x1] =	stream.linear.gather [hbm4b:s20+s1], $0x80, $0x38;
	[tilespmem:$0x3800] =	vst v63  }
0x224: {  	s20 =	sand.u32 $0x1FFFFFF0, s23  }
0x225: {  	s24 =	simm.s32 $0x1900;
	s20 =	sadd.s32 s4, s20;
	s23 =	spop (v2sf);
	(v2sf) =	vpush v1, $0x8  }
0x226: {  	[tilespmem:s24], [sflag:$0x1] =	stream.linear.gather [hbm4b:s20+s1], $0x80, $0x38;
	[tilespmem:$0x3800] =	vst v63  }
0x227: {  	s20 =	sand.u32 $0x1FFFFFF0, s25;
	s25 =	spop (v2sf);
	(v2sf) =	vpush v3, $0x9;
	_ =	sdelay $0x2  }
0x228: {  	s26 =	simm.s32 $0x2900;
	s20 =	sadd.s32 s4, s20  }
0x229: {  	[tilespmem:s26], [sflag:$0x1] =	stream.linear.gather [hbm4b:s20+s1], $0x80, $0x38;
	[tilespmem:$0x3800] =	vst v63  }
0x22a: {  	s20 =	sand.u32 $0x1FFFFFF0, s21  }
0x22b: {  	s22 =	simm.s32 $0x980;
	s20 =	sadd.s32 s3, s20;
	s21 =	spop (v2sf);
	(v2sf) =	vpush v2, $0x9  }
0x22c: {  	[tilespmem:s22], [sflag:$0x1] =	stream.linear.gather [hbm4b:s20+s1], $0x80, $0x38;
	[tilespmem:$0x3800] =	vst v63  }
0x22d: {  	s20 =	sand.u32 $0x1FFFFFF0, s23;
	s23 =	spop (v2sf);
	(v2sf) =	vpush v1, $0x9;
	_ =	sdelay $0x1  }
0x22e: {  	s24 =	simm.s32 $0x1980;
	s20 =	sadd.s32 s4, s20  }
0x22f: {  	[tilespmem:s24], [sflag:$0x1] =	stream.linear.gather [hbm4b:s20+s1], $0x80, $0x38;
	[tilespmem:$0x3800] =	vst v63  }
0x230: {  	s20 =	sand.u32 $0x1FFFFFF0, s25  }
0x231: {  	s26 =	simm.s32 $0x2980;
	s20 =	sadd.s32 s4, s20;
	s25 =	spop (v2sf);
	(v2sf) =	vpush v3, $0xA  }
0x232: {  	[tilespmem:s26], [sflag:$0x1] =	stream.linear.gather [hbm4b:s20+s1], $0x80, $0x38;
	[tilespmem:$0x3800] =	vst v63  }
0x233: {  	s20 =	sand.u32 $0x1FFFFFF0, s21;
	s21 =	spop (v2sf);
	(v2sf) =	vpush v2, $0xA  }
0x234: {  	s22 =	simm.s32 $0xA00;
	s20 =	sadd.s32 s3, s20  }
0x235: {  	[tilespmem:s22], [sflag:$0x1] =	stream.linear.gather [hbm4b:s20+s1], $0x80, $0x38;
	[tilespmem:$0x3800] =	vst v63  }
0x236: {  	s20 =	sand.u32 $0x1FFFFFF0, s23  }
0x237: {  	s24 =	simm.s32 $0x1A00;
	s20 =	sadd.s32 s4, s20  }
0x238: {  	[tilespmem:s24], [sflag:$0x1] =	stream.linear.gather [hbm4b:s20+s1], $0x80, $0x38;
	[tilespmem:$0x3800] =	vst v63  }
0x239: {  	s23 =	spop (v2sf);
	(v2sf) =	vpush v1, $0xA  }
0x23a: {  	s20 =	sand.u32 $0x1FFFFFF0, s25  }
0x23b: {  	s26 =	simm.s32 $0x2A00;
	s20 =	sadd.s32 s4, s20;
	s25 =	spop (v2sf);
	(v2sf) =	vpush v3, $0xB  }
0x23c: {  	[tilespmem:s26], [sflag:$0x1] =	stream.linear.gather [hbm4b:s20+s1], $0x80, $0x38;
	[tilespmem:$0x3800] =	vst v63  }
0x23d: {  	s20 =	sand.u32 $0x1FFFFFF0, s21  }
0x23e: {  	s22 =	simm.s32 $0xA80;
	s20 =	sadd.s32 s3, s20  }
0x23f: {  	[tilespmem:s22], [sflag:$0x1] =	stream.linear.gather [hbm4b:s20+s1], $0x80, $0x38;
	[tilespmem:$0x3800] =	vst v63  }
0x240: {  	s21 =	spop (v2sf);
	(v2sf) =	vpush v2, $0xB  }
0x241: {  	s20 =	sand.u32 $0x1FFFFFF0, s23  }
0x242: {  	s24 =	simm.s32 $0x1A80;
	s20 =	sadd.s32 s4, s20;
	s23 =	spop (v2sf);
	(v2sf) =	vpush v1, $0xB  }
0x243: {  	[tilespmem:s24], [sflag:$0x1] =	stream.linear.gather [hbm4b:s20+s1], $0x80, $0x38;
	[tilespmem:$0x3800] =	vst v63  }
0x244: {  	s20 =	sand.u32 $0x1FFFFFF0, s25  }
0x245: {  	s26 =	simm.s32 $0x2A80;
	s20 =	sadd.s32 s4, s20  }
0x246: {  	[tilespmem:s26], [sflag:$0x1] =	stream.linear.gather [hbm4b:s20+s1], $0x80, $0x38;
	[tilespmem:$0x3800] =	vst v63  }
0x247: {  	s20 =	sand.u32 $0x1FFFFFF0, s21  }
0x248: {  	s22 =	simm.s32 $0xB00;
	s20 =	sadd.s32 s3, s20;
	s25 =	spop (v2sf);
	(v2sf) =	vpush v3, $0xC  }
0x249: {  	[tilespmem:s22], [sflag:$0x1] =	stream.linear.gather [hbm4b:s20+s1], $0x80, $0x38;
	[tilespmem:$0x3800] =	vst v63  }
0x24a: {  	s21 =	spop (v2sf);
	(v2sf) =	vpush v2, $0xC  }
0x24b: {  	s20 =	sand.u32 $0x1FFFFFF0, s23  }
0x24c: {  	s24 =	simm.s32 $0x1B00;
	s20 =	sadd.s32 s4, s20  }
0x24d: {  	[tilespmem:s24], [sflag:$0x1] =	stream.linear.gather [hbm4b:s20+s1], $0x80, $0x38;
	[tilespmem:$0x3800] =	vst v63  }
0x24e: {  	s20 =	sand.u32 $0x1FFFFFF0, s25  }
0x24f: {  	s26 =	simm.s32 $0x2B00;
	s20 =	sadd.s32 s4, s20;
	s23 =	spop (v2sf);
	(v2sf) =	vpush v1, $0xC  }
0x250: {  	[tilespmem:s26], [sflag:$0x1] =	stream.linear.gather [hbm4b:s20+s1], $0x80, $0x38;
	[tilespmem:$0x3800] =	vst v63  }
0x251: {  	s20 =	sand.u32 $0x1FFFFFF0, s21;
	s25 =	spop (v2sf);
	(v2sf) =	vpush v3, $0xD  }
0x252: {  	s22 =	simm.s32 $0xB80;
	s20 =	sadd.s32 s3, s20  }
0x253: {  	[tilespmem:s22], [sflag:$0x1] =	stream.linear.gather [hbm4b:s20+s1], $0x80, $0x38;
	[tilespmem:$0x3800] =	vst v63  }
0x254: {  	s20 =	sand.u32 $0x1FFFFFF0, s23  }
0x255: {  	s24 =	simm.s32 $0x1B80;
	s20 =	sadd.s32 s4, s20  }
0x256: {  	[tilespmem:s24], [sflag:$0x1] =	stream.linear.gather [hbm4b:s20+s1], $0x80, $0x38;
	[tilespmem:$0x3800] =	vst v63  }
0x257: {  	s21 =	spop (v2sf);
	(v2sf) =	vpush v2, $0xD  }
0x258: {  	s20 =	sand.u32 $0x1FFFFFF0, s25  }
0x259: {  	s26 =	simm.s32 $0x2B80;
	s20 =	sadd.s32 s4, s20;
	s23 =	spop (v2sf);
	(v2sf) =	vpush v1, $0xD  }
0x25a: {  	[tilespmem:s26], [sflag:$0x1] =	stream.linear.gather [hbm4b:s20+s1], $0x80, $0x38;
	[tilespmem:$0x3800] =	vst v63  }
0x25b: {  	s20 =	sand.u32 $0x1FFFFFF0, s21  }
0x25c: {  	s22 =	simm.s32 $0xC00;
	s20 =	sadd.s32 s3, s20  }
0x25d: {  	[tilespmem:s22], [sflag:$0x1] =	stream.linear.gather [hbm4b:s20+s1], $0x80, $0x38;
	[tilespmem:$0x3800] =	vst v63  }
0x25e: {  	s25 =	spop (v2sf);
	(v2sf) =	vpush v3, $0xE  }
0x25f: {  	s20 =	sand.u32 $0x1FFFFFF0, s23  }
0x260: {  	s24 =	simm.s32 $0x1C00;
	s20 =	sadd.s32 s4, s20;
	s21 =	spop (v2sf);
	(v2sf) =	vpush v2, $0xE  }
0x261: {  	[tilespmem:s24], [sflag:$0x1] =	stream.linear.gather [hbm4b:s20+s1], $0x80, $0x38;
	[tilespmem:$0x3800] =	vst v63  }
0x262: {  	s20 =	sand.u32 $0x1FFFFFF0, s25  }
0x263: {  	s26 =	simm.s32 $0x2C00;
	s20 =	sadd.s32 s4, s20  }
0x264: {  	[tilespmem:s26], [sflag:$0x1] =	stream.linear.gather [hbm4b:s20+s1], $0x80, $0x38;
	[tilespmem:$0x3800] =	vst v63  }
0x265: {  	s20 =	sand.u32 $0x1FFFFFF0, s21  }
0x266: {  	s22 =	simm.s32 $0xC80;
	s20 =	sadd.s32 s3, s20;
	s23 =	spop (v2sf);
	(v2sf) =	vpush v1, $0xE  }
0x267: {  	[tilespmem:s22], [sflag:$0x1] =	stream.linear.gather [hbm4b:s20+s1], $0x80, $0x38;
	[tilespmem:$0x3800] =	vst v63  }
0x268: {  	s25 =	spop (v2sf);
	(v2sf) =	vpush v3, $0xF  }
0x269: {  	s20 =	sand.u32 $0x1FFFFFF0, s23  }
0x26a: {  	s24 =	simm.s32 $0x1C80;
	s20 =	sadd.s32 s4, s20  }
0x26b: {  	[tilespmem:s24], [sflag:$0x1] =	stream.linear.gather [hbm4b:s20+s1], $0x80, $0x38;
	[tilespmem:$0x3800] =	vst v63  }
0x26c: {  	s20 =	sand.u32 $0x1FFFFFF0, s25  }
0x26d: {  	s26 =	simm.s32 $0x2C80;
	s20 =	sadd.s32 s4, s20;
	s21 =	spop (v2sf);
	(v2sf) =	vpush v2, $0xF  }
0x26e: {  	[tilespmem:s26], [sflag:$0x1] =	stream.linear.gather [hbm4b:s20+s1], $0x80, $0x38;
	[tilespmem:$0x3800] =	vst v63  }
0x26f: {  	s20 =	sand.u32 $0x1FFFFFF0, s21;
	s23 =	spop (v2sf);
	(v2sf) =	vpush v1, $0xF  }
0x270: {  	s22 =	simm.s32 $0xD00;
	s20 =	sadd.s32 s3, s20  }
0x271: {  	[tilespmem:s22], [sflag:$0x1] =	stream.linear.gather [hbm4b:s20+s1], $0x80, $0x38;
	[tilespmem:$0x3800] =	vst v63  }
0x272: {  	s20 =	sand.u32 $0x1FFFFFF0, s23  }
0x273: {  	s24 =	simm.s32 $0x1D00;
	s20 =	sadd.s32 s4, s20  }
0x274: {  	[tilespmem:s24], [sflag:$0x1] =	stream.linear.gather [hbm4b:s20+s1], $0x80, $0x38;
	[tilespmem:$0x3800] =	vst v63  }
0x275: {  	s25 =	spop (v2sf)  }
0x276: {  	s20 =	sand.u32 $0x1FFFFFF0, s25  }
0x277: {  	s26 =	simm.s32 $0x2D00;
	s21 =	spop (v2sf);
	s20 =	sadd.s32 s4, s20  }
0x278: {  	[tilespmem:s26], [sflag:$0x1] =	stream.linear.gather [hbm4b:s20+s1], $0x80, $0x38;
	[tilespmem:$0x3800] =	vst v63  }
0x279: {  	s20 =	sand.u32 $0x1FFFFFF0, s21  }
0x27a: {  	s22 =	simm.s32 $0xD80;
	s20 =	sadd.s32 s3, s20  }
0x27b: {  	[tilespmem:s22], [sflag:$0x1] =	stream.linear.gather [hbm4b:s20+s1], $0x80, $0x38;
	[tilespmem:$0x3800] =	vst v63  }
0x27c: {  	s23 =	spop (v2sf)  }
0x27d: {  	s20 =	sand.u32 $0x1FFFFFF0, s23  }
0x27e: {  	s24 =	simm.s32 $0x1D80;
	s25 =	spop (v2sf);
	s20 =	sadd.s32 s4, s20  }
0x27f: {  	[tilespmem:s24], [sflag:$0x1] =	stream.linear.gather [hbm4b:s20+s1], $0x80, $0x38;
	[tilespmem:$0x3800] =	vst v63  }
0x280: {  	s20 =	sand.u32 $0x1FFFFFF0, s25  }
0x281: {  	s26 =	simm.s32 $0x2D80;
	s20 =	sadd.s32 s4, s20  }
0x282: {  	[tilespmem:s26], [sflag:$0x1] =	stream.linear.gather [hbm4b:s20+s1], $0x80, $0x38;
	[tilespmem:$0x3800] =	vst v63  }
.LBB2_6:
0x283: {  	s20 =	simm.s32 $0x0  }
0x284: {  	_ =	swait.ge [sflag:s16], $0x800;
	v1 =	vmov s20  }
0x285: {  	s26 =	simm.s32 $0x5;
	[sflag:s16] =	ssyncset.done $0x0;
	v1 =	vand.u32 $0x78, v1  }
0x286: {  	s21 =	simm.s32 $0x6;
	s22 =	simm.s32 $0x2;
	[sflag:s16] =	ssyncadd.s32 $0xFFFFF800;
	v1 =	vbroadcast v1, $0x0  }
0x287: {  	s23 =	simm.s32 $0x3;
	v2 =	vmov s26;
	v3 =	vmov s21;
	v4 =	vmov s22;
	_ =	swait.ge [sflag:s16], $0x800  }
0x288: {  	s21 =	simm.s32 $0x4;
	v5 =	vmov s23;
	v3 =	vand.u32 $0x7E, v3;
	[sflag:s16] =	ssyncset.done $0x0;
	v1 =	vor.u32 v0, v1  }
0x289: {  	s22 =	simm.s32 $0x1;
	v6 =	vmov s21;
	v2 =	vand.u32 $0x7D, v2;
	v3 =	vbroadcast v3, $0x0;
	[sflag:s16] =	ssyncadd.s32 $0xFFFFF800  }
0x28a: {  	v7 =	vmov s22;
	v6 =	vand.u32 $0x7C, v6;
	v2 =	vbroadcast v2, $0x0;
	_ =	swait.ge [sflag:s16], $0x800  }
0x28b: {  	v5 =	vand.u32 $0x7B, v5;
	v6 =	vbroadcast v6, $0x0;
	v12 =	vor.u32 v0, v3;
	[sflag:s16] =	ssyncset.done $0x0  }
0x28c: {  	v3 =	vand.u32 $0x7A, v4;
	v4 =	vbroadcast v5, $0x0;
	v5 =	vor.u32 v0, v2;
	[sflag:s16] =	ssyncadd.s32 $0xFFFFF800  }
0x28d: {  	v2 =	vand.u32 $0x79, v7;
	v6 =	vor.u32 v0, v6;
	v7 =	vld.idx.msk [tilespmem:v1+s6+$0x0], $0xffff  }
0x28e: {  	v2 =	vbroadcast v2, $0x0;
	v4 =	vor.u32 v0, v4;
	v8 =	vld.idx.msk [tilespmem:v1+s7+$0x0], $0xffff  }
0x28f: {  	v10 =	vld.idx.msk [tilespmem:v1+s8+$0x0], $0xffff  }
0x290: {  	v3 =	vbroadcast v3, $0x0;
	v11 =	vor.u32 v0, v2;
	v2 =	vld.idx.msk [tilespmem:v12+s6+$0x0], $0xffff  }
0x291: {  	v1 =	vld.idx.msk [tilespmem:v5+s6+$0x0], $0xffff  }
0x292: {  	v9 =	vor.u32 v0, v3;
	v3 =	vld.idx.msk [tilespmem:v6+s6+$0x0], $0xffff  }
0x293: {  	v15 =	vld.idx.msk [tilespmem:v4+s6+$0x0], $0xffff  }
0x294: {  	v27 =	vld.idx.msk [tilespmem:v4+s7+$0x0], $0xffff  }
0x295: {  	v4 =	vld.idx.msk [tilespmem:v4+s8+$0x0], $0xffff  }
0x296: {  	s24 =	simm.s32 $0xA;
	v13 =	vld.idx.msk [tilespmem:v11+s6+$0x0], $0xffff  }
0x297: {  	v17 =	vimm.f32 $0.0e+00;
	s25 =	simm.s32 $0xB;
	s20 =	simm.s32 $0x8;
	s23 =	simm.s32 $0x7;
	v23 =	vmov s24;
	v16 =	vld.idx.msk [tilespmem:v11+s7+$0x0], $0xffff  }
0x298: {  	s26 =	simm.s32 $0xC;
	v24 =	vmov s25;
	v18 =	vmov s20;
	v22 =	vmov s23;
	v11 =	vld.idx.msk [tilespmem:v11+s8+$0x0], $0xffff  }
0x299: {  	s21 =	simm.s32 $0xD;
	s22 =	simm.s32 $0xE;
	v25 =	vmov s26;
	v23 =	vand.u32 $0x7A, v23;
	v24 =	vand.u32 $0x7B, v24;
	v21 =	vld.idx.msk [tilespmem:v9+s7+$0x0], $0xffff  }
0x29a: {  	v19 =	vmov s21;
	v20 =	vmov s22;
	v22 =	vand.u32 $0x7F, v22;
	v26 =	vld.idx.msk [tilespmem:v9+s8+$0x0], $0xffff  }
0x29b: {  	v14 =	vld.idx.msk [tilespmem:v9+s6+$0x0], $0xffff;
	v9 =	vand.u32 $0x78, v18;
	v8 =	vsub.f32 v8, v10;
	v10 =	vbroadcast v22, $0x0  }
0x29c: {  	v20 =	vand.u32 $0x7E, v20;
	v19 =	vand.u32 $0x7D, v19;
	v63 =	vld.idx.msk [tilespmem:v6+s7+$0x0], $0xffff;
	v9 =	vbroadcast v9, $0x0  }
0x29d: {  	s23 =	simm.s32 $0x9;
	v6 =	vld.idx.msk [tilespmem:v6+s8+$0x0], $0xffff;
	v7 =	vmul.f32 v8, v7;
	v10 =	vor.u32 v0, v10;
	v11 =	vsub.f32 v16, v11  }
0x29e: {  	v18 =	vmov s23;
	v22 =	vand.u32 $0x7C, v25;
	v8 =	vor.u32 v0, v9;
	v9 =	vld.idx.msk [tilespmem:v5+s7+$0x0], $0xffff  }
0x29f: {  	v21 =	vsub.f32 v21, v26;
	v7 =	vadd.f32 v7, v17;
	v17 =	vmul.f32 v11, v13;
	v13 =	vld.idx.msk [tilespmem:v5+s8+$0x0], $0xffff  }
0x2a0: {  	v16 =	vand.u32 $0x79, v18;
	v18 =	vbroadcast v20, $0x0;
	v20 =	vsub.f32 v27, v4;
	v11 =	vld.idx.msk [tilespmem:v12+s7+$0x0], $0xffff  }
0x2a1: {  	v5 =	vbroadcast v19, $0x0;
	v19 =	vmul.f32 v21, v14;
	v14 =	vld.idx.msk [tilespmem:v12+s8+$0x0], $0xffff;
	v7 =	vadd.f32 v17, v7  }
0x2a2: {  	v22 =	vbroadcast v22, $0x0;
	v4 =	vor.u32 v0, v18;
	v21 =	vbroadcast v23, $0x0;
	v12 =	vld.idx.msk [tilespmem:v10+s7+$0x0], $0xffff  }
0x2a3: {  	v18 =	vadd.f32 v19, v7;
	v19 =	vmul.f32 v20, v15;
	v20 =	vsub.f32 v63, v6;
	v15 =	vld.idx.msk [tilespmem:v10+s8+$0x0], $0xffff  }
0x2a4: {  	s21 =	simm.s32 $0x10;
	v17 =	vbroadcast v24, $0x0;
	v5 =	vor.u32 v0, v5;
	v7 =	vld.idx.msk [tilespmem:v8+s6+$0x0], $0xffff;
	v6 =	vor.u32 v0, v22  }
.LBB2_7:
0x2a5: {  	p1 =	slt.u32 s21, $0x38;
	v18 =	vadd.f32 v19, v18;
	v3 =	vmul.f32 v20, v3;
	v9 =	vsub.f32 v9, v13;
	v10 =	vld.idx.msk [tilespmem:v10+s6+$0x0], $0xffff  }
0x2a6: {  	v16 =	vbroadcast v16, $0x0;
	v17 =	vor.u32 v0, v17;
	v13 =	vld.idx.msk [tilespmem:v8+s7+$0x0], $0xffff;
	v19 =	vor.u32 v0, v21  }
0x2a7: {  	v11 =	vsub.f32 v11, v14;
	v8 =	vld.idx.msk [tilespmem:v8+s8+$0x0], $0xffff;
	v3 =	vadd.f32 v3, v18;
	v9 =	vmul.f32 v9, v1  }
0x2a8: {  	v14 =	vor.u32 v0, v16;
	v16 =	vld.idx.msk [tilespmem:v4+s6+$0x0], $0xffff  }
0x2a9: {  	v2 =	vmul.f32 v11, v2;
	v11 =	vsub.f32 v12, v15;
	v1 =	vld.idx.msk [tilespmem:v5+s6+$0x0], $0xffff;
	v9 =	vadd.f32 v9, v3  }
0x2aa: {  	v3 =	vld.idx.msk [tilespmem:v6+s6+$0x0], $0xffff  }
0x2ab: {  	v15 =	vld.idx.msk [tilespmem:v17+s6+$0x0], $0xffff;
	v20 =	vadd.f32 v2, v9;
	v9 =	vmul.f32 v11, v10  }
0x2ac: {  	v12 =	vld.idx.msk [tilespmem:v19+s6+$0x0], $0xffff  }
0x2ad: {  	v11 =	vld.idx.msk [tilespmem:v14+s6+$0x0], $0xffff;
	v18 =	vadd.f32 v9, v20  }
0x2ae: {  	v2 =	vmov v16;
	v9 =	vld.idx.msk [tilespmem:v14+s7+$0x0], $0xffff  }
0x2af: {  	s22 =	sadd.s32 $0x5, s21;
	s23 =	sadd.s32 $0x6, s21;
	s20 =	sadd.s32 $0x7, s20;
	v10 =	vmov s21;
	v14 =	vld.idx.msk [tilespmem:v14+s8+$0x0], $0xffff  }
0x2b0: {  	s24 =	sadd.s32 $0x2, s21;
	s25 =	sadd.s32 $0x3, s21;
	s26 =	sadd.s32 $0x4, s21;
	v22 =	vmov s20;
	v16 =	vmov s22;
	v20 =	vmov s23;
	v21 =	vld.idx.msk [tilespmem:v19+s7+$0x0], $0xffff  }
0x2b1: {  	v23 =	vmov s24;
	v24 =	vmov s25;
	v25 =	vmov s26;
	s20 =	smov.u32 s21;
	s22 =	sadd.s32 $0x1, s21;
	v19 =	vld.idx.msk [tilespmem:v19+s8+$0x0], $0xffff  }
0x2b2: {  	v22 =	vand.u32 $0x7F, v22;
	v10 =	vand.u32 $0x78, v10;
	v26 =	vmov s22;
	v27 =	vld.idx.msk [tilespmem:v17+s7+$0x0], $0xffff  }
0x2b3: {  	v8 =	vsub.f32 v13, v8;
	v13 =	vbroadcast v22, $0x0;
	v20 =	vand.u32 $0x7E, v20;
	v17 =	vld.idx.msk [tilespmem:v17+s8+$0x0], $0xffff  }
0x2b4: {  	v25 =	vand.u32 $0x7C, v25;
	v22 =	vbroadcast v10, $0x0;
	v28 =	vand.u32 $0x7D, v16;
	v29 =	vld.idx.msk [tilespmem:v6+s7+$0x0], $0xffff  }
0x2b5: {  	v7 =	vmul.f32 v8, v7;
	v10 =	vor.u32 v0, v13;
	v14 =	vsub.f32 v9, v14;
	v6 =	vld.idx.msk [tilespmem:v6+s8+$0x0], $0xffff  }
0x2b6: {  	v8 =	vor.u32 v0, v22;
	v22 =	vand.u32 $0x7A, v23;
	v23 =	vand.u32 $0x7B, v24;
	v9 =	vld.idx.msk [tilespmem:v5+s7+$0x0], $0xffff  }
0x2b7: {  	v7 =	vadd.f32 v7, v18;
	v14 =	vmul.f32 v14, v11;
	v18 =	vsub.f32 v21, v19;
	v13 =	vld.idx.msk [tilespmem:v5+s8+$0x0], $0xffff  }
.Ltmp4:
0x2b8: {  	v16 =	vand.u32 $0x79, v26;
	v19 =	vbroadcast v20, $0x0;
	v5 =	vbroadcast v28, $0x0;
	v11 =	vld.idx.msk [tilespmem:v4+s7+$0x0], $0xffff;
	(pc) =	sbr.rel @p1 .LBB2_7-.Ltmp4, $4  }
0x2b9: {  	v7 =	vadd.f32 v14, v7;
	v18 =	vmul.f32 v18, v12;
	v20 =	vsub.f32 v27, v17;
	v14 =	vld.idx.msk [tilespmem:v4+s8+$0x0], $0xffff  }
0x2ba: {  	v17 =	vbroadcast v23, $0x0;
	v23 =	vbroadcast v25, $0x0;
	v4 =	vor.u32 v0, v19;
	v12 =	vld.idx.msk [tilespmem:v10+s7+$0x0], $0xffff  }
0x2bb: {  	v18 =	vadd.f32 v18, v7;
	v19 =	vmul.f32 v20, v15;
	v20 =	vsub.f32 v29, v6;
	v15 =	vld.idx.msk [tilespmem:v10+s8+$0x0], $0xffff  }
0x2bc: {  	s21 =	sadd.s32 $0x8, s21;
	v21 =	vbroadcast v22, $0x0;
	v5 =	vor.u32 v0, v5;
	v6 =	vor.u32 v0, v23;
	v7 =	vld.idx.msk [tilespmem:v8+s6+$0x0], $0xffff  }
0x2bd: {  	_ =	sdelay $0x3  }
0x2be: {  	v10 =	vld.idx.msk [tilespmem:v10+s6+$0x0], $0xffff  }
0x2bf: {  	v22 =	vld.idx.msk [tilespmem:v8+s7+$0x0], $0xffff  }
0x2c0: {  	v16 =	vbroadcast v16, $0x0;
	v17 =	vor.u32 v0, v17;
	v42 =	vld.idx.msk [tilespmem:v8+s8+$0x0], $0xffff  }
0x2c1: {  	v23 =	vld.idx.msk [tilespmem:v4+s6+$0x0], $0xffff;
	v21 =	vor.u32 v0, v21  }
0x2c2: {  	v24 =	vld.idx.msk [tilespmem:v5+s6+$0x0], $0xffff;
	v16 =	vor.u32 v0, v16  }
0x2c3: {  	v25 =	vld.idx.msk [tilespmem:v6+s6+$0x0], $0xffff  }
0x2c4: {  	v18 =	vadd.f32 v19, v18;
	v3 =	vmul.f32 v20, v3;
	v9 =	vsub.f32 v9, v13;
	v53 =	vld.idx.msk [tilespmem:v6+s7+$0x0], $0xffff  }
0x2c5: {  	v51 =	vld.idx.msk [tilespmem:v17+s7+$0x0], $0xffff  }
0x2c6: {  	v45 =	vsub.f32 v11, v14;
	v3 =	vadd.f32 v3, v18;
	v1 =	vmul.f32 v9, v1;
	v49 =	vld.idx.msk [tilespmem:v21+s7+$0x0], $0xffff  }
0x2c7: {  	v47 =	vld.idx.msk [tilespmem:v16+s7+$0x0], $0xffff  }
0x2c8: {  	v2 =	vmul.f32 v45, v2;
	v1 =	vadd.f32 v1, v3;
	v3 =	vld.idx.msk [tilespmem:v16+s8+$0x0], $0xffff  }
0x2c9: {  	s20 =	sadd.s32 $0x7, s20;
	v48 =	vsub.f32 v12, v15;
	v50 =	vld.idx.msk [tilespmem:v21+s8+$0x0], $0xffff  }
0x2ca: {  	v1 =	vadd.f32 v2, v1;
	v2 =	vmov s20;
	v46 =	vld.idx.msk [tilespmem:v16+s6+$0x0], $0xffff  }
0x2cb: {  	v9 =	vmul.f32 v48, v10;
	v8 =	vsub.f32 v22, v42;
	v52 =	vld.idx.msk [tilespmem:v17+s8+$0x0], $0xffff;
	v2 =	vand.u32 $0x7F, v2  }
0x2cc: {  	v44 =	vld.idx.msk [tilespmem:v21+s6+$0x0], $0xffff;
	v2 =	vbroadcast v2, $0x0  }
0x2cd: {  	v54 =	vld.idx.msk [tilespmem:v6+s8+$0x0], $0xffff;
	v7 =	vmul.f32 v8, v7;
	v1 =	vadd.f32 v9, v1;
	v3 =	vsub.f32 v47, v3  }
0x2ce: {  	v43 =	vld.idx.msk [tilespmem:v17+s6+$0x0], $0xffff;
	v2 =	vor.u32 v0, v2  }
0x2cf: {  	v55 =	vld.idx.msk [tilespmem:v5+s7+$0x0], $0xffff;
	v1 =	vadd.f32 v7, v1;
	v56 =	vsub.f32 v49, v50;
	v3 =	vmul.f32 v3, v46  }
0x2d0: {  	v57 =	vld.idx.msk [tilespmem:v5+s8+$0x0], $0xffff  }
0x2d1: {  	v58 =	vld.idx.msk [tilespmem:v4+s7+$0x0], $0xffff;
	v59 =	vsub.f32 v51, v52;
	v1 =	vadd.f32 v3, v1;
	v3 =	vmul.f32 v56, v44  }
0x2d2: {  	v60 =	vld.idx.msk [tilespmem:v4+s8+$0x0], $0xffff  }
0x2d3: {  	v6 =	vsub.f32 v53, v54;
	v61 =	vld.idx.msk [tilespmem:v2+s7+$0x0], $0xffff;
	v1 =	vadd.f32 v3, v1;
	v3 =	vmul.f32 v59, v43  }
0x2d4: {  	v62 =	vld.idx.msk [tilespmem:v2+s8+$0x0], $0xffff  }
0x2d5: {  	v5 =	vsub.f32 v55, v57;
	v1 =	vadd.f32 v3, v1;
	v3 =	vmul.f32 v6, v25  }
0x2d6: {  	v2 =	vld.idx.msk [tilespmem:v2+s6+$0x0], $0xffff  }
0x2d7: {  	v4 =	vsub.f32 v58, v60;
	v1 =	vadd.f32 v3, v1;
	v3 =	vmul.f32 v5, v24;
	_ =	sdelay $0x1  }
0x2d8: {  	v63 =	vsub.f32 v61, v62;
	v1 =	vadd.f32 v3, v1;
	v3 =	vmul.f32 v4, v23;
	_ =	sdelay $0x1  }
.Ltmp5:
0x2d9: {  	v2 =	vmul.f32 v63, v2;
	v1 =	vadd.f32 v3, v1;
	(pc) =	sbr.rel @p0 .LBB2_10-.Ltmp5, $3  }
0x2da: {  	_ = 	snop  }
0x2db: {  	v1 =	vadd.f32 v2, v1;
	_ =	sdelay $0x1  }
0x2dc: {  	[tilespmem:s19+$0x3610] =	vst v1  }
0x2dd: {  	v1 =	vld [tilespmem:s18+$0x30];
	_ =	sdelay $0x1  }
0x2de: {  	v2 =	vld [tilespmem:s18+$0x230];
	_ =	sdelay $0x2  }
0x2df: {  	v3 =	vshll.u32 v1, $0x4  }
0x2e0: {  	(v2sf) =	vpush v3, $0x0  }
0x2e1: {  	v1 =	vld [tilespmem:s18+$0x430];
	v2 =	vshll.u32 v2, $0x4  }
0x2e2: {  	(v2sf) =	vpush v2, $0x0;
	_ =	sdelay $0x3  }
0x2e3: {  	v1 =	vshll.u32 v1, $0x4  }
0x2e4: {  	(v2sf) =	vpush v1, $0x0;
	_ =	sdelay $0x1  }
0x2e5: {  	(v2sf) =	vpush v3, $0x1;
	_ =	sdelay $0x5  }
0x2e6: {  	s25 =	spop (v2sf);
	(v2sf) =	vpush v2, $0x1;
	_ =	sdelay $0x1  }
0x2e7: {  	s26 =	spop (v2sf);
	(v2sf) =	vpush v1, $0x1;
	_ =	sdelay $0x4  }
0x2e8: {  	s19 =	spop (v2sf);
	(v2sf) =	vpush v3, $0x2;
	_ =	sdelay $0x1  }
0x2e9: {  	s20 =	spop (v2sf);
	(v2sf) =	vpush v2, $0x2;
	_ =	sdelay $0x1  }
0x2ea: {  	s18 =	sand.u32 $0x1FFFFFF0, s25  }
0x2eb: {  	s18 =	sadd.s32 s3, s18  }
0x2ec: {  	[tilespmem:s6], [sflag:$0x2] =	stream.linear.gather [hbm4b:s18+s1], $0x80, $0x38;
	[tilespmem:$0x3800] =	vst v63  }
0x2ed: {  	s18 =	sand.u32 $0x1FFFFFF0, s26  }
0x2ee: {  	s18 =	sadd.s32 s4, s18;
	s21 =	spop (v2sf);
	(v2sf) =	vpush v1, $0x2  }
0x2ef: {  	[tilespmem:s7], [sflag:$0x2] =	stream.linear.gather [hbm4b:s18+s1], $0x80, $0x38;
	[tilespmem:$0x3800] =	vst v63  }
0x2f0: {  	s23 =	spop (v2sf);
	(v2sf) =	vpush v3, $0x3  }
0x2f1: {  	s18 =	sand.u32 $0x1FFFFFF0, s19  }
0x2f2: {  	s18 =	sadd.s32 s4, s18  }
0x2f3: {  	[tilespmem:s8], [sflag:$0x2] =	stream.linear.gather [hbm4b:s18+s1], $0x80, $0x38;
	[tilespmem:$0x3800] =	vst v63  }
0x2f4: {  	s18 =	sand.u32 $0x1FFFFFF0, s20  }
0x2f5: {  	s19 =	simm.s32 $0xE80;
	s18 =	sadd.s32 s3, s18;
	s25 =	spop (v2sf);
	(v2sf) =	vpush v2, $0x3  }
0x2f6: {  	[tilespmem:s19], [sflag:$0x2] =	stream.linear.gather [hbm4b:s18+s1], $0x80, $0x38;
	[tilespmem:$0x3800] =	vst v63  }
0x2f7: {  	s19 =	spop (v2sf);
	(v2sf) =	vpush v1, $0x3;
	_ =	sdelay $0x4  }
0x2f8: {  	s18 =	sand.u32 $0x1FFFFFF0, s21  }
0x2f9: {  	s22 =	simm.s32 $0x1E80;
	s18 =	sadd.s32 s4, s18;
	s21 =	spop (v2sf);
	(v2sf) =	vpush v3, $0x4  }
0x2fa: {  	[tilespmem:s22], [sflag:$0x2] =	stream.linear.gather [hbm4b:s18+s1], $0x80, $0x38;
	[tilespmem:$0x3800] =	vst v63  }
0x2fb: {  	s18 =	sand.u32 $0x1FFFFFF0, s23;
	s23 =	spop (v2sf);
	(v2sf) =	vpush v2, $0x4;
	_ =	sdelay $0x1  }
0x2fc: {  	s24 =	simm.s32 $0x2E80;
	s18 =	sadd.s32 s4, s18  }
0x2fd: {  	[tilespmem:s24], [sflag:$0x2] =	stream.linear.gather [hbm4b:s18+s1], $0x80, $0x38;
	[tilespmem:$0x3800] =	vst v63  }
0x2fe: {  	s18 =	sand.u32 $0x1FFFFFF0, s25  }
0x2ff: {  	s26 =	simm.s32 $0xF00;
	s18 =	sadd.s32 s3, s18;
	s25 =	spop (v2sf);
	(v2sf) =	vpush v1, $0x4  }
0x300: {  	[tilespmem:s26], [sflag:$0x2] =	stream.linear.gather [hbm4b:s18+s1], $0x80, $0x38;
	[tilespmem:$0x3800] =	vst v63  }
0x301: {  	s18 =	sand.u32 $0x1FFFFFF0, s19;
	s19 =	spop (v2sf);
	(v2sf) =	vpush v3, $0x5;
	_ =	sdelay $0x2  }
0x302: {  	s20 =	simm.s32 $0x1F00;
	s18 =	sadd.s32 s4, s18  }
0x303: {  	[tilespmem:s20], [sflag:$0x2] =	stream.linear.gather [hbm4b:s18+s1], $0x80, $0x38;
	[tilespmem:$0x3800] =	vst v63  }
0x304: {  	s18 =	sand.u32 $0x1FFFFFF0, s21  }
0x305: {  	s22 =	simm.s32 $0x2F00;
	s18 =	sadd.s32 s4, s18;
	s21 =	spop (v2sf);
	(v2sf) =	vpush v2, $0x5  }
0x306: {  	[tilespmem:s22], [sflag:$0x2] =	stream.linear.gather [hbm4b:s18+s1], $0x80, $0x38;
	[tilespmem:$0x3800] =	vst v63  }
0x307: {  	s18 =	sand.u32 $0x1FFFFFF0, s23;
	s23 =	spop (v2sf);
	(v2sf) =	vpush v1, $0x5;
	_ =	sdelay $0x1  }
0x308: {  	s24 =	simm.s32 $0xF80;
	s18 =	sadd.s32 s3, s18  }
0x309: {  	[tilespmem:s24], [sflag:$0x2] =	stream.linear.gather [hbm4b:s18+s1], $0x80, $0x38;
	[tilespmem:$0x3800] =	vst v63  }
0x30a: {  	s18 =	sand.u32 $0x1FFFFFF0, s25  }
0x30b: {  	s26 =	simm.s32 $0x1F80;
	s18 =	sadd.s32 s4, s18;
	s25 =	spop (v2sf);
	(v2sf) =	vpush v3, $0x6  }
0x30c: {  	[tilespmem:s26], [sflag:$0x2] =	stream.linear.gather [hbm4b:s18+s1], $0x80, $0x38;
	[tilespmem:$0x3800] =	vst v63  }
0x30d: {  	s18 =	sand.u32 $0x1FFFFFF0, s19;
	s19 =	spop (v2sf);
	(v2sf) =	vpush v2, $0x6;
	_ =	sdelay $0x2  }
0x30e: {  	s20 =	simm.s32 $0x2F80;
	s18 =	sadd.s32 s4, s18  }
0x30f: {  	[tilespmem:s20], [sflag:$0x2] =	stream.linear.gather [hbm4b:s18+s1], $0x80, $0x38;
	[tilespmem:$0x3800] =	vst v63  }
0x310: {  	s18 =	sand.u32 $0x1FFFFFF0, s21  }
0x311: {  	s22 =	simm.s32 $0x1000;
	s18 =	sadd.s32 s3, s18;
	s21 =	spop (v2sf);
	(v2sf) =	vpush v1, $0x6  }
0x312: {  	[tilespmem:s22], [sflag:$0x2] =	stream.linear.gather [hbm4b:s18+s1], $0x80, $0x38;
	[tilespmem:$0x3800] =	vst v63  }
0x313: {  	s18 =	sand.u32 $0x1FFFFFF0, s23;
	s23 =	spop (v2sf);
	(v2sf) =	vpush v3, $0x7;
	_ =	sdelay $0x1  }
0x314: {  	s24 =	simm.s32 $0x2000;
	s18 =	sadd.s32 s4, s18  }
0x315: {  	[tilespmem:s24], [sflag:$0x2] =	stream.linear.gather [hbm4b:s18+s1], $0x80, $0x38;
	[tilespmem:$0x3800] =	vst v63  }
0x316: {  	s18 =	sand.u32 $0x1FFFFFF0, s25  }
0x317: {  	s26 =	simm.s32 $0x3000;
	s18 =	sadd.s32 s4, s18;
	s25 =	spop (v2sf);
	(v2sf) =	vpush v2, $0x7  }
0x318: {  	[tilespmem:s26], [sflag:$0x2] =	stream.linear.gather [hbm4b:s18+s1], $0x80, $0x38;
	[tilespmem:$0x3800] =	vst v63  }
0x319: {  	s18 =	sand.u32 $0x1FFFFFF0, s19;
	s19 =	spop (v2sf);
	(v2sf) =	vpush v1, $0x7  }
0x31a: {  	s20 =	simm.s32 $0x1080;
	s18 =	sadd.s32 s3, s18  }
0x31b: {  	[tilespmem:s20], [sflag:$0x2] =	stream.linear.gather [hbm4b:s18+s1], $0x80, $0x38;
	[tilespmem:$0x3800] =	vst v63  }
0x31c: {  	s18 =	sand.u32 $0x1FFFFFF0, s21  }
0x31d: {  	s22 =	simm.s32 $0x2080;
	s18 =	sadd.s32 s4, s18  }
0x31e: {  	[tilespmem:s22], [sflag:$0x2] =	stream.linear.gather [hbm4b:s18+s1], $0x80, $0x38;
	[tilespmem:$0x3800] =	vst v63  }
0x31f: {  	s21 =	spop (v2sf);
	(v2sf) =	vpush v3, $0x8  }
0x320: {  	s18 =	sand.u32 $0x1FFFFFF0, s23  }
0x321: {  	s24 =	simm.s32 $0x3080;
	s18 =	sadd.s32 s4, s18;
	s23 =	spop (v2sf);
	(v2sf) =	vpush v2, $0x8  }
0x322: {  	[tilespmem:s24], [sflag:$0x2] =	stream.linear.gather [hbm4b:s18+s1], $0x80, $0x38;
	[tilespmem:$0x3800] =	vst v63  }
0x323: {  	s18 =	sand.u32 $0x1FFFFFF0, s25  }
0x324: {  	s26 =	simm.s32 $0x1100;
	s18 =	sadd.s32 s3, s18  }
0x325: {  	[tilespmem:s26], [sflag:$0x2] =	stream.linear.gather [hbm4b:s18+s1], $0x80, $0x38;
	[tilespmem:$0x3800] =	vst v63  }
0x326: {  	s25 =	spop (v2sf);
	(v2sf) =	vpush v1, $0x8  }
0x327: {  	s18 =	sand.u32 $0x1FFFFFF0, s19  }
0x328: {  	s20 =	simm.s32 $0x2100;
	s18 =	sadd.s32 s4, s18;
	s19 =	spop (v2sf);
	(v2sf) =	vpush v3, $0x9  }
0x329: {  	[tilespmem:s20], [sflag:$0x2] =	stream.linear.gather [hbm4b:s18+s1], $0x80, $0x38;
	[tilespmem:$0x3800] =	vst v63  }
0x32a: {  	s18 =	sand.u32 $0x1FFFFFF0, s21  }
0x32b: {  	s22 =	simm.s32 $0x3100;
	s18 =	sadd.s32 s4, s18  }
0x32c: {  	[tilespmem:s22], [sflag:$0x2] =	stream.linear.gather [hbm4b:s18+s1], $0x80, $0x38;
	[tilespmem:$0x3800] =	vst v63  }
0x32d: {  	s18 =	sand.u32 $0x1FFFFFF0, s23  }
0x32e: {  	s24 =	simm.s32 $0x1180;
	s18 =	sadd.s32 s3, s18;
	s21 =	spop (v2sf);
	(v2sf) =	vpush v2, $0x9  }
0x32f: {  	[tilespmem:s24], [sflag:$0x2] =	stream.linear.gather [hbm4b:s18+s1], $0x80, $0x38;
	[tilespmem:$0x3800] =	vst v63  }
0x330: {  	s23 =	spop (v2sf);
	(v2sf) =	vpush v1, $0x9  }
0x331: {  	s18 =	sand.u32 $0x1FFFFFF0, s25  }
0x332: {  	s26 =	simm.s32 $0x2180;
	s18 =	sadd.s32 s4, s18  }
0x333: {  	[tilespmem:s26], [sflag:$0x2] =	stream.linear.gather [hbm4b:s18+s1], $0x80, $0x38;
	[tilespmem:$0x3800] =	vst v63  }
0x334: {  	s18 =	sand.u32 $0x1FFFFFF0, s19  }
0x335: {  	s20 =	simm.s32 $0x3180;
	s18 =	sadd.s32 s4, s18;
	s25 =	spop (v2sf);
	(v2sf) =	vpush v3, $0xA  }
0x336: {  	[tilespmem:s20], [sflag:$0x2] =	stream.linear.gather [hbm4b:s18+s1], $0x80, $0x38;
	[tilespmem:$0x3800] =	vst v63  }
0x337: {  	s18 =	sand.u32 $0x1FFFFFF0, s21;
	s19 =	spop (v2sf);
	(v2sf) =	vpush v2, $0xA  }
0x338: {  	s22 =	simm.s32 $0x1200;
	s18 =	sadd.s32 s3, s18  }
0x339: {  	[tilespmem:s22], [sflag:$0x2] =	stream.linear.gather [hbm4b:s18+s1], $0x80, $0x38;
	[tilespmem:$0x3800] =	vst v63  }
0x33a: {  	s18 =	sand.u32 $0x1FFFFFF0, s23  }
0x33b: {  	s24 =	simm.s32 $0x2200;
	s18 =	sadd.s32 s4, s18  }
0x33c: {  	[tilespmem:s24], [sflag:$0x2] =	stream.linear.gather [hbm4b:s18+s1], $0x80, $0x38;
	[tilespmem:$0x3800] =	vst v63  }
0x33d: {  	s21 =	spop (v2sf);
	(v2sf) =	vpush v1, $0xA  }
0x33e: {  	s18 =	sand.u32 $0x1FFFFFF0, s25  }
0x33f: {  	s26 =	simm.s32 $0x3200;
	s18 =	sadd.s32 s4, s18;
	s23 =	spop (v2sf);
	(v2sf) =	vpush v3, $0xB  }
0x340: {  	[tilespmem:s26], [sflag:$0x2] =	stream.linear.gather [hbm4b:s18+s1], $0x80, $0x38;
	[tilespmem:$0x3800] =	vst v63  }
0x341: {  	s18 =	sand.u32 $0x1FFFFFF0, s19  }
0x342: {  	s20 =	simm.s32 $0x1280;
	s18 =	sadd.s32 s3, s18  }
0x343: {  	[tilespmem:s20], [sflag:$0x2] =	stream.linear.gather [hbm4b:s18+s1], $0x80, $0x38;
	[tilespmem:$0x3800] =	vst v63  }
0x344: {  	s25 =	spop (v2sf);
	(v2sf) =	vpush v2, $0xB  }
0x345: {  	s18 =	sand.u32 $0x1FFFFFF0, s21  }
0x346: {  	s22 =	simm.s32 $0x2280;
	s18 =	sadd.s32 s4, s18;
	s19 =	spop (v2sf);
	(v2sf) =	vpush v1, $0xB  }
0x347: {  	[tilespmem:s22], [sflag:$0x2] =	stream.linear.gather [hbm4b:s18+s1], $0x80, $0x38;
	[tilespmem:$0x3800] =	vst v63  }
0x348: {  	s18 =	sand.u32 $0x1FFFFFF0, s23  }
0x349: {  	s24 =	simm.s32 $0x3280;
	s18 =	sadd.s32 s4, s18  }
0x34a: {  	[tilespmem:s24], [sflag:$0x2] =	stream.linear.gather [hbm4b:s18+s1], $0x80, $0x38;
	[tilespmem:$0x3800] =	vst v63  }
0x34b: {  	s18 =	sand.u32 $0x1FFFFFF0, s25  }
0x34c: {  	s26 =	simm.s32 $0x1300;
	s18 =	sadd.s32 s3, s18;
	s21 =	spop (v2sf);
	(v2sf) =	vpush v3, $0xC  }
0x34d: {  	[tilespmem:s26], [sflag:$0x2] =	stream.linear.gather [hbm4b:s18+s1], $0x80, $0x38;
	[tilespmem:$0x3800] =	vst v63  }
0x34e: {  	s23 =	spop (v2sf);
	(v2sf) =	vpush v2, $0xC  }
0x34f: {  	s18 =	sand.u32 $0x1FFFFFF0, s19  }
0x350: {  	s20 =	simm.s32 $0x2300;
	s18 =	sadd.s32 s4, s18  }
0x351: {  	[tilespmem:s20], [sflag:$0x2] =	stream.linear.gather [hbm4b:s18+s1], $0x80, $0x38;
	[tilespmem:$0x3800] =	vst v63  }
0x352: {  	s18 =	sand.u32 $0x1FFFFFF0, s21  }
0x353: {  	s22 =	simm.s32 $0x3300;
	s18 =	sadd.s32 s4, s18;
	s25 =	spop (v2sf);
	(v2sf) =	vpush v1, $0xC  }
0x354: {  	[tilespmem:s22], [sflag:$0x2] =	stream.linear.gather [hbm4b:s18+s1], $0x80, $0x38;
	[tilespmem:$0x3800] =	vst v63  }
0x355: {  	s18 =	sand.u32 $0x1FFFFFF0, s23;
	s19 =	spop (v2sf);
	(v2sf) =	vpush v3, $0xD  }
0x356: {  	s24 =	simm.s32 $0x1380;
	s18 =	sadd.s32 s3, s18  }
0x357: {  	[tilespmem:s24], [sflag:$0x2] =	stream.linear.gather [hbm4b:s18+s1], $0x80, $0x38;
	[tilespmem:$0x3800] =	vst v63  }
0x358: {  	s18 =	sand.u32 $0x1FFFFFF0, s25  }
0x359: {  	s26 =	simm.s32 $0x2380;
	s18 =	sadd.s32 s4, s18  }
0x35a: {  	[tilespmem:s26], [sflag:$0x2] =	stream.linear.gather [hbm4b:s18+s1], $0x80, $0x38;
	[tilespmem:$0x3800] =	vst v63  }
0x35b: {  	s21 =	spop (v2sf);
	(v2sf) =	vpush v2, $0xD  }
0x35c: {  	s18 =	sand.u32 $0x1FFFFFF0, s19  }
0x35d: {  	s20 =	simm.s32 $0x3380;
	s18 =	sadd.s32 s4, s18;
	s23 =	spop (v2sf);
	(v2sf) =	vpush v1, $0xD  }
0x35e: {  	[tilespmem:s20], [sflag:$0x2] =	stream.linear.gather [hbm4b:s18+s1], $0x80, $0x38;
	[tilespmem:$0x3800] =	vst v63  }
0x35f: {  	s18 =	sand.u32 $0x1FFFFFF0, s21  }
0x360: {  	s22 =	simm.s32 $0x1400;
	s18 =	sadd.s32 s3, s18  }
0x361: {  	[tilespmem:s22], [sflag:$0x2] =	stream.linear.gather [hbm4b:s18+s1], $0x80, $0x38;
	[tilespmem:$0x3800] =	vst v63  }
0x362: {  	s25 =	spop (v2sf);
	(v2sf) =	vpush v3, $0xE  }
0x363: {  	s18 =	sand.u32 $0x1FFFFFF0, s23  }
0x364: {  	s24 =	simm.s32 $0x2400;
	s18 =	sadd.s32 s4, s18;
	s26 =	spop (v2sf);
	(v2sf) =	vpush v2, $0xE  }
0x365: {  	[tilespmem:s24], [sflag:$0x2] =	stream.linear.gather [hbm4b:s18+s1], $0x80, $0x38;
	[tilespmem:$0x3800] =	vst v63  }
0x366: {  	s18 =	sand.u32 $0x1FFFFFF0, s25  }
0x367: {  	s18 =	sadd.s32 s4, s18  }
0x368: {  	[tilespmem:s28], [sflag:$0x2] =	stream.linear.gather [hbm4b:s18+s1], $0x80, $0x38;
	[tilespmem:$0x3800] =	vst v63  }
0x369: {  	s18 =	sand.u32 $0x1FFFFFF0, s26  }
0x36a: {  	s18 =	sadd.s32 s3, s18;
	s19 =	spop (v2sf);
	(v2sf) =	vpush v1, $0xE  }
0x36b: {  	[tilespmem:s29], [sflag:$0x2] =	stream.linear.gather [hbm4b:s18+s1], $0x80, $0x38;
	[tilespmem:$0x3800] =	vst v63  }
0x36c: {  	s20 =	spop (v2sf);
	(v2sf) =	vpush v3, $0xF  }
0x36d: {  	s18 =	sand.u32 $0x1FFFFFF0, s19  }
0x36e: {  	s18 =	sadd.s32 s4, s18  }
0x36f: {  	[tilespmem:s30], [sflag:$0x2] =	stream.linear.gather [hbm4b:s18+s1], $0x80, $0x38;
	[tilespmem:$0x3800] =	vst v63  }
0x370: {  	s18 =	sand.u32 $0x1FFFFFF0, s20  }
0x371: {  	s18 =	sadd.s32 s4, s18;
	s21 =	spop (v2sf);
	(v2sf) =	vpush v2, $0xF  }
0x372: {  	[tilespmem:s31], [sflag:$0x2] =	stream.linear.gather [hbm4b:s18+s1], $0x80, $0x38;
	[tilespmem:$0x3800] =	vst v63  }
0x373: {  	s18 =	sand.u32 $0x1FFFFFF0, s21;
	s22 =	spop (v2sf);
	(v2sf) =	vpush v1, $0xF  }
0x374: {  	s18 =	sadd.s32 s3, s18  }
0x375: {  	[tilespmem:s0], [sflag:$0x2] =	stream.linear.gather [hbm4b:s18+s1], $0x80, $0x38;
	[tilespmem:$0x3800] =	vst v63  }
0x376: {  	s18 =	sand.u32 $0x1FFFFFF0, s22  }
0x377: {  	s18 =	sadd.s32 s4, s18  }
0x378: {  	[tilespmem:s2], [sflag:$0x2] =	stream.linear.gather [hbm4b:s18+s1], $0x80, $0x38;
	[tilespmem:$0x3800] =	vst v63  }
0x379: {  	s23 =	spop (v2sf)  }
0x37a: {  	s18 =	sand.u32 $0x1FFFFFF0, s23  }
0x37b: {  	s24 =	spop (v2sf);
	s18 =	sadd.s32 s4, s18  }
0x37c: {  	[tilespmem:s11], [sflag:$0x2] =	stream.linear.gather [hbm4b:s18+s1], $0x80, $0x38;
	[tilespmem:$0x3800] =	vst v63  }
0x37d: {  	s18 =	sand.u32 $0x1FFFFFF0, s24  }
0x37e: {  	s18 =	sadd.s32 s3, s18  }
0x37f: {  	[tilespmem:s12], [sflag:$0x2] =	stream.linear.gather [hbm4b:s18+s1], $0x80, $0x38;
	[tilespmem:$0x3800] =	vst v63  }
0x380: {  	s25 =	spop (v2sf)  }
0x381: {  	s18 =	sand.u32 $0x1FFFFFF0, s25  }
.Ltmp6:
0x382: {  	s26 =	spop (v2sf);
	s18 =	sadd.s32 s4, s18;
	(pc) =	sbr.rel .LBB2_2-.Ltmp6, $4  }
0x383: {  	[tilespmem:s5], [sflag:$0x2] =	stream.linear.gather [hbm4b:s18+s1], $0x80, $0x38;
	[tilespmem:$0x3800] =	vst v63  }
0x384: {  	s18 =	sand.u32 $0x1FFFFFF0, s26  }
0x385: {  	s17 =	sadd.s32 $0x1, s17;
	s18 =	sadd.s32 s4, s18  }
0x386: {  	[tilespmem:s9], [sflag:$0x2] =	stream.linear.gather [hbm4b:s18+s1], $0x80, $0x38;
	[tilespmem:$0x3800] =	vst v63  }
.LBB2_11:
0x387: {  	_ =	sfence.sel $0x180000  }
0x388: {  	[bflag:$0x0] =	sbarrier.arrive $0xFFFF  }
0x389: {  	_ =	strace $0x90000047  }
0x38a: {  	s0 =	stileid.u32;
	[bflag:$0x2] =	sbarrier.arrive $0xFFFF  }
0x38b: {  	p0 =	sne.s32 s0, $0x0;
	s0 =	rddreg [dreg:$0x5]  }
0x38c: {  	s0 =	sadd.s32 @!p0 $0x100000, s0  }
0x38d: {  	[sflag:s0] =	ssyncadd.tile.s32 @!p0 $0x1;
	_ =	shalt  }
.Lfunc_end2:
_tile_overlayer_lowered:
.L_overlay_start_2:
0x38e: {  	(tag) =	ssettag $0x2  }
0x38f: {  	s0 =	rddreg [dreg:$0x0];
	s2 =	stileid.u32  }
0x390: {  	s1 =	rddreg [dreg:$0x1];
	p0 =	sne.s32 s2, $0x0  }
0x391: {  	s3 =	rddreg [dreg:$0x2];
	[bflag:$0x3] =	sbarrier.arrive $0xFFFF;
	s2 =	simm.s32 @!p0 $0x1C03  }
0x392: {  	[timem:s3], [sflag:s2] =	dma.local @!p0 [hbm:s0], s1  }
0x393: {  	s0 =	simm.s32 @!p0 $0x3  }
0x394: {  	_ =	swait.ge @!p0 [sflag:s0], s1  }
0x395: {  	s1 =	ssub.s32 @!p0 $0x0, s1;
	[sflag:s0] =	ssyncset.done @!p0 $0x0  }
0x396: {  	[sflag:s0] =	ssyncadd.s32 @!p0 s1  }
0x397: {  	[bflag:$0x3] =	sbarrier.arrive $0xFFFF  }
0x398: {  	_ =	shalt  }

</sc_bundles>
